<compile_context>
chip_gen: v7x
topology: tpu7x:2x2x1
jax: 0.10.2.dev20260603
libtpu: 0.0.44.dev20260713+nightly
codegen_flags: <defaults>
</compile_context>

<pallas_src>
import functools

import jax
import jax.numpy as jnp
from jax import lax
from jax.experimental import pallas as pl
from jax.experimental.pallas import tpu as pltpu
from jax.experimental.pallas import tpu_sc as plsc

B, L, V, D, O = 16384, 200, 10, 8, 4
NC, NS, LANES = 2, 16, 16
NW = NC * NS
RW = B // NW
NB = 4
NP = 128
CR = 128
NCH = RW // CR


def _rsqrt(x):
    i = plsc.bitcast(x, jnp.int32)
    i = 0x5F3759DF - lax.shift_right_arithmetic(i, 1)
    y = plsc.bitcast(i, jnp.float32)
    for _ in range(3):
        y = y * (1.5 - 0.5 * x * y * y)
    return y


def _body(x_hbm, params_hbm, out_hbm, xbufa, xbufb, outbuf, counts, pbuf,
          sema, semb):
    xbufs = (xbufa, xbufb)
    sems = (sema, semb)
    wid = lax.axis_index("s") * NC + lax.axis_index("c")
    base = wid * RW

    pltpu.sync_copy(params_hbm, pbuf)

    pvecs = [pbuf[pl.ds(i * LANES, LANES)] for i in range(NP // LANES)]

    def scal(i):
        return pvecs[i // LANES][i % LANES]

    t = [[scal(v * D + d) for d in range(D)] for v in range(V)]
    w = [[scal(V * D + d * O + j) for j in range(O)] for d in range(D)]
    m = [[sum(t[v][d] * w[d][j] for d in range(D)) * (1.0 / L)
          for j in range(O)] for v in range(V)]
    off = V * D + D * O
    bs = [scal(off + j) for j in range(O)]
    gs = [scal(off + O + j) for j in range(O)]
    zs = [scal(off + 2 * O + j) for j in range(O)]

    lane = lax.iota(jnp.int32, LANES)
    ones = jnp.ones((LANES,), jnp.float32)
    zeros = jnp.zeros((LANES,), jnp.float32)
    lane_bank = [lane + nb * V * LANES for nb in range(NB)]

    def make_group_body(c, xbuf):
        def group_body(g, carry):
            for v in range(NB * V):
                counts[pl.ds(v * LANES, LANES)] = zeros
            rows = g * LANES + lane
            rowoff = rows * L

            @plsc.parallel_loop(0, L, step=NB, unroll=5)
            def l_body(l):
                xbase = rowoff + l
                for nb in range(NB):
                    xv = plsc.load_gather(xbuf, [xbase + nb])
                    plsc.addupdate_scatter(
                        counts, [xv * LANES + lane_bank[nb]], ones)

            def bank_sum(v):
                acc = counts[pl.ds(v * LANES, LANES)]
                for nb in range(1, NB):
                    acc = acc + counts[pl.ds((nb * V + v) * LANES, LANES)]
                return acc
            cvs = [bank_sum(v) for v in range(V)]
            h = []
            for j in range(O):
                acc = cvs[0] * m[0][j]
                for v in range(1, V):
                    acc = acc + cvs[v] * m[v][j]
                h.append(acc + bs[j])
            mu = (h[0] + h[1] + h[2] + h[3]) * 0.25
            d = [hj - mu for hj in h]
            var = (d[0] * d[0] + d[1] * d[1] + d[2] * d[2]
                   + d[3] * d[3]) * 0.25
            r = _rsqrt(var + 1e-5)
            orow = (c * CR + g * LANES) + lane
            for j in range(O):
                o = d[j] * (r * gs[j]) + zs[j]
                plsc.store_scatter(outbuf, [orow * O + j], o)
            return carry
        return group_body

    copies = [
        pltpu.async_copy(x_hbm.at[pl.ds((base + c * CR) * L, CR * L)],
                         xbufs[c % 2], sems[c % 2])
        for c in range(2)
    ]
    for c in range(NCH):
        copies[c].wait()
        lax.fori_loop(0, CR // LANES, make_group_body(c, xbufs[c % 2]), 0)
        if c + 2 < NCH:
            copies.append(
                pltpu.async_copy(
                    x_hbm.at[pl.ds((base + (c + 2) * CR) * L, CR * L)],
                    xbufs[c % 2], sems[c % 2]))

    pltpu.sync_copy(outbuf, out_hbm.at[pl.ds(base * O, RW * O)])


_sc_call = functools.partial(
    pl.kernel,
    out_type=jax.ShapeDtypeStruct((B * O,), jnp.float32),
    mesh=plsc.VectorSubcoreMesh(core_axis_name="c", subcore_axis_name="s"),
    scratch_types=[
        pltpu.VMEM((CR * L,), jnp.int32),
        pltpu.VMEM((CR * L,), jnp.int32),
        pltpu.VMEM((RW * O,), jnp.float32),
        pltpu.VMEM((NB * V * LANES,), jnp.float32),
        pltpu.VMEM((NP,), jnp.float32),
        pltpu.SemaphoreType.DMA,
        pltpu.SemaphoreType.DMA,
    ],
    compiler_params=pltpu.CompilerParams(
        use_tc_tiling_on_sc=False, needs_layout_passes=False),
)(_body)


def kernel(x, table, W, b, gamma, beta):
    params = jnp.concatenate([
        table.ravel(), W.ravel(), b, gamma, beta,
        jnp.zeros((NP - (V * D + D * O + 3 * O),), jnp.float32),
    ])
    return _sc_call(x.reshape(-1), params).reshape(B, O)

# --- scband reference (transcript-rebuilt; emitter-appended) ---
"""Pipeline reference for scband-dummy-model-77764677862153 (READ-ONLY COPY).

The authoritative reference and input builder live on the scoring server;
editing this copy changes nothing except your own understanding.
"""

import jax, jax.numpy as jnp
import numpy as np


def setup_inputs(seed: int = 0) -> dict:
    key = jax.random.key(seed)
    k1, k2, k3 = jax.random.split(key, 3)
    x = jax.random.randint(k1, (16384, 200), 0, 10)
    # Learned parameters sized per the module definition
    table = jax.random.normal(k2, (10, 8), dtype=jnp.float32)  # nn.Embedding(10, 8)
    W = jax.random.normal(k3, (8, 4), dtype=jnp.float32) * 0.1  # nn.Linear(8, 4) weight (transposed)
    b = jnp.zeros((4,), dtype=jnp.float32)                       # nn.Linear bias
    gamma = jnp.ones((4,), dtype=jnp.float32)                    # LayerNorm weight
    beta = jnp.zeros((4,), dtype=jnp.float32)                    # LayerNorm bias
    return {"x": x, "table": table, "W": W, "b": b, "gamma": gamma, "beta": beta}


def reference(x, table, W, b, gamma, beta):
    # embedding lookup: gather rows of table
    h = jnp.take(table, x, axis=0)          # [B, L, 8]
    # mean over sequence dim
    h = h.mean(axis=1)                       # [B, 8]
    # linear
    h = h @ W + b                            # [B, 4]
    # layernorm over last dim (eps=1e-5, matching nn.LayerNorm default)
    mu = h.mean(axis=-1, keepdims=True)
    var = jnp.mean((h - mu) ** 2, axis=-1, keepdims=True)
    h = (h - mu) / jnp.sqrt(var + 1e-5)
    return h * gamma + beta

if __name__ == "__main__":
    import jax
    _d = setup_inputs()
    print(jax.jit(kernel)(*tuple(_d.values())))

</pallas_src>

<mosaic_0001>
#map = affine_map<(d0, d1) -> (0)>
module attributes {stable_mosaic.version = 14 : i64} {
  func.func @_body(%arg0: i32, %arg1: i32, %arg2: memref<3276800xi32, #tpu.memory_space<hbm>>, %arg3: memref<128xf32, #tpu.memory_space<hbm>>, %arg4: memref<65536xf32, #tpu.memory_space<hbm>>, %arg5: memref<25600xi32, #tpu.memory_space<vmem>>, %arg6: memref<25600xi32, #tpu.memory_space<vmem>>, %arg7: memref<2048xf32, #tpu.memory_space<vmem>>, %arg8: memref<640xf32, #tpu.memory_space<vmem>>, %arg9: memref<128xf32, #tpu.memory_space<vmem>>, %arg10: memref<!tpu.dma_semaphore, #tpu.memory_space<semaphore_mem>>, %arg11: memref<!tpu.dma_semaphore, #tpu.memory_space<semaphore_mem>>) attributes {dimension_semantics = [#tpu.dimension_semantics<core_parallel>, #tpu.dimension_semantics<subcore_parallel>], iteration_bounds = array<i64: 2, 16>, scalar_prefetch = 0 : i64, scratch_operands = 7 : i64, tpu.core_type = #tpu.core_type<sc_vector_subcore>, window_params = [{transform_indices = #map}, {transform_indices = #map}, {transform_indices = #map}]} {
    %mul3A = arith.constant 2 : i32
    %mul3A_0 = arith.muli %arg1, %mul3A : i32
    %add3A = arith.addi %mul3A_0, %arg0 : i32
    %mul3A_1 = arith.constant 512 : i32
    %mul3A_2 = arith.muli %add3A, %mul3A_1 : i32
    "tpu.region"() ({
      %run_scoped3A = tpu.sem_alloc : memref<!tpu.dma_semaphore, #tpu.memory_space<semaphore_mem>>
      tpu.enqueue_dma source(%arg3 : memref<128xf32, #tpu.memory_space<hbm>>) target(%arg9 : memref<128xf32, #tpu.memory_space<vmem>>) target_semaphore(%run_scoped3A : memref<!tpu.dma_semaphore, #tpu.memory_space<semaphore_mem>>)
      tpu.wait_dma2 semaphore(%run_scoped3A : memref<!tpu.dma_semaphore, #tpu.memory_space<semaphore_mem>>) src(%arg3 : memref<128xf32, #tpu.memory_space<hbm>>) dst(%arg9 : memref<128xf32, #tpu.memory_space<vmem>>)
      tpu.yield
    }) : () -> ()
    %get3A = arith.constant 0 : index
    %get3A_3 = tpu.vector_load %arg9[%get3A] {strides = array<i32>} : memref<128xf32, #tpu.memory_space<vmem>>, vector<16xf32>,
    %get3A_4 = arith.constant 16 : index
    %get3A_5 = tpu.vector_load %arg9[%get3A_4] {strides = array<i32>} : memref<128xf32, #tpu.memory_space<vmem>>, vector<16xf32>,
    %get3A_6 = arith.constant 32 : index
    %get3A_7 = tpu.vector_load %arg9[%get3A_6] {strides = array<i32>} : memref<128xf32, #tpu.memory_space<vmem>>, vector<16xf32>,
    %get3A_8 = arith.constant 48 : index
    %get3A_9 = tpu.vector_load %arg9[%get3A_8] {strides = array<i32>} : memref<128xf32, #tpu.memory_space<vmem>>, vector<16xf32>,
    %get3A_10 = arith.constant 64 : index
    %get3A_11 = tpu.vector_load %arg9[%get3A_10] {strides = array<i32>} : memref<128xf32, #tpu.memory_space<vmem>>, vector<16xf32>,
    %get3A_12 = arith.constant 80 : index
    %get3A_13 = tpu.vector_load %arg9[%get3A_12] {strides = array<i32>} : memref<128xf32, #tpu.memory_space<vmem>>, vector<16xf32>,
    %get3A_14 = arith.constant 96 : index
    %get3A_15 = tpu.vector_load %arg9[%get3A_14] {strides = array<i32>} : memref<128xf32, #tpu.memory_space<vmem>>, vector<16xf32>,
    %get3A_16 = arith.constant 112 : index
    %get3A_17 = tpu.vector_load %arg9[%get3A_16] {strides = array<i32>} : memref<128xf32, #tpu.memory_space<vmem>>, vector<16xf32>,
    %slice3A = vector.extract_strided_slice %get3A_3 {offsets = [0], sizes = [1], strides = [1]} : vector<16xf32> to vector<1xf32>
    %squeeze3A = vector.extract %slice3A[0] : f32 from vector<1xf32>
    %slice3A_18 = vector.extract_strided_slice %get3A_3 {offsets = [1], sizes = [1], strides = [1]} : vector<16xf32> to vector<1xf32>
    %squeeze3A_19 = vector.extract %slice3A_18[0] : f32 from vector<1xf32>
    %slice3A_20 = vector.extract_strided_slice %get3A_3 {offsets = [2], sizes = [1], strides = [1]} : vector<16xf32> to vector<1xf32>
    %squeeze3A_21 = vector.extract %slice3A_20[0] : f32 from vector<1xf32>
    %slice3A_22 = vector.extract_strided_slice %get3A_3 {offsets = [3], sizes = [1], strides = [1]} : vector<16xf32> to vector<1xf32>
    %squeeze3A_23 = vector.extract %slice3A_22[0] : f32 from vector<1xf32>
    %slice3A_24 = vector.extract_strided_slice %get3A_3 {offsets = [4], sizes = [1], strides = [1]} : vector<16xf32> to vector<1xf32>
    %squeeze3A_25 = vector.extract %slice3A_24[0] : f32 from vector<1xf32>
    %slice3A_26 = vector.extract_strided_slice %get3A_3 {offsets = [5], sizes = [1], strides = [1]} : vector<16xf32> to vector<1xf32>
    %squeeze3A_27 = vector.extract %slice3A_26[0] : f32 from vector<1xf32>
    %slice3A_28 = vector.extract_strided_slice %get3A_3 {offsets = [6], sizes = [1], strides = [1]} : vector<16xf32> to vector<1xf32>
    %squeeze3A_29 = vector.extract %slice3A_28[0] : f32 from vector<1xf32>
    %slice3A_30 = vector.extract_strided_slice %get3A_3 {offsets = [7], sizes = [1], strides = [1]} : vector<16xf32> to vector<1xf32>
    %squeeze3A_31 = vector.extract %slice3A_30[0] : f32 from vector<1xf32>
    %slice3A_32 = vector.extract_strided_slice %get3A_3 {offsets = [8], sizes = [1], strides = [1]} : vector<16xf32> to vector<1xf32>
    %squeeze3A_33 = vector.extract %slice3A_32[0] : f32 from vector<1xf32>
    %slice3A_34 = vector.extract_strided_slice %get3A_3 {offsets = [9], sizes = [1], strides = [1]} : vector<16xf32> to vector<1xf32>
    %squeeze3A_35 = vector.extract %slice3A_34[0] : f32 from vector<1xf32>
    %slice3A_36 = vector.extract_strided_slice %get3A_3 {offsets = [10], sizes = [1], strides = [1]} : vector<16xf32> to vector<1xf32>
    %squeeze3A_37 = vector.extract %slice3A_36[0] : f32 from vector<1xf32>
    %slice3A_38 = vector.extract_strided_slice %get3A_3 {offsets = [11], sizes = [1], strides = [1]} : vector<16xf32> to vector<1xf32>
    %squeeze3A_39 = vector.extract %slice3A_38[0] : f32 from vector<1xf32>
    %slice3A_40 = vector.extract_strided_slice %get3A_3 {offsets = [12], sizes = [1], strides = [1]} : vector<16xf32> to vector<1xf32>
    %squeeze3A_41 = vector.extract %slice3A_40[0] : f32 from vector<1xf32>
    %slice3A_42 = vector.extract_strided_slice %get3A_3 {offsets = [13], sizes = [1], strides = [1]} : vector<16xf32> to vector<1xf32>
    %squeeze3A_43 = vector.extract %slice3A_42[0] : f32 from vector<1xf32>
    %slice3A_44 = vector.extract_strided_slice %get3A_3 {offsets = [14], sizes = [1], strides = [1]} : vector<16xf32> to vector<1xf32>
    %squeeze3A_45 = vector.extract %slice3A_44[0] : f32 from vector<1xf32>
    %slice3A_46 = vector.extract_strided_slice %get3A_3 {offsets = [15], sizes = [1], strides = [1]} : vector<16xf32> to vector<1xf32>
    %squeeze3A_47 = vector.extract %slice3A_46[0] : f32 from vector<1xf32>
    %slice3A_48 = vector.extract_strided_slice %get3A_5 {offsets = [0], sizes = [1], strides = [1]} : vector<16xf32> to vector<1xf32>
    %squeeze3A_49 = vector.extract %slice3A_48[0] : f32 from vector<1xf32>
    %slice3A_50 = vector.extract_strided_slice %get3A_5 {offsets = [1], sizes = [1], strides = [1]} : vector<16xf32> to vector<1xf32>
    %squeeze3A_51 = vector.extract %slice3A_50[0] : f32 from vector<1xf32>
    %slice3A_52 = vector.extract_strided_slice %get3A_5 {offsets = [2], sizes = [1], strides = [1]} : vector<16xf32> to vector<1xf32>
    %squeeze3A_53 = vector.extract %slice3A_52[0] : f32 from vector<1xf32>
    %slice3A_54 = vector.extract_strided_slice %get3A_5 {offsets = [3], sizes = [1], strides = [1]} : vector<16xf32> to vector<1xf32>
    %squeeze3A_55 = vector.extract %slice3A_54[0] : f32 from vector<1xf32>
    %slice3A_56 = vector.extract_strided_slice %get3A_5 {offsets = [4], sizes = [1], strides = [1]} : vector<16xf32> to vector<1xf32>
    %squeeze3A_57 = vector.extract %slice3A_56[0] : f32 from vector<1xf32>
    %slice3A_58 = vector.extract_strided_slice %get3A_5 {offsets = [5], sizes = [1], strides = [1]} : vector<16xf32> to vector<1xf32>
    %squeeze3A_59 = vector.extract %slice3A_58[0] : f32 from vector<1xf32>
    %slice3A_60 = vector.extract_strided_slice %get3A_5 {offsets = [6], sizes = [1], strides = [1]} : vector<16xf32> to vector<1xf32>
    %squeeze3A_61 = vector.extract %slice3A_60[0] : f32 from vector<1xf32>
    %slice3A_62 = vector.extract_strided_slice %get3A_5 {offsets = [7], sizes = [1], strides = [1]} : vector<16xf32> to vector<1xf32>
    %squeeze3A_63 = vector.extract %slice3A_62[0] : f32 from vector<1xf32>
    %slice3A_64 = vector.extract_strided_slice %get3A_5 {offsets = [8], sizes = [1], strides = [1]} : vector<16xf32> to vector<1xf32>
    %squeeze3A_65 = vector.extract %slice3A_64[0] : f32 from vector<1xf32>
    %slice3A_66 = vector.extract_strided_slice %get3A_5 {offsets = [9], sizes = [1], strides = [1]} : vector<16xf32> to vector<1xf32>
    %squeeze3A_67 = vector.extract %slice3A_66[0] : f32 from vector<1xf32>
    %slice3A_68 = vector.extract_strided_slice %get3A_5 {offsets = [10], sizes = [1], strides = [1]} : vector<16xf32> to vector<1xf32>
    %squeeze3A_69 = vector.extract %slice3A_68[0] : f32 from vector<1xf32>
    %slice3A_70 = vector.extract_strided_slice %get3A_5 {offsets = [11], sizes = [1], strides = [1]} : vector<16xf32> to vector<1xf32>
    %squeeze3A_71 = vector.extract %slice3A_70[0] : f32 from vector<1xf32>
    %slice3A_72 = vector.extract_strided_slice %get3A_5 {offsets = [12], sizes = [1], strides = [1]} : vector<16xf32> to vector<1xf32>
    %squeeze3A_73 = vector.extract %slice3A_72[0] : f32 from vector<1xf32>
    %slice3A_74 = vector.extract_strided_slice %get3A_5 {offsets = [13], sizes = [1], strides = [1]} : vector<16xf32> to vector<1xf32>
    %squeeze3A_75 = vector.extract %slice3A_74[0] : f32 from vector<1xf32>
    %slice3A_76 = vector.extract_strided_slice %get3A_5 {offsets = [14], sizes = [1], strides = [1]} : vector<16xf32> to vector<1xf32>
    %squeeze3A_77 = vector.extract %slice3A_76[0] : f32 from vector<1xf32>
    %slice3A_78 = vector.extract_strided_slice %get3A_5 {offsets = [15], sizes = [1], strides = [1]} : vector<16xf32> to vector<1xf32>
    %squeeze3A_79 = vector.extract %slice3A_78[0] : f32 from vector<1xf32>
    %slice3A_80 = vector.extract_strided_slice %get3A_7 {offsets = [0], sizes = [1], strides = [1]} : vector<16xf32> to vector<1xf32>
    %squeeze3A_81 = vector.extract %slice3A_80[0] : f32 from vector<1xf32>
    %slice3A_82 = vector.extract_strided_slice %get3A_7 {offsets = [1], sizes = [1], strides = [1]} : vector<16xf32> to vector<1xf32>
    %squeeze3A_83 = vector.extract %slice3A_82[0] : f32 from vector<1xf32>
    %slice3A_84 = vector.extract_strided_slice %get3A_7 {offsets = [2], sizes = [1], strides = [1]} : vector<16xf32> to vector<1xf32>
    %squeeze3A_85 = vector.extract %slice3A_84[0] : f32 from vector<1xf32>
    %slice3A_86 = vector.extract_strided_slice %get3A_7 {offsets = [3], sizes = [1], strides = [1]} : vector<16xf32> to vector<1xf32>
    %squeeze3A_87 = vector.extract %slice3A_86[0] : f32 from vector<1xf32>
    %slice3A_88 = vector.extract_strided_slice %get3A_7 {offsets = [4], sizes = [1], strides = [1]} : vector<16xf32> to vector<1xf32>
    %squeeze3A_89 = vector.extract %slice3A_88[0] : f32 from vector<1xf32>
    %slice3A_90 = vector.extract_strided_slice %get3A_7 {offsets = [5], sizes = [1], strides = [1]} : vector<16xf32> to vector<1xf32>
    %squeeze3A_91 = vector.extract %slice3A_90[0] : f32 from vector<1xf32>
    %slice3A_92 = vector.extract_strided_slice %get3A_7 {offsets = [6], sizes = [1], strides = [1]} : vector<16xf32> to vector<1xf32>
    %squeeze3A_93 = vector.extract %slice3A_92[0] : f32 from vector<1xf32>
    %slice3A_94 = vector.extract_strided_slice %get3A_7 {offsets = [7], sizes = [1], strides = [1]} : vector<16xf32> to vector<1xf32>
    %squeeze3A_95 = vector.extract %slice3A_94[0] : f32 from vector<1xf32>
    %slice3A_96 = vector.extract_strided_slice %get3A_7 {offsets = [8], sizes = [1], strides = [1]} : vector<16xf32> to vector<1xf32>
    %squeeze3A_97 = vector.extract %slice3A_96[0] : f32 from vector<1xf32>
    %slice3A_98 = vector.extract_strided_slice %get3A_7 {offsets = [9], sizes = [1], strides = [1]} : vector<16xf32> to vector<1xf32>
    %squeeze3A_99 = vector.extract %slice3A_98[0] : f32 from vector<1xf32>
    %slice3A_100 = vector.extract_strided_slice %get3A_7 {offsets = [10], sizes = [1], strides = [1]} : vector<16xf32> to vector<1xf32>
    %squeeze3A_101 = vector.extract %slice3A_100[0] : f32 from vector<1xf32>
    %slice3A_102 = vector.extract_strided_slice %get3A_7 {offsets = [11], sizes = [1], strides = [1]} : vector<16xf32> to vector<1xf32>
    %squeeze3A_103 = vector.extract %slice3A_102[0] : f32 from vector<1xf32>
    %slice3A_104 = vector.extract_strided_slice %get3A_7 {offsets = [12], sizes = [1], strides = [1]} : vector<16xf32> to vector<1xf32>
    %squeeze3A_105 = vector.extract %slice3A_104[0] : f32 from vector<1xf32>
    %slice3A_106 = vector.extract_strided_slice %get3A_7 {offsets = [13], sizes = [1], strides = [1]} : vector<16xf32> to vector<1xf32>
    %squeeze3A_107 = vector.extract %slice3A_106[0] : f32 from vector<1xf32>
    %slice3A_108 = vector.extract_strided_slice %get3A_7 {offsets = [14], sizes = [1], strides = [1]} : vector<16xf32> to vector<1xf32>
    %squeeze3A_109 = vector.extract %slice3A_108[0] : f32 from vector<1xf32>
    %slice3A_110 = vector.extract_strided_slice %get3A_7 {offsets = [15], sizes = [1], strides = [1]} : vector<16xf32> to vector<1xf32>
    %squeeze3A_111 = vector.extract %slice3A_110[0] : f32 from vector<1xf32>
    %slice3A_112 = vector.extract_strided_slice %get3A_9 {offsets = [0], sizes = [1], strides = [1]} : vector<16xf32> to vector<1xf32>
    %squeeze3A_113 = vector.extract %slice3A_112[0] : f32 from vector<1xf32>
    %slice3A_114 = vector.extract_strided_slice %get3A_9 {offsets = [1], sizes = [1], strides = [1]} : vector<16xf32> to vector<1xf32>
    %squeeze3A_115 = vector.extract %slice3A_114[0] : f32 from vector<1xf32>
    %slice3A_116 = vector.extract_strided_slice %get3A_9 {offsets = [2], sizes = [1], strides = [1]} : vector<16xf32> to vector<1xf32>
    %squeeze3A_117 = vector.extract %slice3A_116[0] : f32 from vector<1xf32>
    %slice3A_118 = vector.extract_strided_slice %get3A_9 {offsets = [3], sizes = [1], strides = [1]} : vector<16xf32> to vector<1xf32>
    %squeeze3A_119 = vector.extract %slice3A_118[0] : f32 from vector<1xf32>
    %slice3A_120 = vector.extract_strided_slice %get3A_9 {offsets = [4], sizes = [1], strides = [1]} : vector<16xf32> to vector<1xf32>
    %squeeze3A_121 = vector.extract %slice3A_120[0] : f32 from vector<1xf32>
    %slice3A_122 = vector.extract_strided_slice %get3A_9 {offsets = [5], sizes = [1], strides = [1]} : vector<16xf32> to vector<1xf32>
    %squeeze3A_123 = vector.extract %slice3A_122[0] : f32 from vector<1xf32>
    %slice3A_124 = vector.extract_strided_slice %get3A_9 {offsets = [6], sizes = [1], strides = [1]} : vector<16xf32> to vector<1xf32>
    %squeeze3A_125 = vector.extract %slice3A_124[0] : f32 from vector<1xf32>
    %slice3A_126 = vector.extract_strided_slice %get3A_9 {offsets = [7], sizes = [1], strides = [1]} : vector<16xf32> to vector<1xf32>
    %squeeze3A_127 = vector.extract %slice3A_126[0] : f32 from vector<1xf32>
    %slice3A_128 = vector.extract_strided_slice %get3A_9 {offsets = [8], sizes = [1], strides = [1]} : vector<16xf32> to vector<1xf32>
    %squeeze3A_129 = vector.extract %slice3A_128[0] : f32 from vector<1xf32>
    %slice3A_130 = vector.extract_strided_slice %get3A_9 {offsets = [9], sizes = [1], strides = [1]} : vector<16xf32> to vector<1xf32>
    %squeeze3A_131 = vector.extract %slice3A_130[0] : f32 from vector<1xf32>
    %slice3A_132 = vector.extract_strided_slice %get3A_9 {offsets = [10], sizes = [1], strides = [1]} : vector<16xf32> to vector<1xf32>
    %squeeze3A_133 = vector.extract %slice3A_132[0] : f32 from vector<1xf32>
    %slice3A_134 = vector.extract_strided_slice %get3A_9 {offsets = [11], sizes = [1], strides = [1]} : vector<16xf32> to vector<1xf32>
    %squeeze3A_135 = vector.extract %slice3A_134[0] : f32 from vector<1xf32>
    %slice3A_136 = vector.extract_strided_slice %get3A_9 {offsets = [12], sizes = [1], strides = [1]} : vector<16xf32> to vector<1xf32>
    %squeeze3A_137 = vector.extract %slice3A_136[0] : f32 from vector<1xf32>
    %slice3A_138 = vector.extract_strided_slice %get3A_9 {offsets = [13], sizes = [1], strides = [1]} : vector<16xf32> to vector<1xf32>
    %squeeze3A_139 = vector.extract %slice3A_138[0] : f32 from vector<1xf32>
    %slice3A_140 = vector.extract_strided_slice %get3A_9 {offsets = [14], sizes = [1], strides = [1]} : vector<16xf32> to vector<1xf32>
    %squeeze3A_141 = vector.extract %slice3A_140[0] : f32 from vector<1xf32>
    %slice3A_142 = vector.extract_strided_slice %get3A_9 {offsets = [15], sizes = [1], strides = [1]} : vector<16xf32> to vector<1xf32>
    %squeeze3A_143 = vector.extract %slice3A_142[0] : f32 from vector<1xf32>
    %slice3A_144 = vector.extract_strided_slice %get3A_11 {offsets = [0], sizes = [1], strides = [1]} : vector<16xf32> to vector<1xf32>
    %squeeze3A_145 = vector.extract %slice3A_144[0] : f32 from vector<1xf32>
    %slice3A_146 = vector.extract_strided_slice %get3A_11 {offsets = [1], sizes = [1], strides = [1]} : vector<16xf32> to vector<1xf32>
    %squeeze3A_147 = vector.extract %slice3A_146[0] : f32 from vector<1xf32>
    %slice3A_148 = vector.extract_strided_slice %get3A_11 {offsets = [2], sizes = [1], strides = [1]} : vector<16xf32> to vector<1xf32>
    %squeeze3A_149 = vector.extract %slice3A_148[0] : f32 from vector<1xf32>
    %slice3A_150 = vector.extract_strided_slice %get3A_11 {offsets = [3], sizes = [1], strides = [1]} : vector<16xf32> to vector<1xf32>
    %squeeze3A_151 = vector.extract %slice3A_150[0] : f32 from vector<1xf32>
    %slice3A_152 = vector.extract_strided_slice %get3A_11 {offsets = [4], sizes = [1], strides = [1]} : vector<16xf32> to vector<1xf32>
    %squeeze3A_153 = vector.extract %slice3A_152[0] : f32 from vector<1xf32>
    %slice3A_154 = vector.extract_strided_slice %get3A_11 {offsets = [5], sizes = [1], strides = [1]} : vector<16xf32> to vector<1xf32>
    %squeeze3A_155 = vector.extract %slice3A_154[0] : f32 from vector<1xf32>
    %slice3A_156 = vector.extract_strided_slice %get3A_11 {offsets = [6], sizes = [1], strides = [1]} : vector<16xf32> to vector<1xf32>
    %squeeze3A_157 = vector.extract %slice3A_156[0] : f32 from vector<1xf32>
    %slice3A_158 = vector.extract_strided_slice %get3A_11 {offsets = [7], sizes = [1], strides = [1]} : vector<16xf32> to vector<1xf32>
    %squeeze3A_159 = vector.extract %slice3A_158[0] : f32 from vector<1xf32>
    %slice3A_160 = vector.extract_strided_slice %get3A_11 {offsets = [8], sizes = [1], strides = [1]} : vector<16xf32> to vector<1xf32>
    %squeeze3A_161 = vector.extract %slice3A_160[0] : f32 from vector<1xf32>
    %slice3A_162 = vector.extract_strided_slice %get3A_11 {offsets = [9], sizes = [1], strides = [1]} : vector<16xf32> to vector<1xf32>
    %squeeze3A_163 = vector.extract %slice3A_162[0] : f32 from vector<1xf32>
    %slice3A_164 = vector.extract_strided_slice %get3A_11 {offsets = [10], sizes = [1], strides = [1]} : vector<16xf32> to vector<1xf32>
    %squeeze3A_165 = vector.extract %slice3A_164[0] : f32 from vector<1xf32>
    %slice3A_166 = vector.extract_strided_slice %get3A_11 {offsets = [11], sizes = [1], strides = [1]} : vector<16xf32> to vector<1xf32>
    %squeeze3A_167 = vector.extract %slice3A_166[0] : f32 from vector<1xf32>
    %slice3A_168 = vector.extract_strided_slice %get3A_11 {offsets = [12], sizes = [1], strides = [1]} : vector<16xf32> to vector<1xf32>
    %squeeze3A_169 = vector.extract %slice3A_168[0] : f32 from vector<1xf32>
    %slice3A_170 = vector.extract_strided_slice %get3A_11 {offsets = [13], sizes = [1], strides = [1]} : vector<16xf32> to vector<1xf32>
    %squeeze3A_171 = vector.extract %slice3A_170[0] : f32 from vector<1xf32>
    %slice3A_172 = vector.extract_strided_slice %get3A_11 {offsets = [14], sizes = [1], strides = [1]} : vector<16xf32> to vector<1xf32>
    %squeeze3A_173 = vector.extract %slice3A_172[0] : f32 from vector<1xf32>
    %slice3A_174 = vector.extract_strided_slice %get3A_11 {offsets = [15], sizes = [1], strides = [1]} : vector<16xf32> to vector<1xf32>
    %squeeze3A_175 = vector.extract %slice3A_174[0] : f32 from vector<1xf32>
    %slice3A_176 = vector.extract_strided_slice %get3A_13 {offsets = [0], sizes = [1], strides = [1]} : vector<16xf32> to vector<1xf32>
    %squeeze3A_177 = vector.extract %slice3A_176[0] : f32 from vector<1xf32>
    %slice3A_178 = vector.extract_strided_slice %get3A_13 {offsets = [1], sizes = [1], strides = [1]} : vector<16xf32> to vector<1xf32>
    %squeeze3A_179 = vector.extract %slice3A_178[0] : f32 from vector<1xf32>
    %slice3A_180 = vector.extract_strided_slice %get3A_13 {offsets = [2], sizes = [1], strides = [1]} : vector<16xf32> to vector<1xf32>
    %squeeze3A_181 = vector.extract %slice3A_180[0] : f32 from vector<1xf32>
    %slice3A_182 = vector.extract_strided_slice %get3A_13 {offsets = [3], sizes = [1], strides = [1]} : vector<16xf32> to vector<1xf32>
    %squeeze3A_183 = vector.extract %slice3A_182[0] : f32 from vector<1xf32>
    %slice3A_184 = vector.extract_strided_slice %get3A_13 {offsets = [4], sizes = [1], strides = [1]} : vector<16xf32> to vector<1xf32>
    %squeeze3A_185 = vector.extract %slice3A_184[0] : f32 from vector<1xf32>
    %slice3A_186 = vector.extract_strided_slice %get3A_13 {offsets = [5], sizes = [1], strides = [1]} : vector<16xf32> to vector<1xf32>
    %squeeze3A_187 = vector.extract %slice3A_186[0] : f32 from vector<1xf32>
    %slice3A_188 = vector.extract_strided_slice %get3A_13 {offsets = [6], sizes = [1], strides = [1]} : vector<16xf32> to vector<1xf32>
    %squeeze3A_189 = vector.extract %slice3A_188[0] : f32 from vector<1xf32>
    %slice3A_190 = vector.extract_strided_slice %get3A_13 {offsets = [7], sizes = [1], strides = [1]} : vector<16xf32> to vector<1xf32>
    %squeeze3A_191 = vector.extract %slice3A_190[0] : f32 from vector<1xf32>
    %slice3A_192 = vector.extract_strided_slice %get3A_13 {offsets = [8], sizes = [1], strides = [1]} : vector<16xf32> to vector<1xf32>
    %squeeze3A_193 = vector.extract %slice3A_192[0] : f32 from vector<1xf32>
    %slice3A_194 = vector.extract_strided_slice %get3A_13 {offsets = [9], sizes = [1], strides = [1]} : vector<16xf32> to vector<1xf32>
    %squeeze3A_195 = vector.extract %slice3A_194[0] : f32 from vector<1xf32>
    %slice3A_196 = vector.extract_strided_slice %get3A_13 {offsets = [10], sizes = [1], strides = [1]} : vector<16xf32> to vector<1xf32>
    %squeeze3A_197 = vector.extract %slice3A_196[0] : f32 from vector<1xf32>
    %slice3A_198 = vector.extract_strided_slice %get3A_13 {offsets = [11], sizes = [1], strides = [1]} : vector<16xf32> to vector<1xf32>
    %squeeze3A_199 = vector.extract %slice3A_198[0] : f32 from vector<1xf32>
    %slice3A_200 = vector.extract_strided_slice %get3A_13 {offsets = [12], sizes = [1], strides = [1]} : vector<16xf32> to vector<1xf32>
    %squeeze3A_201 = vector.extract %slice3A_200[0] : f32 from vector<1xf32>
    %slice3A_202 = vector.extract_strided_slice %get3A_13 {offsets = [13], sizes = [1], strides = [1]} : vector<16xf32> to vector<1xf32>
    %squeeze3A_203 = vector.extract %slice3A_202[0] : f32 from vector<1xf32>
    %slice3A_204 = vector.extract_strided_slice %get3A_13 {offsets = [14], sizes = [1], strides = [1]} : vector<16xf32> to vector<1xf32>
    %squeeze3A_205 = vector.extract %slice3A_204[0] : f32 from vector<1xf32>
    %slice3A_206 = vector.extract_strided_slice %get3A_13 {offsets = [15], sizes = [1], strides = [1]} : vector<16xf32> to vector<1xf32>
    %squeeze3A_207 = vector.extract %slice3A_206[0] : f32 from vector<1xf32>
    %slice3A_208 = vector.extract_strided_slice %get3A_15 {offsets = [0], sizes = [1], strides = [1]} : vector<16xf32> to vector<1xf32>
    %squeeze3A_209 = vector.extract %slice3A_208[0] : f32 from vector<1xf32>
    %slice3A_210 = vector.extract_strided_slice %get3A_15 {offsets = [1], sizes = [1], strides = [1]} : vector<16xf32> to vector<1xf32>
    %squeeze3A_211 = vector.extract %slice3A_210[0] : f32 from vector<1xf32>
    %slice3A_212 = vector.extract_strided_slice %get3A_15 {offsets = [2], sizes = [1], strides = [1]} : vector<16xf32> to vector<1xf32>
    %squeeze3A_213 = vector.extract %slice3A_212[0] : f32 from vector<1xf32>
    %slice3A_214 = vector.extract_strided_slice %get3A_15 {offsets = [3], sizes = [1], strides = [1]} : vector<16xf32> to vector<1xf32>
    %squeeze3A_215 = vector.extract %slice3A_214[0] : f32 from vector<1xf32>
    %slice3A_216 = vector.extract_strided_slice %get3A_15 {offsets = [4], sizes = [1], strides = [1]} : vector<16xf32> to vector<1xf32>
    %squeeze3A_217 = vector.extract %slice3A_216[0] : f32 from vector<1xf32>
    %slice3A_218 = vector.extract_strided_slice %get3A_15 {offsets = [5], sizes = [1], strides = [1]} : vector<16xf32> to vector<1xf32>
    %squeeze3A_219 = vector.extract %slice3A_218[0] : f32 from vector<1xf32>
    %slice3A_220 = vector.extract_strided_slice %get3A_15 {offsets = [6], sizes = [1], strides = [1]} : vector<16xf32> to vector<1xf32>
    %squeeze3A_221 = vector.extract %slice3A_220[0] : f32 from vector<1xf32>
    %slice3A_222 = vector.extract_strided_slice %get3A_15 {offsets = [7], sizes = [1], strides = [1]} : vector<16xf32> to vector<1xf32>
    %squeeze3A_223 = vector.extract %slice3A_222[0] : f32 from vector<1xf32>
    %slice3A_224 = vector.extract_strided_slice %get3A_15 {offsets = [8], sizes = [1], strides = [1]} : vector<16xf32> to vector<1xf32>
    %squeeze3A_225 = vector.extract %slice3A_224[0] : f32 from vector<1xf32>
    %slice3A_226 = vector.extract_strided_slice %get3A_15 {offsets = [9], sizes = [1], strides = [1]} : vector<16xf32> to vector<1xf32>
    %squeeze3A_227 = vector.extract %slice3A_226[0] : f32 from vector<1xf32>
    %slice3A_228 = vector.extract_strided_slice %get3A_15 {offsets = [10], sizes = [1], strides = [1]} : vector<16xf32> to vector<1xf32>
    %squeeze3A_229 = vector.extract %slice3A_228[0] : f32 from vector<1xf32>
    %slice3A_230 = vector.extract_strided_slice %get3A_15 {offsets = [11], sizes = [1], strides = [1]} : vector<16xf32> to vector<1xf32>
    %squeeze3A_231 = vector.extract %slice3A_230[0] : f32 from vector<1xf32>
    %slice3A_232 = vector.extract_strided_slice %get3A_15 {offsets = [12], sizes = [1], strides = [1]} : vector<16xf32> to vector<1xf32>
    %squeeze3A_233 = vector.extract %slice3A_232[0] : f32 from vector<1xf32>
    %slice3A_234 = vector.extract_strided_slice %get3A_15 {offsets = [13], sizes = [1], strides = [1]} : vector<16xf32> to vector<1xf32>
    %squeeze3A_235 = vector.extract %slice3A_234[0] : f32 from vector<1xf32>
    %slice3A_236 = vector.extract_strided_slice %get3A_15 {offsets = [14], sizes = [1], strides = [1]} : vector<16xf32> to vector<1xf32>
    %squeeze3A_237 = vector.extract %slice3A_236[0] : f32 from vector<1xf32>
    %slice3A_238 = vector.extract_strided_slice %get3A_15 {offsets = [15], sizes = [1], strides = [1]} : vector<16xf32> to vector<1xf32>
    %squeeze3A_239 = vector.extract %slice3A_238[0] : f32 from vector<1xf32>
    %mul3A_240 = arith.mulf %squeeze3A, %squeeze3A_177 : f32
    %add3A_241 = arith.constant 0.000000e+00 : f32
    %add3A_242 = arith.addf %add3A_241, %mul3A_240 : f32
    %mul3A_243 = arith.mulf %squeeze3A_19, %squeeze3A_185 : f32
    %add3A_244 = arith.addf %add3A_242, %mul3A_243 : f32
    %mul3A_245 = arith.mulf %squeeze3A_21, %squeeze3A_193 : f32
    %add3A_246 = arith.addf %add3A_244, %mul3A_245 : f32
    %mul3A_247 = arith.mulf %squeeze3A_23, %squeeze3A_201 : f32
    %add3A_248 = arith.addf %add3A_246, %mul3A_247 : f32
    %mul3A_249 = arith.mulf %squeeze3A_25, %squeeze3A_209 : f32
    %add3A_250 = arith.addf %add3A_248, %mul3A_249 : f32
    %mul3A_251 = arith.mulf %squeeze3A_27, %squeeze3A_217 : f32
    %add3A_252 = arith.addf %add3A_250, %mul3A_251 : f32
    %mul3A_253 = arith.mulf %squeeze3A_29, %squeeze3A_225 : f32
    %add3A_254 = arith.addf %add3A_252, %mul3A_253 : f32
    %mul3A_255 = arith.mulf %squeeze3A_31, %squeeze3A_233 : f32
    %add3A_256 = arith.addf %add3A_254, %mul3A_255 : f32
    %mul3A_257 = arith.constant 5.000000e-03 : f32
    %mul3A_258 = arith.mulf %add3A_256, %mul3A_257 : f32
    %mul3A_259 = arith.mulf %squeeze3A, %squeeze3A_179 : f32
    %add3A_260 = arith.constant 0.000000e+00 : f32
    %add3A_261 = arith.addf %add3A_260, %mul3A_259 : f32
    %mul3A_262 = arith.mulf %squeeze3A_19, %squeeze3A_187 : f32
    %add3A_263 = arith.addf %add3A_261, %mul3A_262 : f32
    %mul3A_264 = arith.mulf %squeeze3A_21, %squeeze3A_195 : f32
    %add3A_265 = arith.addf %add3A_263, %mul3A_264 : f32
    %mul3A_266 = arith.mulf %squeeze3A_23, %squeeze3A_203 : f32
    %add3A_267 = arith.addf %add3A_265, %mul3A_266 : f32
    %mul3A_268 = arith.mulf %squeeze3A_25, %squeeze3A_211 : f32
    %add3A_269 = arith.addf %add3A_267, %mul3A_268 : f32
    %mul3A_270 = arith.mulf %squeeze3A_27, %squeeze3A_219 : f32
    %add3A_271 = arith.addf %add3A_269, %mul3A_270 : f32
    %mul3A_272 = arith.mulf %squeeze3A_29, %squeeze3A_227 : f32
    %add3A_273 = arith.addf %add3A_271, %mul3A_272 : f32
    %mul3A_274 = arith.mulf %squeeze3A_31, %squeeze3A_235 : f32
    %add3A_275 = arith.addf %add3A_273, %mul3A_274 : f32
    %mul3A_276 = arith.constant 5.000000e-03 : f32
    %mul3A_277 = arith.mulf %add3A_275, %mul3A_276 : f32
    %mul3A_278 = arith.mulf %squeeze3A, %squeeze3A_181 : f32
    %add3A_279 = arith.constant 0.000000e+00 : f32
    %add3A_280 = arith.addf %add3A_279, %mul3A_278 : f32
    %mul3A_281 = arith.mulf %squeeze3A_19, %squeeze3A_189 : f32
    %add3A_282 = arith.addf %add3A_280, %mul3A_281 : f32
    %mul3A_283 = arith.mulf %squeeze3A_21, %squeeze3A_197 : f32
    %add3A_284 = arith.addf %add3A_282, %mul3A_283 : f32
    %mul3A_285 = arith.mulf %squeeze3A_23, %squeeze3A_205 : f32
    %add3A_286 = arith.addf %add3A_284, %mul3A_285 : f32
    %mul3A_287 = arith.mulf %squeeze3A_25, %squeeze3A_213 : f32
    %add3A_288 = arith.addf %add3A_286, %mul3A_287 : f32
    %mul3A_289 = arith.mulf %squeeze3A_27, %squeeze3A_221 : f32
    %add3A_290 = arith.addf %add3A_288, %mul3A_289 : f32
    %mul3A_291 = arith.mulf %squeeze3A_29, %squeeze3A_229 : f32
    %add3A_292 = arith.addf %add3A_290, %mul3A_291 : f32
    %mul3A_293 = arith.mulf %squeeze3A_31, %squeeze3A_237 : f32
    %add3A_294 = arith.addf %add3A_292, %mul3A_293 : f32
    %mul3A_295 = arith.constant 5.000000e-03 : f32
    %mul3A_296 = arith.mulf %add3A_294, %mul3A_295 : f32
    %mul3A_297 = arith.mulf %squeeze3A, %squeeze3A_183 : f32
    %add3A_298 = arith.constant 0.000000e+00 : f32
    %add3A_299 = arith.addf %add3A_298, %mul3A_297 : f32
    %mul3A_300 = arith.mulf %squeeze3A_19, %squeeze3A_191 : f32
    %add3A_301 = arith.addf %add3A_299, %mul3A_300 : f32
    %mul3A_302 = arith.mulf %squeeze3A_21, %squeeze3A_199 : f32
    %add3A_303 = arith.addf %add3A_301, %mul3A_302 : f32
    %mul3A_304 = arith.mulf %squeeze3A_23, %squeeze3A_207 : f32
    %add3A_305 = arith.addf %add3A_303, %mul3A_304 : f32
    %mul3A_306 = arith.mulf %squeeze3A_25, %squeeze3A_215 : f32
    %add3A_307 = arith.addf %add3A_305, %mul3A_306 : f32
    %mul3A_308 = arith.mulf %squeeze3A_27, %squeeze3A_223 : f32
    %add3A_309 = arith.addf %add3A_307, %mul3A_308 : f32
    %mul3A_310 = arith.mulf %squeeze3A_29, %squeeze3A_231 : f32
    %add3A_311 = arith.addf %add3A_309, %mul3A_310 : f32
    %mul3A_312 = arith.mulf %squeeze3A_31, %squeeze3A_239 : f32
    %add3A_313 = arith.addf %add3A_311, %mul3A_312 : f32
    %mul3A_314 = arith.constant 5.000000e-03 : f32
    %mul3A_315 = arith.mulf %add3A_313, %mul3A_314 : f32
    %mul3A_316 = arith.mulf %squeeze3A_33, %squeeze3A_177 : f32
    %add3A_317 = arith.constant 0.000000e+00 : f32
    %add3A_318 = arith.addf %add3A_317, %mul3A_316 : f32
    %mul3A_319 = arith.mulf %squeeze3A_35, %squeeze3A_185 : f32
    %add3A_320 = arith.addf %add3A_318, %mul3A_319 : f32
    %mul3A_321 = arith.mulf %squeeze3A_37, %squeeze3A_193 : f32
    %add3A_322 = arith.addf %add3A_320, %mul3A_321 : f32
    %mul3A_323 = arith.mulf %squeeze3A_39, %squeeze3A_201 : f32
    %add3A_324 = arith.addf %add3A_322, %mul3A_323 : f32
    %mul3A_325 = arith.mulf %squeeze3A_41, %squeeze3A_209 : f32
    %add3A_326 = arith.addf %add3A_324, %mul3A_325 : f32
    %mul3A_327 = arith.mulf %squeeze3A_43, %squeeze3A_217 : f32
    %add3A_328 = arith.addf %add3A_326, %mul3A_327 : f32
    %mul3A_329 = arith.mulf %squeeze3A_45, %squeeze3A_225 : f32
    %add3A_330 = arith.addf %add3A_328, %mul3A_329 : f32
    %mul3A_331 = arith.mulf %squeeze3A_47, %squeeze3A_233 : f32
    %add3A_332 = arith.addf %add3A_330, %mul3A_331 : f32
    %mul3A_333 = arith.constant 5.000000e-03 : f32
    %mul3A_334 = arith.mulf %add3A_332, %mul3A_333 : f32
    %mul3A_335 = arith.mulf %squeeze3A_33, %squeeze3A_179 : f32
    %add3A_336 = arith.constant 0.000000e+00 : f32
    %add3A_337 = arith.addf %add3A_336, %mul3A_335 : f32
    %mul3A_338 = arith.mulf %squeeze3A_35, %squeeze3A_187 : f32
    %add3A_339 = arith.addf %add3A_337, %mul3A_338 : f32
    %mul3A_340 = arith.mulf %squeeze3A_37, %squeeze3A_195 : f32
    %add3A_341 = arith.addf %add3A_339, %mul3A_340 : f32
    %mul3A_342 = arith.mulf %squeeze3A_39, %squeeze3A_203 : f32
    %add3A_343 = arith.addf %add3A_341, %mul3A_342 : f32
    %mul3A_344 = arith.mulf %squeeze3A_41, %squeeze3A_211 : f32
    %add3A_345 = arith.addf %add3A_343, %mul3A_344 : f32
    %mul3A_346 = arith.mulf %squeeze3A_43, %squeeze3A_219 : f32
    %add3A_347 = arith.addf %add3A_345, %mul3A_346 : f32
    %mul3A_348 = arith.mulf %squeeze3A_45, %squeeze3A_227 : f32
    %add3A_349 = arith.addf %add3A_347, %mul3A_348 : f32
    %mul3A_350 = arith.mulf %squeeze3A_47, %squeeze3A_235 : f32
    %add3A_351 = arith.addf %add3A_349, %mul3A_350 : f32
    %mul3A_352 = arith.constant 5.000000e-03 : f32
    %mul3A_353 = arith.mulf %add3A_351, %mul3A_352 : f32
    %mul3A_354 = arith.mulf %squeeze3A_33, %squeeze3A_181 : f32
    %add3A_355 = arith.constant 0.000000e+00 : f32
    %add3A_356 = arith.addf %add3A_355, %mul3A_354 : f32
    %mul3A_357 = arith.mulf %squeeze3A_35, %squeeze3A_189 : f32
    %add3A_358 = arith.addf %add3A_356, %mul3A_357 : f32
    %mul3A_359 = arith.mulf %squeeze3A_37, %squeeze3A_197 : f32
    %add3A_360 = arith.addf %add3A_358, %mul3A_359 : f32
    %mul3A_361 = arith.mulf %squeeze3A_39, %squeeze3A_205 : f32
    %add3A_362 = arith.addf %add3A_360, %mul3A_361 : f32
    %mul3A_363 = arith.mulf %squeeze3A_41, %squeeze3A_213 : f32
    %add3A_364 = arith.addf %add3A_362, %mul3A_363 : f32
    %mul3A_365 = arith.mulf %squeeze3A_43, %squeeze3A_221 : f32
    %add3A_366 = arith.addf %add3A_364, %mul3A_365 : f32
    %mul3A_367 = arith.mulf %squeeze3A_45, %squeeze3A_229 : f32
    %add3A_368 = arith.addf %add3A_366, %mul3A_367 : f32
    %mul3A_369 = arith.mulf %squeeze3A_47, %squeeze3A_237 : f32
    %add3A_370 = arith.addf %add3A_368, %mul3A_369 : f32
    %mul3A_371 = arith.constant 5.000000e-03 : f32
    %mul3A_372 = arith.mulf %add3A_370, %mul3A_371 : f32
    %mul3A_373 = arith.mulf %squeeze3A_33, %squeeze3A_183 : f32
    %add3A_374 = arith.constant 0.000000e+00 : f32
    %add3A_375 = arith.addf %add3A_374, %mul3A_373 : f32
    %mul3A_376 = arith.mulf %squeeze3A_35, %squeeze3A_191 : f32
    %add3A_377 = arith.addf %add3A_375, %mul3A_376 : f32
    %mul3A_378 = arith.mulf %squeeze3A_37, %squeeze3A_199 : f32
    %add3A_379 = arith.addf %add3A_377, %mul3A_378 : f32
    %mul3A_380 = arith.mulf %squeeze3A_39, %squeeze3A_207 : f32
    %add3A_381 = arith.addf %add3A_379, %mul3A_380 : f32
    %mul3A_382 = arith.mulf %squeeze3A_41, %squeeze3A_215 : f32
    %add3A_383 = arith.addf %add3A_381, %mul3A_382 : f32
    %mul3A_384 = arith.mulf %squeeze3A_43, %squeeze3A_223 : f32
    %add3A_385 = arith.addf %add3A_383, %mul3A_384 : f32
    %mul3A_386 = arith.mulf %squeeze3A_45, %squeeze3A_231 : f32
    %add3A_387 = arith.addf %add3A_385, %mul3A_386 : f32
    %mul3A_388 = arith.mulf %squeeze3A_47, %squeeze3A_239 : f32
    %add3A_389 = arith.addf %add3A_387, %mul3A_388 : f32
    %mul3A_390 = arith.constant 5.000000e-03 : f32
    %mul3A_391 = arith.mulf %add3A_389, %mul3A_390 : f32
    %mul3A_392 = arith.mulf %squeeze3A_49, %squeeze3A_177 : f32
    %add3A_393 = arith.constant 0.000000e+00 : f32
    %add3A_394 = arith.addf %add3A_393, %mul3A_392 : f32
    %mul3A_395 = arith.mulf %squeeze3A_51, %squeeze3A_185 : f32
    %add3A_396 = arith.addf %add3A_394, %mul3A_395 : f32
    %mul3A_397 = arith.mulf %squeeze3A_53, %squeeze3A_193 : f32
    %add3A_398 = arith.addf %add3A_396, %mul3A_397 : f32
    %mul3A_399 = arith.mulf %squeeze3A_55, %squeeze3A_201 : f32
    %add3A_400 = arith.addf %add3A_398, %mul3A_399 : f32
    %mul3A_401 = arith.mulf %squeeze3A_57, %squeeze3A_209 : f32
    %add3A_402 = arith.addf %add3A_400, %mul3A_401 : f32
    %mul3A_403 = arith.mulf %squeeze3A_59, %squeeze3A_217 : f32
    %add3A_404 = arith.addf %add3A_402, %mul3A_403 : f32
    %mul3A_405 = arith.mulf %squeeze3A_61, %squeeze3A_225 : f32
    %add3A_406 = arith.addf %add3A_404, %mul3A_405 : f32
    %mul3A_407 = arith.mulf %squeeze3A_63, %squeeze3A_233 : f32
    %add3A_408 = arith.addf %add3A_406, %mul3A_407 : f32
    %mul3A_409 = arith.constant 5.000000e-03 : f32
    %mul3A_410 = arith.mulf %add3A_408, %mul3A_409 : f32
    %mul3A_411 = arith.mulf %squeeze3A_49, %squeeze3A_179 : f32
    %add3A_412 = arith.constant 0.000000e+00 : f32
    %add3A_413 = arith.addf %add3A_412, %mul3A_411 : f32
    %mul3A_414 = arith.mulf %squeeze3A_51, %squeeze3A_187 : f32
    %add3A_415 = arith.addf %add3A_413, %mul3A_414 : f32
    %mul3A_416 = arith.mulf %squeeze3A_53, %squeeze3A_195 : f32
    %add3A_417 = arith.addf %add3A_415, %mul3A_416 : f32
    %mul3A_418 = arith.mulf %squeeze3A_55, %squeeze3A_203 : f32
    %add3A_419 = arith.addf %add3A_417, %mul3A_418 : f32
    %mul3A_420 = arith.mulf %squeeze3A_57, %squeeze3A_211 : f32
    %add3A_421 = arith.addf %add3A_419, %mul3A_420 : f32
    %mul3A_422 = arith.mulf %squeeze3A_59, %squeeze3A_219 : f32
    %add3A_423 = arith.addf %add3A_421, %mul3A_422 : f32
    %mul3A_424 = arith.mulf %squeeze3A_61, %squeeze3A_227 : f32
    %add3A_425 = arith.addf %add3A_423, %mul3A_424 : f32
    %mul3A_426 = arith.mulf %squeeze3A_63, %squeeze3A_235 : f32
    %add3A_427 = arith.addf %add3A_425, %mul3A_426 : f32
    %mul3A_428 = arith.constant 5.000000e-03 : f32
    %mul3A_429 = arith.mulf %add3A_427, %mul3A_428 : f32
    %mul3A_430 = arith.mulf %squeeze3A_49, %squeeze3A_181 : f32
    %add3A_431 = arith.constant 0.000000e+00 : f32
    %add3A_432 = arith.addf %add3A_431, %mul3A_430 : f32
    %mul3A_433 = arith.mulf %squeeze3A_51, %squeeze3A_189 : f32
    %add3A_434 = arith.addf %add3A_432, %mul3A_433 : f32
    %mul3A_435 = arith.mulf %squeeze3A_53, %squeeze3A_197 : f32
    %add3A_436 = arith.addf %add3A_434, %mul3A_435 : f32
    %mul3A_437 = arith.mulf %squeeze3A_55, %squeeze3A_205 : f32
    %add3A_438 = arith.addf %add3A_436, %mul3A_437 : f32
    %mul3A_439 = arith.mulf %squeeze3A_57, %squeeze3A_213 : f32
    %add3A_440 = arith.addf %add3A_438, %mul3A_439 : f32
    %mul3A_441 = arith.mulf %squeeze3A_59, %squeeze3A_221 : f32
    %add3A_442 = arith.addf %add3A_440, %mul3A_441 : f32
    %mul3A_443 = arith.mulf %squeeze3A_61, %squeeze3A_229 : f32
    %add3A_444 = arith.addf %add3A_442, %mul3A_443 : f32
    %mul3A_445 = arith.mulf %squeeze3A_63, %squeeze3A_237 : f32
    %add3A_446 = arith.addf %add3A_444, %mul3A_445 : f32
    %mul3A_447 = arith.constant 5.000000e-03 : f32
    %mul3A_448 = arith.mulf %add3A_446, %mul3A_447 : f32
    %mul3A_449 = arith.mulf %squeeze3A_49, %squeeze3A_183 : f32
    %add3A_450 = arith.constant 0.000000e+00 : f32
    %add3A_451 = arith.addf %add3A_450, %mul3A_449 : f32
    %mul3A_452 = arith.mulf %squeeze3A_51, %squeeze3A_191 : f32
    %add3A_453 = arith.addf %add3A_451, %mul3A_452 : f32
    %mul3A_454 = arith.mulf %squeeze3A_53, %squeeze3A_199 : f32
    %add3A_455 = arith.addf %add3A_453, %mul3A_454 : f32
    %mul3A_456 = arith.mulf %squeeze3A_55, %squeeze3A_207 : f32
    %add3A_457 = arith.addf %add3A_455, %mul3A_456 : f32
    %mul3A_458 = arith.mulf %squeeze3A_57, %squeeze3A_215 : f32
    %add3A_459 = arith.addf %add3A_457, %mul3A_458 : f32
    %mul3A_460 = arith.mulf %squeeze3A_59, %squeeze3A_223 : f32
    %add3A_461 = arith.addf %add3A_459, %mul3A_460 : f32
    %mul3A_462 = arith.mulf %squeeze3A_61, %squeeze3A_231 : f32
    %add3A_463 = arith.addf %add3A_461, %mul3A_462 : f32
    %mul3A_464 = arith.mulf %squeeze3A_63, %squeeze3A_239 : f32
    %add3A_465 = arith.addf %add3A_463, %mul3A_464 : f32
    %mul3A_466 = arith.constant 5.000000e-03 : f32
    %mul3A_467 = arith.mulf %add3A_465, %mul3A_466 : f32
    %mul3A_468 = arith.mulf %squeeze3A_65, %squeeze3A_177 : f32
    %add3A_469 = arith.constant 0.000000e+00 : f32
    %add3A_470 = arith.addf %add3A_469, %mul3A_468 : f32
    %mul3A_471 = arith.mulf %squeeze3A_67, %squeeze3A_185 : f32
    %add3A_472 = arith.addf %add3A_470, %mul3A_471 : f32
    %mul3A_473 = arith.mulf %squeeze3A_69, %squeeze3A_193 : f32
    %add3A_474 = arith.addf %add3A_472, %mul3A_473 : f32
    %mul3A_475 = arith.mulf %squeeze3A_71, %squeeze3A_201 : f32
    %add3A_476 = arith.addf %add3A_474, %mul3A_475 : f32
    %mul3A_477 = arith.mulf %squeeze3A_73, %squeeze3A_209 : f32
    %add3A_478 = arith.addf %add3A_476, %mul3A_477 : f32
    %mul3A_479 = arith.mulf %squeeze3A_75, %squeeze3A_217 : f32
    %add3A_480 = arith.addf %add3A_478, %mul3A_479 : f32
    %mul3A_481 = arith.mulf %squeeze3A_77, %squeeze3A_225 : f32
    %add3A_482 = arith.addf %add3A_480, %mul3A_481 : f32
    %mul3A_483 = arith.mulf %squeeze3A_79, %squeeze3A_233 : f32
    %add3A_484 = arith.addf %add3A_482, %mul3A_483 : f32
    %mul3A_485 = arith.constant 5.000000e-03 : f32
    %mul3A_486 = arith.mulf %add3A_484, %mul3A_485 : f32
    %mul3A_487 = arith.mulf %squeeze3A_65, %squeeze3A_179 : f32
    %add3A_488 = arith.constant 0.000000e+00 : f32
    %add3A_489 = arith.addf %add3A_488, %mul3A_487 : f32
    %mul3A_490 = arith.mulf %squeeze3A_67, %squeeze3A_187 : f32
    %add3A_491 = arith.addf %add3A_489, %mul3A_490 : f32
    %mul3A_492 = arith.mulf %squeeze3A_69, %squeeze3A_195 : f32
    %add3A_493 = arith.addf %add3A_491, %mul3A_492 : f32
    %mul3A_494 = arith.mulf %squeeze3A_71, %squeeze3A_203 : f32
    %add3A_495 = arith.addf %add3A_493, %mul3A_494 : f32
    %mul3A_496 = arith.mulf %squeeze3A_73, %squeeze3A_211 : f32
    %add3A_497 = arith.addf %add3A_495, %mul3A_496 : f32
    %mul3A_498 = arith.mulf %squeeze3A_75, %squeeze3A_219 : f32
    %add3A_499 = arith.addf %add3A_497, %mul3A_498 : f32
    %mul3A_500 = arith.mulf %squeeze3A_77, %squeeze3A_227 : f32
    %add3A_501 = arith.addf %add3A_499, %mul3A_500 : f32
    %mul3A_502 = arith.mulf %squeeze3A_79, %squeeze3A_235 : f32
    %add3A_503 = arith.addf %add3A_501, %mul3A_502 : f32
    %mul3A_504 = arith.constant 5.000000e-03 : f32
    %mul3A_505 = arith.mulf %add3A_503, %mul3A_504 : f32
    %mul3A_506 = arith.mulf %squeeze3A_65, %squeeze3A_181 : f32
    %add3A_507 = arith.constant 0.000000e+00 : f32
    %add3A_508 = arith.addf %add3A_507, %mul3A_506 : f32
    %mul3A_509 = arith.mulf %squeeze3A_67, %squeeze3A_189 : f32
    %add3A_510 = arith.addf %add3A_508, %mul3A_509 : f32
    %mul3A_511 = arith.mulf %squeeze3A_69, %squeeze3A_197 : f32
    %add3A_512 = arith.addf %add3A_510, %mul3A_511 : f32
    %mul3A_513 = arith.mulf %squeeze3A_71, %squeeze3A_205 : f32
    %add3A_514 = arith.addf %add3A_512, %mul3A_513 : f32
    %mul3A_515 = arith.mulf %squeeze3A_73, %squeeze3A_213 : f32
    %add3A_516 = arith.addf %add3A_514, %mul3A_515 : f32
    %mul3A_517 = arith.mulf %squeeze3A_75, %squeeze3A_221 : f32
    %add3A_518 = arith.addf %add3A_516, %mul3A_517 : f32
    %mul3A_519 = arith.mulf %squeeze3A_77, %squeeze3A_229 : f32
    %add3A_520 = arith.addf %add3A_518, %mul3A_519 : f32
    %mul3A_521 = arith.mulf %squeeze3A_79, %squeeze3A_237 : f32
    %add3A_522 = arith.addf %add3A_520, %mul3A_521 : f32
    %mul3A_523 = arith.constant 5.000000e-03 : f32
    %mul3A_524 = arith.mulf %add3A_522, %mul3A_523 : f32
    %mul3A_525 = arith.mulf %squeeze3A_65, %squeeze3A_183 : f32
    %add3A_526 = arith.constant 0.000000e+00 : f32
    %add3A_527 = arith.addf %add3A_526, %mul3A_525 : f32
    %mul3A_528 = arith.mulf %squeeze3A_67, %squeeze3A_191 : f32
    %add3A_529 = arith.addf %add3A_527, %mul3A_528 : f32
    %mul3A_530 = arith.mulf %squeeze3A_69, %squeeze3A_199 : f32
    %add3A_531 = arith.addf %add3A_529, %mul3A_530 : f32
    %mul3A_532 = arith.mulf %squeeze3A_71, %squeeze3A_207 : f32
    %add3A_533 = arith.addf %add3A_531, %mul3A_532 : f32
    %mul3A_534 = arith.mulf %squeeze3A_73, %squeeze3A_215 : f32
    %add3A_535 = arith.addf %add3A_533, %mul3A_534 : f32
    %mul3A_536 = arith.mulf %squeeze3A_75, %squeeze3A_223 : f32
    %add3A_537 = arith.addf %add3A_535, %mul3A_536 : f32
    %mul3A_538 = arith.mulf %squeeze3A_77, %squeeze3A_231 : f32
    %add3A_539 = arith.addf %add3A_537, %mul3A_538 : f32
    %mul3A_540 = arith.mulf %squeeze3A_79, %squeeze3A_239 : f32
    %add3A_541 = arith.addf %add3A_539, %mul3A_540 : f32
    %mul3A_542 = arith.constant 5.000000e-03 : f32
    %mul3A_543 = arith.mulf %add3A_541, %mul3A_542 : f32
    %mul3A_544 = arith.mulf %squeeze3A_81, %squeeze3A_177 : f32
    %add3A_545 = arith.constant 0.000000e+00 : f32
    %add3A_546 = arith.addf %add3A_545, %mul3A_544 : f32
    %mul3A_547 = arith.mulf %squeeze3A_83, %squeeze3A_185 : f32
    %add3A_548 = arith.addf %add3A_546, %mul3A_547 : f32
    %mul3A_549 = arith.mulf %squeeze3A_85, %squeeze3A_193 : f32
    %add3A_550 = arith.addf %add3A_548, %mul3A_549 : f32
    %mul3A_551 = arith.mulf %squeeze3A_87, %squeeze3A_201 : f32
    %add3A_552 = arith.addf %add3A_550, %mul3A_551 : f32
    %mul3A_553 = arith.mulf %squeeze3A_89, %squeeze3A_209 : f32
    %add3A_554 = arith.addf %add3A_552, %mul3A_553 : f32
    %mul3A_555 = arith.mulf %squeeze3A_91, %squeeze3A_217 : f32
    %add3A_556 = arith.addf %add3A_554, %mul3A_555 : f32
    %mul3A_557 = arith.mulf %squeeze3A_93, %squeeze3A_225 : f32
    %add3A_558 = arith.addf %add3A_556, %mul3A_557 : f32
    %mul3A_559 = arith.mulf %squeeze3A_95, %squeeze3A_233 : f32
    %add3A_560 = arith.addf %add3A_558, %mul3A_559 : f32
    %mul3A_561 = arith.constant 5.000000e-03 : f32
    %mul3A_562 = arith.mulf %add3A_560, %mul3A_561 : f32
    %mul3A_563 = arith.mulf %squeeze3A_81, %squeeze3A_179 : f32
    %add3A_564 = arith.constant 0.000000e+00 : f32
    %add3A_565 = arith.addf %add3A_564, %mul3A_563 : f32
    %mul3A_566 = arith.mulf %squeeze3A_83, %squeeze3A_187 : f32
    %add3A_567 = arith.addf %add3A_565, %mul3A_566 : f32
    %mul3A_568 = arith.mulf %squeeze3A_85, %squeeze3A_195 : f32
    %add3A_569 = arith.addf %add3A_567, %mul3A_568 : f32
    %mul3A_570 = arith.mulf %squeeze3A_87, %squeeze3A_203 : f32
    %add3A_571 = arith.addf %add3A_569, %mul3A_570 : f32
    %mul3A_572 = arith.mulf %squeeze3A_89, %squeeze3A_211 : f32
    %add3A_573 = arith.addf %add3A_571, %mul3A_572 : f32
    %mul3A_574 = arith.mulf %squeeze3A_91, %squeeze3A_219 : f32
    %add3A_575 = arith.addf %add3A_573, %mul3A_574 : f32
    %mul3A_576 = arith.mulf %squeeze3A_93, %squeeze3A_227 : f32
    %add3A_577 = arith.addf %add3A_575, %mul3A_576 : f32
    %mul3A_578 = arith.mulf %squeeze3A_95, %squeeze3A_235 : f32
    %add3A_579 = arith.addf %add3A_577, %mul3A_578 : f32
    %mul3A_580 = arith.constant 5.000000e-03 : f32
    %mul3A_581 = arith.mulf %add3A_579, %mul3A_580 : f32
    %mul3A_582 = arith.mulf %squeeze3A_81, %squeeze3A_181 : f32
    %add3A_583 = arith.constant 0.000000e+00 : f32
    %add3A_584 = arith.addf %add3A_583, %mul3A_582 : f32
    %mul3A_585 = arith.mulf %squeeze3A_83, %squeeze3A_189 : f32
    %add3A_586 = arith.addf %add3A_584, %mul3A_585 : f32
    %mul3A_587 = arith.mulf %squeeze3A_85, %squeeze3A_197 : f32
    %add3A_588 = arith.addf %add3A_586, %mul3A_587 : f32
    %mul3A_589 = arith.mulf %squeeze3A_87, %squeeze3A_205 : f32
    %add3A_590 = arith.addf %add3A_588, %mul3A_589 : f32
    %mul3A_591 = arith.mulf %squeeze3A_89, %squeeze3A_213 : f32
    %add3A_592 = arith.addf %add3A_590, %mul3A_591 : f32
    %mul3A_593 = arith.mulf %squeeze3A_91, %squeeze3A_221 : f32
    %add3A_594 = arith.addf %add3A_592, %mul3A_593 : f32
    %mul3A_595 = arith.mulf %squeeze3A_93, %squeeze3A_229 : f32
    %add3A_596 = arith.addf %add3A_594, %mul3A_595 : f32
    %mul3A_597 = arith.mulf %squeeze3A_95, %squeeze3A_237 : f32
    %add3A_598 = arith.addf %add3A_596, %mul3A_597 : f32
    %mul3A_599 = arith.constant 5.000000e-03 : f32
    %mul3A_600 = arith.mulf %add3A_598, %mul3A_599 : f32
    %mul3A_601 = arith.mulf %squeeze3A_81, %squeeze3A_183 : f32
    %add3A_602 = arith.constant 0.000000e+00 : f32
    %add3A_603 = arith.addf %add3A_602, %mul3A_601 : f32
    %mul3A_604 = arith.mulf %squeeze3A_83, %squeeze3A_191 : f32
    %add3A_605 = arith.addf %add3A_603, %mul3A_604 : f32
    %mul3A_606 = arith.mulf %squeeze3A_85, %squeeze3A_199 : f32
    %add3A_607 = arith.addf %add3A_605, %mul3A_606 : f32
    %mul3A_608 = arith.mulf %squeeze3A_87, %squeeze3A_207 : f32
    %add3A_609 = arith.addf %add3A_607, %mul3A_608 : f32
    %mul3A_610 = arith.mulf %squeeze3A_89, %squeeze3A_215 : f32
    %add3A_611 = arith.addf %add3A_609, %mul3A_610 : f32
    %mul3A_612 = arith.mulf %squeeze3A_91, %squeeze3A_223 : f32
    %add3A_613 = arith.addf %add3A_611, %mul3A_612 : f32
    %mul3A_614 = arith.mulf %squeeze3A_93, %squeeze3A_231 : f32
    %add3A_615 = arith.addf %add3A_613, %mul3A_614 : f32
    %mul3A_616 = arith.mulf %squeeze3A_95, %squeeze3A_239 : f32
    %add3A_617 = arith.addf %add3A_615, %mul3A_616 : f32
    %mul3A_618 = arith.constant 5.000000e-03 : f32
    %mul3A_619 = arith.mulf %add3A_617, %mul3A_618 : f32
    %mul3A_620 = arith.mulf %squeeze3A_97, %squeeze3A_177 : f32
    %add3A_621 = arith.constant 0.000000e+00 : f32
    %add3A_622 = arith.addf %add3A_621, %mul3A_620 : f32
    %mul3A_623 = arith.mulf %squeeze3A_99, %squeeze3A_185 : f32
    %add3A_624 = arith.addf %add3A_622, %mul3A_623 : f32
    %mul3A_625 = arith.mulf %squeeze3A_101, %squeeze3A_193 : f32
    %add3A_626 = arith.addf %add3A_624, %mul3A_625 : f32
    %mul3A_627 = arith.mulf %squeeze3A_103, %squeeze3A_201 : f32
    %add3A_628 = arith.addf %add3A_626, %mul3A_627 : f32
    %mul3A_629 = arith.mulf %squeeze3A_105, %squeeze3A_209 : f32
    %add3A_630 = arith.addf %add3A_628, %mul3A_629 : f32
    %mul3A_631 = arith.mulf %squeeze3A_107, %squeeze3A_217 : f32
    %add3A_632 = arith.addf %add3A_630, %mul3A_631 : f32
    %mul3A_633 = arith.mulf %squeeze3A_109, %squeeze3A_225 : f32
    %add3A_634 = arith.addf %add3A_632, %mul3A_633 : f32
    %mul3A_635 = arith.mulf %squeeze3A_111, %squeeze3A_233 : f32
    %add3A_636 = arith.addf %add3A_634, %mul3A_635 : f32
    %mul3A_637 = arith.constant 5.000000e-03 : f32
    %mul3A_638 = arith.mulf %add3A_636, %mul3A_637 : f32
    %mul3A_639 = arith.mulf %squeeze3A_97, %squeeze3A_179 : f32
    %add3A_640 = arith.constant 0.000000e+00 : f32
    %add3A_641 = arith.addf %add3A_640, %mul3A_639 : f32
    %mul3A_642 = arith.mulf %squeeze3A_99, %squeeze3A_187 : f32
    %add3A_643 = arith.addf %add3A_641, %mul3A_642 : f32
    %mul3A_644 = arith.mulf %squeeze3A_101, %squeeze3A_195 : f32
    %add3A_645 = arith.addf %add3A_643, %mul3A_644 : f32
    %mul3A_646 = arith.mulf %squeeze3A_103, %squeeze3A_203 : f32
    %add3A_647 = arith.addf %add3A_645, %mul3A_646 : f32
    %mul3A_648 = arith.mulf %squeeze3A_105, %squeeze3A_211 : f32
    %add3A_649 = arith.addf %add3A_647, %mul3A_648 : f32
    %mul3A_650 = arith.mulf %squeeze3A_107, %squeeze3A_219 : f32
    %add3A_651 = arith.addf %add3A_649, %mul3A_650 : f32
    %mul3A_652 = arith.mulf %squeeze3A_109, %squeeze3A_227 : f32
    %add3A_653 = arith.addf %add3A_651, %mul3A_652 : f32
    %mul3A_654 = arith.mulf %squeeze3A_111, %squeeze3A_235 : f32
    %add3A_655 = arith.addf %add3A_653, %mul3A_654 : f32
    %mul3A_656 = arith.constant 5.000000e-03 : f32
    %mul3A_657 = arith.mulf %add3A_655, %mul3A_656 : f32
    %mul3A_658 = arith.mulf %squeeze3A_97, %squeeze3A_181 : f32
    %add3A_659 = arith.constant 0.000000e+00 : f32
    %add3A_660 = arith.addf %add3A_659, %mul3A_658 : f32
    %mul3A_661 = arith.mulf %squeeze3A_99, %squeeze3A_189 : f32
    %add3A_662 = arith.addf %add3A_660, %mul3A_661 : f32
    %mul3A_663 = arith.mulf %squeeze3A_101, %squeeze3A_197 : f32
    %add3A_664 = arith.addf %add3A_662, %mul3A_663 : f32
    %mul3A_665 = arith.mulf %squeeze3A_103, %squeeze3A_205 : f32
    %add3A_666 = arith.addf %add3A_664, %mul3A_665 : f32
    %mul3A_667 = arith.mulf %squeeze3A_105, %squeeze3A_213 : f32
    %add3A_668 = arith.addf %add3A_666, %mul3A_667 : f32
    %mul3A_669 = arith.mulf %squeeze3A_107, %squeeze3A_221 : f32
    %add3A_670 = arith.addf %add3A_668, %mul3A_669 : f32
    %mul3A_671 = arith.mulf %squeeze3A_109, %squeeze3A_229 : f32
    %add3A_672 = arith.addf %add3A_670, %mul3A_671 : f32
    %mul3A_673 = arith.mulf %squeeze3A_111, %squeeze3A_237 : f32
    %add3A_674 = arith.addf %add3A_672, %mul3A_673 : f32
    %mul3A_675 = arith.constant 5.000000e-03 : f32
    %mul3A_676 = arith.mulf %add3A_674, %mul3A_675 : f32
    %mul3A_677 = arith.mulf %squeeze3A_97, %squeeze3A_183 : f32
    %add3A_678 = arith.constant 0.000000e+00 : f32
    %add3A_679 = arith.addf %add3A_678, %mul3A_677 : f32
    %mul3A_680 = arith.mulf %squeeze3A_99, %squeeze3A_191 : f32
    %add3A_681 = arith.addf %add3A_679, %mul3A_680 : f32
    %mul3A_682 = arith.mulf %squeeze3A_101, %squeeze3A_199 : f32
    %add3A_683 = arith.addf %add3A_681, %mul3A_682 : f32
    %mul3A_684 = arith.mulf %squeeze3A_103, %squeeze3A_207 : f32
    %add3A_685 = arith.addf %add3A_683, %mul3A_684 : f32
    %mul3A_686 = arith.mulf %squeeze3A_105, %squeeze3A_215 : f32
    %add3A_687 = arith.addf %add3A_685, %mul3A_686 : f32
    %mul3A_688 = arith.mulf %squeeze3A_107, %squeeze3A_223 : f32
    %add3A_689 = arith.addf %add3A_687, %mul3A_688 : f32
    %mul3A_690 = arith.mulf %squeeze3A_109, %squeeze3A_231 : f32
    %add3A_691 = arith.addf %add3A_689, %mul3A_690 : f32
    %mul3A_692 = arith.mulf %squeeze3A_111, %squeeze3A_239 : f32
    %add3A_693 = arith.addf %add3A_691, %mul3A_692 : f32
    %mul3A_694 = arith.constant 5.000000e-03 : f32
    %mul3A_695 = arith.mulf %add3A_693, %mul3A_694 : f32
    %mul3A_696 = arith.mulf %squeeze3A_113, %squeeze3A_177 : f32
    %add3A_697 = arith.constant 0.000000e+00 : f32
    %add3A_698 = arith.addf %add3A_697, %mul3A_696 : f32
    %mul3A_699 = arith.mulf %squeeze3A_115, %squeeze3A_185 : f32
    %add3A_700 = arith.addf %add3A_698, %mul3A_699 : f32
    %mul3A_701 = arith.mulf %squeeze3A_117, %squeeze3A_193 : f32
    %add3A_702 = arith.addf %add3A_700, %mul3A_701 : f32
    %mul3A_703 = arith.mulf %squeeze3A_119, %squeeze3A_201 : f32
    %add3A_704 = arith.addf %add3A_702, %mul3A_703 : f32
    %mul3A_705 = arith.mulf %squeeze3A_121, %squeeze3A_209 : f32
    %add3A_706 = arith.addf %add3A_704, %mul3A_705 : f32
    %mul3A_707 = arith.mulf %squeeze3A_123, %squeeze3A_217 : f32
    %add3A_708 = arith.addf %add3A_706, %mul3A_707 : f32
    %mul3A_709 = arith.mulf %squeeze3A_125, %squeeze3A_225 : f32
    %add3A_710 = arith.addf %add3A_708, %mul3A_709 : f32
    %mul3A_711 = arith.mulf %squeeze3A_127, %squeeze3A_233 : f32
    %add3A_712 = arith.addf %add3A_710, %mul3A_711 : f32
    %mul3A_713 = arith.constant 5.000000e-03 : f32
    %mul3A_714 = arith.mulf %add3A_712, %mul3A_713 : f32
    %mul3A_715 = arith.mulf %squeeze3A_113, %squeeze3A_179 : f32
    %add3A_716 = arith.constant 0.000000e+00 : f32
    %add3A_717 = arith.addf %add3A_716, %mul3A_715 : f32
    %mul3A_718 = arith.mulf %squeeze3A_115, %squeeze3A_187 : f32
    %add3A_719 = arith.addf %add3A_717, %mul3A_718 : f32
    %mul3A_720 = arith.mulf %squeeze3A_117, %squeeze3A_195 : f32
    %add3A_721 = arith.addf %add3A_719, %mul3A_720 : f32
    %mul3A_722 = arith.mulf %squeeze3A_119, %squeeze3A_203 : f32
    %add3A_723 = arith.addf %add3A_721, %mul3A_722 : f32
    %mul3A_724 = arith.mulf %squeeze3A_121, %squeeze3A_211 : f32
    %add3A_725 = arith.addf %add3A_723, %mul3A_724 : f32
    %mul3A_726 = arith.mulf %squeeze3A_123, %squeeze3A_219 : f32
    %add3A_727 = arith.addf %add3A_725, %mul3A_726 : f32
    %mul3A_728 = arith.mulf %squeeze3A_125, %squeeze3A_227 : f32
    %add3A_729 = arith.addf %add3A_727, %mul3A_728 : f32
    %mul3A_730 = arith.mulf %squeeze3A_127, %squeeze3A_235 : f32
    %add3A_731 = arith.addf %add3A_729, %mul3A_730 : f32
    %mul3A_732 = arith.constant 5.000000e-03 : f32
    %mul3A_733 = arith.mulf %add3A_731, %mul3A_732 : f32
    %mul3A_734 = arith.mulf %squeeze3A_113, %squeeze3A_181 : f32
    %add3A_735 = arith.constant 0.000000e+00 : f32
    %add3A_736 = arith.addf %add3A_735, %mul3A_734 : f32
    %mul3A_737 = arith.mulf %squeeze3A_115, %squeeze3A_189 : f32
    %add3A_738 = arith.addf %add3A_736, %mul3A_737 : f32
    %mul3A_739 = arith.mulf %squeeze3A_117, %squeeze3A_197 : f32
    %add3A_740 = arith.addf %add3A_738, %mul3A_739 : f32
    %mul3A_741 = arith.mulf %squeeze3A_119, %squeeze3A_205 : f32
    %add3A_742 = arith.addf %add3A_740, %mul3A_741 : f32
    %mul3A_743 = arith.mulf %squeeze3A_121, %squeeze3A_213 : f32
    %add3A_744 = arith.addf %add3A_742, %mul3A_743 : f32
    %mul3A_745 = arith.mulf %squeeze3A_123, %squeeze3A_221 : f32
    %add3A_746 = arith.addf %add3A_744, %mul3A_745 : f32
    %mul3A_747 = arith.mulf %squeeze3A_125, %squeeze3A_229 : f32
    %add3A_748 = arith.addf %add3A_746, %mul3A_747 : f32
    %mul3A_749 = arith.mulf %squeeze3A_127, %squeeze3A_237 : f32
    %add3A_750 = arith.addf %add3A_748, %mul3A_749 : f32
    %mul3A_751 = arith.constant 5.000000e-03 : f32
    %mul3A_752 = arith.mulf %add3A_750, %mul3A_751 : f32
    %mul3A_753 = arith.mulf %squeeze3A_113, %squeeze3A_183 : f32
    %add3A_754 = arith.constant 0.000000e+00 : f32
    %add3A_755 = arith.addf %add3A_754, %mul3A_753 : f32
    %mul3A_756 = arith.mulf %squeeze3A_115, %squeeze3A_191 : f32
    %add3A_757 = arith.addf %add3A_755, %mul3A_756 : f32
    %mul3A_758 = arith.mulf %squeeze3A_117, %squeeze3A_199 : f32
    %add3A_759 = arith.addf %add3A_757, %mul3A_758 : f32
    %mul3A_760 = arith.mulf %squeeze3A_119, %squeeze3A_207 : f32
    %add3A_761 = arith.addf %add3A_759, %mul3A_760 : f32
    %mul3A_762 = arith.mulf %squeeze3A_121, %squeeze3A_215 : f32
    %add3A_763 = arith.addf %add3A_761, %mul3A_762 : f32
    %mul3A_764 = arith.mulf %squeeze3A_123, %squeeze3A_223 : f32
    %add3A_765 = arith.addf %add3A_763, %mul3A_764 : f32
    %mul3A_766 = arith.mulf %squeeze3A_125, %squeeze3A_231 : f32
    %add3A_767 = arith.addf %add3A_765, %mul3A_766 : f32
    %mul3A_768 = arith.mulf %squeeze3A_127, %squeeze3A_239 : f32
    %add3A_769 = arith.addf %add3A_767, %mul3A_768 : f32
    %mul3A_770 = arith.constant 5.000000e-03 : f32
    %mul3A_771 = arith.mulf %add3A_769, %mul3A_770 : f32
    %mul3A_772 = arith.mulf %squeeze3A_129, %squeeze3A_177 : f32
    %add3A_773 = arith.constant 0.000000e+00 : f32
    %add3A_774 = arith.addf %add3A_773, %mul3A_772 : f32
    %mul3A_775 = arith.mulf %squeeze3A_131, %squeeze3A_185 : f32
    %add3A_776 = arith.addf %add3A_774, %mul3A_775 : f32
    %mul3A_777 = arith.mulf %squeeze3A_133, %squeeze3A_193 : f32
    %add3A_778 = arith.addf %add3A_776, %mul3A_777 : f32
    %mul3A_779 = arith.mulf %squeeze3A_135, %squeeze3A_201 : f32
    %add3A_780 = arith.addf %add3A_778, %mul3A_779 : f32
    %mul3A_781 = arith.mulf %squeeze3A_137, %squeeze3A_209 : f32
    %add3A_782 = arith.addf %add3A_780, %mul3A_781 : f32
    %mul3A_783 = arith.mulf %squeeze3A_139, %squeeze3A_217 : f32
    %add3A_784 = arith.addf %add3A_782, %mul3A_783 : f32
    %mul3A_785 = arith.mulf %squeeze3A_141, %squeeze3A_225 : f32
    %add3A_786 = arith.addf %add3A_784, %mul3A_785 : f32
    %mul3A_787 = arith.mulf %squeeze3A_143, %squeeze3A_233 : f32
    %add3A_788 = arith.addf %add3A_786, %mul3A_787 : f32
    %mul3A_789 = arith.constant 5.000000e-03 : f32
    %mul3A_790 = arith.mulf %add3A_788, %mul3A_789 : f32
    %mul3A_791 = arith.mulf %squeeze3A_129, %squeeze3A_179 : f32
    %add3A_792 = arith.constant 0.000000e+00 : f32
    %add3A_793 = arith.addf %add3A_792, %mul3A_791 : f32
    %mul3A_794 = arith.mulf %squeeze3A_131, %squeeze3A_187 : f32
    %add3A_795 = arith.addf %add3A_793, %mul3A_794 : f32
    %mul3A_796 = arith.mulf %squeeze3A_133, %squeeze3A_195 : f32
    %add3A_797 = arith.addf %add3A_795, %mul3A_796 : f32
    %mul3A_798 = arith.mulf %squeeze3A_135, %squeeze3A_203 : f32
    %add3A_799 = arith.addf %add3A_797, %mul3A_798 : f32
    %mul3A_800 = arith.mulf %squeeze3A_137, %squeeze3A_211 : f32
    %add3A_801 = arith.addf %add3A_799, %mul3A_800 : f32
    %mul3A_802 = arith.mulf %squeeze3A_139, %squeeze3A_219 : f32
    %add3A_803 = arith.addf %add3A_801, %mul3A_802 : f32
    %mul3A_804 = arith.mulf %squeeze3A_141, %squeeze3A_227 : f32
    %add3A_805 = arith.addf %add3A_803, %mul3A_804 : f32
    %mul3A_806 = arith.mulf %squeeze3A_143, %squeeze3A_235 : f32
    %add3A_807 = arith.addf %add3A_805, %mul3A_806 : f32
    %mul3A_808 = arith.constant 5.000000e-03 : f32
    %mul3A_809 = arith.mulf %add3A_807, %mul3A_808 : f32
    %mul3A_810 = arith.mulf %squeeze3A_129, %squeeze3A_181 : f32
    %add3A_811 = arith.constant 0.000000e+00 : f32
    %add3A_812 = arith.addf %add3A_811, %mul3A_810 : f32
    %mul3A_813 = arith.mulf %squeeze3A_131, %squeeze3A_189 : f32
    %add3A_814 = arith.addf %add3A_812, %mul3A_813 : f32
    %mul3A_815 = arith.mulf %squeeze3A_133, %squeeze3A_197 : f32
    %add3A_816 = arith.addf %add3A_814, %mul3A_815 : f32
    %mul3A_817 = arith.mulf %squeeze3A_135, %squeeze3A_205 : f32
    %add3A_818 = arith.addf %add3A_816, %mul3A_817 : f32
    %mul3A_819 = arith.mulf %squeeze3A_137, %squeeze3A_213 : f32
    %add3A_820 = arith.addf %add3A_818, %mul3A_819 : f32
    %mul3A_821 = arith.mulf %squeeze3A_139, %squeeze3A_221 : f32
    %add3A_822 = arith.addf %add3A_820, %mul3A_821 : f32
    %mul3A_823 = arith.mulf %squeeze3A_141, %squeeze3A_229 : f32
    %add3A_824 = arith.addf %add3A_822, %mul3A_823 : f32
    %mul3A_825 = arith.mulf %squeeze3A_143, %squeeze3A_237 : f32
    %add3A_826 = arith.addf %add3A_824, %mul3A_825 : f32
    %mul3A_827 = arith.constant 5.000000e-03 : f32
    %mul3A_828 = arith.mulf %add3A_826, %mul3A_827 : f32
    %mul3A_829 = arith.mulf %squeeze3A_129, %squeeze3A_183 : f32
    %add3A_830 = arith.constant 0.000000e+00 : f32
    %add3A_831 = arith.addf %add3A_830, %mul3A_829 : f32
    %mul3A_832 = arith.mulf %squeeze3A_131, %squeeze3A_191 : f32
    %add3A_833 = arith.addf %add3A_831, %mul3A_832 : f32
    %mul3A_834 = arith.mulf %squeeze3A_133, %squeeze3A_199 : f32
    %add3A_835 = arith.addf %add3A_833, %mul3A_834 : f32
    %mul3A_836 = arith.mulf %squeeze3A_135, %squeeze3A_207 : f32
    %add3A_837 = arith.addf %add3A_835, %mul3A_836 : f32
    %mul3A_838 = arith.mulf %squeeze3A_137, %squeeze3A_215 : f32
    %add3A_839 = arith.addf %add3A_837, %mul3A_838 : f32
    %mul3A_840 = arith.mulf %squeeze3A_139, %squeeze3A_223 : f32
    %add3A_841 = arith.addf %add3A_839, %mul3A_840 : f32
    %mul3A_842 = arith.mulf %squeeze3A_141, %squeeze3A_231 : f32
    %add3A_843 = arith.addf %add3A_841, %mul3A_842 : f32
    %mul3A_844 = arith.mulf %squeeze3A_143, %squeeze3A_239 : f32
    %add3A_845 = arith.addf %add3A_843, %mul3A_844 : f32
    %mul3A_846 = arith.constant 5.000000e-03 : f32
    %mul3A_847 = arith.mulf %add3A_845, %mul3A_846 : f32
    %mul3A_848 = arith.mulf %squeeze3A_145, %squeeze3A_177 : f32
    %add3A_849 = arith.constant 0.000000e+00 : f32
    %add3A_850 = arith.addf %add3A_849, %mul3A_848 : f32
    %mul3A_851 = arith.mulf %squeeze3A_147, %squeeze3A_185 : f32
    %add3A_852 = arith.addf %add3A_850, %mul3A_851 : f32
    %mul3A_853 = arith.mulf %squeeze3A_149, %squeeze3A_193 : f32
    %add3A_854 = arith.addf %add3A_852, %mul3A_853 : f32
    %mul3A_855 = arith.mulf %squeeze3A_151, %squeeze3A_201 : f32
    %add3A_856 = arith.addf %add3A_854, %mul3A_855 : f32
    %mul3A_857 = arith.mulf %squeeze3A_153, %squeeze3A_209 : f32
    %add3A_858 = arith.addf %add3A_856, %mul3A_857 : f32
    %mul3A_859 = arith.mulf %squeeze3A_155, %squeeze3A_217 : f32
    %add3A_860 = arith.addf %add3A_858, %mul3A_859 : f32
    %mul3A_861 = arith.mulf %squeeze3A_157, %squeeze3A_225 : f32
    %add3A_862 = arith.addf %add3A_860, %mul3A_861 : f32
    %mul3A_863 = arith.mulf %squeeze3A_159, %squeeze3A_233 : f32
    %add3A_864 = arith.addf %add3A_862, %mul3A_863 : f32
    %mul3A_865 = arith.constant 5.000000e-03 : f32
    %mul3A_866 = arith.mulf %add3A_864, %mul3A_865 : f32
    %mul3A_867 = arith.mulf %squeeze3A_145, %squeeze3A_179 : f32
    %add3A_868 = arith.constant 0.000000e+00 : f32
    %add3A_869 = arith.addf %add3A_868, %mul3A_867 : f32
    %mul3A_870 = arith.mulf %squeeze3A_147, %squeeze3A_187 : f32
    %add3A_871 = arith.addf %add3A_869, %mul3A_870 : f32
    %mul3A_872 = arith.mulf %squeeze3A_149, %squeeze3A_195 : f32
    %add3A_873 = arith.addf %add3A_871, %mul3A_872 : f32
    %mul3A_874 = arith.mulf %squeeze3A_151, %squeeze3A_203 : f32
    %add3A_875 = arith.addf %add3A_873, %mul3A_874 : f32
    %mul3A_876 = arith.mulf %squeeze3A_153, %squeeze3A_211 : f32
    %add3A_877 = arith.addf %add3A_875, %mul3A_876 : f32
    %mul3A_878 = arith.mulf %squeeze3A_155, %squeeze3A_219 : f32
    %add3A_879 = arith.addf %add3A_877, %mul3A_878 : f32
    %mul3A_880 = arith.mulf %squeeze3A_157, %squeeze3A_227 : f32
    %add3A_881 = arith.addf %add3A_879, %mul3A_880 : f32
    %mul3A_882 = arith.mulf %squeeze3A_159, %squeeze3A_235 : f32
    %add3A_883 = arith.addf %add3A_881, %mul3A_882 : f32
    %mul3A_884 = arith.constant 5.000000e-03 : f32
    %mul3A_885 = arith.mulf %add3A_883, %mul3A_884 : f32
    %mul3A_886 = arith.mulf %squeeze3A_145, %squeeze3A_181 : f32
    %add3A_887 = arith.constant 0.000000e+00 : f32
    %add3A_888 = arith.addf %add3A_887, %mul3A_886 : f32
    %mul3A_889 = arith.mulf %squeeze3A_147, %squeeze3A_189 : f32
    %add3A_890 = arith.addf %add3A_888, %mul3A_889 : f32
    %mul3A_891 = arith.mulf %squeeze3A_149, %squeeze3A_197 : f32
    %add3A_892 = arith.addf %add3A_890, %mul3A_891 : f32
    %mul3A_893 = arith.mulf %squeeze3A_151, %squeeze3A_205 : f32
    %add3A_894 = arith.addf %add3A_892, %mul3A_893 : f32
    %mul3A_895 = arith.mulf %squeeze3A_153, %squeeze3A_213 : f32
    %add3A_896 = arith.addf %add3A_894, %mul3A_895 : f32
    %mul3A_897 = arith.mulf %squeeze3A_155, %squeeze3A_221 : f32
    %add3A_898 = arith.addf %add3A_896, %mul3A_897 : f32
    %mul3A_899 = arith.mulf %squeeze3A_157, %squeeze3A_229 : f32
    %add3A_900 = arith.addf %add3A_898, %mul3A_899 : f32
    %mul3A_901 = arith.mulf %squeeze3A_159, %squeeze3A_237 : f32
    %add3A_902 = arith.addf %add3A_900, %mul3A_901 : f32
    %mul3A_903 = arith.constant 5.000000e-03 : f32
    %mul3A_904 = arith.mulf %add3A_902, %mul3A_903 : f32
    %mul3A_905 = arith.mulf %squeeze3A_145, %squeeze3A_183 : f32
    %add3A_906 = arith.constant 0.000000e+00 : f32
    %add3A_907 = arith.addf %add3A_906, %mul3A_905 : f32
    %mul3A_908 = arith.mulf %squeeze3A_147, %squeeze3A_191 : f32
    %add3A_909 = arith.addf %add3A_907, %mul3A_908 : f32
    %mul3A_910 = arith.mulf %squeeze3A_149, %squeeze3A_199 : f32
    %add3A_911 = arith.addf %add3A_909, %mul3A_910 : f32
    %mul3A_912 = arith.mulf %squeeze3A_151, %squeeze3A_207 : f32
    %add3A_913 = arith.addf %add3A_911, %mul3A_912 : f32
    %mul3A_914 = arith.mulf %squeeze3A_153, %squeeze3A_215 : f32
    %add3A_915 = arith.addf %add3A_913, %mul3A_914 : f32
    %mul3A_916 = arith.mulf %squeeze3A_155, %squeeze3A_223 : f32
    %add3A_917 = arith.addf %add3A_915, %mul3A_916 : f32
    %mul3A_918 = arith.mulf %squeeze3A_157, %squeeze3A_231 : f32
    %add3A_919 = arith.addf %add3A_917, %mul3A_918 : f32
    %mul3A_920 = arith.mulf %squeeze3A_159, %squeeze3A_239 : f32
    %add3A_921 = arith.addf %add3A_919, %mul3A_920 : f32
    %mul3A_922 = arith.constant 5.000000e-03 : f32
    %mul3A_923 = arith.mulf %add3A_921, %mul3A_922 : f32
    %mul3A_924 = arith.mulf %squeeze3A_161, %squeeze3A_177 : f32
    %add3A_925 = arith.constant 0.000000e+00 : f32
    %add3A_926 = arith.addf %add3A_925, %mul3A_924 : f32
    %mul3A_927 = arith.mulf %squeeze3A_163, %squeeze3A_185 : f32
    %add3A_928 = arith.addf %add3A_926, %mul3A_927 : f32
    %mul3A_929 = arith.mulf %squeeze3A_165, %squeeze3A_193 : f32
    %add3A_930 = arith.addf %add3A_928, %mul3A_929 : f32
    %mul3A_931 = arith.mulf %squeeze3A_167, %squeeze3A_201 : f32
    %add3A_932 = arith.addf %add3A_930, %mul3A_931 : f32
    %mul3A_933 = arith.mulf %squeeze3A_169, %squeeze3A_209 : f32
    %add3A_934 = arith.addf %add3A_932, %mul3A_933 : f32
    %mul3A_935 = arith.mulf %squeeze3A_171, %squeeze3A_217 : f32
    %add3A_936 = arith.addf %add3A_934, %mul3A_935 : f32
    %mul3A_937 = arith.mulf %squeeze3A_173, %squeeze3A_225 : f32
    %add3A_938 = arith.addf %add3A_936, %mul3A_937 : f32
    %mul3A_939 = arith.mulf %squeeze3A_175, %squeeze3A_233 : f32
    %add3A_940 = arith.addf %add3A_938, %mul3A_939 : f32
    %mul3A_941 = arith.constant 5.000000e-03 : f32
    %mul3A_942 = arith.mulf %add3A_940, %mul3A_941 : f32
    %mul3A_943 = arith.mulf %squeeze3A_161, %squeeze3A_179 : f32
    %add3A_944 = arith.constant 0.000000e+00 : f32
    %add3A_945 = arith.addf %add3A_944, %mul3A_943 : f32
    %mul3A_946 = arith.mulf %squeeze3A_163, %squeeze3A_187 : f32
    %add3A_947 = arith.addf %add3A_945, %mul3A_946 : f32
    %mul3A_948 = arith.mulf %squeeze3A_165, %squeeze3A_195 : f32
    %add3A_949 = arith.addf %add3A_947, %mul3A_948 : f32
    %mul3A_950 = arith.mulf %squeeze3A_167, %squeeze3A_203 : f32
    %add3A_951 = arith.addf %add3A_949, %mul3A_950 : f32
    %mul3A_952 = arith.mulf %squeeze3A_169, %squeeze3A_211 : f32
    %add3A_953 = arith.addf %add3A_951, %mul3A_952 : f32
    %mul3A_954 = arith.mulf %squeeze3A_171, %squeeze3A_219 : f32
    %add3A_955 = arith.addf %add3A_953, %mul3A_954 : f32
    %mul3A_956 = arith.mulf %squeeze3A_173, %squeeze3A_227 : f32
    %add3A_957 = arith.addf %add3A_955, %mul3A_956 : f32
    %mul3A_958 = arith.mulf %squeeze3A_175, %squeeze3A_235 : f32
    %add3A_959 = arith.addf %add3A_957, %mul3A_958 : f32
    %mul3A_960 = arith.constant 5.000000e-03 : f32
    %mul3A_961 = arith.mulf %add3A_959, %mul3A_960 : f32
    %mul3A_962 = arith.mulf %squeeze3A_161, %squeeze3A_181 : f32
    %add3A_963 = arith.constant 0.000000e+00 : f32
    %add3A_964 = arith.addf %add3A_963, %mul3A_962 : f32
    %mul3A_965 = arith.mulf %squeeze3A_163, %squeeze3A_189 : f32
    %add3A_966 = arith.addf %add3A_964, %mul3A_965 : f32
    %mul3A_967 = arith.mulf %squeeze3A_165, %squeeze3A_197 : f32
    %add3A_968 = arith.addf %add3A_966, %mul3A_967 : f32
    %mul3A_969 = arith.mulf %squeeze3A_167, %squeeze3A_205 : f32
    %add3A_970 = arith.addf %add3A_968, %mul3A_969 : f32
    %mul3A_971 = arith.mulf %squeeze3A_169, %squeeze3A_213 : f32
    %add3A_972 = arith.addf %add3A_970, %mul3A_971 : f32
    %mul3A_973 = arith.mulf %squeeze3A_171, %squeeze3A_221 : f32
    %add3A_974 = arith.addf %add3A_972, %mul3A_973 : f32
    %mul3A_975 = arith.mulf %squeeze3A_173, %squeeze3A_229 : f32
    %add3A_976 = arith.addf %add3A_974, %mul3A_975 : f32
    %mul3A_977 = arith.mulf %squeeze3A_175, %squeeze3A_237 : f32
    %add3A_978 = arith.addf %add3A_976, %mul3A_977 : f32
    %mul3A_979 = arith.constant 5.000000e-03 : f32
    %mul3A_980 = arith.mulf %add3A_978, %mul3A_979 : f32
    %mul3A_981 = arith.mulf %squeeze3A_161, %squeeze3A_183 : f32
    %add3A_982 = arith.constant 0.000000e+00 : f32
    %add3A_983 = arith.addf %add3A_982, %mul3A_981 : f32
    %mul3A_984 = arith.mulf %squeeze3A_163, %squeeze3A_191 : f32
    %add3A_985 = arith.addf %add3A_983, %mul3A_984 : f32
    %mul3A_986 = arith.mulf %squeeze3A_165, %squeeze3A_199 : f32
    %add3A_987 = arith.addf %add3A_985, %mul3A_986 : f32
    %mul3A_988 = arith.mulf %squeeze3A_167, %squeeze3A_207 : f32
    %add3A_989 = arith.addf %add3A_987, %mul3A_988 : f32
    %mul3A_990 = arith.mulf %squeeze3A_169, %squeeze3A_215 : f32
    %add3A_991 = arith.addf %add3A_989, %mul3A_990 : f32
    %mul3A_992 = arith.mulf %squeeze3A_171, %squeeze3A_223 : f32
    %add3A_993 = arith.addf %add3A_991, %mul3A_992 : f32
    %mul3A_994 = arith.mulf %squeeze3A_173, %squeeze3A_231 : f32
    %add3A_995 = arith.addf %add3A_993, %mul3A_994 : f32
    %mul3A_996 = arith.mulf %squeeze3A_175, %squeeze3A_239 : f32
    %add3A_997 = arith.addf %add3A_995, %mul3A_996 : f32
    %mul3A_998 = arith.constant 5.000000e-03 : f32
    %mul3A_999 = arith.mulf %add3A_997, %mul3A_998 : f32
    %slice3A_1000 = vector.extract_strided_slice %get3A_17 {offsets = [0], sizes = [1], strides = [1]} : vector<16xf32> to vector<1xf32>
    %squeeze3A_1001 = vector.extract %slice3A_1000[0] : f32 from vector<1xf32>
    %slice3A_1002 = vector.extract_strided_slice %get3A_17 {offsets = [1], sizes = [1], strides = [1]} : vector<16xf32> to vector<1xf32>
    %squeeze3A_1003 = vector.extract %slice3A_1002[0] : f32 from vector<1xf32>
    %slice3A_1004 = vector.extract_strided_slice %get3A_17 {offsets = [2], sizes = [1], strides = [1]} : vector<16xf32> to vector<1xf32>
    %squeeze3A_1005 = vector.extract %slice3A_1004[0] : f32 from vector<1xf32>
    %slice3A_1006 = vector.extract_strided_slice %get3A_17 {offsets = [3], sizes = [1], strides = [1]} : vector<16xf32> to vector<1xf32>
    %squeeze3A_1007 = vector.extract %slice3A_1006[0] : f32 from vector<1xf32>
    %slice3A_1008 = vector.extract_strided_slice %get3A_17 {offsets = [4], sizes = [1], strides = [1]} : vector<16xf32> to vector<1xf32>
    %squeeze3A_1009 = vector.extract %slice3A_1008[0] : f32 from vector<1xf32>
    %slice3A_1010 = vector.extract_strided_slice %get3A_17 {offsets = [5], sizes = [1], strides = [1]} : vector<16xf32> to vector<1xf32>
    %squeeze3A_1011 = vector.extract %slice3A_1010[0] : f32 from vector<1xf32>
    %slice3A_1012 = vector.extract_strided_slice %get3A_17 {offsets = [6], sizes = [1], strides = [1]} : vector<16xf32> to vector<1xf32>
    %squeeze3A_1013 = vector.extract %slice3A_1012[0] : f32 from vector<1xf32>
    %slice3A_1014 = vector.extract_strided_slice %get3A_17 {offsets = [7], sizes = [1], strides = [1]} : vector<16xf32> to vector<1xf32>
    %squeeze3A_1015 = vector.extract %slice3A_1014[0] : f32 from vector<1xf32>
    %slice3A_1016 = vector.extract_strided_slice %get3A_17 {offsets = [8], sizes = [1], strides = [1]} : vector<16xf32> to vector<1xf32>
    %squeeze3A_1017 = vector.extract %slice3A_1016[0] : f32 from vector<1xf32>
    %slice3A_1018 = vector.extract_strided_slice %get3A_17 {offsets = [9], sizes = [1], strides = [1]} : vector<16xf32> to vector<1xf32>
    %squeeze3A_1019 = vector.extract %slice3A_1018[0] : f32 from vector<1xf32>
    %slice3A_1020 = vector.extract_strided_slice %get3A_17 {offsets = [10], sizes = [1], strides = [1]} : vector<16xf32> to vector<1xf32>
    %squeeze3A_1021 = vector.extract %slice3A_1020[0] : f32 from vector<1xf32>
    %slice3A_1022 = vector.extract_strided_slice %get3A_17 {offsets = [11], sizes = [1], strides = [1]} : vector<16xf32> to vector<1xf32>
    %squeeze3A_1023 = vector.extract %slice3A_1022[0] : f32 from vector<1xf32>
    %iota3A = tpu.iota {dimensions = array<i32: 0>} : vector<16xi32>
    %broadcast_in_dim3A = arith.constant 1.000000e+00 : f32
    %broadcast_in_dim3A_1024 = vector.broadcast %broadcast_in_dim3A : f32 to vector<16xf32>
    %broadcast_in_dim3A_1025 = arith.constant 0.000000e+00 : f32
    %broadcast_in_dim3A_1026 = vector.broadcast %broadcast_in_dim3A_1025 : f32 to vector<16xf32>
    %add3A_1027 = arith.constant 0 : i32
    %add3A_1028 = vector.broadcast %add3A_1027 : i32 to vector<16xi32>
    %add3A_1029 = arith.addi %iota3A, %add3A_1028 : vector<16xi32>
    %add3A_1030 = arith.constant 160 : i32
    %add3A_1031 = vector.broadcast %add3A_1030 : i32 to vector<16xi32>
    %add3A_1032 = arith.addi %iota3A, %add3A_1031 : vector<16xi32>
    %add3A_1033 = arith.constant 320 : i32
    %add3A_1034 = vector.broadcast %add3A_1033 : i32 to vector<16xi32>
    %add3A_1035 = arith.addi %iota3A, %add3A_1034 : vector<16xi32>
    %add3A_1036 = arith.constant 480 : i32
    %add3A_1037 = vector.broadcast %add3A_1036 : i32 to vector<16xi32>
    %add3A_1038 = arith.addi %iota3A, %add3A_1037 : vector<16xi32>
    %add3A_1039 = arith.constant 0 : i32
    %add3A_1040 = arith.addi %mul3A_2, %add3A_1039 : i32
    %mul3A_1041 = arith.constant 200 : i32
    %mul3A_1042 = arith.muli %add3A_1040, %mul3A_1041 : i32
    %dma_start3A = tpu.memref_slice %arg2[%mul3A_1042] : memref<3276800xi32, #tpu.memory_space<hbm>> -> memref<25600xi32, #tpu.memory_space<hbm>>
    %dma_start3A_1043 = tpu.memref_slice %arg2[%mul3A_1042] : memref<3276800xi32, #tpu.memory_space<hbm>> -> memref<25600xi32, #tpu.memory_space<hbm>>
    tpu.enqueue_dma source(%dma_start3A_1043 : memref<25600xi32, #tpu.memory_space<hbm>>) target(%arg5 : memref<25600xi32, #tpu.memory_space<vmem>>) target_semaphore(%arg10 : memref<!tpu.dma_semaphore, #tpu.memory_space<semaphore_mem>>)
    %add3A_1044 = arith.constant 128 : i32
    %add3A_1045 = arith.addi %mul3A_2, %add3A_1044 : i32
    %mul3A_1046 = arith.constant 200 : i32
    %mul3A_1047 = arith.muli %add3A_1045, %mul3A_1046 : i32
    %dma_start3A_1048 = tpu.memref_slice %arg2[%mul3A_1047] : memref<3276800xi32, #tpu.memory_space<hbm>> -> memref<25600xi32, #tpu.memory_space<hbm>>
    %dma_start3A_1049 = tpu.memref_slice %arg2[%mul3A_1047] : memref<3276800xi32, #tpu.memory_space<hbm>> -> memref<25600xi32, #tpu.memory_space<hbm>>
    tpu.enqueue_dma source(%dma_start3A_1049 : memref<25600xi32, #tpu.memory_space<hbm>>) target(%arg6 : memref<25600xi32, #tpu.memory_space<vmem>>) target_semaphore(%arg11 : memref<!tpu.dma_semaphore, #tpu.memory_space<semaphore_mem>>)
    %dma_wait3A = tpu.memref_slice %arg2[%mul3A_1042] : memref<3276800xi32, #tpu.memory_space<hbm>> -> memref<25600xi32, #tpu.memory_space<hbm>>
    %dma_wait3A_1050 = tpu.memref_slice %arg2[%mul3A_1042] : memref<3276800xi32, #tpu.memory_space<hbm>> -> memref<25600xi32, #tpu.memory_space<hbm>>
    tpu.wait_dma2 semaphore(%arg10 : memref<!tpu.dma_semaphore, #tpu.memory_space<semaphore_mem>>) src(%dma_wait3A_1050 : memref<25600xi32, #tpu.memory_space<hbm>>) dst(%arg5 : memref<25600xi32, #tpu.memory_space<vmem>>)
    %scan3A = arith.constant 0 : i32
    %scan3A_1051 = arith.constant 0 : i32
    %scan3A_1052 = arith.constant 8 : i32
    %scan3A_1053 = arith.addi %scan3A_1051, %scan3A_1052 : i32
    %scan3A_1054 = arith.constant 1 : i32
    scf.for %scan3A_1094 = %scan3A_1051 to %scan3A_1053 step %scan3A_1054  : i32 {
      %swap3A = arith.constant 0 : index
      %swap3A_1095 = tpu.vector_load %arg8[%swap3A] {strides = array<i32>} : memref<640xf32, #tpu.memory_space<vmem>>, vector<16xf32>,
      tpu.vector_store %arg8[%swap3A], %broadcast_in_dim3A_1026 {strides = array<i32>} : memref<640xf32, #tpu.memory_space<vmem>>, vector<16xf32>,
      %swap3A_1096 = arith.constant 16 : index
      %swap3A_1097 = tpu.vector_load %arg8[%swap3A_1096] {strides = array<i32>} : memref<640xf32, #tpu.memory_space<vmem>>, vector<16xf32>,
      tpu.vector_store %arg8[%swap3A_1096], %broadcast_in_dim3A_1026 {strides = array<i32>} : memref<640xf32, #tpu.memory_space<vmem>>, vector<16xf32>,
      %swap3A_1098 = arith.constant 32 : index
      %swap3A_1099 = tpu.vector_load %arg8[%swap3A_1098] {strides = array<i32>} : memref<640xf32, #tpu.memory_space<vmem>>, vector<16xf32>,
      tpu.vector_store %arg8[%swap3A_1098], %broadcast_in_dim3A_1026 {strides = array<i32>} : memref<640xf32, #tpu.memory_space<vmem>>, vector<16xf32>,
      %swap3A_1100 = arith.constant 48 : index
      %swap3A_1101 = tpu.vector_load %arg8[%swap3A_1100] {strides = array<i32>} : memref<640xf32, #tpu.memory_space<vmem>>, vector<16xf32>,
      tpu.vector_store %arg8[%swap3A_1100], %broadcast_in_dim3A_1026 {strides = array<i32>} : memref<640xf32, #tpu.memory_space<vmem>>, vector<16xf32>,
      %swap3A_1102 = arith.constant 64 : index
      %swap3A_1103 = tpu.vector_load %arg8[%swap3A_1102] {strides = array<i32>} : memref<640xf32, #tpu.memory_space<vmem>>, vector<16xf32>,
      tpu.vector_store %arg8[%swap3A_1102], %broadcast_in_dim3A_1026 {strides = array<i32>} : memref<640xf32, #tpu.memory_space<vmem>>, vector<16xf32>,
      %swap3A_1104 = arith.constant 80 : index
      %swap3A_1105 = tpu.vector_load %arg8[%swap3A_1104] {strides = array<i32>} : memref<640xf32, #tpu.memory_space<vmem>>, vector<16xf32>,
      tpu.vector_store %arg8[%swap3A_1104], %broadcast_in_dim3A_1026 {strides = array<i32>} : memref<640xf32, #tpu.memory_space<vmem>>, vector<16xf32>,
      %swap3A_1106 = arith.constant 96 : index
      %swap3A_1107 = tpu.vector_load %arg8[%swap3A_1106] {strides = array<i32>} : memref<640xf32, #tpu.memory_space<vmem>>, vector<16xf32>,
      tpu.vector_store %arg8[%swap3A_1106], %broadcast_in_dim3A_1026 {strides = array<i32>} : memref<640xf32, #tpu.memory_space<vmem>>, vector<16xf32>,
      %swap3A_1108 = arith.constant 112 : index
      %swap3A_1109 = tpu.vector_load %arg8[%swap3A_1108] {strides = array<i32>} : memref<640xf32, #tpu.memory_space<vmem>>, vector<16xf32>,
      tpu.vector_store %arg8[%swap3A_1108], %broadcast_in_dim3A_1026 {strides = array<i32>} : memref<640xf32, #tpu.memory_space<vmem>>, vector<16xf32>,
      %swap3A_1110 = arith.constant 128 : index
      %swap3A_1111 = tpu.vector_load %arg8[%swap3A_1110] {strides = array<i32>} : memref<640xf32, #tpu.memory_space<vmem>>, vector<16xf32>,
      tpu.vector_store %arg8[%swap3A_1110], %broadcast_in_dim3A_1026 {strides = array<i32>} : memref<640xf32, #tpu.memory_space<vmem>>, vector<16xf32>,
      %swap3A_1112 = arith.constant 144 : index
      %swap3A_1113 = tpu.vector_load %arg8[%swap3A_1112] {strides = array<i32>} : memref<640xf32, #tpu.memory_space<vmem>>, vector<16xf32>,
      tpu.vector_store %arg8[%swap3A_1112], %broadcast_in_dim3A_1026 {strides = array<i32>} : memref<640xf32, #tpu.memory_space<vmem>>, vector<16xf32>,
      %swap3A_1114 = arith.constant 160 : index
      %swap3A_1115 = tpu.vector_load %arg8[%swap3A_1114] {strides = array<i32>} : memref<640xf32, #tpu.memory_space<vmem>>, vector<16xf32>,
      tpu.vector_store %arg8[%swap3A_1114], %broadcast_in_dim3A_1026 {strides = array<i32>} : memref<640xf32, #tpu.memory_space<vmem>>, vector<16xf32>,
      %swap3A_1116 = arith.constant 176 : index
      %swap3A_1117 = tpu.vector_load %arg8[%swap3A_1116] {strides = array<i32>} : memref<640xf32, #tpu.memory_space<vmem>>, vector<16xf32>,
      tpu.vector_store %arg8[%swap3A_1116], %broadcast_in_dim3A_1026 {strides = array<i32>} : memref<640xf32, #tpu.memory_space<vmem>>, vector<16xf32>,
      %swap3A_1118 = arith.constant 192 : index
      %swap3A_1119 = tpu.vector_load %arg8[%swap3A_1118] {strides = array<i32>} : memref<640xf32, #tpu.memory_space<vmem>>, vector<16xf32>,
      tpu.vector_store %arg8[%swap3A_1118], %broadcast_in_dim3A_1026 {strides = array<i32>} : memref<640xf32, #tpu.memory_space<vmem>>, vector<16xf32>,
      %swap3A_1120 = arith.constant 208 : index
      %swap3A_1121 = tpu.vector_load %arg8[%swap3A_1120] {strides = array<i32>} : memref<640xf32, #tpu.memory_space<vmem>>, vector<16xf32>,
      tpu.vector_store %arg8[%swap3A_1120], %broadcast_in_dim3A_1026 {strides = array<i32>} : memref<640xf32, #tpu.memory_space<vmem>>, vector<16xf32>,
      %swap3A_1122 = arith.constant 224 : index
      %swap3A_1123 = tpu.vector_load %arg8[%swap3A_1122] {strides = array<i32>} : memref<640xf32, #tpu.memory_space<vmem>>, vector<16xf32>,
      tpu.vector_store %arg8[%swap3A_1122], %broadcast_in_dim3A_1026 {strides = array<i32>} : memref<640xf32, #tpu.memory_space<vmem>>, vector<16xf32>,
      %swap3A_1124 = arith.constant 240 : index
      %swap3A_1125 = tpu.vector_load %arg8[%swap3A_1124] {strides = array<i32>} : memref<640xf32, #tpu.memory_space<vmem>>, vector<16xf32>,
      tpu.vector_store %arg8[%swap3A_1124], %broadcast_in_dim3A_1026 {strides = array<i32>} : memref<640xf32, #tpu.memory_space<vmem>>, vector<16xf32>,
      %swap3A_1126 = arith.constant 256 : index
      %swap3A_1127 = tpu.vector_load %arg8[%swap3A_1126] {strides = array<i32>} : memref<640xf32, #tpu.memory_space<vmem>>, vector<16xf32>,
      tpu.vector_store %arg8[%swap3A_1126], %broadcast_in_dim3A_1026 {strides = array<i32>} : memref<640xf32, #tpu.memory_space<vmem>>, vector<16xf32>,
      %swap3A_1128 = arith.constant 272 : index
      %swap3A_1129 = tpu.vector_load %arg8[%swap3A_1128] {strides = array<i32>} : memref<640xf32, #tpu.memory_space<vmem>>, vector<16xf32>,
      tpu.vector_store %arg8[%swap3A_1128], %broadcast_in_dim3A_1026 {strides = array<i32>} : memref<640xf32, #tpu.memory_space<vmem>>, vector<16xf32>,
      %swap3A_1130 = arith.constant 288 : index
      %swap3A_1131 = tpu.vector_load %arg8[%swap3A_1130] {strides = array<i32>} : memref<640xf32, #tpu.memory_space<vmem>>, vector<16xf32>,
      tpu.vector_store %arg8[%swap3A_1130], %broadcast_in_dim3A_1026 {strides = array<i32>} : memref<640xf32, #tpu.memory_space<vmem>>, vector<16xf32>,
      %swap3A_1132 = arith.constant 304 : index
      %swap3A_1133 = tpu.vector_load %arg8[%swap3A_1132] {strides = array<i32>} : memref<640xf32, #tpu.memory_space<vmem>>, vector<16xf32>,
      tpu.vector_store %arg8[%swap3A_1132], %broadcast_in_dim3A_1026 {strides = array<i32>} : memref<640xf32, #tpu.memory_space<vmem>>, vector<16xf32>,
      %swap3A_1134 = arith.constant 320 : index
      %swap3A_1135 = tpu.vector_load %arg8[%swap3A_1134] {strides = array<i32>} : memref<640xf32, #tpu.memory_space<vmem>>, vector<16xf32>,
      tpu.vector_store %arg8[%swap3A_1134], %broadcast_in_dim3A_1026 {strides = array<i32>} : memref<640xf32, #tpu.memory_space<vmem>>, vector<16xf32>,
      %swap3A_1136 = arith.constant 336 : index
      %swap3A_1137 = tpu.vector_load %arg8[%swap3A_1136] {strides = array<i32>} : memref<640xf32, #tpu.memory_space<vmem>>, vector<16xf32>,
      tpu.vector_store %arg8[%swap3A_1136], %broadcast_in_dim3A_1026 {strides = array<i32>} : memref<640xf32, #tpu.memory_space<vmem>>, vector<16xf32>,
      %swap3A_1138 = arith.constant 352 : index
      %swap3A_1139 = tpu.vector_load %arg8[%swap3A_1138] {strides = array<i32>} : memref<640xf32, #tpu.memory_space<vmem>>, vector<16xf32>,
      tpu.vector_store %arg8[%swap3A_1138], %broadcast_in_dim3A_1026 {strides = array<i32>} : memref<640xf32, #tpu.memory_space<vmem>>, vector<16xf32>,
      %swap3A_1140 = arith.constant 368 : index
      %swap3A_1141 = tpu.vector_load %arg8[%swap3A_1140] {strides = array<i32>} : memref<640xf32, #tpu.memory_space<vmem>>, vector<16xf32>,
      tpu.vector_store %arg8[%swap3A_1140], %broadcast_in_dim3A_1026 {strides = array<i32>} : memref<640xf32, #tpu.memory_space<vmem>>, vector<16xf32>,
      %swap3A_1142 = arith.constant 384 : index
      %swap3A_1143 = tpu.vector_load %arg8[%swap3A_1142] {strides = array<i32>} : memref<640xf32, #tpu.memory_space<vmem>>, vector<16xf32>,
      tpu.vector_store %arg8[%swap3A_1142], %broadcast_in_dim3A_1026 {strides = array<i32>} : memref<640xf32, #tpu.memory_space<vmem>>, vector<16xf32>,
      %swap3A_1144 = arith.constant 400 : index
      %swap3A_1145 = tpu.vector_load %arg8[%swap3A_1144] {strides = array<i32>} : memref<640xf32, #tpu.memory_space<vmem>>, vector<16xf32>,
      tpu.vector_store %arg8[%swap3A_1144], %broadcast_in_dim3A_1026 {strides = array<i32>} : memref<640xf32, #tpu.memory_space<vmem>>, vector<16xf32>,
      %swap3A_1146 = arith.constant 416 : index
      %swap3A_1147 = tpu.vector_load %arg8[%swap3A_1146] {strides = array<i32>} : memref<640xf32, #tpu.memory_space<vmem>>, vector<16xf32>,
      tpu.vector_store %arg8[%swap3A_1146], %broadcast_in_dim3A_1026 {strides = array<i32>} : memref<640xf32, #tpu.memory_space<vmem>>, vector<16xf32>,
      %swap3A_1148 = arith.constant 432 : index
      %swap3A_1149 = tpu.vector_load %arg8[%swap3A_1148] {strides = array<i32>} : memref<640xf32, #tpu.memory_space<vmem>>, vector<16xf32>,
      tpu.vector_store %arg8[%swap3A_1148], %broadcast_in_dim3A_1026 {strides = array<i32>} : memref<640xf32, #tpu.memory_space<vmem>>, vector<16xf32>,
      %swap3A_1150 = arith.constant 448 : index
      %swap3A_1151 = tpu.vector_load %arg8[%swap3A_1150] {strides = array<i32>} : memref<640xf32, #tpu.memory_space<vmem>>, vector<16xf32>,
      tpu.vector_store %arg8[%swap3A_1150], %broadcast_in_dim3A_1026 {strides = array<i32>} : memref<640xf32, #tpu.memory_space<vmem>>, vector<16xf32>,
      %swap3A_1152 = arith.constant 464 : index
      %swap3A_1153 = tpu.vector_load %arg8[%swap3A_1152] {strides = array<i32>} : memref<640xf32, #tpu.memory_space<vmem>>, vector<16xf32>,
      tpu.vector_store %arg8[%swap3A_1152], %broadcast_in_dim3A_1026 {strides = array<i32>} : memref<640xf32, #tpu.memory_space<vmem>>, vector<16xf32>,
      %swap3A_1154 = arith.constant 480 : index
      %swap3A_1155 = tpu.vector_load %arg8[%swap3A_1154] {strides = array<i32>} : memref<640xf32, #tpu.memory_space<vmem>>, vector<16xf32>,
      tpu.vector_store %arg8[%swap3A_1154], %broadcast_in_dim3A_1026 {strides = array<i32>} : memref<640xf32, #tpu.memory_space<vmem>>, vector<16xf32>,
      %swap3A_1156 = arith.constant 496 : index
      %swap3A_1157 = tpu.vector_load %arg8[%swap3A_1156] {strides = array<i32>} : memref<640xf32, #tpu.memory_space<vmem>>, vector<16xf32>,
      tpu.vector_store %arg8[%swap3A_1156], %broadcast_in_dim3A_1026 {strides = array<i32>} : memref<640xf32, #tpu.memory_space<vmem>>, vector<16xf32>,
      %swap3A_1158 = arith.constant 512 : index
      %swap3A_1159 = tpu.vector_load %arg8[%swap3A_1158] {strides = array<i32>} : memref<640xf32, #tpu.memory_space<vmem>>, vector<16xf32>,
      tpu.vector_store %arg8[%swap3A_1158], %broadcast_in_dim3A_1026 {strides = array<i32>} : memref<640xf32, #tpu.memory_space<vmem>>, vector<16xf32>,
      %swap3A_1160 = arith.constant 528 : index
      %swap3A_1161 = tpu.vector_load %arg8[%swap3A_1160] {strides = array<i32>} : memref<640xf32, #tpu.memory_space<vmem>>, vector<16xf32>,
      tpu.vector_store %arg8[%swap3A_1160], %broadcast_in_dim3A_1026 {strides = array<i32>} : memref<640xf32, #tpu.memory_space<vmem>>, vector<16xf32>,
      %swap3A_1162 = arith.constant 544 : index
      %swap3A_1163 = tpu.vector_load %arg8[%swap3A_1162] {strides = array<i32>} : memref<640xf32, #tpu.memory_space<vmem>>, vector<16xf32>,
      tpu.vector_store %arg8[%swap3A_1162], %broadcast_in_dim3A_1026 {strides = array<i32>} : memref<640xf32, #tpu.memory_space<vmem>>, vector<16xf32>,
      %swap3A_1164 = arith.constant 560 : index
      %swap3A_1165 = tpu.vector_load %arg8[%swap3A_1164] {strides = array<i32>} : memref<640xf32, #tpu.memory_space<vmem>>, vector<16xf32>,
      tpu.vector_store %arg8[%swap3A_1164], %broadcast_in_dim3A_1026 {strides = array<i32>} : memref<640xf32, #tpu.memory_space<vmem>>, vector<16xf32>,
      %swap3A_1166 = arith.constant 576 : index
      %swap3A_1167 = tpu.vector_load %arg8[%swap3A_1166] {strides = array<i32>} : memref<640xf32, #tpu.memory_space<vmem>>, vector<16xf32>,
      tpu.vector_store %arg8[%swap3A_1166], %broadcast_in_dim3A_1026 {strides = array<i32>} : memref<640xf32, #tpu.memory_space<vmem>>, vector<16xf32>,
      %swap3A_1168 = arith.constant 592 : index
      %swap3A_1169 = tpu.vector_load %arg8[%swap3A_1168] {strides = array<i32>} : memref<640xf32, #tpu.memory_space<vmem>>, vector<16xf32>,
      tpu.vector_store %arg8[%swap3A_1168], %broadcast_in_dim3A_1026 {strides = array<i32>} : memref<640xf32, #tpu.memory_space<vmem>>, vector<16xf32>,
      %swap3A_1170 = arith.constant 608 : index
      %swap3A_1171 = tpu.vector_load %arg8[%swap3A_1170] {strides = array<i32>} : memref<640xf32, #tpu.memory_space<vmem>>, vector<16xf32>,
      tpu.vector_store %arg8[%swap3A_1170], %broadcast_in_dim3A_1026 {strides = array<i32>} : memref<640xf32, #tpu.memory_space<vmem>>, vector<16xf32>,
      %swap3A_1172 = arith.constant 624 : index
      %swap3A_1173 = tpu.vector_load %arg8[%swap3A_1172] {strides = array<i32>} : memref<640xf32, #tpu.memory_space<vmem>>, vector<16xf32>,
      tpu.vector_store %arg8[%swap3A_1172], %broadcast_in_dim3A_1026 {strides = array<i32>} : memref<640xf32, #tpu.memory_space<vmem>>, vector<16xf32>,
      %mul3A_1174 = arith.constant 16 : i32
      %mul3A_1175 = arith.muli %scan3A_1094, %mul3A_1174 : i32
      %add3A_1176 = vector.broadcast %mul3A_1175 : i32 to vector<16xi32>
      %add3A_1177 = arith.addi %add3A_1176, %iota3A : vector<16xi32>
      %mul3A_1178 = arith.constant 200 : i32
      %mul3A_1179 = vector.broadcast %mul3A_1178 : i32 to vector<16xi32>
      %mul3A_1180 = arith.muli %add3A_1177, %mul3A_1179 : vector<16xi32>
      %parallel_loop3A = arith.constant 0 : i32
      %parallel_loop3A_1181 = arith.constant 200 : i32
      %parallel_loop3A_1182 = arith.constant 4 : i32
      scf.for %parallel_loop3A_1522 = %parallel_loop3A to %parallel_loop3A_1181 step %parallel_loop3A_1182  : i32 {
        %parallel_loop3A_1523 = vector.broadcast %parallel_loop3A_1522 : i32 to vector<16xi32>
        %parallel_loop3A_1524 = arith.addi %mul3A_1180, %parallel_loop3A_1523 : vector<16xi32>
        %parallel_loop3A_1525 = arith.constant 0 : i32
        %parallel_loop3A_1526 = vector.broadcast %parallel_loop3A_1525 : i32 to vector<16xi32>
        %parallel_loop3A_1527 = arith.addi %parallel_loop3A_1524, %parallel_loop3A_1526 : vector<16xi32>
        %parallel_loop3A_1528 = tpu.vector_load_idx %arg5[%parallel_loop3A_1527] : memref<25600xi32, #tpu.memory_space<vmem>>[vector<16xi32>], vector<16xi32>,
        %parallel_loop3A_1529 = arith.constant 16 : i32
        %parallel_loop3A_1530 = vector.broadcast %parallel_loop3A_1529 : i32 to vector<16xi32>
        %parallel_loop3A_1531 = arith.muli %parallel_loop3A_1528, %parallel_loop3A_1530 : vector<16xi32>
        %parallel_loop3A_1532 = arith.addi %parallel_loop3A_1531, %add3A_1029 : vector<16xi32>
        tpu.vector_store_idx %arg8[%parallel_loop3A_1532], %broadcast_in_dim3A_1024 {add = true} : memref<640xf32, #tpu.memory_space<vmem>>[vector<16xi32>], vector<16xf32>,
        %parallel_loop3A_1533 = arith.constant 1 : i32
        %parallel_loop3A_1534 = vector.broadcast %parallel_loop3A_1533 : i32 to vector<16xi32>
        %parallel_loop3A_1535 = arith.addi %parallel_loop3A_1524, %parallel_loop3A_1534 : vector<16xi32>
        %parallel_loop3A_1536 = tpu.vector_load_idx %arg5[%parallel_loop3A_1535] : memref<25600xi32, #tpu.memory_space<vmem>>[vector<16xi32>], vector<16xi32>,
        %parallel_loop3A_1537 = arith.constant 16 : i32
        %parallel_loop3A_1538 = vector.broadcast %parallel_loop3A_1537 : i32 to vector<16xi32>
        %parallel_loop3A_1539 = arith.muli %parallel_loop3A_1536, %parallel_loop3A_1538 : vector<16xi32>
        %parallel_loop3A_1540 = arith.addi %parallel_loop3A_1539, %add3A_1032 : vector<16xi32>
        tpu.vector_store_idx %arg8[%parallel_loop3A_1540], %broadcast_in_dim3A_1024 {add = true} : memref<640xf32, #tpu.memory_space<vmem>>[vector<16xi32>], vector<16xf32>,
        %parallel_loop3A_1541 = arith.constant 2 : i32
        %parallel_loop3A_1542 = vector.broadcast %parallel_loop3A_1541 : i32 to vector<16xi32>
        %parallel_loop3A_1543 = arith.addi %parallel_loop3A_1524, %parallel_loop3A_1542 : vector<16xi32>
        %parallel_loop3A_1544 = tpu.vector_load_idx %arg5[%parallel_loop3A_1543] : memref<25600xi32, #tpu.memory_space<vmem>>[vector<16xi32>], vector<16xi32>,
        %parallel_loop3A_1545 = arith.constant 16 : i32
        %parallel_loop3A_1546 = vector.broadcast %parallel_loop3A_1545 : i32 to vector<16xi32>
        %parallel_loop3A_1547 = arith.muli %parallel_loop3A_1544, %parallel_loop3A_1546 : vector<16xi32>
        %parallel_loop3A_1548 = arith.addi %parallel_loop3A_1547, %add3A_1035 : vector<16xi32>
        tpu.vector_store_idx %arg8[%parallel_loop3A_1548], %broadcast_in_dim3A_1024 {add = true} : memref<640xf32, #tpu.memory_space<vmem>>[vector<16xi32>], vector<16xf32>,
        %parallel_loop3A_1549 = arith.constant 3 : i32
        %parallel_loop3A_1550 = vector.broadcast %parallel_loop3A_1549 : i32 to vector<16xi32>
        %parallel_loop3A_1551 = arith.addi %parallel_loop3A_1524, %parallel_loop3A_1550 : vector<16xi32>
        %parallel_loop3A_1552 = tpu.vector_load_idx %arg5[%parallel_loop3A_1551] : memref<25600xi32, #tpu.memory_space<vmem>>[vector<16xi32>], vector<16xi32>,
        %parallel_loop3A_1553 = arith.constant 16 : i32
        %parallel_loop3A_1554 = vector.broadcast %parallel_loop3A_1553 : i32 to vector<16xi32>
        %parallel_loop3A_1555 = arith.muli %parallel_loop3A_1552, %parallel_loop3A_1554 : vector<16xi32>
        %parallel_loop3A_1556 = arith.addi %parallel_loop3A_1555, %add3A_1038 : vector<16xi32>
        tpu.vector_store_idx %arg8[%parallel_loop3A_1556], %broadcast_in_dim3A_1024 {add = true} : memref<640xf32, #tpu.memory_space<vmem>>[vector<16xi32>], vector<16xf32>,
      } {sc.loop_unroll_factor = 5 : i64, sc.parallel_access}
      %get3A_1183 = arith.constant 0 : index
      %get3A_1184 = tpu.vector_load %arg8[%get3A_1183] {strides = array<i32>} : memref<640xf32, #tpu.memory_space<vmem>>, vector<16xf32>,
      %get3A_1185 = arith.constant 160 : index
      %get3A_1186 = tpu.vector_load %arg8[%get3A_1185] {strides = array<i32>} : memref<640xf32, #tpu.memory_space<vmem>>, vector<16xf32>,
      %add3A_1187 = arith.addf %get3A_1184, %get3A_1186 : vector<16xf32>
      %get3A_1188 = arith.constant 320 : index
      %get3A_1189 = tpu.vector_load %arg8[%get3A_1188] {strides = array<i32>} : memref<640xf32, #tpu.memory_space<vmem>>, vector<16xf32>,
      %add3A_1190 = arith.addf %add3A_1187, %get3A_1189 : vector<16xf32>
      %get3A_1191 = arith.constant 480 : index
      %get3A_1192 = tpu.vector_load %arg8[%get3A_1191] {strides = array<i32>} : memref<640xf32, #tpu.memory_space<vmem>>, vector<16xf32>,
      %add3A_1193 = arith.addf %add3A_1190, %get3A_1192 : vector<16xf32>
      %get3A_1194 = arith.constant 16 : index
      %get3A_1195 = tpu.vector_load %arg8[%get3A_1194] {strides = array<i32>} : memref<640xf32, #tpu.memory_space<vmem>>, vector<16xf32>,
      %get3A_1196 = arith.constant 176 : index
      %get3A_1197 = tpu.vector_load %arg8[%get3A_1196] {strides = array<i32>} : memref<640xf32, #tpu.memory_space<vmem>>, vector<16xf32>,
      %add3A_1198 = arith.addf %get3A_1195, %get3A_1197 : vector<16xf32>
      %get3A_1199 = arith.constant 336 : index
      %get3A_1200 = tpu.vector_load %arg8[%get3A_1199] {strides = array<i32>} : memref<640xf32, #tpu.memory_space<vmem>>, vector<16xf32>,
      %add3A_1201 = arith.addf %add3A_1198, %get3A_1200 : vector<16xf32>
      %get3A_1202 = arith.constant 496 : index
      %get3A_1203 = tpu.vector_load %arg8[%get3A_1202] {strides = array<i32>} : memref<640xf32, #tpu.memory_space<vmem>>, vector<16xf32>,
      %add3A_1204 = arith.addf %add3A_1201, %get3A_1203 : vector<16xf32>
      %get3A_1205 = arith.constant 32 : index
      %get3A_1206 = tpu.vector_load %arg8[%get3A_1205] {strides = array<i32>} : memref<640xf32, #tpu.memory_space<vmem>>, vector<16xf32>,
      %get3A_1207 = arith.constant 192 : index
      %get3A_1208 = tpu.vector_load %arg8[%get3A_1207] {strides = array<i32>} : memref<640xf32, #tpu.memory_space<vmem>>, vector<16xf32>,
      %add3A_1209 = arith.addf %get3A_1206, %get3A_1208 : vector<16xf32>
      %get3A_1210 = arith.constant 352 : index
      %get3A_1211 = tpu.vector_load %arg8[%get3A_1210] {strides = array<i32>} : memref<640xf32, #tpu.memory_space<vmem>>, vector<16xf32>,
      %add3A_1212 = arith.addf %add3A_1209, %get3A_1211 : vector<16xf32>
      %get3A_1213 = arith.constant 512 : index
      %get3A_1214 = tpu.vector_load %arg8[%get3A_1213] {strides = array<i32>} : memref<640xf32, #tpu.memory_space<vmem>>, vector<16xf32>,
      %add3A_1215 = arith.addf %add3A_1212, %get3A_1214 : vector<16xf32>
      %get3A_1216 = arith.constant 48 : index
      %get3A_1217 = tpu.vector_load %arg8[%get3A_1216] {strides = array<i32>} : memref<640xf32, #tpu.memory_space<vmem>>, vector<16xf32>,
      %get3A_1218 = arith.constant 208 : index
      %get3A_1219 = tpu.vector_load %arg8[%get3A_1218] {strides = array<i32>} : memref<640xf32, #tpu.memory_space<vmem>>, vector<16xf32>,
      %add3A_1220 = arith.addf %get3A_1217, %get3A_1219 : vector<16xf32>
      %get3A_1221 = arith.constant 368 : index
      %get3A_1222 = tpu.vector_load %arg8[%get3A_1221] {strides = array<i32>} : memref<640xf32, #tpu.memory_space<vmem>>, vector<16xf32>,
      %add3A_1223 = arith.addf %add3A_1220, %get3A_1222 : vector<16xf32>
      %get3A_1224 = arith.constant 528 : index
      %get3A_1225 = tpu.vector_load %arg8[%get3A_1224] {strides = array<i32>} : memref<640xf32, #tpu.memory_space<vmem>>, vector<16xf32>,
      %add3A_1226 = arith.addf %add3A_1223, %get3A_1225 : vector<16xf32>
      %get3A_1227 = arith.constant 64 : index
      %get3A_1228 = tpu.vector_load %arg8[%get3A_1227] {strides = array<i32>} : memref<640xf32, #tpu.memory_space<vmem>>, vector<16xf32>,
      %get3A_1229 = arith.constant 224 : index
      %get3A_1230 = tpu.vector_load %arg8[%get3A_1229] {strides = array<i32>} : memref<640xf32, #tpu.memory_space<vmem>>, vector<16xf32>,
      %add3A_1231 = arith.addf %get3A_1228, %get3A_1230 : vector<16xf32>
      %get3A_1232 = arith.constant 384 : index
      %get3A_1233 = tpu.vector_load %arg8[%get3A_1232] {strides = array<i32>} : memref<640xf32, #tpu.memory_space<vmem>>, vector<16xf32>,
      %add3A_1234 = arith.addf %add3A_1231, %get3A_1233 : vector<16xf32>
      %get3A_1235 = arith.constant 544 : index
      %get3A_1236 = tpu.vector_load %arg8[%get3A_1235] {strides = array<i32>} : memref<640xf32, #tpu.memory_space<vmem>>, vector<16xf32>,
      %add3A_1237 = arith.addf %add3A_1234, %get3A_1236 : vector<16xf32>
      %get3A_1238 = arith.constant 80 : index
      %get3A_1239 = tpu.vector_load %arg8[%get3A_1238] {strides = array<i32>} : memref<640xf32, #tpu.memory_space<vmem>>, vector<16xf32>,
      %get3A_1240 = arith.constant 240 : index
      %get3A_1241 = tpu.vector_load %arg8[%get3A_1240] {strides = array<i32>} : memref<640xf32, #tpu.memory_space<vmem>>, vector<16xf32>,
      %add3A_1242 = arith.addf %get3A_1239, %get3A_1241 : vector<16xf32>
      %get3A_1243 = arith.constant 400 : index
      %get3A_1244 = tpu.vector_load %arg8[%get3A_1243] {strides = array<i32>} : memref<640xf32, #tpu.memory_space<vmem>>, vector<16xf32>,
      %add3A_1245 = arith.addf %add3A_1242, %get3A_1244 : vector<16xf32>
      %get3A_1246 = arith.constant 560 : index
      %get3A_1247 = tpu.vector_load %arg8[%get3A_1246] {strides = array<i32>} : memref<640xf32, #tpu.memory_space<vmem>>, vector<16xf32>,
      %add3A_1248 = arith.addf %add3A_1245, %get3A_1247 : vector<16xf32>
      %get3A_1249 = arith.constant 96 : index
      %get3A_1250 = tpu.vector_load %arg8[%get3A_1249] {strides = array<i32>} : memref<640xf32, #tpu.memory_space<vmem>>, vector<16xf32>,
      %get3A_1251 = arith.constant 256 : index
      %get3A_1252 = tpu.vector_load %arg8[%get3A_1251] {strides = array<i32>} : memref<640xf32, #tpu.memory_space<vmem>>, vector<16xf32>,
      %add3A_1253 = arith.addf %get3A_1250, %get3A_1252 : vector<16xf32>
      %get3A_1254 = arith.constant 416 : index
      %get3A_1255 = tpu.vector_load %arg8[%get3A_1254] {strides = array<i32>} : memref<640xf32, #tpu.memory_space<vmem>>, vector<16xf32>,
      %add3A_1256 = arith.addf %add3A_1253, %get3A_1255 : vector<16xf32>
      %get3A_1257 = arith.constant 576 : index
      %get3A_1258 = tpu.vector_load %arg8[%get3A_1257] {strides = array<i32>} : memref<640xf32, #tpu.memory_space<vmem>>, vector<16xf32>,
      %add3A_1259 = arith.addf %add3A_1256, %get3A_1258 : vector<16xf32>
      %get3A_1260 = arith.constant 112 : index
      %get3A_1261 = tpu.vector_load %arg8[%get3A_1260] {strides = array<i32>} : memref<640xf32, #tpu.memory_space<vmem>>, vector<16xf32>,
      %get3A_1262 = arith.constant 272 : index
      %get3A_1263 = tpu.vector_load %arg8[%get3A_1262] {strides = array<i32>} : memref<640xf32, #tpu.memory_space<vmem>>, vector<16xf32>,
      %add3A_1264 = arith.addf %get3A_1261, %get3A_1263 : vector<16xf32>
      %get3A_1265 = arith.constant 432 : index
      %get3A_1266 = tpu.vector_load %arg8[%get3A_1265] {strides = array<i32>} : memref<640xf32, #tpu.memory_space<vmem>>, vector<16xf32>,
      %add3A_1267 = arith.addf %add3A_1264, %get3A_1266 : vector<16xf32>
      %get3A_1268 = arith.constant 592 : index
      %get3A_1269 = tpu.vector_load %arg8[%get3A_1268] {strides = array<i32>} : memref<640xf32, #tpu.memory_space<vmem>>, vector<16xf32>,
      %add3A_1270 = arith.addf %add3A_1267, %get3A_1269 : vector<16xf32>
      %get3A_1271 = arith.constant 128 : index
      %get3A_1272 = tpu.vector_load %arg8[%get3A_1271] {strides = array<i32>} : memref<640xf32, #tpu.memory_space<vmem>>, vector<16xf32>,
      %get3A_1273 = arith.constant 288 : index
      %get3A_1274 = tpu.vector_load %arg8[%get3A_1273] {strides = array<i32>} : memref<640xf32, #tpu.memory_space<vmem>>, vector<16xf32>,
      %add3A_1275 = arith.addf %get3A_1272, %get3A_1274 : vector<16xf32>
      %get3A_1276 = arith.constant 448 : index
      %get3A_1277 = tpu.vector_load %arg8[%get3A_1276] {strides = array<i32>} : memref<640xf32, #tpu.memory_space<vmem>>, vector<16xf32>,
      %add3A_1278 = arith.addf %add3A_1275, %get3A_1277 : vector<16xf32>
      %get3A_1279 = arith.constant 608 : index
      %get3A_1280 = tpu.vector_load %arg8[%get3A_1279] {strides = array<i32>} : memref<640xf32, #tpu.memory_space<vmem>>, vector<16xf32>,
      %add3A_1281 = arith.addf %add3A_1278, %get3A_1280 : vector<16xf32>
      %get3A_1282 = arith.constant 144 : index
      %get3A_1283 = tpu.vector_load %arg8[%get3A_1282] {strides = array<i32>} : memref<640xf32, #tpu.memory_space<vmem>>, vector<16xf32>,
      %get3A_1284 = arith.constant 304 : index
      %get3A_1285 = tpu.vector_load %arg8[%get3A_1284] {strides = array<i32>} : memref<640xf32, #tpu.memory_space<vmem>>, vector<16xf32>,
      %add3A_1286 = arith.addf %get3A_1283, %get3A_1285 : vector<16xf32>
      %get3A_1287 = arith.constant 464 : index
      %get3A_1288 = tpu.vector_load %arg8[%get3A_1287] {strides = array<i32>} : memref<640xf32, #tpu.memory_space<vmem>>, vector<16xf32>,
      %add3A_1289 = arith.addf %add3A_1286, %get3A_1288 : vector<16xf32>
      %get3A_1290 = arith.constant 624 : index
      %get3A_1291 = tpu.vector_load %arg8[%get3A_1290] {strides = array<i32>} : memref<640xf32, #tpu.memory_space<vmem>>, vector<16xf32>,
      %add3A_1292 = arith.addf %add3A_1289, %get3A_1291 : vector<16xf32>
      %mul3A_1293 = vector.broadcast %mul3A_258 : f32 to vector<16xf32>
      %mul3A_1294 = arith.mulf %add3A_1193, %mul3A_1293 : vector<16xf32>
      %mul3A_1295 = vector.broadcast %mul3A_334 : f32 to vector<16xf32>
      %mul3A_1296 = arith.mulf %add3A_1204, %mul3A_1295 : vector<16xf32>
      %add3A_1297 = arith.addf %mul3A_1294, %mul3A_1296 : vector<16xf32>
      %mul3A_1298 = vector.broadcast %mul3A_410 : f32 to vector<16xf32>
      %mul3A_1299 = arith.mulf %add3A_1215, %mul3A_1298 : vector<16xf32>
      %add3A_1300 = arith.addf %add3A_1297, %mul3A_1299 : vector<16xf32>
      %mul3A_1301 = vector.broadcast %mul3A_486 : f32 to vector<16xf32>
      %mul3A_1302 = arith.mulf %add3A_1226, %mul3A_1301 : vector<16xf32>
      %add3A_1303 = arith.addf %add3A_1300, %mul3A_1302 : vector<16xf32>
      %mul3A_1304 = vector.broadcast %mul3A_562 : f32 to vector<16xf32>
      %mul3A_1305 = arith.mulf %add3A_1237, %mul3A_1304 : vector<16xf32>
      %add3A_1306 = arith.addf %add3A_1303, %mul3A_1305 : vector<16xf32>
      %mul3A_1307 = vector.broadcast %mul3A_638 : f32 to vector<16xf32>
      %mul3A_1308 = arith.mulf %add3A_1248, %mul3A_1307 : vector<16xf32>
      %add3A_1309 = arith.addf %add3A_1306, %mul3A_1308 : vector<16xf32>
      %mul3A_1310 = vector.broadcast %mul3A_714 : f32 to vector<16xf32>
      %mul3A_1311 = arith.mulf %add3A_1259, %mul3A_1310 : vector<16xf32>
      %add3A_1312 = arith.addf %add3A_1309, %mul3A_1311 : vector<16xf32>
      %mul3A_1313 = vector.broadcast %mul3A_790 : f32 to vector<16xf32>
      %mul3A_1314 = arith.mulf %add3A_1270, %mul3A_1313 : vector<16xf32>
      %add3A_1315 = arith.addf %add3A_1312, %mul3A_1314 : vector<16xf32>
      %mul3A_1316 = vector.broadcast %mul3A_866 : f32 to vector<16xf32>
      %mul3A_1317 = arith.mulf %add3A_1281, %mul3A_1316 : vector<16xf32>
      %add3A_1318 = arith.addf %add3A_1315, %mul3A_1317 : vector<16xf32>
      %mul3A_1319 = vector.broadcast %mul3A_942 : f32 to vector<16xf32>
      %mul3A_1320 = arith.mulf %add3A_1292, %mul3A_1319 : vector<16xf32>
      %add3A_1321 = arith.addf %add3A_1318, %mul3A_1320 : vector<16xf32>
      %add3A_1322 = vector.broadcast %squeeze3A_1001 : f32 to vector<16xf32>
      %add3A_1323 = arith.addf %add3A_1321, %add3A_1322 : vector<16xf32>
      %mul3A_1324 = vector.broadcast %mul3A_277 : f32 to vector<16xf32>
      %mul3A_1325 = arith.mulf %add3A_1193, %mul3A_1324 : vector<16xf32>
      %mul3A_1326 = vector.broadcast %mul3A_353 : f32 to vector<16xf32>
      %mul3A_1327 = arith.mulf %add3A_1204, %mul3A_1326 : vector<16xf32>
      %add3A_1328 = arith.addf %mul3A_1325, %mul3A_1327 : vector<16xf32>
      %mul3A_1329 = vector.broadcast %mul3A_429 : f32 to vector<16xf32>
      %mul3A_1330 = arith.mulf %add3A_1215, %mul3A_1329 : vector<16xf32>
      %add3A_1331 = arith.addf %add3A_1328, %mul3A_1330 : vector<16xf32>
      %mul3A_1332 = vector.broadcast %mul3A_505 : f32 to vector<16xf32>
      %mul3A_1333 = arith.mulf %add3A_1226, %mul3A_1332 : vector<16xf32>
      %add3A_1334 = arith.addf %add3A_1331, %mul3A_1333 : vector<16xf32>
      %mul3A_1335 = vector.broadcast %mul3A_581 : f32 to vector<16xf32>
      %mul3A_1336 = arith.mulf %add3A_1237, %mul3A_1335 : vector<16xf32>
      %add3A_1337 = arith.addf %add3A_1334, %mul3A_1336 : vector<16xf32>
      %mul3A_1338 = vector.broadcast %mul3A_657 : f32 to vector<16xf32>
      %mul3A_1339 = arith.mulf %add3A_1248, %mul3A_1338 : vector<16xf32>
      %add3A_1340 = arith.addf %add3A_1337, %mul3A_1339 : vector<16xf32>
      %mul3A_1341 = vector.broadcast %mul3A_733 : f32 to vector<16xf32>
      %mul3A_1342 = arith.mulf %add3A_1259, %mul3A_1341 : vector<16xf32>
      %add3A_1343 = arith.addf %add3A_1340, %mul3A_1342 : vector<16xf32>
      %mul3A_1344 = vector.broadcast %mul3A_809 : f32 to vector<16xf32>
      %mul3A_1345 = arith.mulf %add3A_1270, %mul3A_1344 : vector<16xf32>
      %add3A_1346 = arith.addf %add3A_1343, %mul3A_1345 : vector<16xf32>
      %mul3A_1347 = vector.broadcast %mul3A_885 : f32 to vector<16xf32>
      %mul3A_1348 = arith.mulf %add3A_1281, %mul3A_1347 : vector<16xf32>
      %add3A_1349 = arith.addf %add3A_1346, %mul3A_1348 : vector<16xf32>
      %mul3A_1350 = vector.broadcast %mul3A_961 : f32 to vector<16xf32>
      %mul3A_1351 = arith.mulf %add3A_1292, %mul3A_1350 : vector<16xf32>
      %add3A_1352 = arith.addf %add3A_1349, %mul3A_1351 : vector<16xf32>
      %add3A_1353 = vector.broadcast %squeeze3A_1003 : f32 to vector<16xf32>
      %add3A_1354 = arith.addf %add3A_1352, %add3A_1353 : vector<16xf32>
      %mul3A_1355 = vector.broadcast %mul3A_296 : f32 to vector<16xf32>
      %mul3A_1356 = arith.mulf %add3A_1193, %mul3A_1355 : vector<16xf32>
      %mul3A_1357 = vector.broadcast %mul3A_372 : f32 to vector<16xf32>
      %mul3A_1358 = arith.mulf %add3A_1204, %mul3A_1357 : vector<16xf32>
      %add3A_1359 = arith.addf %mul3A_1356, %mul3A_1358 : vector<16xf32>
      %mul3A_1360 = vector.broadcast %mul3A_448 : f32 to vector<16xf32>
      %mul3A_1361 = arith.mulf %add3A_1215, %mul3A_1360 : vector<16xf32>
      %add3A_1362 = arith.addf %add3A_1359, %mul3A_1361 : vector<16xf32>
      %mul3A_1363 = vector.broadcast %mul3A_524 : f32 to vector<16xf32>
      %mul3A_1364 = arith.mulf %add3A_1226, %mul3A_1363 : vector<16xf32>
      %add3A_1365 = arith.addf %add3A_1362, %mul3A_1364 : vector<16xf32>
      %mul3A_1366 = vector.broadcast %mul3A_600 : f32 to vector<16xf32>
      %mul3A_1367 = arith.mulf %add3A_1237, %mul3A_1366 : vector<16xf32>
      %add3A_1368 = arith.addf %add3A_1365, %mul3A_1367 : vector<16xf32>
      %mul3A_1369 = vector.broadcast %mul3A_676 : f32 to vector<16xf32>
      %mul3A_1370 = arith.mulf %add3A_1248, %mul3A_1369 : vector<16xf32>
      %add3A_1371 = arith.addf %add3A_1368, %mul3A_1370 : vector<16xf32>
      %mul3A_1372 = vector.broadcast %mul3A_752 : f32 to vector<16xf32>
      %mul3A_1373 = arith.mulf %add3A_1259, %mul3A_1372 : vector<16xf32>
      %add3A_1374 = arith.addf %add3A_1371, %mul3A_1373 : vector<16xf32>
      %mul3A_1375 = vector.broadcast %mul3A_828 : f32 to vector<16xf32>
      %mul3A_1376 = arith.mulf %add3A_1270, %mul3A_1375 : vector<16xf32>
      %add3A_1377 = arith.addf %add3A_1374, %mul3A_1376 : vector<16xf32>
      %mul3A_1378 = vector.broadcast %mul3A_904 : f32 to vector<16xf32>
      %mul3A_1379 = arith.mulf %add3A_1281, %mul3A_1378 : vector<16xf32>
      %add3A_1380 = arith.addf %add3A_1377, %mul3A_1379 : vector<16xf32>
      %mul3A_1381 = vector.broadcast %mul3A_980 : f32 to vector<16xf32>
      %mul3A_1382 = arith.mulf %add3A_1292, %mul3A_1381 : vector<16xf32>
      %add3A_1383 = arith.addf %add3A_1380, %mul3A_1382 : vector<16xf32>
      %add3A_1384 = vector.broadcast %squeeze3A_1005 : f32 to vector<16xf32>
      %add3A_1385 = arith.addf %add3A_1383, %add3A_1384 : vector<16xf32>
      %mul3A_1386 = vector.broadcast %mul3A_315 : f32 to vector<16xf32>
      %mul3A_1387 = arith.mulf %add3A_1193, %mul3A_1386 : vector<16xf32>
      %mul3A_1388 = vector.broadcast %mul3A_391 : f32 to vector<16xf32>
      %mul3A_1389 = arith.mulf %add3A_1204, %mul3A_1388 : vector<16xf32>
      %add3A_1390 = arith.addf %mul3A_1387, %mul3A_1389 : vector<16xf32>
      %mul3A_1391 = vector.broadcast %mul3A_467 : f32 to vector<16xf32>
      %mul3A_1392 = arith.mulf %add3A_1215, %mul3A_1391 : vector<16xf32>
      %add3A_1393 = arith.addf %add3A_1390, %mul3A_1392 : vector<16xf32>
      %mul3A_1394 = vector.broadcast %mul3A_543 : f32 to vector<16xf32>
      %mul3A_1395 = arith.mulf %add3A_1226, %mul3A_1394 : vector<16xf32>
      %add3A_1396 = arith.addf %add3A_1393, %mul3A_1395 : vector<16xf32>
      %mul3A_1397 = vector.broadcast %mul3A_619 : f32 to vector<16xf32>
      %mul3A_1398 = arith.mulf %add3A_1237, %mul3A_1397 : vector<16xf32>
      %add3A_1399 = arith.addf %add3A_1396, %mul3A_1398 : vector<16xf32>
      %mul3A_1400 = vector.broadcast %mul3A_695 : f32 to vector<16xf32>
      %mul3A_1401 = arith.mulf %add3A_1248, %mul3A_1400 : vector<16xf32>
      %add3A_1402 = arith.addf %add3A_1399, %mul3A_1401 : vector<16xf32>
      %mul3A_1403 = vector.broadcast %mul3A_771 : f32 to vector<16xf32>
      %mul3A_1404 = arith.mulf %add3A_1259, %mul3A_1403 : vector<16xf32>
      %add3A_1405 = arith.addf %add3A_1402, %mul3A_1404 : vector<16xf32>
      %mul3A_1406 = vector.broadcast %mul3A_847 : f32 to vector<16xf32>
      %mul3A_1407 = arith.mulf %add3A_1270, %mul3A_1406 : vector<16xf32>
      %add3A_1408 = arith.addf %add3A_1405, %mul3A_1407 : vector<16xf32>
      %mul3A_1409 = vector.broadcast %mul3A_923 : f32 to vector<16xf32>
      %mul3A_1410 = arith.mulf %add3A_1281, %mul3A_1409 : vector<16xf32>
      %add3A_1411 = arith.addf %add3A_1408, %mul3A_1410 : vector<16xf32>
      %mul3A_1412 = vector.broadcast %mul3A_999 : f32 to vector<16xf32>
      %mul3A_1413 = arith.mulf %add3A_1292, %mul3A_1412 : vector<16xf32>
      %add3A_1414 = arith.addf %add3A_1411, %mul3A_1413 : vector<16xf32>
      %add3A_1415 = vector.broadcast %squeeze3A_1007 : f32 to vector<16xf32>
      %add3A_1416 = arith.addf %add3A_1414, %add3A_1415 : vector<16xf32>
      %add3A_1417 = arith.addf %add3A_1323, %add3A_1354 : vector<16xf32>
      %add3A_1418 = arith.addf %add3A_1417, %add3A_1385 : vector<16xf32>
      %add3A_1419 = arith.addf %add3A_1418, %add3A_1416 : vector<16xf32>
      %mul3A_1420 = arith.constant 2.500000e-01 : f32
      %mul3A_1421 = vector.broadcast %mul3A_1420 : f32 to vector<16xf32>
      %mul3A_1422 = arith.mulf %add3A_1419, %mul3A_1421 : vector<16xf32>
      %sub3A = arith.subf %add3A_1323, %mul3A_1422 : vector<16xf32>
      %sub3A_1423 = arith.subf %add3A_1354, %mul3A_1422 : vector<16xf32>
      %sub3A_1424 = arith.subf %add3A_1385, %mul3A_1422 : vector<16xf32>
      %sub3A_1425 = arith.subf %add3A_1416, %mul3A_1422 : vector<16xf32>
      %mul3A_1426 = arith.mulf %sub3A, %sub3A : vector<16xf32>
      %mul3A_1427 = arith.mulf %sub3A_1423, %sub3A_1423 : vector<16xf32>
      %add3A_1428 = arith.addf %mul3A_1426, %mul3A_1427 : vector<16xf32>
      %mul3A_1429 = arith.mulf %sub3A_1424, %sub3A_1424 : vector<16xf32>
      %add3A_1430 = arith.addf %add3A_1428, %mul3A_1429 : vector<16xf32>
      %mul3A_1431 = arith.mulf %sub3A_1425, %sub3A_1425 : vector<16xf32>
      %add3A_1432 = arith.addf %add3A_1430, %mul3A_1431 : vector<16xf32>
      %mul3A_1433 = arith.constant 2.500000e-01 : f32
      %mul3A_1434 = vector.broadcast %mul3A_1433 : f32 to vector<16xf32>
      %mul3A_1435 = arith.mulf %add3A_1432, %mul3A_1434 : vector<16xf32>
      %add3A_1436 = arith.constant 9.99999974E-6 : f32
      %add3A_1437 = vector.broadcast %add3A_1436 : f32 to vector<16xf32>
      %add3A_1438 = arith.addf %mul3A_1435, %add3A_1437 : vector<16xf32>
      %bitcast3A = vector.bitcast %add3A_1438 : vector<16xf32> to vector<16xi32>
      %shift_right_arithmetic3A = arith.constant 1 : i32
      %shift_right_arithmetic3A_1439 = vector.broadcast %shift_right_arithmetic3A : i32 to vector<16xi32>
      %shift_right_arithmetic3A_1440 = arith.shrsi %bitcast3A, %shift_right_arithmetic3A_1439 : vector<16xi32>
      %sub3A_1441 = arith.constant 1597463007 : i32
      %sub3A_1442 = vector.broadcast %sub3A_1441 : i32 to vector<16xi32>
      %sub3A_1443 = arith.subi %sub3A_1442, %shift_right_arithmetic3A_1440 : vector<16xi32>
      %bitcast3A_1444 = vector.bitcast %sub3A_1443 : vector<16xi32> to vector<16xf32>
      %mul3A_1445 = arith.constant 5.000000e-01 : f32
      %mul3A_1446 = vector.broadcast %mul3A_1445 : f32 to vector<16xf32>
      %mul3A_1447 = arith.mulf %mul3A_1446, %add3A_1438 : vector<16xf32>
      %mul3A_1448 = arith.mulf %mul3A_1447, %bitcast3A_1444 : vector<16xf32>
      %mul3A_1449 = arith.mulf %mul3A_1448, %bitcast3A_1444 : vector<16xf32>
      %sub3A_1450 = arith.constant 1.500000e+00 : f32
      %sub3A_1451 = vector.broadcast %sub3A_1450 : f32 to vector<16xf32>
      %sub3A_1452 = arith.subf %sub3A_1451, %mul3A_1449 : vector<16xf32>
      %mul3A_1453 = arith.mulf %bitcast3A_1444, %sub3A_1452 : vector<16xf32>
      %mul3A_1454 = arith.constant 5.000000e-01 : f32
      %mul3A_1455 = vector.broadcast %mul3A_1454 : f32 to vector<16xf32>
      %mul3A_1456 = arith.mulf %mul3A_1455, %add3A_1438 : vector<16xf32>
      %mul3A_1457 = arith.mulf %mul3A_1456, %mul3A_1453 : vector<16xf32>
      %mul3A_1458 = arith.mulf %mul3A_1457, %mul3A_1453 : vector<16xf32>
      %sub3A_1459 = arith.constant 1.500000e+00 : f32
      %sub3A_1460 = vector.broadcast %sub3A_1459 : f32 to vector<16xf32>
      %sub3A_1461 = arith.subf %sub3A_1460, %mul3A_1458 : vector<16xf32>
      %mul3A_1462 = arith.mulf %mul3A_1453, %sub3A_1461 : vector<16xf32>
      %mul3A_1463 = arith.constant 5.000000e-01 : f32
      %mul3A_1464 = vector.broadcast %mul3A_1463 : f32 to vector<16xf32>
      %mul3A_1465 = arith.mulf %mul3A_1464, %add3A_1438 : vector<16xf32>
      %mul3A_1466 = arith.mulf %mul3A_1465, %mul3A_1462 : vector<16xf32>
      %mul3A_1467 = arith.mulf %mul3A_1466, %mul3A_1462 : vector<16xf32>
      %sub3A_1468 = arith.constant 1.500000e+00 : f32
      %sub3A_1469 = vector.broadcast %sub3A_1468 : f32 to vector<16xf32>
      %sub3A_1470 = arith.subf %sub3A_1469, %mul3A_1467 : vector<16xf32>
      %mul3A_1471 = arith.mulf %mul3A_1462, %sub3A_1470 : vector<16xf32>
      %mul3A_1472 = arith.constant 16 : i32
      %mul3A_1473 = arith.muli %scan3A_1094, %mul3A_1472 : i32
      %add3A_1474 = arith.constant 0 : i32
      %add3A_1475 = arith.addi %add3A_1474, %mul3A_1473 : i32
      %add3A_1476 = vector.broadcast %add3A_1475 : i32 to vector<16xi32>
      %add3A_1477 = arith.addi %add3A_1476, %iota3A : vector<16xi32>
      %mul3A_1478 = vector.broadcast %squeeze3A_1009 : f32 to vector<16xf32>
      %mul3A_1479 = arith.mulf %mul3A_1471, %mul3A_1478 : vector<16xf32>
      %mul3A_1480 = arith.mulf %sub3A, %mul3A_1479 : vector<16xf32>
      %add3A_1481 = vector.broadcast %squeeze3A_1017 : f32 to vector<16xf32>
      %add3A_1482 = arith.addf %mul3A_1480, %add3A_1481 : vector<16xf32>
      %mul3A_1483 = arith.constant 4 : i32
      %mul3A_1484 = vector.broadcast %mul3A_1483 : i32 to vector<16xi32>
      %mul3A_1485 = arith.muli %add3A_1477, %mul3A_1484 : vector<16xi32>
      %add3A_1486 = arith.constant 0 : i32
      %add3A_1487 = vector.broadcast %add3A_1486 : i32 to vector<16xi32>
      %add3A_1488 = arith.addi %mul3A_1485, %add3A_1487 : vector<16xi32>
      tpu.vector_store_idx %arg7[%add3A_1488], %add3A_1482 : memref<2048xf32, #tpu.memory_space<vmem>>[vector<16xi32>], vector<16xf32>,
      %mul3A_1489 = vector.broadcast %squeeze3A_1011 : f32 to vector<16xf32>
      %mul3A_1490 = arith.mulf %mul3A_1471, %mul3A_1489 : vector<16xf32>
      %mul3A_1491 = arith.mulf %sub3A_1423, %mul3A_1490 : vector<16xf32>
      %add3A_1492 = vector.broadcast %squeeze3A_1019 : f32 to vector<16xf32>
      %add3A_1493 = arith.addf %mul3A_1491, %add3A_1492 : vector<16xf32>
      %mul3A_1494 = arith.constant 4 : i32
      %mul3A_1495 = vector.broadcast %mul3A_1494 : i32 to vector<16xi32>
      %mul3A_1496 = arith.muli %add3A_1477, %mul3A_1495 : vector<16xi32>
      %add3A_1497 = arith.constant 1 : i32
      %add3A_1498 = vector.broadcast %add3A_1497 : i32 to vector<16xi32>
      %add3A_1499 = arith.addi %mul3A_1496, %add3A_1498 : vector<16xi32>
      tpu.vector_store_idx %arg7[%add3A_1499], %add3A_1493 : memref<2048xf32, #tpu.memory_space<vmem>>[vector<16xi32>], vector<16xf32>,
      %mul3A_1500 = vector.broadcast %squeeze3A_1013 : f32 to vector<16xf32>
      %mul3A_1501 = arith.mulf %mul3A_1471, %mul3A_1500 : vector<16xf32>
      %mul3A_1502 = arith.mulf %sub3A_1424, %mul3A_1501 : vector<16xf32>
      %add3A_1503 = vector.broadcast %squeeze3A_1021 : f32 to vector<16xf32>
      %add3A_1504 = arith.addf %mul3A_1502, %add3A_1503 : vector<16xf32>
      %mul3A_1505 = arith.constant 4 : i32
      %mul3A_1506 = vector.broadcast %mul3A_1505 : i32 to vector<16xi32>
      %mul3A_1507 = arith.muli %add3A_1477, %mul3A_1506 : vector<16xi32>
      %add3A_1508 = arith.constant 2 : i32
      %add3A_1509 = vector.broadcast %add3A_1508 : i32 to vector<16xi32>
      %add3A_1510 = arith.addi %mul3A_1507, %add3A_1509 : vector<16xi32>
      tpu.vector_store_idx %arg7[%add3A_1510], %add3A_1504 : memref<2048xf32, #tpu.memory_space<vmem>>[vector<16xi32>], vector<16xf32>,
      %mul3A_1511 = vector.broadcast %squeeze3A_1015 : f32 to vector<16xf32>
      %mul3A_1512 = arith.mulf %mul3A_1471, %mul3A_1511 : vector<16xf32>
      %mul3A_1513 = arith.mulf %sub3A_1425, %mul3A_1512 : vector<16xf32>
      %add3A_1514 = vector.broadcast %squeeze3A_1023 : f32 to vector<16xf32>
      %add3A_1515 = arith.addf %mul3A_1513, %add3A_1514 : vector<16xf32>
      %mul3A_1516 = arith.constant 4 : i32
      %mul3A_1517 = vector.broadcast %mul3A_1516 : i32 to vector<16xi32>
      %mul3A_1518 = arith.muli %add3A_1477, %mul3A_1517 : vector<16xi32>
      %add3A_1519 = arith.constant 3 : i32
      %add3A_1520 = vector.broadcast %add3A_1519 : i32 to vector<16xi32>
      %add3A_1521 = arith.addi %mul3A_1518, %add3A_1520 : vector<16xi32>
      tpu.vector_store_idx %arg7[%add3A_1521], %add3A_1515 : memref<2048xf32, #tpu.memory_space<vmem>>[vector<16xi32>], vector<16xf32>,
    }
    %scan3A_1055 = arith.constant 8 : i32
    %add3A_1056 = arith.constant 256 : i32
    %add3A_1057 = arith.addi %mul3A_2, %add3A_1056 : i32
    %mul3A_1058 = arith.constant 200 : i32
    %mul3A_1059 = arith.muli %add3A_1057, %mul3A_1058 : i32
    %dma_start3A_1060 = tpu.memref_slice %arg2[%mul3A_1059] : memref<3276800xi32, #tpu.memory_space<hbm>> -> memref<25600xi32, #tpu.memory_space<hbm>>
    %dma_start3A_1061 = tpu.memref_slice %arg2[%mul3A_1059] : memref<3276800xi32, #tpu.memory_space<hbm>> -> memref<25600xi32, #tpu.memory_space<hbm>>
    tpu.enqueue_dma source(%dma_start3A_1061 : memref<25600xi32, #tpu.memory_space<hbm>>) target(%arg5 : memref<25600xi32, #tpu.memory_space<vmem>>) target_semaphore(%arg10 : memref<!tpu.dma_semaphore, #tpu.memory_space<semaphore_mem>>)
    %dma_wait3A_1062 = tpu.memref_slice %arg2[%mul3A_1047] : memref<3276800xi32, #tpu.memory_space<hbm>> -> memref<25600xi32, #tpu.memory_space<hbm>>
    %dma_wait3A_1063 = tpu.memref_slice %arg2[%mul3A_1047] : memref<3276800xi32, #tpu.memory_space<hbm>> -> memref<25600xi32, #tpu.memory_space<hbm>>
    tpu.wait_dma2 semaphore(%arg11 : memref<!tpu.dma_semaphore, #tpu.memory_space<semaphore_mem>>) src(%dma_wait3A_1063 : memref<25600xi32, #tpu.memory_space<hbm>>) dst(%arg6 : memref<25600xi32, #tpu.memory_space<vmem>>)
    %scan3A_1064 = arith.constant 0 : i32
    %scan3A_1065 = arith.constant 0 : i32
    %scan3A_1066 = arith.constant 8 : i32
    %scan3A_1067 = arith.addi %scan3A_1065, %scan3A_1066 : i32
    %scan3A_1068 = arith.constant 1 : i32
    scf.for %scan3A_1094 = %scan3A_1065 to %scan3A_1067 step %scan3A_1068  : i32 {
      %swap3A = arith.constant 0 : index
      %swap3A_1095 = tpu.vector_load %arg8[%swap3A] {strides = array<i32>} : memref<640xf32, #tpu.memory_space<vmem>>, vector<16xf32>,
      tpu.vector_store %arg8[%swap3A], %broadcast_in_dim3A_1026 {strides = array<i32>} : memref<640xf32, #tpu.memory_space<vmem>>, vector<16xf32>,
      %swap3A_1096 = arith.constant 16 : index
      %swap3A_1097 = tpu.vector_load %arg8[%swap3A_1096] {strides = array<i32>} : memref<640xf32, #tpu.memory_space<vmem>>, vector<16xf32>,
      tpu.vector_store %arg8[%swap3A_1096], %broadcast_in_dim3A_1026 {strides = array<i32>} : memref<640xf32, #tpu.memory_space<vmem>>, vector<16xf32>,
      %swap3A_1098 = arith.constant 32 : index
      %swap3A_1099 = tpu.vector_load %arg8[%swap3A_1098] {strides = array<i32>} : memref<640xf32, #tpu.memory_space<vmem>>, vector<16xf32>,
      tpu.vector_store %arg8[%swap3A_1098], %broadcast_in_dim3A_1026 {strides = array<i32>} : memref<640xf32, #tpu.memory_space<vmem>>, vector<16xf32>,
      %swap3A_1100 = arith.constant 48 : index
      %swap3A_1101 = tpu.vector_load %arg8[%swap3A_1100] {strides = array<i32>} : memref<640xf32, #tpu.memory_space<vmem>>, vector<16xf32>,
      tpu.vector_store %arg8[%swap3A_1100], %broadcast_in_dim3A_1026 {strides = array<i32>} : memref<640xf32, #tpu.memory_space<vmem>>, vector<16xf32>,
      %swap3A_1102 = arith.constant 64 : index
      %swap3A_1103 = tpu.vector_load %arg8[%swap3A_1102] {strides = array<i32>} : memref<640xf32, #tpu.memory_space<vmem>>, vector<16xf32>,
      tpu.vector_store %arg8[%swap3A_1102], %broadcast_in_dim3A_1026 {strides = array<i32>} : memref<640xf32, #tpu.memory_space<vmem>>, vector<16xf32>,
      %swap3A_1104 = arith.constant 80 : index
      %swap3A_1105 = tpu.vector_load %arg8[%swap3A_1104] {strides = array<i32>} : memref<640xf32, #tpu.memory_space<vmem>>, vector<16xf32>,
      tpu.vector_store %arg8[%swap3A_1104], %broadcast_in_dim3A_1026 {strides = array<i32>} : memref<640xf32, #tpu.memory_space<vmem>>, vector<16xf32>,
      %swap3A_1106 = arith.constant 96 : index
      %swap3A_1107 = tpu.vector_load %arg8[%swap3A_1106] {strides = array<i32>} : memref<640xf32, #tpu.memory_space<vmem>>, vector<16xf32>,
      tpu.vector_store %arg8[%swap3A_1106], %broadcast_in_dim3A_1026 {strides = array<i32>} : memref<640xf32, #tpu.memory_space<vmem>>, vector<16xf32>,
      %swap3A_1108 = arith.constant 112 : index
      %swap3A_1109 = tpu.vector_load %arg8[%swap3A_1108] {strides = array<i32>} : memref<640xf32, #tpu.memory_space<vmem>>, vector<16xf32>,
      tpu.vector_store %arg8[%swap3A_1108], %broadcast_in_dim3A_1026 {strides = array<i32>} : memref<640xf32, #tpu.memory_space<vmem>>, vector<16xf32>,
      %swap3A_1110 = arith.constant 128 : index
      %swap3A_1111 = tpu.vector_load %arg8[%swap3A_1110] {strides = array<i32>} : memref<640xf32, #tpu.memory_space<vmem>>, vector<16xf32>,
      tpu.vector_store %arg8[%swap3A_1110], %broadcast_in_dim3A_1026 {strides = array<i32>} : memref<640xf32, #tpu.memory_space<vmem>>, vector<16xf32>,
      %swap3A_1112 = arith.constant 144 : index
      %swap3A_1113 = tpu.vector_load %arg8[%swap3A_1112] {strides = array<i32>} : memref<640xf32, #tpu.memory_space<vmem>>, vector<16xf32>,
      tpu.vector_store %arg8[%swap3A_1112], %broadcast_in_dim3A_1026 {strides = array<i32>} : memref<640xf32, #tpu.memory_space<vmem>>, vector<16xf32>,
      %swap3A_1114 = arith.constant 160 : index
      %swap3A_1115 = tpu.vector_load %arg8[%swap3A_1114] {strides = array<i32>} : memref<640xf32, #tpu.memory_space<vmem>>, vector<16xf32>,
      tpu.vector_store %arg8[%swap3A_1114], %broadcast_in_dim3A_1026 {strides = array<i32>} : memref<640xf32, #tpu.memory_space<vmem>>, vector<16xf32>,
      %swap3A_1116 = arith.constant 176 : index
      %swap3A_1117 = tpu.vector_load %arg8[%swap3A_1116] {strides = array<i32>} : memref<640xf32, #tpu.memory_space<vmem>>, vector<16xf32>,
      tpu.vector_store %arg8[%swap3A_1116], %broadcast_in_dim3A_1026 {strides = array<i32>} : memref<640xf32, #tpu.memory_space<vmem>>, vector<16xf32>,
      %swap3A_1118 = arith.constant 192 : index
      %swap3A_1119 = tpu.vector_load %arg8[%swap3A_1118] {strides = array<i32>} : memref<640xf32, #tpu.memory_space<vmem>>, vector<16xf32>,
      tpu.vector_store %arg8[%swap3A_1118], %broadcast_in_dim3A_1026 {strides = array<i32>} : memref<640xf32, #tpu.memory_space<vmem>>, vector<16xf32>,
      %swap3A_1120 = arith.constant 208 : index
      %swap3A_1121 = tpu.vector_load %arg8[%swap3A_1120] {strides = array<i32>} : memref<640xf32, #tpu.memory_space<vmem>>, vector<16xf32>,
      tpu.vector_store %arg8[%swap3A_1120], %broadcast_in_dim3A_1026 {strides = array<i32>} : memref<640xf32, #tpu.memory_space<vmem>>, vector<16xf32>,
      %swap3A_1122 = arith.constant 224 : index
      %swap3A_1123 = tpu.vector_load %arg8[%swap3A_1122] {strides = array<i32>} : memref<640xf32, #tpu.memory_space<vmem>>, vector<16xf32>,
      tpu.vector_store %arg8[%swap3A_1122], %broadcast_in_dim3A_1026 {strides = array<i32>} : memref<640xf32, #tpu.memory_space<vmem>>, vector<16xf32>,
      %swap3A_1124 = arith.constant 240 : index
      %swap3A_1125 = tpu.vector_load %arg8[%swap3A_1124] {strides = array<i32>} : memref<640xf32, #tpu.memory_space<vmem>>, vector<16xf32>,
      tpu.vector_store %arg8[%swap3A_1124], %broadcast_in_dim3A_1026 {strides = array<i32>} : memref<640xf32, #tpu.memory_space<vmem>>, vector<16xf32>,
      %swap3A_1126 = arith.constant 256 : index
      %swap3A_1127 = tpu.vector_load %arg8[%swap3A_1126] {strides = array<i32>} : memref<640xf32, #tpu.memory_space<vmem>>, vector<16xf32>,
      tpu.vector_store %arg8[%swap3A_1126], %broadcast_in_dim3A_1026 {strides = array<i32>} : memref<640xf32, #tpu.memory_space<vmem>>, vector<16xf32>,
      %swap3A_1128 = arith.constant 272 : index
      %swap3A_1129 = tpu.vector_load %arg8[%swap3A_1128] {strides = array<i32>} : memref<640xf32, #tpu.memory_space<vmem>>, vector<16xf32>,
      tpu.vector_store %arg8[%swap3A_1128], %broadcast_in_dim3A_1026 {strides = array<i32>} : memref<640xf32, #tpu.memory_space<vmem>>, vector<16xf32>,
      %swap3A_1130 = arith.constant 288 : index
      %swap3A_1131 = tpu.vector_load %arg8[%swap3A_1130] {strides = array<i32>} : memref<640xf32, #tpu.memory_space<vmem>>, vector<16xf32>,
      tpu.vector_store %arg8[%swap3A_1130], %broadcast_in_dim3A_1026 {strides = array<i32>} : memref<640xf32, #tpu.memory_space<vmem>>, vector<16xf32>,
      %swap3A_1132 = arith.constant 304 : index
      %swap3A_1133 = tpu.vector_load %arg8[%swap3A_1132] {strides = array<i32>} : memref<640xf32, #tpu.memory_space<vmem>>, vector<16xf32>,
      tpu.vector_store %arg8[%swap3A_1132], %broadcast_in_dim3A_1026 {strides = array<i32>} : memref<640xf32, #tpu.memory_space<vmem>>, vector<16xf32>,
      %swap3A_1134 = arith.constant 320 : index
      %swap3A_1135 = tpu.vector_load %arg8[%swap3A_1134] {strides = array<i32>} : memref<640xf32, #tpu.memory_space<vmem>>, vector<16xf32>,
      tpu.vector_store %arg8[%swap3A_1134], %broadcast_in_dim3A_1026 {strides = array<i32>} : memref<640xf32, #tpu.memory_space<vmem>>, vector<16xf32>,
      %swap3A_1136 = arith.constant 336 : index
      %swap3A_1137 = tpu.vector_load %arg8[%swap3A_1136] {strides = array<i32>} : memref<640xf32, #tpu.memory_space<vmem>>, vector<16xf32>,
      tpu.vector_store %arg8[%swap3A_1136], %broadcast_in_dim3A_1026 {strides = array<i32>} : memref<640xf32, #tpu.memory_space<vmem>>, vector<16xf32>,
      %swap3A_1138 = arith.constant 352 : index
      %swap3A_1139 = tpu.vector_load %arg8[%swap3A_1138] {strides = array<i32>} : memref<640xf32, #tpu.memory_space<vmem>>, vector<16xf32>,
      tpu.vector_store %arg8[%swap3A_1138], %broadcast_in_dim3A_1026 {strides = array<i32>} : memref<640xf32, #tpu.memory_space<vmem>>, vector<16xf32>,
      %swap3A_1140 = arith.constant 368 : index
      %swap3A_1141 = tpu.vector_load %arg8[%swap3A_1140] {strides = array<i32>} : memref<640xf32, #tpu.memory_space<vmem>>, vector<16xf32>,
      tpu.vector_store %arg8[%swap3A_1140], %broadcast_in_dim3A_1026 {strides = array<i32>} : memref<640xf32, #tpu.memory_space<vmem>>, vector<16xf32>,
      %swap3A_1142 = arith.constant 384 : index
      %swap3A_1143 = tpu.vector_load %arg8[%swap3A_1142] {strides = array<i32>} : memref<640xf32, #tpu.memory_space<vmem>>, vector<16xf32>,
      tpu.vector_store %arg8[%swap3A_1142], %broadcast_in_dim3A_1026 {strides = array<i32>} : memref<640xf32, #tpu.memory_space<vmem>>, vector<16xf32>,
      %swap3A_1144 = arith.constant 400 : index
      %swap3A_1145 = tpu.vector_load %arg8[%swap3A_1144] {strides = array<i32>} : memref<640xf32, #tpu.memory_space<vmem>>, vector<16xf32>,
      tpu.vector_store %arg8[%swap3A_1144], %broadcast_in_dim3A_1026 {strides = array<i32>} : memref<640xf32, #tpu.memory_space<vmem>>, vector<16xf32>,
      %swap3A_1146 = arith.constant 416 : index
      %swap3A_1147 = tpu.vector_load %arg8[%swap3A_1146] {strides = array<i32>} : memref<640xf32, #tpu.memory_space<vmem>>, vector<16xf32>,
      tpu.vector_store %arg8[%swap3A_1146], %broadcast_in_dim3A_1026 {strides = array<i32>} : memref<640xf32, #tpu.memory_space<vmem>>, vector<16xf32>,
      %swap3A_1148 = arith.constant 432 : index
      %swap3A_1149 = tpu.vector_load %arg8[%swap3A_1148] {strides = array<i32>} : memref<640xf32, #tpu.memory_space<vmem>>, vector<16xf32>,
      tpu.vector_store %arg8[%swap3A_1148], %broadcast_in_dim3A_1026 {strides = array<i32>} : memref<640xf32, #tpu.memory_space<vmem>>, vector<16xf32>,
      %swap3A_1150 = arith.constant 448 : index
      %swap3A_1151 = tpu.vector_load %arg8[%swap3A_1150] {strides = array<i32>} : memref<640xf32, #tpu.memory_space<vmem>>, vector<16xf32>,
      tpu.vector_store %arg8[%swap3A_1150], %broadcast_in_dim3A_1026 {strides = array<i32>} : memref<640xf32, #tpu.memory_space<vmem>>, vector<16xf32>,
      %swap3A_1152 = arith.constant 464 : index
      %swap3A_1153 = tpu.vector_load %arg8[%swap3A_1152] {strides = array<i32>} : memref<640xf32, #tpu.memory_space<vmem>>, vector<16xf32>,
      tpu.vector_store %arg8[%swap3A_1152], %broadcast_in_dim3A_1026 {strides = array<i32>} : memref<640xf32, #tpu.memory_space<vmem>>, vector<16xf32>,
      %swap3A_1154 = arith.constant 480 : index
      %swap3A_1155 = tpu.vector_load %arg8[%swap3A_1154] {strides = array<i32>} : memref<640xf32, #tpu.memory_space<vmem>>, vector<16xf32>,
      tpu.vector_store %arg8[%swap3A_1154], %broadcast_in_dim3A_1026 {strides = array<i32>} : memref<640xf32, #tpu.memory_space<vmem>>, vector<16xf32>,
      %swap3A_1156 = arith.constant 496 : index
      %swap3A_1157 = tpu.vector_load %arg8[%swap3A_1156] {strides = array<i32>} : memref<640xf32, #tpu.memory_space<vmem>>, vector<16xf32>,
      tpu.vector_store %arg8[%swap3A_1156], %broadcast_in_dim3A_1026 {strides = array<i32>} : memref<640xf32, #tpu.memory_space<vmem>>, vector<16xf32>,
      %swap3A_1158 = arith.constant 512 : index
      %swap3A_1159 = tpu.vector_load %arg8[%swap3A_1158] {strides = array<i32>} : memref<640xf32, #tpu.memory_space<vmem>>, vector<16xf32>,
      tpu.vector_store %arg8[%swap3A_1158], %broadcast_in_dim3A_1026 {strides = array<i32>} : memref<640xf32, #tpu.memory_space<vmem>>, vector<16xf32>,
      %swap3A_1160 = arith.constant 528 : index
      %swap3A_1161 = tpu.vector_load %arg8[%swap3A_1160] {strides = array<i32>} : memref<640xf32, #tpu.memory_space<vmem>>, vector<16xf32>,
      tpu.vector_store %arg8[%swap3A_1160], %broadcast_in_dim3A_1026 {strides = array<i32>} : memref<640xf32, #tpu.memory_space<vmem>>, vector<16xf32>,
      %swap3A_1162 = arith.constant 544 : index
      %swap3A_1163 = tpu.vector_load %arg8[%swap3A_1162] {strides = array<i32>} : memref<640xf32, #tpu.memory_space<vmem>>, vector<16xf32>,
      tpu.vector_store %arg8[%swap3A_1162], %broadcast_in_dim3A_1026 {strides = array<i32>} : memref<640xf32, #tpu.memory_space<vmem>>, vector<16xf32>,
      %swap3A_1164 = arith.constant 560 : index
      %swap3A_1165 = tpu.vector_load %arg8[%swap3A_1164] {strides = array<i32>} : memref<640xf32, #tpu.memory_space<vmem>>, vector<16xf32>,
      tpu.vector_store %arg8[%swap3A_1164], %broadcast_in_dim3A_1026 {strides = array<i32>} : memref<640xf32, #tpu.memory_space<vmem>>, vector<16xf32>,
      %swap3A_1166 = arith.constant 576 : index
      %swap3A_1167 = tpu.vector_load %arg8[%swap3A_1166] {strides = array<i32>} : memref<640xf32, #tpu.memory_space<vmem>>, vector<16xf32>,
      tpu.vector_store %arg8[%swap3A_1166], %broadcast_in_dim3A_1026 {strides = array<i32>} : memref<640xf32, #tpu.memory_space<vmem>>, vector<16xf32>,
      %swap3A_1168 = arith.constant 592 : index
      %swap3A_1169 = tpu.vector_load %arg8[%swap3A_1168] {strides = array<i32>} : memref<640xf32, #tpu.memory_space<vmem>>, vector<16xf32>,
      tpu.vector_store %arg8[%swap3A_1168], %broadcast_in_dim3A_1026 {strides = array<i32>} : memref<640xf32, #tpu.memory_space<vmem>>, vector<16xf32>,
      %swap3A_1170 = arith.constant 608 : index
      %swap3A_1171 = tpu.vector_load %arg8[%swap3A_1170] {strides = array<i32>} : memref<640xf32, #tpu.memory_space<vmem>>, vector<16xf32>,
      tpu.vector_store %arg8[%swap3A_1170], %broadcast_in_dim3A_1026 {strides = array<i32>} : memref<640xf32, #tpu.memory_space<vmem>>, vector<16xf32>,
      %swap3A_1172 = arith.constant 624 : index
      %swap3A_1173 = tpu.vector_load %arg8[%swap3A_1172] {strides = array<i32>} : memref<640xf32, #tpu.memory_space<vmem>>, vector<16xf32>,
      tpu.vector_store %arg8[%swap3A_1172], %broadcast_in_dim3A_1026 {strides = array<i32>} : memref<640xf32, #tpu.memory_space<vmem>>, vector<16xf32>,
      %mul3A_1174 = arith.constant 16 : i32
      %mul3A_1175 = arith.muli %scan3A_1094, %mul3A_1174 : i32
      %add3A_1176 = vector.broadcast %mul3A_1175 : i32 to vector<16xi32>
      %add3A_1177 = arith.addi %add3A_1176, %iota3A : vector<16xi32>
      %mul3A_1178 = arith.constant 200 : i32
      %mul3A_1179 = vector.broadcast %mul3A_1178 : i32 to vector<16xi32>
      %mul3A_1180 = arith.muli %add3A_1177, %mul3A_1179 : vector<16xi32>
      %parallel_loop3A = arith.constant 0 : i32
      %parallel_loop3A_1181 = arith.constant 200 : i32
      %parallel_loop3A_1182 = arith.constant 4 : i32
      scf.for %parallel_loop3A_1522 = %parallel_loop3A to %parallel_loop3A_1181 step %parallel_loop3A_1182  : i32 {
        %parallel_loop3A_1523 = vector.broadcast %parallel_loop3A_1522 : i32 to vector<16xi32>
        %parallel_loop3A_1524 = arith.addi %mul3A_1180, %parallel_loop3A_1523 : vector<16xi32>
        %parallel_loop3A_1525 = arith.constant 0 : i32
        %parallel_loop3A_1526 = vector.broadcast %parallel_loop3A_1525 : i32 to vector<16xi32>
        %parallel_loop3A_1527 = arith.addi %parallel_loop3A_1524, %parallel_loop3A_1526 : vector<16xi32>
        %parallel_loop3A_1528 = tpu.vector_load_idx %arg6[%parallel_loop3A_1527] : memref<25600xi32, #tpu.memory_space<vmem>>[vector<16xi32>], vector<16xi32>,
        %parallel_loop3A_1529 = arith.constant 16 : i32
        %parallel_loop3A_1530 = vector.broadcast %parallel_loop3A_1529 : i32 to vector<16xi32>
        %parallel_loop3A_1531 = arith.muli %parallel_loop3A_1528, %parallel_loop3A_1530 : vector<16xi32>
        %parallel_loop3A_1532 = arith.addi %parallel_loop3A_1531, %add3A_1029 : vector<16xi32>
        tpu.vector_store_idx %arg8[%parallel_loop3A_1532], %broadcast_in_dim3A_1024 {add = true} : memref<640xf32, #tpu.memory_space<vmem>>[vector<16xi32>], vector<16xf32>,
        %parallel_loop3A_1533 = arith.constant 1 : i32
        %parallel_loop3A_1534 = vector.broadcast %parallel_loop3A_1533 : i32 to vector<16xi32>
        %parallel_loop3A_1535 = arith.addi %parallel_loop3A_1524, %parallel_loop3A_1534 : vector<16xi32>
        %parallel_loop3A_1536 = tpu.vector_load_idx %arg6[%parallel_loop3A_1535] : memref<25600xi32, #tpu.memory_space<vmem>>[vector<16xi32>], vector<16xi32>,
        %parallel_loop3A_1537 = arith.constant 16 : i32
        %parallel_loop3A_1538 = vector.broadcast %parallel_loop3A_1537 : i32 to vector<16xi32>
        %parallel_loop3A_1539 = arith.muli %parallel_loop3A_1536, %parallel_loop3A_1538 : vector<16xi32>
        %parallel_loop3A_1540 = arith.addi %parallel_loop3A_1539, %add3A_1032 : vector<16xi32>
        tpu.vector_store_idx %arg8[%parallel_loop3A_1540], %broadcast_in_dim3A_1024 {add = true} : memref<640xf32, #tpu.memory_space<vmem>>[vector<16xi32>], vector<16xf32>,
        %parallel_loop3A_1541 = arith.constant 2 : i32
        %parallel_loop3A_1542 = vector.broadcast %parallel_loop3A_1541 : i32 to vector<16xi32>
        %parallel_loop3A_1543 = arith.addi %parallel_loop3A_1524, %parallel_loop3A_1542 : vector<16xi32>
        %parallel_loop3A_1544 = tpu.vector_load_idx %arg6[%parallel_loop3A_1543] : memref<25600xi32, #tpu.memory_space<vmem>>[vector<16xi32>], vector<16xi32>,
        %parallel_loop3A_1545 = arith.constant 16 : i32
        %parallel_loop3A_1546 = vector.broadcast %parallel_loop3A_1545 : i32 to vector<16xi32>
        %parallel_loop3A_1547 = arith.muli %parallel_loop3A_1544, %parallel_loop3A_1546 : vector<16xi32>
        %parallel_loop3A_1548 = arith.addi %parallel_loop3A_1547, %add3A_1035 : vector<16xi32>
        tpu.vector_store_idx %arg8[%parallel_loop3A_1548], %broadcast_in_dim3A_1024 {add = true} : memref<640xf32, #tpu.memory_space<vmem>>[vector<16xi32>], vector<16xf32>,
        %parallel_loop3A_1549 = arith.constant 3 : i32
        %parallel_loop3A_1550 = vector.broadcast %parallel_loop3A_1549 : i32 to vector<16xi32>
        %parallel_loop3A_1551 = arith.addi %parallel_loop3A_1524, %parallel_loop3A_1550 : vector<16xi32>
        %parallel_loop3A_1552 = tpu.vector_load_idx %arg6[%parallel_loop3A_1551] : memref<25600xi32, #tpu.memory_space<vmem>>[vector<16xi32>], vector<16xi32>,
        %parallel_loop3A_1553 = arith.constant 16 : i32
        %parallel_loop3A_1554 = vector.broadcast %parallel_loop3A_1553 : i32 to vector<16xi32>
        %parallel_loop3A_1555 = arith.muli %parallel_loop3A_1552, %parallel_loop3A_1554 : vector<16xi32>
        %parallel_loop3A_1556 = arith.addi %parallel_loop3A_1555, %add3A_1038 : vector<16xi32>
        tpu.vector_store_idx %arg8[%parallel_loop3A_1556], %broadcast_in_dim3A_1024 {add = true} : memref<640xf32, #tpu.memory_space<vmem>>[vector<16xi32>], vector<16xf32>,
      } {sc.loop_unroll_factor = 5 : i64, sc.parallel_access}
      %get3A_1183 = arith.constant 0 : index
      %get3A_1184 = tpu.vector_load %arg8[%get3A_1183] {strides = array<i32>} : memref<640xf32, #tpu.memory_space<vmem>>, vector<16xf32>,
      %get3A_1185 = arith.constant 160 : index
      %get3A_1186 = tpu.vector_load %arg8[%get3A_1185] {strides = array<i32>} : memref<640xf32, #tpu.memory_space<vmem>>, vector<16xf32>,
      %add3A_1187 = arith.addf %get3A_1184, %get3A_1186 : vector<16xf32>
      %get3A_1188 = arith.constant 320 : index
      %get3A_1189 = tpu.vector_load %arg8[%get3A_1188] {strides = array<i32>} : memref<640xf32, #tpu.memory_space<vmem>>, vector<16xf32>,
      %add3A_1190 = arith.addf %add3A_1187, %get3A_1189 : vector<16xf32>
      %get3A_1191 = arith.constant 480 : index
      %get3A_1192 = tpu.vector_load %arg8[%get3A_1191] {strides = array<i32>} : memref<640xf32, #tpu.memory_space<vmem>>, vector<16xf32>,
      %add3A_1193 = arith.addf %add3A_1190, %get3A_1192 : vector<16xf32>
      %get3A_1194 = arith.constant 16 : index
      %get3A_1195 = tpu.vector_load %arg8[%get3A_1194] {strides = array<i32>} : memref<640xf32, #tpu.memory_space<vmem>>, vector<16xf32>,
      %get3A_1196 = arith.constant 176 : index
      %get3A_1197 = tpu.vector_load %arg8[%get3A_1196] {strides = array<i32>} : memref<640xf32, #tpu.memory_space<vmem>>, vector<16xf32>,
      %add3A_1198 = arith.addf %get3A_1195, %get3A_1197 : vector<16xf32>
      %get3A_1199 = arith.constant 336 : index
      %get3A_1200 = tpu.vector_load %arg8[%get3A_1199] {strides = array<i32>} : memref<640xf32, #tpu.memory_space<vmem>>, vector<16xf32>,
      %add3A_1201 = arith.addf %add3A_1198, %get3A_1200 : vector<16xf32>
      %get3A_1202 = arith.constant 496 : index
      %get3A_1203 = tpu.vector_load %arg8[%get3A_1202] {strides = array<i32>} : memref<640xf32, #tpu.memory_space<vmem>>, vector<16xf32>,
      %add3A_1204 = arith.addf %add3A_1201, %get3A_1203 : vector<16xf32>
      %get3A_1205 = arith.constant 32 : index
      %get3A_1206 = tpu.vector_load %arg8[%get3A_1205] {strides = array<i32>} : memref<640xf32, #tpu.memory_space<vmem>>, vector<16xf32>,
      %get3A_1207 = arith.constant 192 : index
      %get3A_1208 = tpu.vector_load %arg8[%get3A_1207] {strides = array<i32>} : memref<640xf32, #tpu.memory_space<vmem>>, vector<16xf32>,
      %add3A_1209 = arith.addf %get3A_1206, %get3A_1208 : vector<16xf32>
      %get3A_1210 = arith.constant 352 : index
      %get3A_1211 = tpu.vector_load %arg8[%get3A_1210] {strides = array<i32>} : memref<640xf32, #tpu.memory_space<vmem>>, vector<16xf32>,
      %add3A_1212 = arith.addf %add3A_1209, %get3A_1211 : vector<16xf32>
      %get3A_1213 = arith.constant 512 : index
      %get3A_1214 = tpu.vector_load %arg8[%get3A_1213] {strides = array<i32>} : memref<640xf32, #tpu.memory_space<vmem>>, vector<16xf32>,
      %add3A_1215 = arith.addf %add3A_1212, %get3A_1214 : vector<16xf32>
      %get3A_1216 = arith.constant 48 : index
      %get3A_1217 = tpu.vector_load %arg8[%get3A_1216] {strides = array<i32>} : memref<640xf32, #tpu.memory_space<vmem>>, vector<16xf32>,
      %get3A_1218 = arith.constant 208 : index
      %get3A_1219 = tpu.vector_load %arg8[%get3A_1218] {strides = array<i32>} : memref<640xf32, #tpu.memory_space<vmem>>, vector<16xf32>,
      %add3A_1220 = arith.addf %get3A_1217, %get3A_1219 : vector<16xf32>
      %get3A_1221 = arith.constant 368 : index
      %get3A_1222 = tpu.vector_load %arg8[%get3A_1221] {strides = array<i32>} : memref<640xf32, #tpu.memory_space<vmem>>, vector<16xf32>,
      %add3A_1223 = arith.addf %add3A_1220, %get3A_1222 : vector<16xf32>
      %get3A_1224 = arith.constant 528 : index
      %get3A_1225 = tpu.vector_load %arg8[%get3A_1224] {strides = array<i32>} : memref<640xf32, #tpu.memory_space<vmem>>, vector<16xf32>,
      %add3A_1226 = arith.addf %add3A_1223, %get3A_1225 : vector<16xf32>
      %get3A_1227 = arith.constant 64 : index
      %get3A_1228 = tpu.vector_load %arg8[%get3A_1227] {strides = array<i32>} : memref<640xf32, #tpu.memory_space<vmem>>, vector<16xf32>,
      %get3A_1229 = arith.constant 224 : index
      %get3A_1230 = tpu.vector_load %arg8[%get3A_1229] {strides = array<i32>} : memref<640xf32, #tpu.memory_space<vmem>>, vector<16xf32>,
      %add3A_1231 = arith.addf %get3A_1228, %get3A_1230 : vector<16xf32>
      %get3A_1232 = arith.constant 384 : index
      %get3A_1233 = tpu.vector_load %arg8[%get3A_1232] {strides = array<i32>} : memref<640xf32, #tpu.memory_space<vmem>>, vector<16xf32>,
      %add3A_1234 = arith.addf %add3A_1231, %get3A_1233 : vector<16xf32>
      %get3A_1235 = arith.constant 544 : index
      %get3A_1236 = tpu.vector_load %arg8[%get3A_1235] {strides = array<i32>} : memref<640xf32, #tpu.memory_space<vmem>>, vector<16xf32>,
      %add3A_1237 = arith.addf %add3A_1234, %get3A_1236 : vector<16xf32>
      %get3A_1238 = arith.constant 80 : index
      %get3A_1239 = tpu.vector_load %arg8[%get3A_1238] {strides = array<i32>} : memref<640xf32, #tpu.memory_space<vmem>>, vector<16xf32>,
      %get3A_1240 = arith.constant 240 : index
      %get3A_1241 = tpu.vector_load %arg8[%get3A_1240] {strides = array<i32>} : memref<640xf32, #tpu.memory_space<vmem>>, vector<16xf32>,
      %add3A_1242 = arith.addf %get3A_1239, %get3A_1241 : vector<16xf32>
      %get3A_1243 = arith.constant 400 : index
      %get3A_1244 = tpu.vector_load %arg8[%get3A_1243] {strides = array<i32>} : memref<640xf32, #tpu.memory_space<vmem>>, vector<16xf32>,
      %add3A_1245 = arith.addf %add3A_1242, %get3A_1244 : vector<16xf32>
      %get3A_1246 = arith.constant 560 : index
      %get3A_1247 = tpu.vector_load %arg8[%get3A_1246] {strides = array<i32>} : memref<640xf32, #tpu.memory_space<vmem>>, vector<16xf32>,
      %add3A_1248 = arith.addf %add3A_1245, %get3A_1247 : vector<16xf32>
      %get3A_1249 = arith.constant 96 : index
      %get3A_1250 = tpu.vector_load %arg8[%get3A_1249] {strides = array<i32>} : memref<640xf32, #tpu.memory_space<vmem>>, vector<16xf32>,
      %get3A_1251 = arith.constant 256 : index
      %get3A_1252 = tpu.vector_load %arg8[%get3A_1251] {strides = array<i32>} : memref<640xf32, #tpu.memory_space<vmem>>, vector<16xf32>,
      %add3A_1253 = arith.addf %get3A_1250, %get3A_1252 : vector<16xf32>
      %get3A_1254 = arith.constant 416 : index
      %get3A_1255 = tpu.vector_load %arg8[%get3A_1254] {strides = array<i32>} : memref<640xf32, #tpu.memory_space<vmem>>, vector<16xf32>,
      %add3A_1256 = arith.addf %add3A_1253, %get3A_1255 : vector<16xf32>
      %get3A_1257 = arith.constant 576 : index
      %get3A_1258 = tpu.vector_load %arg8[%get3A_1257] {strides = array<i32>} : memref<640xf32, #tpu.memory_space<vmem>>, vector<16xf32>,
      %add3A_1259 = arith.addf %add3A_1256, %get3A_1258 : vector<16xf32>
      %get3A_1260 = arith.constant 112 : index
      %get3A_1261 = tpu.vector_load %arg8[%get3A_1260] {strides = array<i32>} : memref<640xf32, #tpu.memory_space<vmem>>, vector<16xf32>,
      %get3A_1262 = arith.constant 272 : index
      %get3A_1263 = tpu.vector_load %arg8[%get3A_1262] {strides = array<i32>} : memref<640xf32, #tpu.memory_space<vmem>>, vector<16xf32>,
      %add3A_1264 = arith.addf %get3A_1261, %get3A_1263 : vector<16xf32>
      %get3A_1265 = arith.constant 432 : index
      %get3A_1266 = tpu.vector_load %arg8[%get3A_1265] {strides = array<i32>} : memref<640xf32, #tpu.memory_space<vmem>>, vector<16xf32>,
      %add3A_1267 = arith.addf %add3A_1264, %get3A_1266 : vector<16xf32>
      %get3A_1268 = arith.constant 592 : index
      %get3A_1269 = tpu.vector_load %arg8[%get3A_1268] {strides = array<i32>} : memref<640xf32, #tpu.memory_space<vmem>>, vector<16xf32>,
      %add3A_1270 = arith.addf %add3A_1267, %get3A_1269 : vector<16xf32>
      %get3A_1271 = arith.constant 128 : index
      %get3A_1272 = tpu.vector_load %arg8[%get3A_1271] {strides = array<i32>} : memref<640xf32, #tpu.memory_space<vmem>>, vector<16xf32>,
      %get3A_1273 = arith.constant 288 : index
      %get3A_1274 = tpu.vector_load %arg8[%get3A_1273] {strides = array<i32>} : memref<640xf32, #tpu.memory_space<vmem>>, vector<16xf32>,
      %add3A_1275 = arith.addf %get3A_1272, %get3A_1274 : vector<16xf32>
      %get3A_1276 = arith.constant 448 : index
      %get3A_1277 = tpu.vector_load %arg8[%get3A_1276] {strides = array<i32>} : memref<640xf32, #tpu.memory_space<vmem>>, vector<16xf32>,
      %add3A_1278 = arith.addf %add3A_1275, %get3A_1277 : vector<16xf32>
      %get3A_1279 = arith.constant 608 : index
      %get3A_1280 = tpu.vector_load %arg8[%get3A_1279] {strides = array<i32>} : memref<640xf32, #tpu.memory_space<vmem>>, vector<16xf32>,
      %add3A_1281 = arith.addf %add3A_1278, %get3A_1280 : vector<16xf32>
      %get3A_1282 = arith.constant 144 : index
      %get3A_1283 = tpu.vector_load %arg8[%get3A_1282] {strides = array<i32>} : memref<640xf32, #tpu.memory_space<vmem>>, vector<16xf32>,
      %get3A_1284 = arith.constant 304 : index
      %get3A_1285 = tpu.vector_load %arg8[%get3A_1284] {strides = array<i32>} : memref<640xf32, #tpu.memory_space<vmem>>, vector<16xf32>,
      %add3A_1286 = arith.addf %get3A_1283, %get3A_1285 : vector<16xf32>
      %get3A_1287 = arith.constant 464 : index
      %get3A_1288 = tpu.vector_load %arg8[%get3A_1287] {strides = array<i32>} : memref<640xf32, #tpu.memory_space<vmem>>, vector<16xf32>,
      %add3A_1289 = arith.addf %add3A_1286, %get3A_1288 : vector<16xf32>
      %get3A_1290 = arith.constant 624 : index
      %get3A_1291 = tpu.vector_load %arg8[%get3A_1290] {strides = array<i32>} : memref<640xf32, #tpu.memory_space<vmem>>, vector<16xf32>,
      %add3A_1292 = arith.addf %add3A_1289, %get3A_1291 : vector<16xf32>
      %mul3A_1293 = vector.broadcast %mul3A_258 : f32 to vector<16xf32>
      %mul3A_1294 = arith.mulf %add3A_1193, %mul3A_1293 : vector<16xf32>
      %mul3A_1295 = vector.broadcast %mul3A_334 : f32 to vector<16xf32>
      %mul3A_1296 = arith.mulf %add3A_1204, %mul3A_1295 : vector<16xf32>
      %add3A_1297 = arith.addf %mul3A_1294, %mul3A_1296 : vector<16xf32>
      %mul3A_1298 = vector.broadcast %mul3A_410 : f32 to vector<16xf32>
      %mul3A_1299 = arith.mulf %add3A_1215, %mul3A_1298 : vector<16xf32>
      %add3A_1300 = arith.addf %add3A_1297, %mul3A_1299 : vector<16xf32>
      %mul3A_1301 = vector.broadcast %mul3A_486 : f32 to vector<16xf32>
      %mul3A_1302 = arith.mulf %add3A_1226, %mul3A_1301 : vector<16xf32>
      %add3A_1303 = arith.addf %add3A_1300, %mul3A_1302 : vector<16xf32>
      %mul3A_1304 = vector.broadcast %mul3A_562 : f32 to vector<16xf32>
      %mul3A_1305 = arith.mulf %add3A_1237, %mul3A_1304 : vector<16xf32>
      %add3A_1306 = arith.addf %add3A_1303, %mul3A_1305 : vector<16xf32>
      %mul3A_1307 = vector.broadcast %mul3A_638 : f32 to vector<16xf32>
      %mul3A_1308 = arith.mulf %add3A_1248, %mul3A_1307 : vector<16xf32>
      %add3A_1309 = arith.addf %add3A_1306, %mul3A_1308 : vector<16xf32>
      %mul3A_1310 = vector.broadcast %mul3A_714 : f32 to vector<16xf32>
      %mul3A_1311 = arith.mulf %add3A_1259, %mul3A_1310 : vector<16xf32>
      %add3A_1312 = arith.addf %add3A_1309, %mul3A_1311 : vector<16xf32>
      %mul3A_1313 = vector.broadcast %mul3A_790 : f32 to vector<16xf32>
      %mul3A_1314 = arith.mulf %add3A_1270, %mul3A_1313 : vector<16xf32>
      %add3A_1315 = arith.addf %add3A_1312, %mul3A_1314 : vector<16xf32>
      %mul3A_1316 = vector.broadcast %mul3A_866 : f32 to vector<16xf32>
      %mul3A_1317 = arith.mulf %add3A_1281, %mul3A_1316 : vector<16xf32>
      %add3A_1318 = arith.addf %add3A_1315, %mul3A_1317 : vector<16xf32>
      %mul3A_1319 = vector.broadcast %mul3A_942 : f32 to vector<16xf32>
      %mul3A_1320 = arith.mulf %add3A_1292, %mul3A_1319 : vector<16xf32>
      %add3A_1321 = arith.addf %add3A_1318, %mul3A_1320 : vector<16xf32>
      %add3A_1322 = vector.broadcast %squeeze3A_1001 : f32 to vector<16xf32>
      %add3A_1323 = arith.addf %add3A_1321, %add3A_1322 : vector<16xf32>
      %mul3A_1324 = vector.broadcast %mul3A_277 : f32 to vector<16xf32>
      %mul3A_1325 = arith.mulf %add3A_1193, %mul3A_1324 : vector<16xf32>
      %mul3A_1326 = vector.broadcast %mul3A_353 : f32 to vector<16xf32>
      %mul3A_1327 = arith.mulf %add3A_1204, %mul3A_1326 : vector<16xf32>
      %add3A_1328 = arith.addf %mul3A_1325, %mul3A_1327 : vector<16xf32>
      %mul3A_1329 = vector.broadcast %mul3A_429 : f32 to vector<16xf32>
      %mul3A_1330 = arith.mulf %add3A_1215, %mul3A_1329 : vector<16xf32>
      %add3A_1331 = arith.addf %add3A_1328, %mul3A_1330 : vector<16xf32>
      %mul3A_1332 = vector.broadcast %mul3A_505 : f32 to vector<16xf32>
      %mul3A_1333 = arith.mulf %add3A_1226, %mul3A_1332 : vector<16xf32>
      %add3A_1334 = arith.addf %add3A_1331, %mul3A_1333 : vector<16xf32>
      %mul3A_1335 = vector.broadcast %mul3A_581 : f32 to vector<16xf32>
      %mul3A_1336 = arith.mulf %add3A_1237, %mul3A_1335 : vector<16xf32>
      %add3A_1337 = arith.addf %add3A_1334, %mul3A_1336 : vector<16xf32>
      %mul3A_1338 = vector.broadcast %mul3A_657 : f32 to vector<16xf32>
      %mul3A_1339 = arith.mulf %add3A_1248, %mul3A_1338 : vector<16xf32>
      %add3A_1340 = arith.addf %add3A_1337, %mul3A_1339 : vector<16xf32>
      %mul3A_1341 = vector.broadcast %mul3A_733 : f32 to vector<16xf32>
      %mul3A_1342 = arith.mulf %add3A_1259, %mul3A_1341 : vector<16xf32>
      %add3A_1343 = arith.addf %add3A_1340, %mul3A_1342 : vector<16xf32>
      %mul3A_1344 = vector.broadcast %mul3A_809 : f32 to vector<16xf32>
      %mul3A_1345 = arith.mulf %add3A_1270, %mul3A_1344 : vector<16xf32>
      %add3A_1346 = arith.addf %add3A_1343, %mul3A_1345 : vector<16xf32>
      %mul3A_1347 = vector.broadcast %mul3A_885 : f32 to vector<16xf32>
      %mul3A_1348 = arith.mulf %add3A_1281, %mul3A_1347 : vector<16xf32>
      %add3A_1349 = arith.addf %add3A_1346, %mul3A_1348 : vector<16xf32>
      %mul3A_1350 = vector.broadcast %mul3A_961 : f32 to vector<16xf32>
      %mul3A_1351 = arith.mulf %add3A_1292, %mul3A_1350 : vector<16xf32>
      %add3A_1352 = arith.addf %add3A_1349, %mul3A_1351 : vector<16xf32>
      %add3A_1353 = vector.broadcast %squeeze3A_1003 : f32 to vector<16xf32>
      %add3A_1354 = arith.addf %add3A_1352, %add3A_1353 : vector<16xf32>
      %mul3A_1355 = vector.broadcast %mul3A_296 : f32 to vector<16xf32>
      %mul3A_1356 = arith.mulf %add3A_1193, %mul3A_1355 : vector<16xf32>
      %mul3A_1357 = vector.broadcast %mul3A_372 : f32 to vector<16xf32>
      %mul3A_1358 = arith.mulf %add3A_1204, %mul3A_1357 : vector<16xf32>
      %add3A_1359 = arith.addf %mul3A_1356, %mul3A_1358 : vector<16xf32>
      %mul3A_1360 = vector.broadcast %mul3A_448 : f32 to vector<16xf32>
      %mul3A_1361 = arith.mulf %add3A_1215, %mul3A_1360 : vector<16xf32>
      %add3A_1362 = arith.addf %add3A_1359, %mul3A_1361 : vector<16xf32>
      %mul3A_1363 = vector.broadcast %mul3A_524 : f32 to vector<16xf32>
      %mul3A_1364 = arith.mulf %add3A_1226, %mul3A_1363 : vector<16xf32>
      %add3A_1365 = arith.addf %add3A_1362, %mul3A_1364 : vector<16xf32>
      %mul3A_1366 = vector.broadcast %mul3A_600 : f32 to vector<16xf32>
      %mul3A_1367 = arith.mulf %add3A_1237, %mul3A_1366 : vector<16xf32>
      %add3A_1368 = arith.addf %add3A_1365, %mul3A_1367 : vector<16xf32>
      %mul3A_1369 = vector.broadcast %mul3A_676 : f32 to vector<16xf32>
      %mul3A_1370 = arith.mulf %add3A_1248, %mul3A_1369 : vector<16xf32>
      %add3A_1371 = arith.addf %add3A_1368, %mul3A_1370 : vector<16xf32>
      %mul3A_1372 = vector.broadcast %mul3A_752 : f32 to vector<16xf32>
      %mul3A_1373 = arith.mulf %add3A_1259, %mul3A_1372 : vector<16xf32>
      %add3A_1374 = arith.addf %add3A_1371, %mul3A_1373 : vector<16xf32>
      %mul3A_1375 = vector.broadcast %mul3A_828 : f32 to vector<16xf32>
      %mul3A_1376 = arith.mulf %add3A_1270, %mul3A_1375 : vector<16xf32>
      %add3A_1377 = arith.addf %add3A_1374, %mul3A_1376 : vector<16xf32>
      %mul3A_1378 = vector.broadcast %mul3A_904 : f32 to vector<16xf32>
      %mul3A_1379 = arith.mulf %add3A_1281, %mul3A_1378 : vector<16xf32>
      %add3A_1380 = arith.addf %add3A_1377, %mul3A_1379 : vector<16xf32>
      %mul3A_1381 = vector.broadcast %mul3A_980 : f32 to vector<16xf32>
      %mul3A_1382 = arith.mulf %add3A_1292, %mul3A_1381 : vector<16xf32>
      %add3A_1383 = arith.addf %add3A_1380, %mul3A_1382 : vector<16xf32>
      %add3A_1384 = vector.broadcast %squeeze3A_1005 : f32 to vector<16xf32>
      %add3A_1385 = arith.addf %add3A_1383, %add3A_1384 : vector<16xf32>
      %mul3A_1386 = vector.broadcast %mul3A_315 : f32 to vector<16xf32>
      %mul3A_1387 = arith.mulf %add3A_1193, %mul3A_1386 : vector<16xf32>
      %mul3A_1388 = vector.broadcast %mul3A_391 : f32 to vector<16xf32>
      %mul3A_1389 = arith.mulf %add3A_1204, %mul3A_1388 : vector<16xf32>
      %add3A_1390 = arith.addf %mul3A_1387, %mul3A_1389 : vector<16xf32>
      %mul3A_1391 = vector.broadcast %mul3A_467 : f32 to vector<16xf32>
      %mul3A_1392 = arith.mulf %add3A_1215, %mul3A_1391 : vector<16xf32>
      %add3A_1393 = arith.addf %add3A_1390, %mul3A_1392 : vector<16xf32>
      %mul3A_1394 = vector.broadcast %mul3A_543 : f32 to vector<16xf32>
      %mul3A_1395 = arith.mulf %add3A_1226, %mul3A_1394 : vector<16xf32>
      %add3A_1396 = arith.addf %add3A_1393, %mul3A_1395 : vector<16xf32>
      %mul3A_1397 = vector.broadcast %mul3A_619 : f32 to vector<16xf32>
      %mul3A_1398 = arith.mulf %add3A_1237, %mul3A_1397 : vector<16xf32>
      %add3A_1399 = arith.addf %add3A_1396, %mul3A_1398 : vector<16xf32>
      %mul3A_1400 = vector.broadcast %mul3A_695 : f32 to vector<16xf32>
      %mul3A_1401 = arith.mulf %add3A_1248, %mul3A_1400 : vector<16xf32>
      %add3A_1402 = arith.addf %add3A_1399, %mul3A_1401 : vector<16xf32>
      %mul3A_1403 = vector.broadcast %mul3A_771 : f32 to vector<16xf32>
      %mul3A_1404 = arith.mulf %add3A_1259, %mul3A_1403 : vector<16xf32>
      %add3A_1405 = arith.addf %add3A_1402, %mul3A_1404 : vector<16xf32>
      %mul3A_1406 = vector.broadcast %mul3A_847 : f32 to vector<16xf32>
      %mul3A_1407 = arith.mulf %add3A_1270, %mul3A_1406 : vector<16xf32>
      %add3A_1408 = arith.addf %add3A_1405, %mul3A_1407 : vector<16xf32>
      %mul3A_1409 = vector.broadcast %mul3A_923 : f32 to vector<16xf32>
      %mul3A_1410 = arith.mulf %add3A_1281, %mul3A_1409 : vector<16xf32>
      %add3A_1411 = arith.addf %add3A_1408, %mul3A_1410 : vector<16xf32>
      %mul3A_1412 = vector.broadcast %mul3A_999 : f32 to vector<16xf32>
      %mul3A_1413 = arith.mulf %add3A_1292, %mul3A_1412 : vector<16xf32>
      %add3A_1414 = arith.addf %add3A_1411, %mul3A_1413 : vector<16xf32>
      %add3A_1415 = vector.broadcast %squeeze3A_1007 : f32 to vector<16xf32>
      %add3A_1416 = arith.addf %add3A_1414, %add3A_1415 : vector<16xf32>
      %add3A_1417 = arith.addf %add3A_1323, %add3A_1354 : vector<16xf32>
      %add3A_1418 = arith.addf %add3A_1417, %add3A_1385 : vector<16xf32>
      %add3A_1419 = arith.addf %add3A_1418, %add3A_1416 : vector<16xf32>
      %mul3A_1420 = arith.constant 2.500000e-01 : f32
      %mul3A_1421 = vector.broadcast %mul3A_1420 : f32 to vector<16xf32>
      %mul3A_1422 = arith.mulf %add3A_1419, %mul3A_1421 : vector<16xf32>
      %sub3A = arith.subf %add3A_1323, %mul3A_1422 : vector<16xf32>
      %sub3A_1423 = arith.subf %add3A_1354, %mul3A_1422 : vector<16xf32>
      %sub3A_1424 = arith.subf %add3A_1385, %mul3A_1422 : vector<16xf32>
      %sub3A_1425 = arith.subf %add3A_1416, %mul3A_1422 : vector<16xf32>
      %mul3A_1426 = arith.mulf %sub3A, %sub3A : vector<16xf32>
      %mul3A_1427 = arith.mulf %sub3A_1423, %sub3A_1423 : vector<16xf32>
      %add3A_1428 = arith.addf %mul3A_1426, %mul3A_1427 : vector<16xf32>
      %mul3A_1429 = arith.mulf %sub3A_1424, %sub3A_1424 : vector<16xf32>
      %add3A_1430 = arith.addf %add3A_1428, %mul3A_1429 : vector<16xf32>
      %mul3A_1431 = arith.mulf %sub3A_1425, %sub3A_1425 : vector<16xf32>
      %add3A_1432 = arith.addf %add3A_1430, %mul3A_1431 : vector<16xf32>
      %mul3A_1433 = arith.constant 2.500000e-01 : f32
      %mul3A_1434 = vector.broadcast %mul3A_1433 : f32 to vector<16xf32>
      %mul3A_1435 = arith.mulf %add3A_1432, %mul3A_1434 : vector<16xf32>
      %add3A_1436 = arith.constant 9.99999974E-6 : f32
      %add3A_1437 = vector.broadcast %add3A_1436 : f32 to vector<16xf32>
      %add3A_1438 = arith.addf %mul3A_1435, %add3A_1437 : vector<16xf32>
      %bitcast3A = vector.bitcast %add3A_1438 : vector<16xf32> to vector<16xi32>
      %shift_right_arithmetic3A = arith.constant 1 : i32
      %shift_right_arithmetic3A_1439 = vector.broadcast %shift_right_arithmetic3A : i32 to vector<16xi32>
      %shift_right_arithmetic3A_1440 = arith.shrsi %bitcast3A, %shift_right_arithmetic3A_1439 : vector<16xi32>
      %sub3A_1441 = arith.constant 1597463007 : i32
      %sub3A_1442 = vector.broadcast %sub3A_1441 : i32 to vector<16xi32>
      %sub3A_1443 = arith.subi %sub3A_1442, %shift_right_arithmetic3A_1440 : vector<16xi32>
      %bitcast3A_1444 = vector.bitcast %sub3A_1443 : vector<16xi32> to vector<16xf32>
      %mul3A_1445 = arith.constant 5.000000e-01 : f32
      %mul3A_1446 = vector.broadcast %mul3A_1445 : f32 to vector<16xf32>
      %mul3A_1447 = arith.mulf %mul3A_1446, %add3A_1438 : vector<16xf32>
      %mul3A_1448 = arith.mulf %mul3A_1447, %bitcast3A_1444 : vector<16xf32>
      %mul3A_1449 = arith.mulf %mul3A_1448, %bitcast3A_1444 : vector<16xf32>
      %sub3A_1450 = arith.constant 1.500000e+00 : f32
      %sub3A_1451 = vector.broadcast %sub3A_1450 : f32 to vector<16xf32>
      %sub3A_1452 = arith.subf %sub3A_1451, %mul3A_1449 : vector<16xf32>
      %mul3A_1453 = arith.mulf %bitcast3A_1444, %sub3A_1452 : vector<16xf32>
      %mul3A_1454 = arith.constant 5.000000e-01 : f32
      %mul3A_1455 = vector.broadcast %mul3A_1454 : f32 to vector<16xf32>
      %mul3A_1456 = arith.mulf %mul3A_1455, %add3A_1438 : vector<16xf32>
      %mul3A_1457 = arith.mulf %mul3A_1456, %mul3A_1453 : vector<16xf32>
      %mul3A_1458 = arith.mulf %mul3A_1457, %mul3A_1453 : vector<16xf32>
      %sub3A_1459 = arith.constant 1.500000e+00 : f32
      %sub3A_1460 = vector.broadcast %sub3A_1459 : f32 to vector<16xf32>
      %sub3A_1461 = arith.subf %sub3A_1460, %mul3A_1458 : vector<16xf32>
      %mul3A_1462 = arith.mulf %mul3A_1453, %sub3A_1461 : vector<16xf32>
      %mul3A_1463 = arith.constant 5.000000e-01 : f32
      %mul3A_1464 = vector.broadcast %mul3A_1463 : f32 to vector<16xf32>
      %mul3A_1465 = arith.mulf %mul3A_1464, %add3A_1438 : vector<16xf32>
      %mul3A_1466 = arith.mulf %mul3A_1465, %mul3A_1462 : vector<16xf32>
      %mul3A_1467 = arith.mulf %mul3A_1466, %mul3A_1462 : vector<16xf32>
      %sub3A_1468 = arith.constant 1.500000e+00 : f32
      %sub3A_1469 = vector.broadcast %sub3A_1468 : f32 to vector<16xf32>
      %sub3A_1470 = arith.subf %sub3A_1469, %mul3A_1467 : vector<16xf32>
      %mul3A_1471 = arith.mulf %mul3A_1462, %sub3A_1470 : vector<16xf32>
      %mul3A_1472 = arith.constant 16 : i32
      %mul3A_1473 = arith.muli %scan3A_1094, %mul3A_1472 : i32
      %add3A_1474 = arith.constant 128 : i32
      %add3A_1475 = arith.addi %add3A_1474, %mul3A_1473 : i32
      %add3A_1476 = vector.broadcast %add3A_1475 : i32 to vector<16xi32>
      %add3A_1477 = arith.addi %add3A_1476, %iota3A : vector<16xi32>
      %mul3A_1478 = vector.broadcast %squeeze3A_1009 : f32 to vector<16xf32>
      %mul3A_1479 = arith.mulf %mul3A_1471, %mul3A_1478 : vector<16xf32>
      %mul3A_1480 = arith.mulf %sub3A, %mul3A_1479 : vector<16xf32>
      %add3A_1481 = vector.broadcast %squeeze3A_1017 : f32 to vector<16xf32>
      %add3A_1482 = arith.addf %mul3A_1480, %add3A_1481 : vector<16xf32>
      %mul3A_1483 = arith.constant 4 : i32
      %mul3A_1484 = vector.broadcast %mul3A_1483 : i32 to vector<16xi32>
      %mul3A_1485 = arith.muli %add3A_1477, %mul3A_1484 : vector<16xi32>
      %add3A_1486 = arith.constant 0 : i32
      %add3A_1487 = vector.broadcast %add3A_1486 : i32 to vector<16xi32>
      %add3A_1488 = arith.addi %mul3A_1485, %add3A_1487 : vector<16xi32>
      tpu.vector_store_idx %arg7[%add3A_1488], %add3A_1482 : memref<2048xf32, #tpu.memory_space<vmem>>[vector<16xi32>], vector<16xf32>,
      %mul3A_1489 = vector.broadcast %squeeze3A_1011 : f32 to vector<16xf32>
      %mul3A_1490 = arith.mulf %mul3A_1471, %mul3A_1489 : vector<16xf32>
      %mul3A_1491 = arith.mulf %sub3A_1423, %mul3A_1490 : vector<16xf32>
      %add3A_1492 = vector.broadcast %squeeze3A_1019 : f32 to vector<16xf32>
      %add3A_1493 = arith.addf %mul3A_1491, %add3A_1492 : vector<16xf32>
      %mul3A_1494 = arith.constant 4 : i32
      %mul3A_1495 = vector.broadcast %mul3A_1494 : i32 to vector<16xi32>
      %mul3A_1496 = arith.muli %add3A_1477, %mul3A_1495 : vector<16xi32>
      %add3A_1497 = arith.constant 1 : i32
      %add3A_1498 = vector.broadcast %add3A_1497 : i32 to vector<16xi32>
      %add3A_1499 = arith.addi %mul3A_1496, %add3A_1498 : vector<16xi32>
      tpu.vector_store_idx %arg7[%add3A_1499], %add3A_1493 : memref<2048xf32, #tpu.memory_space<vmem>>[vector<16xi32>], vector<16xf32>,
      %mul3A_1500 = vector.broadcast %squeeze3A_1013 : f32 to vector<16xf32>
      %mul3A_1501 = arith.mulf %mul3A_1471, %mul3A_1500 : vector<16xf32>
      %mul3A_1502 = arith.mulf %sub3A_1424, %mul3A_1501 : vector<16xf32>
      %add3A_1503 = vector.broadcast %squeeze3A_1021 : f32 to vector<16xf32>
      %add3A_1504 = arith.addf %mul3A_1502, %add3A_1503 : vector<16xf32>
      %mul3A_1505 = arith.constant 4 : i32
      %mul3A_1506 = vector.broadcast %mul3A_1505 : i32 to vector<16xi32>
      %mul3A_1507 = arith.muli %add3A_1477, %mul3A_1506 : vector<16xi32>
      %add3A_1508 = arith.constant 2 : i32
      %add3A_1509 = vector.broadcast %add3A_1508 : i32 to vector<16xi32>
      %add3A_1510 = arith.addi %mul3A_1507, %add3A_1509 : vector<16xi32>
      tpu.vector_store_idx %arg7[%add3A_1510], %add3A_1504 : memref<2048xf32, #tpu.memory_space<vmem>>[vector<16xi32>], vector<16xf32>,
      %mul3A_1511 = vector.broadcast %squeeze3A_1015 : f32 to vector<16xf32>
      %mul3A_1512 = arith.mulf %mul3A_1471, %mul3A_1511 : vector<16xf32>
      %mul3A_1513 = arith.mulf %sub3A_1425, %mul3A_1512 : vector<16xf32>
      %add3A_1514 = vector.broadcast %squeeze3A_1023 : f32 to vector<16xf32>
      %add3A_1515 = arith.addf %mul3A_1513, %add3A_1514 : vector<16xf32>
      %mul3A_1516 = arith.constant 4 : i32
      %mul3A_1517 = vector.broadcast %mul3A_1516 : i32 to vector<16xi32>
      %mul3A_1518 = arith.muli %add3A_1477, %mul3A_1517 : vector<16xi32>
      %add3A_1519 = arith.constant 3 : i32
      %add3A_1520 = vector.broadcast %add3A_1519 : i32 to vector<16xi32>
      %add3A_1521 = arith.addi %mul3A_1518, %add3A_1520 : vector<16xi32>
      tpu.vector_store_idx %arg7[%add3A_1521], %add3A_1515 : memref<2048xf32, #tpu.memory_space<vmem>>[vector<16xi32>], vector<16xf32>,
    }
    %scan3A_1069 = arith.constant 8 : i32
    %add3A_1070 = arith.constant 384 : i32
    %add3A_1071 = arith.addi %mul3A_2, %add3A_1070 : i32
    %mul3A_1072 = arith.constant 200 : i32
    %mul3A_1073 = arith.muli %add3A_1071, %mul3A_1072 : i32
    %dma_start3A_1074 = tpu.memref_slice %arg2[%mul3A_1073] : memref<3276800xi32, #tpu.memory_space<hbm>> -> memref<25600xi32, #tpu.memory_space<hbm>>
    %dma_start3A_1075 = tpu.memref_slice %arg2[%mul3A_1073] : memref<3276800xi32, #tpu.memory_space<hbm>> -> memref<25600xi32, #tpu.memory_space<hbm>>
    tpu.enqueue_dma source(%dma_start3A_1075 : memref<25600xi32, #tpu.memory_space<hbm>>) target(%arg6 : memref<25600xi32, #tpu.memory_space<vmem>>) target_semaphore(%arg11 : memref<!tpu.dma_semaphore, #tpu.memory_space<semaphore_mem>>)
    %dma_wait3A_1076 = tpu.memref_slice %arg2[%mul3A_1059] : memref<3276800xi32, #tpu.memory_space<hbm>> -> memref<25600xi32, #tpu.memory_space<hbm>>
    %dma_wait3A_1077 = tpu.memref_slice %arg2[%mul3A_1059] : memref<3276800xi32, #tpu.memory_space<hbm>> -> memref<25600xi32, #tpu.memory_space<hbm>>
    tpu.wait_dma2 semaphore(%arg10 : memref<!tpu.dma_semaphore, #tpu.memory_space<semaphore_mem>>) src(%dma_wait3A_1077 : memref<25600xi32, #tpu.memory_space<hbm>>) dst(%arg5 : memref<25600xi32, #tpu.memory_space<vmem>>)
    %scan3A_1078 = arith.constant 0 : i32
    %scan3A_1079 = arith.constant 0 : i32
    %scan3A_1080 = arith.constant 8 : i32
    %scan3A_1081 = arith.addi %scan3A_1079, %scan3A_1080 : i32
    %scan3A_1082 = arith.constant 1 : i32
    scf.for %scan3A_1094 = %scan3A_1079 to %scan3A_1081 step %scan3A_1082  : i32 {
      %swap3A = arith.constant 0 : index
      %swap3A_1095 = tpu.vector_load %arg8[%swap3A] {strides = array<i32>} : memref<640xf32, #tpu.memory_space<vmem>>, vector<16xf32>,
      tpu.vector_store %arg8[%swap3A], %broadcast_in_dim3A_1026 {strides = array<i32>} : memref<640xf32, #tpu.memory_space<vmem>>, vector<16xf32>,
      %swap3A_1096 = arith.constant 16 : index
      %swap3A_1097 = tpu.vector_load %arg8[%swap3A_1096] {strides = array<i32>} : memref<640xf32, #tpu.memory_space<vmem>>, vector<16xf32>,
      tpu.vector_store %arg8[%swap3A_1096], %broadcast_in_dim3A_1026 {strides = array<i32>} : memref<640xf32, #tpu.memory_space<vmem>>, vector<16xf32>,
      %swap3A_1098 = arith.constant 32 : index
      %swap3A_1099 = tpu.vector_load %arg8[%swap3A_1098] {strides = array<i32>} : memref<640xf32, #tpu.memory_space<vmem>>, vector<16xf32>,
      tpu.vector_store %arg8[%swap3A_1098], %broadcast_in_dim3A_1026 {strides = array<i32>} : memref<640xf32, #tpu.memory_space<vmem>>, vector<16xf32>,
      %swap3A_1100 = arith.constant 48 : index
      %swap3A_1101 = tpu.vector_load %arg8[%swap3A_1100] {strides = array<i32>} : memref<640xf32, #tpu.memory_space<vmem>>, vector<16xf32>,
      tpu.vector_store %arg8[%swap3A_1100], %broadcast_in_dim3A_1026 {strides = array<i32>} : memref<640xf32, #tpu.memory_space<vmem>>, vector<16xf32>,
      %swap3A_1102 = arith.constant 64 : index
      %swap3A_1103 = tpu.vector_load %arg8[%swap3A_1102] {strides = array<i32>} : memref<640xf32, #tpu.memory_space<vmem>>, vector<16xf32>,
      tpu.vector_store %arg8[%swap3A_1102], %broadcast_in_dim3A_1026 {strides = array<i32>} : memref<640xf32, #tpu.memory_space<vmem>>, vector<16xf32>,
      %swap3A_1104 = arith.constant 80 : index
      %swap3A_1105 = tpu.vector_load %arg8[%swap3A_1104] {strides = array<i32>} : memref<640xf32, #tpu.memory_space<vmem>>, vector<16xf32>,
      tpu.vector_store %arg8[%swap3A_1104], %broadcast_in_dim3A_1026 {strides = array<i32>} : memref<640xf32, #tpu.memory_space<vmem>>, vector<16xf32>,
      %swap3A_1106 = arith.constant 96 : index
      %swap3A_1107 = tpu.vector_load %arg8[%swap3A_1106] {strides = array<i32>} : memref<640xf32, #tpu.memory_space<vmem>>, vector<16xf32>,
      tpu.vector_store %arg8[%swap3A_1106], %broadcast_in_dim3A_1026 {strides = array<i32>} : memref<640xf32, #tpu.memory_space<vmem>>, vector<16xf32>,
      %swap3A_1108 = arith.constant 112 : index
      %swap3A_1109 = tpu.vector_load %arg8[%swap3A_1108] {strides = array<i32>} : memref<640xf32, #tpu.memory_space<vmem>>, vector<16xf32>,
      tpu.vector_store %arg8[%swap3A_1108], %broadcast_in_dim3A_1026 {strides = array<i32>} : memref<640xf32, #tpu.memory_space<vmem>>, vector<16xf32>,
      %swap3A_1110 = arith.constant 128 : index
      %swap3A_1111 = tpu.vector_load %arg8[%swap3A_1110] {strides = array<i32>} : memref<640xf32, #tpu.memory_space<vmem>>, vector<16xf32>,
      tpu.vector_store %arg8[%swap3A_1110], %broadcast_in_dim3A_1026 {strides = array<i32>} : memref<640xf32, #tpu.memory_space<vmem>>, vector<16xf32>,
      %swap3A_1112 = arith.constant 144 : index
      %swap3A_1113 = tpu.vector_load %arg8[%swap3A_1112] {strides = array<i32>} : memref<640xf32, #tpu.memory_space<vmem>>, vector<16xf32>,
      tpu.vector_store %arg8[%swap3A_1112], %broadcast_in_dim3A_1026 {strides = array<i32>} : memref<640xf32, #tpu.memory_space<vmem>>, vector<16xf32>,
      %swap3A_1114 = arith.constant 160 : index
      %swap3A_1115 = tpu.vector_load %arg8[%swap3A_1114] {strides = array<i32>} : memref<640xf32, #tpu.memory_space<vmem>>, vector<16xf32>,
      tpu.vector_store %arg8[%swap3A_1114], %broadcast_in_dim3A_1026 {strides = array<i32>} : memref<640xf32, #tpu.memory_space<vmem>>, vector<16xf32>,
      %swap3A_1116 = arith.constant 176 : index
      %swap3A_1117 = tpu.vector_load %arg8[%swap3A_1116] {strides = array<i32>} : memref<640xf32, #tpu.memory_space<vmem>>, vector<16xf32>,
      tpu.vector_store %arg8[%swap3A_1116], %broadcast_in_dim3A_1026 {strides = array<i32>} : memref<640xf32, #tpu.memory_space<vmem>>, vector<16xf32>,
      %swap3A_1118 = arith.constant 192 : index
      %swap3A_1119 = tpu.vector_load %arg8[%swap3A_1118] {strides = array<i32>} : memref<640xf32, #tpu.memory_space<vmem>>, vector<16xf32>,
      tpu.vector_store %arg8[%swap3A_1118], %broadcast_in_dim3A_1026 {strides = array<i32>} : memref<640xf32, #tpu.memory_space<vmem>>, vector<16xf32>,
      %swap3A_1120 = arith.constant 208 : index
      %swap3A_1121 = tpu.vector_load %arg8[%swap3A_1120] {strides = array<i32>} : memref<640xf32, #tpu.memory_space<vmem>>, vector<16xf32>,
      tpu.vector_store %arg8[%swap3A_1120], %broadcast_in_dim3A_1026 {strides = array<i32>} : memref<640xf32, #tpu.memory_space<vmem>>, vector<16xf32>,
      %swap3A_1122 = arith.constant 224 : index
      %swap3A_1123 = tpu.vector_load %arg8[%swap3A_1122] {strides = array<i32>} : memref<640xf32, #tpu.memory_space<vmem>>, vector<16xf32>,
      tpu.vector_store %arg8[%swap3A_1122], %broadcast_in_dim3A_1026 {strides = array<i32>} : memref<640xf32, #tpu.memory_space<vmem>>, vector<16xf32>,
      %swap3A_1124 = arith.constant 240 : index
      %swap3A_1125 = tpu.vector_load %arg8[%swap3A_1124] {strides = array<i32>} : memref<640xf32, #tpu.memory_space<vmem>>, vector<16xf32>,
      tpu.vector_store %arg8[%swap3A_1124], %broadcast_in_dim3A_1026 {strides = array<i32>} : memref<640xf32, #tpu.memory_space<vmem>>, vector<16xf32>,
      %swap3A_1126 = arith.constant 256 : index
      %swap3A_1127 = tpu.vector_load %arg8[%swap3A_1126] {strides = array<i32>} : memref<640xf32, #tpu.memory_space<vmem>>, vector<16xf32>,
      tpu.vector_store %arg8[%swap3A_1126], %broadcast_in_dim3A_1026 {strides = array<i32>} : memref<640xf32, #tpu.memory_space<vmem>>, vector<16xf32>,
      %swap3A_1128 = arith.constant 272 : index
      %swap3A_1129 = tpu.vector_load %arg8[%swap3A_1128] {strides = array<i32>} : memref<640xf32, #tpu.memory_space<vmem>>, vector<16xf32>,
      tpu.vector_store %arg8[%swap3A_1128], %broadcast_in_dim3A_1026 {strides = array<i32>} : memref<640xf32, #tpu.memory_space<vmem>>, vector<16xf32>,
      %swap3A_1130 = arith.constant 288 : index
      %swap3A_1131 = tpu.vector_load %arg8[%swap3A_1130] {strides = array<i32>} : memref<640xf32, #tpu.memory_space<vmem>>, vector<16xf32>,
      tpu.vector_store %arg8[%swap3A_1130], %broadcast_in_dim3A_1026 {strides = array<i32>} : memref<640xf32, #tpu.memory_space<vmem>>, vector<16xf32>,
      %swap3A_1132 = arith.constant 304 : index
      %swap3A_1133 = tpu.vector_load %arg8[%swap3A_1132] {strides = array<i32>} : memref<640xf32, #tpu.memory_space<vmem>>, vector<16xf32>,
      tpu.vector_store %arg8[%swap3A_1132], %broadcast_in_dim3A_1026 {strides = array<i32>} : memref<640xf32, #tpu.memory_space<vmem>>, vector<16xf32>,
      %swap3A_1134 = arith.constant 320 : index
      %swap3A_1135 = tpu.vector_load %arg8[%swap3A_1134] {strides = array<i32>} : memref<640xf32, #tpu.memory_space<vmem>>, vector<16xf32>,
      tpu.vector_store %arg8[%swap3A_1134], %broadcast_in_dim3A_1026 {strides = array<i32>} : memref<640xf32, #tpu.memory_space<vmem>>, vector<16xf32>,
      %swap3A_1136 = arith.constant 336 : index
      %swap3A_1137 = tpu.vector_load %arg8[%swap3A_1136] {strides = array<i32>} : memref<640xf32, #tpu.memory_space<vmem>>, vector<16xf32>,
      tpu.vector_store %arg8[%swap3A_1136], %broadcast_in_dim3A_1026 {strides = array<i32>} : memref<640xf32, #tpu.memory_space<vmem>>, vector<16xf32>,
      %swap3A_1138 = arith.constant 352 : index
      %swap3A_1139 = tpu.vector_load %arg8[%swap3A_1138] {strides = array<i32>} : memref<640xf32, #tpu.memory_space<vmem>>, vector<16xf32>,
      tpu.vector_store %arg8[%swap3A_1138], %broadcast_in_dim3A_1026 {strides = array<i32>} : memref<640xf32, #tpu.memory_space<vmem>>, vector<16xf32>,
      %swap3A_1140 = arith.constant 368 : index
      %swap3A_1141 = tpu.vector_load %arg8[%swap3A_1140] {strides = array<i32>} : memref<640xf32, #tpu.memory_space<vmem>>, vector<16xf32>,
      tpu.vector_store %arg8[%swap3A_1140], %broadcast_in_dim3A_1026 {strides = array<i32>} : memref<640xf32, #tpu.memory_space<vmem>>, vector<16xf32>,
      %swap3A_1142 = arith.constant 384 : index
      %swap3A_1143 = tpu.vector_load %arg8[%swap3A_1142] {strides = array<i32>} : memref<640xf32, #tpu.memory_space<vmem>>, vector<16xf32>,
      tpu.vector_store %arg8[%swap3A_1142], %broadcast_in_dim3A_1026 {strides = array<i32>} : memref<640xf32, #tpu.memory_space<vmem>>, vector<16xf32>,
      %swap3A_1144 = arith.constant 400 : index
      %swap3A_1145 = tpu.vector_load %arg8[%swap3A_1144] {strides = array<i32>} : memref<640xf32, #tpu.memory_space<vmem>>, vector<16xf32>,
      tpu.vector_store %arg8[%swap3A_1144], %broadcast_in_dim3A_1026 {strides = array<i32>} : memref<640xf32, #tpu.memory_space<vmem>>, vector<16xf32>,
      %swap3A_1146 = arith.constant 416 : index
      %swap3A_1147 = tpu.vector_load %arg8[%swap3A_1146] {strides = array<i32>} : memref<640xf32, #tpu.memory_space<vmem>>, vector<16xf32>,
      tpu.vector_store %arg8[%swap3A_1146], %broadcast_in_dim3A_1026 {strides = array<i32>} : memref<640xf32, #tpu.memory_space<vmem>>, vector<16xf32>,
      %swap3A_1148 = arith.constant 432 : index
      %swap3A_1149 = tpu.vector_load %arg8[%swap3A_1148] {strides = array<i32>} : memref<640xf32, #tpu.memory_space<vmem>>, vector<16xf32>,
      tpu.vector_store %arg8[%swap3A_1148], %broadcast_in_dim3A_1026 {strides = array<i32>} : memref<640xf32, #tpu.memory_space<vmem>>, vector<16xf32>,
      %swap3A_1150 = arith.constant 448 : index
      %swap3A_1151 = tpu.vector_load %arg8[%swap3A_1150] {strides = array<i32>} : memref<640xf32, #tpu.memory_space<vmem>>, vector<16xf32>,
      tpu.vector_store %arg8[%swap3A_1150], %broadcast_in_dim3A_1026 {strides = array<i32>} : memref<640xf32, #tpu.memory_space<vmem>>, vector<16xf32>,
      %swap3A_1152 = arith.constant 464 : index
      %swap3A_1153 = tpu.vector_load %arg8[%swap3A_1152] {strides = array<i32>} : memref<640xf32, #tpu.memory_space<vmem>>, vector<16xf32>,
      tpu.vector_store %arg8[%swap3A_1152], %broadcast_in_dim3A_1026 {strides = array<i32>} : memref<640xf32, #tpu.memory_space<vmem>>, vector<16xf32>,
      %swap3A_1154 = arith.constant 480 : index
      %swap3A_1155 = tpu.vector_load %arg8[%swap3A_1154] {strides = array<i32>} : memref<640xf32, #tpu.memory_space<vmem>>, vector<16xf32>,
      tpu.vector_store %arg8[%swap3A_1154], %broadcast_in_dim3A_1026 {strides = array<i32>} : memref<640xf32, #tpu.memory_space<vmem>>, vector<16xf32>,
      %swap3A_1156 = arith.constant 496 : index
      %swap3A_1157 = tpu.vector_load %arg8[%swap3A_1156] {strides = array<i32>} : memref<640xf32, #tpu.memory_space<vmem>>, vector<16xf32>,
      tpu.vector_store %arg8[%swap3A_1156], %broadcast_in_dim3A_1026 {strides = array<i32>} : memref<640xf32, #tpu.memory_space<vmem>>, vector<16xf32>,
      %swap3A_1158 = arith.constant 512 : index
      %swap3A_1159 = tpu.vector_load %arg8[%swap3A_1158] {strides = array<i32>} : memref<640xf32, #tpu.memory_space<vmem>>, vector<16xf32>,
      tpu.vector_store %arg8[%swap3A_1158], %broadcast_in_dim3A_1026 {strides = array<i32>} : memref<640xf32, #tpu.memory_space<vmem>>, vector<16xf32>,
      %swap3A_1160 = arith.constant 528 : index
      %swap3A_1161 = tpu.vector_load %arg8[%swap3A_1160] {strides = array<i32>} : memref<640xf32, #tpu.memory_space<vmem>>, vector<16xf32>,
      tpu.vector_store %arg8[%swap3A_1160], %broadcast_in_dim3A_1026 {strides = array<i32>} : memref<640xf32, #tpu.memory_space<vmem>>, vector<16xf32>,
      %swap3A_1162 = arith.constant 544 : index
      %swap3A_1163 = tpu.vector_load %arg8[%swap3A_1162] {strides = array<i32>} : memref<640xf32, #tpu.memory_space<vmem>>, vector<16xf32>,
      tpu.vector_store %arg8[%swap3A_1162], %broadcast_in_dim3A_1026 {strides = array<i32>} : memref<640xf32, #tpu.memory_space<vmem>>, vector<16xf32>,
      %swap3A_1164 = arith.constant 560 : index
      %swap3A_1165 = tpu.vector_load %arg8[%swap3A_1164] {strides = array<i32>} : memref<640xf32, #tpu.memory_space<vmem>>, vector<16xf32>,
      tpu.vector_store %arg8[%swap3A_1164], %broadcast_in_dim3A_1026 {strides = array<i32>} : memref<640xf32, #tpu.memory_space<vmem>>, vector<16xf32>,
      %swap3A_1166 = arith.constant 576 : index
      %swap3A_1167 = tpu.vector_load %arg8[%swap3A_1166] {strides = array<i32>} : memref<640xf32, #tpu.memory_space<vmem>>, vector<16xf32>,
      tpu.vector_store %arg8[%swap3A_1166], %broadcast_in_dim3A_1026 {strides = array<i32>} : memref<640xf32, #tpu.memory_space<vmem>>, vector<16xf32>,
      %swap3A_1168 = arith.constant 592 : index
      %swap3A_1169 = tpu.vector_load %arg8[%swap3A_1168] {strides = array<i32>} : memref<640xf32, #tpu.memory_space<vmem>>, vector<16xf32>,
      tpu.vector_store %arg8[%swap3A_1168], %broadcast_in_dim3A_1026 {strides = array<i32>} : memref<640xf32, #tpu.memory_space<vmem>>, vector<16xf32>,
      %swap3A_1170 = arith.constant 608 : index
      %swap3A_1171 = tpu.vector_load %arg8[%swap3A_1170] {strides = array<i32>} : memref<640xf32, #tpu.memory_space<vmem>>, vector<16xf32>,
      tpu.vector_store %arg8[%swap3A_1170], %broadcast_in_dim3A_1026 {strides = array<i32>} : memref<640xf32, #tpu.memory_space<vmem>>, vector<16xf32>,
      %swap3A_1172 = arith.constant 624 : index
      %swap3A_1173 = tpu.vector_load %arg8[%swap3A_1172] {strides = array<i32>} : memref<640xf32, #tpu.memory_space<vmem>>, vector<16xf32>,
      tpu.vector_store %arg8[%swap3A_1172], %broadcast_in_dim3A_1026 {strides = array<i32>} : memref<640xf32, #tpu.memory_space<vmem>>, vector<16xf32>,
      %mul3A_1174 = arith.constant 16 : i32
      %mul3A_1175 = arith.muli %scan3A_1094, %mul3A_1174 : i32
      %add3A_1176 = vector.broadcast %mul3A_1175 : i32 to vector<16xi32>
      %add3A_1177 = arith.addi %add3A_1176, %iota3A : vector<16xi32>
      %mul3A_1178 = arith.constant 200 : i32
      %mul3A_1179 = vector.broadcast %mul3A_1178 : i32 to vector<16xi32>
      %mul3A_1180 = arith.muli %add3A_1177, %mul3A_1179 : vector<16xi32>
      %parallel_loop3A = arith.constant 0 : i32
      %parallel_loop3A_1181 = arith.constant 200 : i32
      %parallel_loop3A_1182 = arith.constant 4 : i32
      scf.for %parallel_loop3A_1522 = %parallel_loop3A to %parallel_loop3A_1181 step %parallel_loop3A_1182  : i32 {
        %parallel_loop3A_1523 = vector.broadcast %parallel_loop3A_1522 : i32 to vector<16xi32>
        %parallel_loop3A_1524 = arith.addi %mul3A_1180, %parallel_loop3A_1523 : vector<16xi32>
        %parallel_loop3A_1525 = arith.constant 0 : i32
        %parallel_loop3A_1526 = vector.broadcast %parallel_loop3A_1525 : i32 to vector<16xi32>
        %parallel_loop3A_1527 = arith.addi %parallel_loop3A_1524, %parallel_loop3A_1526 : vector<16xi32>
        %parallel_loop3A_1528 = tpu.vector_load_idx %arg5[%parallel_loop3A_1527] : memref<25600xi32, #tpu.memory_space<vmem>>[vector<16xi32>], vector<16xi32>,
        %parallel_loop3A_1529 = arith.constant 16 : i32
        %parallel_loop3A_1530 = vector.broadcast %parallel_loop3A_1529 : i32 to vector<16xi32>
        %parallel_loop3A_1531 = arith.muli %parallel_loop3A_1528, %parallel_loop3A_1530 : vector<16xi32>
        %parallel_loop3A_1532 = arith.addi %parallel_loop3A_1531, %add3A_1029 : vector<16xi32>
        tpu.vector_store_idx %arg8[%parallel_loop3A_1532], %broadcast_in_dim3A_1024 {add = true} : memref<640xf32, #tpu.memory_space<vmem>>[vector<16xi32>], vector<16xf32>,
        %parallel_loop3A_1533 = arith.constant 1 : i32
        %parallel_loop3A_1534 = vector.broadcast %parallel_loop3A_1533 : i32 to vector<16xi32>
        %parallel_loop3A_1535 = arith.addi %parallel_loop3A_1524, %parallel_loop3A_1534 : vector<16xi32>
        %parallel_loop3A_1536 = tpu.vector_load_idx %arg5[%parallel_loop3A_1535] : memref<25600xi32, #tpu.memory_space<vmem>>[vector<16xi32>], vector<16xi32>,
        %parallel_loop3A_1537 = arith.constant 16 : i32
        %parallel_loop3A_1538 = vector.broadcast %parallel_loop3A_1537 : i32 to vector<16xi32>
        %parallel_loop3A_1539 = arith.muli %parallel_loop3A_1536, %parallel_loop3A_1538 : vector<16xi32>
        %parallel_loop3A_1540 = arith.addi %parallel_loop3A_1539, %add3A_1032 : vector<16xi32>
        tpu.vector_store_idx %arg8[%parallel_loop3A_1540], %broadcast_in_dim3A_1024 {add = true} : memref<640xf32, #tpu.memory_space<vmem>>[vector<16xi32>], vector<16xf32>,
        %parallel_loop3A_1541 = arith.constant 2 : i32
        %parallel_loop3A_1542 = vector.broadcast %parallel_loop3A_1541 : i32 to vector<16xi32>
        %parallel_loop3A_1543 = arith.addi %parallel_loop3A_1524, %parallel_loop3A_1542 : vector<16xi32>
        %parallel_loop3A_1544 = tpu.vector_load_idx %arg5[%parallel_loop3A_1543] : memref<25600xi32, #tpu.memory_space<vmem>>[vector<16xi32>], vector<16xi32>,
        %parallel_loop3A_1545 = arith.constant 16 : i32
        %parallel_loop3A_1546 = vector.broadcast %parallel_loop3A_1545 : i32 to vector<16xi32>
        %parallel_loop3A_1547 = arith.muli %parallel_loop3A_1544, %parallel_loop3A_1546 : vector<16xi32>
        %parallel_loop3A_1548 = arith.addi %parallel_loop3A_1547, %add3A_1035 : vector<16xi32>
        tpu.vector_store_idx %arg8[%parallel_loop3A_1548], %broadcast_in_dim3A_1024 {add = true} : memref<640xf32, #tpu.memory_space<vmem>>[vector<16xi32>], vector<16xf32>,
        %parallel_loop3A_1549 = arith.constant 3 : i32
        %parallel_loop3A_1550 = vector.broadcast %parallel_loop3A_1549 : i32 to vector<16xi32>
        %parallel_loop3A_1551 = arith.addi %parallel_loop3A_1524, %parallel_loop3A_1550 : vector<16xi32>
        %parallel_loop3A_1552 = tpu.vector_load_idx %arg5[%parallel_loop3A_1551] : memref<25600xi32, #tpu.memory_space<vmem>>[vector<16xi32>], vector<16xi32>,
        %parallel_loop3A_1553 = arith.constant 16 : i32
        %parallel_loop3A_1554 = vector.broadcast %parallel_loop3A_1553 : i32 to vector<16xi32>
        %parallel_loop3A_1555 = arith.muli %parallel_loop3A_1552, %parallel_loop3A_1554 : vector<16xi32>
        %parallel_loop3A_1556 = arith.addi %parallel_loop3A_1555, %add3A_1038 : vector<16xi32>
        tpu.vector_store_idx %arg8[%parallel_loop3A_1556], %broadcast_in_dim3A_1024 {add = true} : memref<640xf32, #tpu.memory_space<vmem>>[vector<16xi32>], vector<16xf32>,
      } {sc.loop_unroll_factor = 5 : i64, sc.parallel_access}
      %get3A_1183 = arith.constant 0 : index
      %get3A_1184 = tpu.vector_load %arg8[%get3A_1183] {strides = array<i32>} : memref<640xf32, #tpu.memory_space<vmem>>, vector<16xf32>,
      %get3A_1185 = arith.constant 160 : index
      %get3A_1186 = tpu.vector_load %arg8[%get3A_1185] {strides = array<i32>} : memref<640xf32, #tpu.memory_space<vmem>>, vector<16xf32>,
      %add3A_1187 = arith.addf %get3A_1184, %get3A_1186 : vector<16xf32>
      %get3A_1188 = arith.constant 320 : index
      %get3A_1189 = tpu.vector_load %arg8[%get3A_1188] {strides = array<i32>} : memref<640xf32, #tpu.memory_space<vmem>>, vector<16xf32>,
      %add3A_1190 = arith.addf %add3A_1187, %get3A_1189 : vector<16xf32>
      %get3A_1191 = arith.constant 480 : index
      %get3A_1192 = tpu.vector_load %arg8[%get3A_1191] {strides = array<i32>} : memref<640xf32, #tpu.memory_space<vmem>>, vector<16xf32>,
      %add3A_1193 = arith.addf %add3A_1190, %get3A_1192 : vector<16xf32>
      %get3A_1194 = arith.constant 16 : index
      %get3A_1195 = tpu.vector_load %arg8[%get3A_1194] {strides = array<i32>} : memref<640xf32, #tpu.memory_space<vmem>>, vector<16xf32>,
      %get3A_1196 = arith.constant 176 : index
      %get3A_1197 = tpu.vector_load %arg8[%get3A_1196] {strides = array<i32>} : memref<640xf32, #tpu.memory_space<vmem>>, vector<16xf32>,
      %add3A_1198 = arith.addf %get3A_1195, %get3A_1197 : vector<16xf32>
      %get3A_1199 = arith.constant 336 : index
      %get3A_1200 = tpu.vector_load %arg8[%get3A_1199] {strides = array<i32>} : memref<640xf32, #tpu.memory_space<vmem>>, vector<16xf32>,
      %add3A_1201 = arith.addf %add3A_1198, %get3A_1200 : vector<16xf32>
      %get3A_1202 = arith.constant 496 : index
      %get3A_1203 = tpu.vector_load %arg8[%get3A_1202] {strides = array<i32>} : memref<640xf32, #tpu.memory_space<vmem>>, vector<16xf32>,
      %add3A_1204 = arith.addf %add3A_1201, %get3A_1203 : vector<16xf32>
      %get3A_1205 = arith.constant 32 : index
      %get3A_1206 = tpu.vector_load %arg8[%get3A_1205] {strides = array<i32>} : memref<640xf32, #tpu.memory_space<vmem>>, vector<16xf32>,
      %get3A_1207 = arith.constant 192 : index
      %get3A_1208 = tpu.vector_load %arg8[%get3A_1207] {strides = array<i32>} : memref<640xf32, #tpu.memory_space<vmem>>, vector<16xf32>,
      %add3A_1209 = arith.addf %get3A_1206, %get3A_1208 : vector<16xf32>
      %get3A_1210 = arith.constant 352 : index
      %get3A_1211 = tpu.vector_load %arg8[%get3A_1210] {strides = array<i32>} : memref<640xf32, #tpu.memory_space<vmem>>, vector<16xf32>,
      %add3A_1212 = arith.addf %add3A_1209, %get3A_1211 : vector<16xf32>
      %get3A_1213 = arith.constant 512 : index
      %get3A_1214 = tpu.vector_load %arg8[%get3A_1213] {strides = array<i32>} : memref<640xf32, #tpu.memory_space<vmem>>, vector<16xf32>,
      %add3A_1215 = arith.addf %add3A_1212, %get3A_1214 : vector<16xf32>
      %get3A_1216 = arith.constant 48 : index
      %get3A_1217 = tpu.vector_load %arg8[%get3A_1216] {strides = array<i32>} : memref<640xf32, #tpu.memory_space<vmem>>, vector<16xf32>,
      %get3A_1218 = arith.constant 208 : index
      %get3A_1219 = tpu.vector_load %arg8[%get3A_1218] {strides = array<i32>} : memref<640xf32, #tpu.memory_space<vmem>>, vector<16xf32>,
      %add3A_1220 = arith.addf %get3A_1217, %get3A_1219 : vector<16xf32>
      %get3A_1221 = arith.constant 368 : index
      %get3A_1222 = tpu.vector_load %arg8[%get3A_1221] {strides = array<i32>} : memref<640xf32, #tpu.memory_space<vmem>>, vector<16xf32>,
      %add3A_1223 = arith.addf %add3A_1220, %get3A_1222 : vector<16xf32>
      %get3A_1224 = arith.constant 528 : index
      %get3A_1225 = tpu.vector_load %arg8[%get3A_1224] {strides = array<i32>} : memref<640xf32, #tpu.memory_space<vmem>>, vector<16xf32>,
      %add3A_1226 = arith.addf %add3A_1223, %get3A_1225 : vector<16xf32>
      %get3A_1227 = arith.constant 64 : index
      %get3A_1228 = tpu.vector_load %arg8[%get3A_1227] {strides = array<i32>} : memref<640xf32, #tpu.memory_space<vmem>>, vector<16xf32>,
      %get3A_1229 = arith.constant 224 : index
      %get3A_1230 = tpu.vector_load %arg8[%get3A_1229] {strides = array<i32>} : memref<640xf32, #tpu.memory_space<vmem>>, vector<16xf32>,
      %add3A_1231 = arith.addf %get3A_1228, %get3A_1230 : vector<16xf32>
      %get3A_1232 = arith.constant 384 : index
      %get3A_1233 = tpu.vector_load %arg8[%get3A_1232] {strides = array<i32>} : memref<640xf32, #tpu.memory_space<vmem>>, vector<16xf32>,
      %add3A_1234 = arith.addf %add3A_1231, %get3A_1233 : vector<16xf32>
      %get3A_1235 = arith.constant 544 : index
      %get3A_1236 = tpu.vector_load %arg8[%get3A_1235] {strides = array<i32>} : memref<640xf32, #tpu.memory_space<vmem>>, vector<16xf32>,
      %add3A_1237 = arith.addf %add3A_1234, %get3A_1236 : vector<16xf32>
      %get3A_1238 = arith.constant 80 : index
      %get3A_1239 = tpu.vector_load %arg8[%get3A_1238] {strides = array<i32>} : memref<640xf32, #tpu.memory_space<vmem>>, vector<16xf32>,
      %get3A_1240 = arith.constant 240 : index
      %get3A_1241 = tpu.vector_load %arg8[%get3A_1240] {strides = array<i32>} : memref<640xf32, #tpu.memory_space<vmem>>, vector<16xf32>,
      %add3A_1242 = arith.addf %get3A_1239, %get3A_1241 : vector<16xf32>
      %get3A_1243 = arith.constant 400 : index
      %get3A_1244 = tpu.vector_load %arg8[%get3A_1243] {strides = array<i32>} : memref<640xf32, #tpu.memory_space<vmem>>, vector<16xf32>,
      %add3A_1245 = arith.addf %add3A_1242, %get3A_1244 : vector<16xf32>
      %get3A_1246 = arith.constant 560 : index
      %get3A_1247 = tpu.vector_load %arg8[%get3A_1246] {strides = array<i32>} : memref<640xf32, #tpu.memory_space<vmem>>, vector<16xf32>,
      %add3A_1248 = arith.addf %add3A_1245, %get3A_1247 : vector<16xf32>
      %get3A_1249 = arith.constant 96 : index
      %get3A_1250 = tpu.vector_load %arg8[%get3A_1249] {strides = array<i32>} : memref<640xf32, #tpu.memory_space<vmem>>, vector<16xf32>,
      %get3A_1251 = arith.constant 256 : index
      %get3A_1252 = tpu.vector_load %arg8[%get3A_1251] {strides = array<i32>} : memref<640xf32, #tpu.memory_space<vmem>>, vector<16xf32>,
      %add3A_1253 = arith.addf %get3A_1250, %get3A_1252 : vector<16xf32>
      %get3A_1254 = arith.constant 416 : index
      %get3A_1255 = tpu.vector_load %arg8[%get3A_1254] {strides = array<i32>} : memref<640xf32, #tpu.memory_space<vmem>>, vector<16xf32>,
      %add3A_1256 = arith.addf %add3A_1253, %get3A_1255 : vector<16xf32>
      %get3A_1257 = arith.constant 576 : index
      %get3A_1258 = tpu.vector_load %arg8[%get3A_1257] {strides = array<i32>} : memref<640xf32, #tpu.memory_space<vmem>>, vector<16xf32>,
      %add3A_1259 = arith.addf %add3A_1256, %get3A_1258 : vector<16xf32>
      %get3A_1260 = arith.constant 112 : index
      %get3A_1261 = tpu.vector_load %arg8[%get3A_1260] {strides = array<i32>} : memref<640xf32, #tpu.memory_space<vmem>>, vector<16xf32>,
      %get3A_1262 = arith.constant 272 : index
      %get3A_1263 = tpu.vector_load %arg8[%get3A_1262] {strides = array<i32>} : memref<640xf32, #tpu.memory_space<vmem>>, vector<16xf32>,
      %add3A_1264 = arith.addf %get3A_1261, %get3A_1263 : vector<16xf32>
      %get3A_1265 = arith.constant 432 : index
      %get3A_1266 = tpu.vector_load %arg8[%get3A_1265] {strides = array<i32>} : memref<640xf32, #tpu.memory_space<vmem>>, vector<16xf32>,
      %add3A_1267 = arith.addf %add3A_1264, %get3A_1266 : vector<16xf32>
      %get3A_1268 = arith.constant 592 : index
      %get3A_1269 = tpu.vector_load %arg8[%get3A_1268] {strides = array<i32>} : memref<640xf32, #tpu.memory_space<vmem>>, vector<16xf32>,
      %add3A_1270 = arith.addf %add3A_1267, %get3A_1269 : vector<16xf32>
      %get3A_1271 = arith.constant 128 : index
      %get3A_1272 = tpu.vector_load %arg8[%get3A_1271] {strides = array<i32>} : memref<640xf32, #tpu.memory_space<vmem>>, vector<16xf32>,
      %get3A_1273 = arith.constant 288 : index
      %get3A_1274 = tpu.vector_load %arg8[%get3A_1273] {strides = array<i32>} : memref<640xf32, #tpu.memory_space<vmem>>, vector<16xf32>,
      %add3A_1275 = arith.addf %get3A_1272, %get3A_1274 : vector<16xf32>
      %get3A_1276 = arith.constant 448 : index
      %get3A_1277 = tpu.vector_load %arg8[%get3A_1276] {strides = array<i32>} : memref<640xf32, #tpu.memory_space<vmem>>, vector<16xf32>,
      %add3A_1278 = arith.addf %add3A_1275, %get3A_1277 : vector<16xf32>
      %get3A_1279 = arith.constant 608 : index
      %get3A_1280 = tpu.vector_load %arg8[%get3A_1279] {strides = array<i32>} : memref<640xf32, #tpu.memory_space<vmem>>, vector<16xf32>,
      %add3A_1281 = arith.addf %add3A_1278, %get3A_1280 : vector<16xf32>
      %get3A_1282 = arith.constant 144 : index
      %get3A_1283 = tpu.vector_load %arg8[%get3A_1282] {strides = array<i32>} : memref<640xf32, #tpu.memory_space<vmem>>, vector<16xf32>,
      %get3A_1284 = arith.constant 304 : index
      %get3A_1285 = tpu.vector_load %arg8[%get3A_1284] {strides = array<i32>} : memref<640xf32, #tpu.memory_space<vmem>>, vector<16xf32>,
      %add3A_1286 = arith.addf %get3A_1283, %get3A_1285 : vector<16xf32>
      %get3A_1287 = arith.constant 464 : index
      %get3A_1288 = tpu.vector_load %arg8[%get3A_1287] {strides = array<i32>} : memref<640xf32, #tpu.memory_space<vmem>>, vector<16xf32>,
      %add3A_1289 = arith.addf %add3A_1286, %get3A_1288 : vector<16xf32>
      %get3A_1290 = arith.constant 624 : index
      %get3A_1291 = tpu.vector_load %arg8[%get3A_1290] {strides = array<i32>} : memref<640xf32, #tpu.memory_space<vmem>>, vector<16xf32>,
      %add3A_1292 = arith.addf %add3A_1289, %get3A_1291 : vector<16xf32>
      %mul3A_1293 = vector.broadcast %mul3A_258 : f32 to vector<16xf32>
      %mul3A_1294 = arith.mulf %add3A_1193, %mul3A_1293 : vector<16xf32>
      %mul3A_1295 = vector.broadcast %mul3A_334 : f32 to vector<16xf32>
      %mul3A_1296 = arith.mulf %add3A_1204, %mul3A_1295 : vector<16xf32>
      %add3A_1297 = arith.addf %mul3A_1294, %mul3A_1296 : vector<16xf32>
      %mul3A_1298 = vector.broadcast %mul3A_410 : f32 to vector<16xf32>
      %mul3A_1299 = arith.mulf %add3A_1215, %mul3A_1298 : vector<16xf32>
      %add3A_1300 = arith.addf %add3A_1297, %mul3A_1299 : vector<16xf32>
      %mul3A_1301 = vector.broadcast %mul3A_486 : f32 to vector<16xf32>
      %mul3A_1302 = arith.mulf %add3A_1226, %mul3A_1301 : vector<16xf32>
      %add3A_1303 = arith.addf %add3A_1300, %mul3A_1302 : vector<16xf32>
      %mul3A_1304 = vector.broadcast %mul3A_562 : f32 to vector<16xf32>
      %mul3A_1305 = arith.mulf %add3A_1237, %mul3A_1304 : vector<16xf32>
      %add3A_1306 = arith.addf %add3A_1303, %mul3A_1305 : vector<16xf32>
      %mul3A_1307 = vector.broadcast %mul3A_638 : f32 to vector<16xf32>
      %mul3A_1308 = arith.mulf %add3A_1248, %mul3A_1307 : vector<16xf32>
      %add3A_1309 = arith.addf %add3A_1306, %mul3A_1308 : vector<16xf32>
      %mul3A_1310 = vector.broadcast %mul3A_714 : f32 to vector<16xf32>
      %mul3A_1311 = arith.mulf %add3A_1259, %mul3A_1310 : vector<16xf32>
      %add3A_1312 = arith.addf %add3A_1309, %mul3A_1311 : vector<16xf32>
      %mul3A_1313 = vector.broadcast %mul3A_790 : f32 to vector<16xf32>
      %mul3A_1314 = arith.mulf %add3A_1270, %mul3A_1313 : vector<16xf32>
      %add3A_1315 = arith.addf %add3A_1312, %mul3A_1314 : vector<16xf32>
      %mul3A_1316 = vector.broadcast %mul3A_866 : f32 to vector<16xf32>
      %mul3A_1317 = arith.mulf %add3A_1281, %mul3A_1316 : vector<16xf32>
      %add3A_1318 = arith.addf %add3A_1315, %mul3A_1317 : vector<16xf32>
      %mul3A_1319 = vector.broadcast %mul3A_942 : f32 to vector<16xf32>
      %mul3A_1320 = arith.mulf %add3A_1292, %mul3A_1319 : vector<16xf32>
      %add3A_1321 = arith.addf %add3A_1318, %mul3A_1320 : vector<16xf32>
      %add3A_1322 = vector.broadcast %squeeze3A_1001 : f32 to vector<16xf32>
      %add3A_1323 = arith.addf %add3A_1321, %add3A_1322 : vector<16xf32>
      %mul3A_1324 = vector.broadcast %mul3A_277 : f32 to vector<16xf32>
      %mul3A_1325 = arith.mulf %add3A_1193, %mul3A_1324 : vector<16xf32>
      %mul3A_1326 = vector.broadcast %mul3A_353 : f32 to vector<16xf32>
      %mul3A_1327 = arith.mulf %add3A_1204, %mul3A_1326 : vector<16xf32>
      %add3A_1328 = arith.addf %mul3A_1325, %mul3A_1327 : vector<16xf32>
      %mul3A_1329 = vector.broadcast %mul3A_429 : f32 to vector<16xf32>
      %mul3A_1330 = arith.mulf %add3A_1215, %mul3A_1329 : vector<16xf32>
      %add3A_1331 = arith.addf %add3A_1328, %mul3A_1330 : vector<16xf32>
      %mul3A_1332 = vector.broadcast %mul3A_505 : f32 to vector<16xf32>
      %mul3A_1333 = arith.mulf %add3A_1226, %mul3A_1332 : vector<16xf32>
      %add3A_1334 = arith.addf %add3A_1331, %mul3A_1333 : vector<16xf32>
      %mul3A_1335 = vector.broadcast %mul3A_581 : f32 to vector<16xf32>
      %mul3A_1336 = arith.mulf %add3A_1237, %mul3A_1335 : vector<16xf32>
      %add3A_1337 = arith.addf %add3A_1334, %mul3A_1336 : vector<16xf32>
      %mul3A_1338 = vector.broadcast %mul3A_657 : f32 to vector<16xf32>
      %mul3A_1339 = arith.mulf %add3A_1248, %mul3A_1338 : vector<16xf32>
      %add3A_1340 = arith.addf %add3A_1337, %mul3A_1339 : vector<16xf32>
      %mul3A_1341 = vector.broadcast %mul3A_733 : f32 to vector<16xf32>
      %mul3A_1342 = arith.mulf %add3A_1259, %mul3A_1341 : vector<16xf32>
      %add3A_1343 = arith.addf %add3A_1340, %mul3A_1342 : vector<16xf32>
      %mul3A_1344 = vector.broadcast %mul3A_809 : f32 to vector<16xf32>
      %mul3A_1345 = arith.mulf %add3A_1270, %mul3A_1344 : vector<16xf32>
      %add3A_1346 = arith.addf %add3A_1343, %mul3A_1345 : vector<16xf32>
      %mul3A_1347 = vector.broadcast %mul3A_885 : f32 to vector<16xf32>
      %mul3A_1348 = arith.mulf %add3A_1281, %mul3A_1347 : vector<16xf32>
      %add3A_1349 = arith.addf %add3A_1346, %mul3A_1348 : vector<16xf32>
      %mul3A_1350 = vector.broadcast %mul3A_961 : f32 to vector<16xf32>
      %mul3A_1351 = arith.mulf %add3A_1292, %mul3A_1350 : vector<16xf32>
      %add3A_1352 = arith.addf %add3A_1349, %mul3A_1351 : vector<16xf32>
      %add3A_1353 = vector.broadcast %squeeze3A_1003 : f32 to vector<16xf32>
      %add3A_1354 = arith.addf %add3A_1352, %add3A_1353 : vector<16xf32>
      %mul3A_1355 = vector.broadcast %mul3A_296 : f32 to vector<16xf32>
      %mul3A_1356 = arith.mulf %add3A_1193, %mul3A_1355 : vector<16xf32>
      %mul3A_1357 = vector.broadcast %mul3A_372 : f32 to vector<16xf32>
      %mul3A_1358 = arith.mulf %add3A_1204, %mul3A_1357 : vector<16xf32>
      %add3A_1359 = arith.addf %mul3A_1356, %mul3A_1358 : vector<16xf32>
      %mul3A_1360 = vector.broadcast %mul3A_448 : f32 to vector<16xf32>
      %mul3A_1361 = arith.mulf %add3A_1215, %mul3A_1360 : vector<16xf32>
      %add3A_1362 = arith.addf %add3A_1359, %mul3A_1361 : vector<16xf32>
      %mul3A_1363 = vector.broadcast %mul3A_524 : f32 to vector<16xf32>
      %mul3A_1364 = arith.mulf %add3A_1226, %mul3A_1363 : vector<16xf32>
      %add3A_1365 = arith.addf %add3A_1362, %mul3A_1364 : vector<16xf32>
      %mul3A_1366 = vector.broadcast %mul3A_600 : f32 to vector<16xf32>
      %mul3A_1367 = arith.mulf %add3A_1237, %mul3A_1366 : vector<16xf32>
      %add3A_1368 = arith.addf %add3A_1365, %mul3A_1367 : vector<16xf32>
      %mul3A_1369 = vector.broadcast %mul3A_676 : f32 to vector<16xf32>
      %mul3A_1370 = arith.mulf %add3A_1248, %mul3A_1369 : vector<16xf32>
      %add3A_1371 = arith.addf %add3A_1368, %mul3A_1370 : vector<16xf32>
      %mul3A_1372 = vector.broadcast %mul3A_752 : f32 to vector<16xf32>
      %mul3A_1373 = arith.mulf %add3A_1259, %mul3A_1372 : vector<16xf32>
      %add3A_1374 = arith.addf %add3A_1371, %mul3A_1373 : vector<16xf32>
      %mul3A_1375 = vector.broadcast %mul3A_828 : f32 to vector<16xf32>
      %mul3A_1376 = arith.mulf %add3A_1270, %mul3A_1375 : vector<16xf32>
      %add3A_1377 = arith.addf %add3A_1374, %mul3A_1376 : vector<16xf32>
      %mul3A_1378 = vector.broadcast %mul3A_904 : f32 to vector<16xf32>
      %mul3A_1379 = arith.mulf %add3A_1281, %mul3A_1378 : vector<16xf32>
      %add3A_1380 = arith.addf %add3A_1377, %mul3A_1379 : vector<16xf32>
      %mul3A_1381 = vector.broadcast %mul3A_980 : f32 to vector<16xf32>
      %mul3A_1382 = arith.mulf %add3A_1292, %mul3A_1381 : vector<16xf32>
      %add3A_1383 = arith.addf %add3A_1380, %mul3A_1382 : vector<16xf32>
      %add3A_1384 = vector.broadcast %squeeze3A_1005 : f32 to vector<16xf32>
      %add3A_1385 = arith.addf %add3A_1383, %add3A_1384 : vector<16xf32>
      %mul3A_1386 = vector.broadcast %mul3A_315 : f32 to vector<16xf32>
      %mul3A_1387 = arith.mulf %add3A_1193, %mul3A_1386 : vector<16xf32>
      %mul3A_1388 = vector.broadcast %mul3A_391 : f32 to vector<16xf32>
      %mul3A_1389 = arith.mulf %add3A_1204, %mul3A_1388 : vector<16xf32>
      %add3A_1390 = arith.addf %mul3A_1387, %mul3A_1389 : vector<16xf32>
      %mul3A_1391 = vector.broadcast %mul3A_467 : f32 to vector<16xf32>
      %mul3A_1392 = arith.mulf %add3A_1215, %mul3A_1391 : vector<16xf32>
      %add3A_1393 = arith.addf %add3A_1390, %mul3A_1392 : vector<16xf32>
      %mul3A_1394 = vector.broadcast %mul3A_543 : f32 to vector<16xf32>
      %mul3A_1395 = arith.mulf %add3A_1226, %mul3A_1394 : vector<16xf32>
      %add3A_1396 = arith.addf %add3A_1393, %mul3A_1395 : vector<16xf32>
      %mul3A_1397 = vector.broadcast %mul3A_619 : f32 to vector<16xf32>
      %mul3A_1398 = arith.mulf %add3A_1237, %mul3A_1397 : vector<16xf32>
      %add3A_1399 = arith.addf %add3A_1396, %mul3A_1398 : vector<16xf32>
      %mul3A_1400 = vector.broadcast %mul3A_695 : f32 to vector<16xf32>
      %mul3A_1401 = arith.mulf %add3A_1248, %mul3A_1400 : vector<16xf32>
      %add3A_1402 = arith.addf %add3A_1399, %mul3A_1401 : vector<16xf32>
      %mul3A_1403 = vector.broadcast %mul3A_771 : f32 to vector<16xf32>
      %mul3A_1404 = arith.mulf %add3A_1259, %mul3A_1403 : vector<16xf32>
      %add3A_1405 = arith.addf %add3A_1402, %mul3A_1404 : vector<16xf32>
      %mul3A_1406 = vector.broadcast %mul3A_847 : f32 to vector<16xf32>
      %mul3A_1407 = arith.mulf %add3A_1270, %mul3A_1406 : vector<16xf32>
      %add3A_1408 = arith.addf %add3A_1405, %mul3A_1407 : vector<16xf32>
      %mul3A_1409 = vector.broadcast %mul3A_923 : f32 to vector<16xf32>
      %mul3A_1410 = arith.mulf %add3A_1281, %mul3A_1409 : vector<16xf32>
      %add3A_1411 = arith.addf %add3A_1408, %mul3A_1410 : vector<16xf32>
      %mul3A_1412 = vector.broadcast %mul3A_999 : f32 to vector<16xf32>
      %mul3A_1413 = arith.mulf %add3A_1292, %mul3A_1412 : vector<16xf32>
      %add3A_1414 = arith.addf %add3A_1411, %mul3A_1413 : vector<16xf32>
      %add3A_1415 = vector.broadcast %squeeze3A_1007 : f32 to vector<16xf32>
      %add3A_1416 = arith.addf %add3A_1414, %add3A_1415 : vector<16xf32>
      %add3A_1417 = arith.addf %add3A_1323, %add3A_1354 : vector<16xf32>
      %add3A_1418 = arith.addf %add3A_1417, %add3A_1385 : vector<16xf32>
      %add3A_1419 = arith.addf %add3A_1418, %add3A_1416 : vector<16xf32>
      %mul3A_1420 = arith.constant 2.500000e-01 : f32
      %mul3A_1421 = vector.broadcast %mul3A_1420 : f32 to vector<16xf32>
      %mul3A_1422 = arith.mulf %add3A_1419, %mul3A_1421 : vector<16xf32>
      %sub3A = arith.subf %add3A_1323, %mul3A_1422 : vector<16xf32>
      %sub3A_1423 = arith.subf %add3A_1354, %mul3A_1422 : vector<16xf32>
      %sub3A_1424 = arith.subf %add3A_1385, %mul3A_1422 : vector<16xf32>
      %sub3A_1425 = arith.subf %add3A_1416, %mul3A_1422 : vector<16xf32>
      %mul3A_1426 = arith.mulf %sub3A, %sub3A : vector<16xf32>
      %mul3A_1427 = arith.mulf %sub3A_1423, %sub3A_1423 : vector<16xf32>
      %add3A_1428 = arith.addf %mul3A_1426, %mul3A_1427 : vector<16xf32>
      %mul3A_1429 = arith.mulf %sub3A_1424, %sub3A_1424 : vector<16xf32>
      %add3A_1430 = arith.addf %add3A_1428, %mul3A_1429 : vector<16xf32>
      %mul3A_1431 = arith.mulf %sub3A_1425, %sub3A_1425 : vector<16xf32>
      %add3A_1432 = arith.addf %add3A_1430, %mul3A_1431 : vector<16xf32>
      %mul3A_1433 = arith.constant 2.500000e-01 : f32
      %mul3A_1434 = vector.broadcast %mul3A_1433 : f32 to vector<16xf32>
      %mul3A_1435 = arith.mulf %add3A_1432, %mul3A_1434 : vector<16xf32>
      %add3A_1436 = arith.constant 9.99999974E-6 : f32
      %add3A_1437 = vector.broadcast %add3A_1436 : f32 to vector<16xf32>
      %add3A_1438 = arith.addf %mul3A_1435, %add3A_1437 : vector<16xf32>
      %bitcast3A = vector.bitcast %add3A_1438 : vector<16xf32> to vector<16xi32>
      %shift_right_arithmetic3A = arith.constant 1 : i32
      %shift_right_arithmetic3A_1439 = vector.broadcast %shift_right_arithmetic3A : i32 to vector<16xi32>
      %shift_right_arithmetic3A_1440 = arith.shrsi %bitcast3A, %shift_right_arithmetic3A_1439 : vector<16xi32>
      %sub3A_1441 = arith.constant 1597463007 : i32
      %sub3A_1442 = vector.broadcast %sub3A_1441 : i32 to vector<16xi32>
      %sub3A_1443 = arith.subi %sub3A_1442, %shift_right_arithmetic3A_1440 : vector<16xi32>
      %bitcast3A_1444 = vector.bitcast %sub3A_1443 : vector<16xi32> to vector<16xf32>
      %mul3A_1445 = arith.constant 5.000000e-01 : f32
      %mul3A_1446 = vector.broadcast %mul3A_1445 : f32 to vector<16xf32>
      %mul3A_1447 = arith.mulf %mul3A_1446, %add3A_1438 : vector<16xf32>
      %mul3A_1448 = arith.mulf %mul3A_1447, %bitcast3A_1444 : vector<16xf32>
      %mul3A_1449 = arith.mulf %mul3A_1448, %bitcast3A_1444 : vector<16xf32>
      %sub3A_1450 = arith.constant 1.500000e+00 : f32
      %sub3A_1451 = vector.broadcast %sub3A_1450 : f32 to vector<16xf32>
      %sub3A_1452 = arith.subf %sub3A_1451, %mul3A_1449 : vector<16xf32>
      %mul3A_1453 = arith.mulf %bitcast3A_1444, %sub3A_1452 : vector<16xf32>
      %mul3A_1454 = arith.constant 5.000000e-01 : f32
      %mul3A_1455 = vector.broadcast %mul3A_1454 : f32 to vector<16xf32>
      %mul3A_1456 = arith.mulf %mul3A_1455, %add3A_1438 : vector<16xf32>
      %mul3A_1457 = arith.mulf %mul3A_1456, %mul3A_1453 : vector<16xf32>
      %mul3A_1458 = arith.mulf %mul3A_1457, %mul3A_1453 : vector<16xf32>
      %sub3A_1459 = arith.constant 1.500000e+00 : f32
      %sub3A_1460 = vector.broadcast %sub3A_1459 : f32 to vector<16xf32>
      %sub3A_1461 = arith.subf %sub3A_1460, %mul3A_1458 : vector<16xf32>
      %mul3A_1462 = arith.mulf %mul3A_1453, %sub3A_1461 : vector<16xf32>
      %mul3A_1463 = arith.constant 5.000000e-01 : f32
      %mul3A_1464 = vector.broadcast %mul3A_1463 : f32 to vector<16xf32>
      %mul3A_1465 = arith.mulf %mul3A_1464, %add3A_1438 : vector<16xf32>
      %mul3A_1466 = arith.mulf %mul3A_1465, %mul3A_1462 : vector<16xf32>
      %mul3A_1467 = arith.mulf %mul3A_1466, %mul3A_1462 : vector<16xf32>
      %sub3A_1468 = arith.constant 1.500000e+00 : f32
      %sub3A_1469 = vector.broadcast %sub3A_1468 : f32 to vector<16xf32>
      %sub3A_1470 = arith.subf %sub3A_1469, %mul3A_1467 : vector<16xf32>
      %mul3A_1471 = arith.mulf %mul3A_1462, %sub3A_1470 : vector<16xf32>
      %mul3A_1472 = arith.constant 16 : i32
      %mul3A_1473 = arith.muli %scan3A_1094, %mul3A_1472 : i32
      %add3A_1474 = arith.constant 256 : i32
      %add3A_1475 = arith.addi %add3A_1474, %mul3A_1473 : i32
      %add3A_1476 = vector.broadcast %add3A_1475 : i32 to vector<16xi32>
      %add3A_1477 = arith.addi %add3A_1476, %iota3A : vector<16xi32>
      %mul3A_1478 = vector.broadcast %squeeze3A_1009 : f32 to vector<16xf32>
      %mul3A_1479 = arith.mulf %mul3A_1471, %mul3A_1478 : vector<16xf32>
      %mul3A_1480 = arith.mulf %sub3A, %mul3A_1479 : vector<16xf32>
      %add3A_1481 = vector.broadcast %squeeze3A_1017 : f32 to vector<16xf32>
      %add3A_1482 = arith.addf %mul3A_1480, %add3A_1481 : vector<16xf32>
      %mul3A_1483 = arith.constant 4 : i32
      %mul3A_1484 = vector.broadcast %mul3A_1483 : i32 to vector<16xi32>
      %mul3A_1485 = arith.muli %add3A_1477, %mul3A_1484 : vector<16xi32>
      %add3A_1486 = arith.constant 0 : i32
      %add3A_1487 = vector.broadcast %add3A_1486 : i32 to vector<16xi32>
      %add3A_1488 = arith.addi %mul3A_1485, %add3A_1487 : vector<16xi32>
      tpu.vector_store_idx %arg7[%add3A_1488], %add3A_1482 : memref<2048xf32, #tpu.memory_space<vmem>>[vector<16xi32>], vector<16xf32>,
      %mul3A_1489 = vector.broadcast %squeeze3A_1011 : f32 to vector<16xf32>
      %mul3A_1490 = arith.mulf %mul3A_1471, %mul3A_1489 : vector<16xf32>
      %mul3A_1491 = arith.mulf %sub3A_1423, %mul3A_1490 : vector<16xf32>
      %add3A_1492 = vector.broadcast %squeeze3A_1019 : f32 to vector<16xf32>
      %add3A_1493 = arith.addf %mul3A_1491, %add3A_1492 : vector<16xf32>
      %mul3A_1494 = arith.constant 4 : i32
      %mul3A_1495 = vector.broadcast %mul3A_1494 : i32 to vector<16xi32>
      %mul3A_1496 = arith.muli %add3A_1477, %mul3A_1495 : vector<16xi32>
      %add3A_1497 = arith.constant 1 : i32
      %add3A_1498 = vector.broadcast %add3A_1497 : i32 to vector<16xi32>
      %add3A_1499 = arith.addi %mul3A_1496, %add3A_1498 : vector<16xi32>
      tpu.vector_store_idx %arg7[%add3A_1499], %add3A_1493 : memref<2048xf32, #tpu.memory_space<vmem>>[vector<16xi32>], vector<16xf32>,
      %mul3A_1500 = vector.broadcast %squeeze3A_1013 : f32 to vector<16xf32>
      %mul3A_1501 = arith.mulf %mul3A_1471, %mul3A_1500 : vector<16xf32>
      %mul3A_1502 = arith.mulf %sub3A_1424, %mul3A_1501 : vector<16xf32>
      %add3A_1503 = vector.broadcast %squeeze3A_1021 : f32 to vector<16xf32>
      %add3A_1504 = arith.addf %mul3A_1502, %add3A_1503 : vector<16xf32>
      %mul3A_1505 = arith.constant 4 : i32
      %mul3A_1506 = vector.broadcast %mul3A_1505 : i32 to vector<16xi32>
      %mul3A_1507 = arith.muli %add3A_1477, %mul3A_1506 : vector<16xi32>
      %add3A_1508 = arith.constant 2 : i32
      %add3A_1509 = vector.broadcast %add3A_1508 : i32 to vector<16xi32>
      %add3A_1510 = arith.addi %mul3A_1507, %add3A_1509 : vector<16xi32>
      tpu.vector_store_idx %arg7[%add3A_1510], %add3A_1504 : memref<2048xf32, #tpu.memory_space<vmem>>[vector<16xi32>], vector<16xf32>,
      %mul3A_1511 = vector.broadcast %squeeze3A_1015 : f32 to vector<16xf32>
      %mul3A_1512 = arith.mulf %mul3A_1471, %mul3A_1511 : vector<16xf32>
      %mul3A_1513 = arith.mulf %sub3A_1425, %mul3A_1512 : vector<16xf32>
      %add3A_1514 = vector.broadcast %squeeze3A_1023 : f32 to vector<16xf32>
      %add3A_1515 = arith.addf %mul3A_1513, %add3A_1514 : vector<16xf32>
      %mul3A_1516 = arith.constant 4 : i32
      %mul3A_1517 = vector.broadcast %mul3A_1516 : i32 to vector<16xi32>
      %mul3A_1518 = arith.muli %add3A_1477, %mul3A_1517 : vector<16xi32>
      %add3A_1519 = arith.constant 3 : i32
      %add3A_1520 = vector.broadcast %add3A_1519 : i32 to vector<16xi32>
      %add3A_1521 = arith.addi %mul3A_1518, %add3A_1520 : vector<16xi32>
      tpu.vector_store_idx %arg7[%add3A_1521], %add3A_1515 : memref<2048xf32, #tpu.memory_space<vmem>>[vector<16xi32>], vector<16xf32>,
    }
    %scan3A_1083 = arith.constant 8 : i32
    %dma_wait3A_1084 = tpu.memref_slice %arg2[%mul3A_1073] : memref<3276800xi32, #tpu.memory_space<hbm>> -> memref<25600xi32, #tpu.memory_space<hbm>>
    %dma_wait3A_1085 = tpu.memref_slice %arg2[%mul3A_1073] : memref<3276800xi32, #tpu.memory_space<hbm>> -> memref<25600xi32, #tpu.memory_space<hbm>>
    tpu.wait_dma2 semaphore(%arg11 : memref<!tpu.dma_semaphore, #tpu.memory_space<semaphore_mem>>) src(%dma_wait3A_1085 : memref<25600xi32, #tpu.memory_space<hbm>>) dst(%arg6 : memref<25600xi32, #tpu.memory_space<vmem>>)
    %scan3A_1086 = arith.constant 0 : i32
    %scan3A_1087 = arith.constant 0 : i32
    %scan3A_1088 = arith.constant 8 : i32
    %scan3A_1089 = arith.addi %scan3A_1087, %scan3A_1088 : i32
    %scan3A_1090 = arith.constant 1 : i32
    scf.for %scan3A_1094 = %scan3A_1087 to %scan3A_1089 step %scan3A_1090  : i32 {
      %swap3A = arith.constant 0 : index
      %swap3A_1095 = tpu.vector_load %arg8[%swap3A] {strides = array<i32>} : memref<640xf32, #tpu.memory_space<vmem>>, vector<16xf32>,
      tpu.vector_store %arg8[%swap3A], %broadcast_in_dim3A_1026 {strides = array<i32>} : memref<640xf32, #tpu.memory_space<vmem>>, vector<16xf32>,
      %swap3A_1096 = arith.constant 16 : index
      %swap3A_1097 = tpu.vector_load %arg8[%swap3A_1096] {strides = array<i32>} : memref<640xf32, #tpu.memory_space<vmem>>, vector<16xf32>,
      tpu.vector_store %arg8[%swap3A_1096], %broadcast_in_dim3A_1026 {strides = array<i32>} : memref<640xf32, #tpu.memory_space<vmem>>, vector<16xf32>,
      %swap3A_1098 = arith.constant 32 : index
      %swap3A_1099 = tpu.vector_load %arg8[%swap3A_1098] {strides = array<i32>} : memref<640xf32, #tpu.memory_space<vmem>>, vector<16xf32>,
      tpu.vector_store %arg8[%swap3A_1098], %broadcast_in_dim3A_1026 {strides = array<i32>} : memref<640xf32, #tpu.memory_space<vmem>>, vector<16xf32>,
      %swap3A_1100 = arith.constant 48 : index
      %swap3A_1101 = tpu.vector_load %arg8[%swap3A_1100] {strides = array<i32>} : memref<640xf32, #tpu.memory_space<vmem>>, vector<16xf32>,
      tpu.vector_store %arg8[%swap3A_1100], %broadcast_in_dim3A_1026 {strides = array<i32>} : memref<640xf32, #tpu.memory_space<vmem>>, vector<16xf32>,
      %swap3A_1102 = arith.constant 64 : index
      %swap3A_1103 = tpu.vector_load %arg8[%swap3A_1102] {strides = array<i32>} : memref<640xf32, #tpu.memory_space<vmem>>, vector<16xf32>,
      tpu.vector_store %arg8[%swap3A_1102], %broadcast_in_dim3A_1026 {strides = array<i32>} : memref<640xf32, #tpu.memory_space<vmem>>, vector<16xf32>,
      %swap3A_1104 = arith.constant 80 : index
      %swap3A_1105 = tpu.vector_load %arg8[%swap3A_1104] {strides = array<i32>} : memref<640xf32, #tpu.memory_space<vmem>>, vector<16xf32>,
      tpu.vector_store %arg8[%swap3A_1104], %broadcast_in_dim3A_1026 {strides = array<i32>} : memref<640xf32, #tpu.memory_space<vmem>>, vector<16xf32>,
      %swap3A_1106 = arith.constant 96 : index
      %swap3A_1107 = tpu.vector_load %arg8[%swap3A_1106] {strides = array<i32>} : memref<640xf32, #tpu.memory_space<vmem>>, vector<16xf32>,
      tpu.vector_store %arg8[%swap3A_1106], %broadcast_in_dim3A_1026 {strides = array<i32>} : memref<640xf32, #tpu.memory_space<vmem>>, vector<16xf32>,
      %swap3A_1108 = arith.constant 112 : index
      %swap3A_1109 = tpu.vector_load %arg8[%swap3A_1108] {strides = array<i32>} : memref<640xf32, #tpu.memory_space<vmem>>, vector<16xf32>,
      tpu.vector_store %arg8[%swap3A_1108], %broadcast_in_dim3A_1026 {strides = array<i32>} : memref<640xf32, #tpu.memory_space<vmem>>, vector<16xf32>,
      %swap3A_1110 = arith.constant 128 : index
      %swap3A_1111 = tpu.vector_load %arg8[%swap3A_1110] {strides = array<i32>} : memref<640xf32, #tpu.memory_space<vmem>>, vector<16xf32>,
      tpu.vector_store %arg8[%swap3A_1110], %broadcast_in_dim3A_1026 {strides = array<i32>} : memref<640xf32, #tpu.memory_space<vmem>>, vector<16xf32>,
      %swap3A_1112 = arith.constant 144 : index
      %swap3A_1113 = tpu.vector_load %arg8[%swap3A_1112] {strides = array<i32>} : memref<640xf32, #tpu.memory_space<vmem>>, vector<16xf32>,
      tpu.vector_store %arg8[%swap3A_1112], %broadcast_in_dim3A_1026 {strides = array<i32>} : memref<640xf32, #tpu.memory_space<vmem>>, vector<16xf32>,
      %swap3A_1114 = arith.constant 160 : index
      %swap3A_1115 = tpu.vector_load %arg8[%swap3A_1114] {strides = array<i32>} : memref<640xf32, #tpu.memory_space<vmem>>, vector<16xf32>,
      tpu.vector_store %arg8[%swap3A_1114], %broadcast_in_dim3A_1026 {strides = array<i32>} : memref<640xf32, #tpu.memory_space<vmem>>, vector<16xf32>,
      %swap3A_1116 = arith.constant 176 : index
      %swap3A_1117 = tpu.vector_load %arg8[%swap3A_1116] {strides = array<i32>} : memref<640xf32, #tpu.memory_space<vmem>>, vector<16xf32>,
      tpu.vector_store %arg8[%swap3A_1116], %broadcast_in_dim3A_1026 {strides = array<i32>} : memref<640xf32, #tpu.memory_space<vmem>>, vector<16xf32>,
      %swap3A_1118 = arith.constant 192 : index
      %swap3A_1119 = tpu.vector_load %arg8[%swap3A_1118] {strides = array<i32>} : memref<640xf32, #tpu.memory_space<vmem>>, vector<16xf32>,
      tpu.vector_store %arg8[%swap3A_1118], %broadcast_in_dim3A_1026 {strides = array<i32>} : memref<640xf32, #tpu.memory_space<vmem>>, vector<16xf32>,
      %swap3A_1120 = arith.constant 208 : index
      %swap3A_1121 = tpu.vector_load %arg8[%swap3A_1120] {strides = array<i32>} : memref<640xf32, #tpu.memory_space<vmem>>, vector<16xf32>,
      tpu.vector_store %arg8[%swap3A_1120], %broadcast_in_dim3A_1026 {strides = array<i32>} : memref<640xf32, #tpu.memory_space<vmem>>, vector<16xf32>,
      %swap3A_1122 = arith.constant 224 : index
      %swap3A_1123 = tpu.vector_load %arg8[%swap3A_1122] {strides = array<i32>} : memref<640xf32, #tpu.memory_space<vmem>>, vector<16xf32>,
      tpu.vector_store %arg8[%swap3A_1122], %broadcast_in_dim3A_1026 {strides = array<i32>} : memref<640xf32, #tpu.memory_space<vmem>>, vector<16xf32>,
      %swap3A_1124 = arith.constant 240 : index
      %swap3A_1125 = tpu.vector_load %arg8[%swap3A_1124] {strides = array<i32>} : memref<640xf32, #tpu.memory_space<vmem>>, vector<16xf32>,
      tpu.vector_store %arg8[%swap3A_1124], %broadcast_in_dim3A_1026 {strides = array<i32>} : memref<640xf32, #tpu.memory_space<vmem>>, vector<16xf32>,
      %swap3A_1126 = arith.constant 256 : index
      %swap3A_1127 = tpu.vector_load %arg8[%swap3A_1126] {strides = array<i32>} : memref<640xf32, #tpu.memory_space<vmem>>, vector<16xf32>,
      tpu.vector_store %arg8[%swap3A_1126], %broadcast_in_dim3A_1026 {strides = array<i32>} : memref<640xf32, #tpu.memory_space<vmem>>, vector<16xf32>,
      %swap3A_1128 = arith.constant 272 : index
      %swap3A_1129 = tpu.vector_load %arg8[%swap3A_1128] {strides = array<i32>} : memref<640xf32, #tpu.memory_space<vmem>>, vector<16xf32>,
      tpu.vector_store %arg8[%swap3A_1128], %broadcast_in_dim3A_1026 {strides = array<i32>} : memref<640xf32, #tpu.memory_space<vmem>>, vector<16xf32>,
      %swap3A_1130 = arith.constant 288 : index
      %swap3A_1131 = tpu.vector_load %arg8[%swap3A_1130] {strides = array<i32>} : memref<640xf32, #tpu.memory_space<vmem>>, vector<16xf32>,
      tpu.vector_store %arg8[%swap3A_1130], %broadcast_in_dim3A_1026 {strides = array<i32>} : memref<640xf32, #tpu.memory_space<vmem>>, vector<16xf32>,
      %swap3A_1132 = arith.constant 304 : index
      %swap3A_1133 = tpu.vector_load %arg8[%swap3A_1132] {strides = array<i32>} : memref<640xf32, #tpu.memory_space<vmem>>, vector<16xf32>,
      tpu.vector_store %arg8[%swap3A_1132], %broadcast_in_dim3A_1026 {strides = array<i32>} : memref<640xf32, #tpu.memory_space<vmem>>, vector<16xf32>,
      %swap3A_1134 = arith.constant 320 : index
      %swap3A_1135 = tpu.vector_load %arg8[%swap3A_1134] {strides = array<i32>} : memref<640xf32, #tpu.memory_space<vmem>>, vector<16xf32>,
      tpu.vector_store %arg8[%swap3A_1134], %broadcast_in_dim3A_1026 {strides = array<i32>} : memref<640xf32, #tpu.memory_space<vmem>>, vector<16xf32>,
      %swap3A_1136 = arith.constant 336 : index
      %swap3A_1137 = tpu.vector_load %arg8[%swap3A_1136] {strides = array<i32>} : memref<640xf32, #tpu.memory_space<vmem>>, vector<16xf32>,
      tpu.vector_store %arg8[%swap3A_1136], %broadcast_in_dim3A_1026 {strides = array<i32>} : memref<640xf32, #tpu.memory_space<vmem>>, vector<16xf32>,
      %swap3A_1138 = arith.constant 352 : index
      %swap3A_1139 = tpu.vector_load %arg8[%swap3A_1138] {strides = array<i32>} : memref<640xf32, #tpu.memory_space<vmem>>, vector<16xf32>,
      tpu.vector_store %arg8[%swap3A_1138], %broadcast_in_dim3A_1026 {strides = array<i32>} : memref<640xf32, #tpu.memory_space<vmem>>, vector<16xf32>,
      %swap3A_1140 = arith.constant 368 : index
      %swap3A_1141 = tpu.vector_load %arg8[%swap3A_1140] {strides = array<i32>} : memref<640xf32, #tpu.memory_space<vmem>>, vector<16xf32>,
      tpu.vector_store %arg8[%swap3A_1140], %broadcast_in_dim3A_1026 {strides = array<i32>} : memref<640xf32, #tpu.memory_space<vmem>>, vector<16xf32>,
      %swap3A_1142 = arith.constant 384 : index
      %swap3A_1143 = tpu.vector_load %arg8[%swap3A_1142] {strides = array<i32>} : memref<640xf32, #tpu.memory_space<vmem>>, vector<16xf32>,
      tpu.vector_store %arg8[%swap3A_1142], %broadcast_in_dim3A_1026 {strides = array<i32>} : memref<640xf32, #tpu.memory_space<vmem>>, vector<16xf32>,
      %swap3A_1144 = arith.constant 400 : index
      %swap3A_1145 = tpu.vector_load %arg8[%swap3A_1144] {strides = array<i32>} : memref<640xf32, #tpu.memory_space<vmem>>, vector<16xf32>,
      tpu.vector_store %arg8[%swap3A_1144], %broadcast_in_dim3A_1026 {strides = array<i32>} : memref<640xf32, #tpu.memory_space<vmem>>, vector<16xf32>,
      %swap3A_1146 = arith.constant 416 : index
      %swap3A_1147 = tpu.vector_load %arg8[%swap3A_1146] {strides = array<i32>} : memref<640xf32, #tpu.memory_space<vmem>>, vector<16xf32>,
      tpu.vector_store %arg8[%swap3A_1146], %broadcast_in_dim3A_1026 {strides = array<i32>} : memref<640xf32, #tpu.memory_space<vmem>>, vector<16xf32>,
      %swap3A_1148 = arith.constant 432 : index
      %swap3A_1149 = tpu.vector_load %arg8[%swap3A_1148] {strides = array<i32>} : memref<640xf32, #tpu.memory_space<vmem>>, vector<16xf32>,
      tpu.vector_store %arg8[%swap3A_1148], %broadcast_in_dim3A_1026 {strides = array<i32>} : memref<640xf32, #tpu.memory_space<vmem>>, vector<16xf32>,
      %swap3A_1150 = arith.constant 448 : index
      %swap3A_1151 = tpu.vector_load %arg8[%swap3A_1150] {strides = array<i32>} : memref<640xf32, #tpu.memory_space<vmem>>, vector<16xf32>,
      tpu.vector_store %arg8[%swap3A_1150], %broadcast_in_dim3A_1026 {strides = array<i32>} : memref<640xf32, #tpu.memory_space<vmem>>, vector<16xf32>,
      %swap3A_1152 = arith.constant 464 : index
      %swap3A_1153 = tpu.vector_load %arg8[%swap3A_1152] {strides = array<i32>} : memref<640xf32, #tpu.memory_space<vmem>>, vector<16xf32>,
      tpu.vector_store %arg8[%swap3A_1152], %broadcast_in_dim3A_1026 {strides = array<i32>} : memref<640xf32, #tpu.memory_space<vmem>>, vector<16xf32>,
      %swap3A_1154 = arith.constant 480 : index
      %swap3A_1155 = tpu.vector_load %arg8[%swap3A_1154] {strides = array<i32>} : memref<640xf32, #tpu.memory_space<vmem>>, vector<16xf32>,
      tpu.vector_store %arg8[%swap3A_1154], %broadcast_in_dim3A_1026 {strides = array<i32>} : memref<640xf32, #tpu.memory_space<vmem>>, vector<16xf32>,
      %swap3A_1156 = arith.constant 496 : index
      %swap3A_1157 = tpu.vector_load %arg8[%swap3A_1156] {strides = array<i32>} : memref<640xf32, #tpu.memory_space<vmem>>, vector<16xf32>,
      tpu.vector_store %arg8[%swap3A_1156], %broadcast_in_dim3A_1026 {strides = array<i32>} : memref<640xf32, #tpu.memory_space<vmem>>, vector<16xf32>,
      %swap3A_1158 = arith.constant 512 : index
      %swap3A_1159 = tpu.vector_load %arg8[%swap3A_1158] {strides = array<i32>} : memref<640xf32, #tpu.memory_space<vmem>>, vector<16xf32>,
      tpu.vector_store %arg8[%swap3A_1158], %broadcast_in_dim3A_1026 {strides = array<i32>} : memref<640xf32, #tpu.memory_space<vmem>>, vector<16xf32>,
      %swap3A_1160 = arith.constant 528 : index
      %swap3A_1161 = tpu.vector_load %arg8[%swap3A_1160] {strides = array<i32>} : memref<640xf32, #tpu.memory_space<vmem>>, vector<16xf32>,
      tpu.vector_store %arg8[%swap3A_1160], %broadcast_in_dim3A_1026 {strides = array<i32>} : memref<640xf32, #tpu.memory_space<vmem>>, vector<16xf32>,
      %swap3A_1162 = arith.constant 544 : index
      %swap3A_1163 = tpu.vector_load %arg8[%swap3A_1162] {strides = array<i32>} : memref<640xf32, #tpu.memory_space<vmem>>, vector<16xf32>,
      tpu.vector_store %arg8[%swap3A_1162], %broadcast_in_dim3A_1026 {strides = array<i32>} : memref<640xf32, #tpu.memory_space<vmem>>, vector<16xf32>,
      %swap3A_1164 = arith.constant 560 : index
      %swap3A_1165 = tpu.vector_load %arg8[%swap3A_1164] {strides = array<i32>} : memref<640xf32, #tpu.memory_space<vmem>>, vector<16xf32>,
      tpu.vector_store %arg8[%swap3A_1164], %broadcast_in_dim3A_1026 {strides = array<i32>} : memref<640xf32, #tpu.memory_space<vmem>>, vector<16xf32>,
      %swap3A_1166 = arith.constant 576 : index
      %swap3A_1167 = tpu.vector_load %arg8[%swap3A_1166] {strides = array<i32>} : memref<640xf32, #tpu.memory_space<vmem>>, vector<16xf32>,
      tpu.vector_store %arg8[%swap3A_1166], %broadcast_in_dim3A_1026 {strides = array<i32>} : memref<640xf32, #tpu.memory_space<vmem>>, vector<16xf32>,
      %swap3A_1168 = arith.constant 592 : index
      %swap3A_1169 = tpu.vector_load %arg8[%swap3A_1168] {strides = array<i32>} : memref<640xf32, #tpu.memory_space<vmem>>, vector<16xf32>,
      tpu.vector_store %arg8[%swap3A_1168], %broadcast_in_dim3A_1026 {strides = array<i32>} : memref<640xf32, #tpu.memory_space<vmem>>, vector<16xf32>,
      %swap3A_1170 = arith.constant 608 : index
      %swap3A_1171 = tpu.vector_load %arg8[%swap3A_1170] {strides = array<i32>} : memref<640xf32, #tpu.memory_space<vmem>>, vector<16xf32>,
      tpu.vector_store %arg8[%swap3A_1170], %broadcast_in_dim3A_1026 {strides = array<i32>} : memref<640xf32, #tpu.memory_space<vmem>>, vector<16xf32>,
      %swap3A_1172 = arith.constant 624 : index
      %swap3A_1173 = tpu.vector_load %arg8[%swap3A_1172] {strides = array<i32>} : memref<640xf32, #tpu.memory_space<vmem>>, vector<16xf32>,
      tpu.vector_store %arg8[%swap3A_1172], %broadcast_in_dim3A_1026 {strides = array<i32>} : memref<640xf32, #tpu.memory_space<vmem>>, vector<16xf32>,
      %mul3A_1174 = arith.constant 16 : i32
      %mul3A_1175 = arith.muli %scan3A_1094, %mul3A_1174 : i32
      %add3A_1176 = vector.broadcast %mul3A_1175 : i32 to vector<16xi32>
      %add3A_1177 = arith.addi %add3A_1176, %iota3A : vector<16xi32>
      %mul3A_1178 = arith.constant 200 : i32
      %mul3A_1179 = vector.broadcast %mul3A_1178 : i32 to vector<16xi32>
      %mul3A_1180 = arith.muli %add3A_1177, %mul3A_1179 : vector<16xi32>
      %parallel_loop3A = arith.constant 0 : i32
      %parallel_loop3A_1181 = arith.constant 200 : i32
      %parallel_loop3A_1182 = arith.constant 4 : i32
      scf.for %parallel_loop3A_1522 = %parallel_loop3A to %parallel_loop3A_1181 step %parallel_loop3A_1182  : i32 {
        %parallel_loop3A_1523 = vector.broadcast %parallel_loop3A_1522 : i32 to vector<16xi32>
        %parallel_loop3A_1524 = arith.addi %mul3A_1180, %parallel_loop3A_1523 : vector<16xi32>
        %parallel_loop3A_1525 = arith.constant 0 : i32
        %parallel_loop3A_1526 = vector.broadcast %parallel_loop3A_1525 : i32 to vector<16xi32>
        %parallel_loop3A_1527 = arith.addi %parallel_loop3A_1524, %parallel_loop3A_1526 : vector<16xi32>
        %parallel_loop3A_1528 = tpu.vector_load_idx %arg6[%parallel_loop3A_1527] : memref<25600xi32, #tpu.memory_space<vmem>>[vector<16xi32>], vector<16xi32>,
        %parallel_loop3A_1529 = arith.constant 16 : i32
        %parallel_loop3A_1530 = vector.broadcast %parallel_loop3A_1529 : i32 to vector<16xi32>
        %parallel_loop3A_1531 = arith.muli %parallel_loop3A_1528, %parallel_loop3A_1530 : vector<16xi32>
        %parallel_loop3A_1532 = arith.addi %parallel_loop3A_1531, %add3A_1029 : vector<16xi32>
        tpu.vector_store_idx %arg8[%parallel_loop3A_1532], %broadcast_in_dim3A_1024 {add = true} : memref<640xf32, #tpu.memory_space<vmem>>[vector<16xi32>], vector<16xf32>,
        %parallel_loop3A_1533 = arith.constant 1 : i32
        %parallel_loop3A_1534 = vector.broadcast %parallel_loop3A_1533 : i32 to vector<16xi32>
        %parallel_loop3A_1535 = arith.addi %parallel_loop3A_1524, %parallel_loop3A_1534 : vector<16xi32>
        %parallel_loop3A_1536 = tpu.vector_load_idx %arg6[%parallel_loop3A_1535] : memref<25600xi32, #tpu.memory_space<vmem>>[vector<16xi32>], vector<16xi32>,
        %parallel_loop3A_1537 = arith.constant 16 : i32
        %parallel_loop3A_1538 = vector.broadcast %parallel_loop3A_1537 : i32 to vector<16xi32>
        %parallel_loop3A_1539 = arith.muli %parallel_loop3A_1536, %parallel_loop3A_1538 : vector<16xi32>
        %parallel_loop3A_1540 = arith.addi %parallel_loop3A_1539, %add3A_1032 : vector<16xi32>
        tpu.vector_store_idx %arg8[%parallel_loop3A_1540], %broadcast_in_dim3A_1024 {add = true} : memref<640xf32, #tpu.memory_space<vmem>>[vector<16xi32>], vector<16xf32>,
        %parallel_loop3A_1541 = arith.constant 2 : i32
        %parallel_loop3A_1542 = vector.broadcast %parallel_loop3A_1541 : i32 to vector<16xi32>
        %parallel_loop3A_1543 = arith.addi %parallel_loop3A_1524, %parallel_loop3A_1542 : vector<16xi32>
        %parallel_loop3A_1544 = tpu.vector_load_idx %arg6[%parallel_loop3A_1543] : memref<25600xi32, #tpu.memory_space<vmem>>[vector<16xi32>], vector<16xi32>,
        %parallel_loop3A_1545 = arith.constant 16 : i32
        %parallel_loop3A_1546 = vector.broadcast %parallel_loop3A_1545 : i32 to vector<16xi32>
        %parallel_loop3A_1547 = arith.muli %parallel_loop3A_1544, %parallel_loop3A_1546 : vector<16xi32>
        %parallel_loop3A_1548 = arith.addi %parallel_loop3A_1547, %add3A_1035 : vector<16xi32>
        tpu.vector_store_idx %arg8[%parallel_loop3A_1548], %broadcast_in_dim3A_1024 {add = true} : memref<640xf32, #tpu.memory_space<vmem>>[vector<16xi32>], vector<16xf32>,
        %parallel_loop3A_1549 = arith.constant 3 : i32
        %parallel_loop3A_1550 = vector.broadcast %parallel_loop3A_1549 : i32 to vector<16xi32>
        %parallel_loop3A_1551 = arith.addi %parallel_loop3A_1524, %parallel_loop3A_1550 : vector<16xi32>
        %parallel_loop3A_1552 = tpu.vector_load_idx %arg6[%parallel_loop3A_1551] : memref<25600xi32, #tpu.memory_space<vmem>>[vector<16xi32>], vector<16xi32>,
        %parallel_loop3A_1553 = arith.constant 16 : i32
        %parallel_loop3A_1554 = vector.broadcast %parallel_loop3A_1553 : i32 to vector<16xi32>
        %parallel_loop3A_1555 = arith.muli %parallel_loop3A_1552, %parallel_loop3A_1554 : vector<16xi32>
        %parallel_loop3A_1556 = arith.addi %parallel_loop3A_1555, %add3A_1038 : vector<16xi32>
        tpu.vector_store_idx %arg8[%parallel_loop3A_1556], %broadcast_in_dim3A_1024 {add = true} : memref<640xf32, #tpu.memory_space<vmem>>[vector<16xi32>], vector<16xf32>,
      } {sc.loop_unroll_factor = 5 : i64, sc.parallel_access}
      %get3A_1183 = arith.constant 0 : index
      %get3A_1184 = tpu.vector_load %arg8[%get3A_1183] {strides = array<i32>} : memref<640xf32, #tpu.memory_space<vmem>>, vector<16xf32>,
      %get3A_1185 = arith.constant 160 : index
      %get3A_1186 = tpu.vector_load %arg8[%get3A_1185] {strides = array<i32>} : memref<640xf32, #tpu.memory_space<vmem>>, vector<16xf32>,
      %add3A_1187 = arith.addf %get3A_1184, %get3A_1186 : vector<16xf32>
      %get3A_1188 = arith.constant 320 : index
      %get3A_1189 = tpu.vector_load %arg8[%get3A_1188] {strides = array<i32>} : memref<640xf32, #tpu.memory_space<vmem>>, vector<16xf32>,
      %add3A_1190 = arith.addf %add3A_1187, %get3A_1189 : vector<16xf32>
      %get3A_1191 = arith.constant 480 : index
      %get3A_1192 = tpu.vector_load %arg8[%get3A_1191] {strides = array<i32>} : memref<640xf32, #tpu.memory_space<vmem>>, vector<16xf32>,
      %add3A_1193 = arith.addf %add3A_1190, %get3A_1192 : vector<16xf32>
      %get3A_1194 = arith.constant 16 : index
      %get3A_1195 = tpu.vector_load %arg8[%get3A_1194] {strides = array<i32>} : memref<640xf32, #tpu.memory_space<vmem>>, vector<16xf32>,
      %get3A_1196 = arith.constant 176 : index
      %get3A_1197 = tpu.vector_load %arg8[%get3A_1196] {strides = array<i32>} : memref<640xf32, #tpu.memory_space<vmem>>, vector<16xf32>,
      %add3A_1198 = arith.addf %get3A_1195, %get3A_1197 : vector<16xf32>
      %get3A_1199 = arith.constant 336 : index
      %get3A_1200 = tpu.vector_load %arg8[%get3A_1199] {strides = array<i32>} : memref<640xf32, #tpu.memory_space<vmem>>, vector<16xf32>,
      %add3A_1201 = arith.addf %add3A_1198, %get3A_1200 : vector<16xf32>
      %get3A_1202 = arith.constant 496 : index
      %get3A_1203 = tpu.vector_load %arg8[%get3A_1202] {strides = array<i32>} : memref<640xf32, #tpu.memory_space<vmem>>, vector<16xf32>,
      %add3A_1204 = arith.addf %add3A_1201, %get3A_1203 : vector<16xf32>
      %get3A_1205 = arith.constant 32 : index
      %get3A_1206 = tpu.vector_load %arg8[%get3A_1205] {strides = array<i32>} : memref<640xf32, #tpu.memory_space<vmem>>, vector<16xf32>,
      %get3A_1207 = arith.constant 192 : index
      %get3A_1208 = tpu.vector_load %arg8[%get3A_1207] {strides = array<i32>} : memref<640xf32, #tpu.memory_space<vmem>>, vector<16xf32>,
      %add3A_1209 = arith.addf %get3A_1206, %get3A_1208 : vector<16xf32>
      %get3A_1210 = arith.constant 352 : index
      %get3A_1211 = tpu.vector_load %arg8[%get3A_1210] {strides = array<i32>} : memref<640xf32, #tpu.memory_space<vmem>>, vector<16xf32>,
      %add3A_1212 = arith.addf %add3A_1209, %get3A_1211 : vector<16xf32>
      %get3A_1213 = arith.constant 512 : index
      %get3A_1214 = tpu.vector_load %arg8[%get3A_1213] {strides = array<i32>} : memref<640xf32, #tpu.memory_space<vmem>>, vector<16xf32>,
      %add3A_1215 = arith.addf %add3A_1212, %get3A_1214 : vector<16xf32>
      %get3A_1216 = arith.constant 48 : index
      %get3A_1217 = tpu.vector_load %arg8[%get3A_1216] {strides = array<i32>} : memref<640xf32, #tpu.memory_space<vmem>>, vector<16xf32>,
      %get3A_1218 = arith.constant 208 : index
      %get3A_1219 = tpu.vector_load %arg8[%get3A_1218] {strides = array<i32>} : memref<640xf32, #tpu.memory_space<vmem>>, vector<16xf32>,
      %add3A_1220 = arith.addf %get3A_1217, %get3A_1219 : vector<16xf32>
      %get3A_1221 = arith.constant 368 : index
      %get3A_1222 = tpu.vector_load %arg8[%get3A_1221] {strides = array<i32>} : memref<640xf32, #tpu.memory_space<vmem>>, vector<16xf32>,
      %add3A_1223 = arith.addf %add3A_1220, %get3A_1222 : vector<16xf32>
      %get3A_1224 = arith.constant 528 : index
      %get3A_1225 = tpu.vector_load %arg8[%get3A_1224] {strides = array<i32>} : memref<640xf32, #tpu.memory_space<vmem>>, vector<16xf32>,
      %add3A_1226 = arith.addf %add3A_1223, %get3A_1225 : vector<16xf32>
      %get3A_1227 = arith.constant 64 : index
      %get3A_1228 = tpu.vector_load %arg8[%get3A_1227] {strides = array<i32>} : memref<640xf32, #tpu.memory_space<vmem>>, vector<16xf32>,
      %get3A_1229 = arith.constant 224 : index
      %get3A_1230 = tpu.vector_load %arg8[%get3A_1229] {strides = array<i32>} : memref<640xf32, #tpu.memory_space<vmem>>, vector<16xf32>,
      %add3A_1231 = arith.addf %get3A_1228, %get3A_1230 : vector<16xf32>
      %get3A_1232 = arith.constant 384 : index
      %get3A_1233 = tpu.vector_load %arg8[%get3A_1232] {strides = array<i32>} : memref<640xf32, #tpu.memory_space<vmem>>, vector<16xf32>,
      %add3A_1234 = arith.addf %add3A_1231, %get3A_1233 : vector<16xf32>
      %get3A_1235 = arith.constant 544 : index
      %get3A_1236 = tpu.vector_load %arg8[%get3A_1235] {strides = array<i32>} : memref<640xf32, #tpu.memory_space<vmem>>, vector<16xf32>,
      %add3A_1237 = arith.addf %add3A_1234, %get3A_1236 : vector<16xf32>
      %get3A_1238 = arith.constant 80 : index
      %get3A_1239 = tpu.vector_load %arg8[%get3A_1238] {strides = array<i32>} : memref<640xf32, #tpu.memory_space<vmem>>, vector<16xf32>,
      %get3A_1240 = arith.constant 240 : index
      %get3A_1241 = tpu.vector_load %arg8[%get3A_1240] {strides = array<i32>} : memref<640xf32, #tpu.memory_space<vmem>>, vector<16xf32>,
      %add3A_1242 = arith.addf %get3A_1239, %get3A_1241 : vector<16xf32>
      %get3A_1243 = arith.constant 400 : index
      %get3A_1244 = tpu.vector_load %arg8[%get3A_1243] {strides = array<i32>} : memref<640xf32, #tpu.memory_space<vmem>>, vector<16xf32>,
      %add3A_1245 = arith.addf %add3A_1242, %get3A_1244 : vector<16xf32>
      %get3A_1246 = arith.constant 560 : index
      %get3A_1247 = tpu.vector_load %arg8[%get3A_1246] {strides = array<i32>} : memref<640xf32, #tpu.memory_space<vmem>>, vector<16xf32>,
      %add3A_1248 = arith.addf %add3A_1245, %get3A_1247 : vector<16xf32>
      %get3A_1249 = arith.constant 96 : index
      %get3A_1250 = tpu.vector_load %arg8[%get3A_1249] {strides = array<i32>} : memref<640xf32, #tpu.memory_space<vmem>>, vector<16xf32>,
      %get3A_1251 = arith.constant 256 : index
      %get3A_1252 = tpu.vector_load %arg8[%get3A_1251] {strides = array<i32>} : memref<640xf32, #tpu.memory_space<vmem>>, vector<16xf32>,
      %add3A_1253 = arith.addf %get3A_1250, %get3A_1252 : vector<16xf32>
      %get3A_1254 = arith.constant 416 : index
      %get3A_1255 = tpu.vector_load %arg8[%get3A_1254] {strides = array<i32>} : memref<640xf32, #tpu.memory_space<vmem>>, vector<16xf32>,
      %add3A_1256 = arith.addf %add3A_1253, %get3A_1255 : vector<16xf32>
      %get3A_1257 = arith.constant 576 : index
      %get3A_1258 = tpu.vector_load %arg8[%get3A_1257] {strides = array<i32>} : memref<640xf32, #tpu.memory_space<vmem>>, vector<16xf32>,
      %add3A_1259 = arith.addf %add3A_1256, %get3A_1258 : vector<16xf32>
      %get3A_1260 = arith.constant 112 : index
      %get3A_1261 = tpu.vector_load %arg8[%get3A_1260] {strides = array<i32>} : memref<640xf32, #tpu.memory_space<vmem>>, vector<16xf32>,
      %get3A_1262 = arith.constant 272 : index
      %get3A_1263 = tpu.vector_load %arg8[%get3A_1262] {strides = array<i32>} : memref<640xf32, #tpu.memory_space<vmem>>, vector<16xf32>,
      %add3A_1264 = arith.addf %get3A_1261, %get3A_1263 : vector<16xf32>
      %get3A_1265 = arith.constant 432 : index
      %get3A_1266 = tpu.vector_load %arg8[%get3A_1265] {strides = array<i32>} : memref<640xf32, #tpu.memory_space<vmem>>, vector<16xf32>,
      %add3A_1267 = arith.addf %add3A_1264, %get3A_1266 : vector<16xf32>
      %get3A_1268 = arith.constant 592 : index
      %get3A_1269 = tpu.vector_load %arg8[%get3A_1268] {strides = array<i32>} : memref<640xf32, #tpu.memory_space<vmem>>, vector<16xf32>,
      %add3A_1270 = arith.addf %add3A_1267, %get3A_1269 : vector<16xf32>
      %get3A_1271 = arith.constant 128 : index
      %get3A_1272 = tpu.vector_load %arg8[%get3A_1271] {strides = array<i32>} : memref<640xf32, #tpu.memory_space<vmem>>, vector<16xf32>,
      %get3A_1273 = arith.constant 288 : index
      %get3A_1274 = tpu.vector_load %arg8[%get3A_1273] {strides = array<i32>} : memref<640xf32, #tpu.memory_space<vmem>>, vector<16xf32>,
      %add3A_1275 = arith.addf %get3A_1272, %get3A_1274 : vector<16xf32>
      %get3A_1276 = arith.constant 448 : index
      %get3A_1277 = tpu.vector_load %arg8[%get3A_1276] {strides = array<i32>} : memref<640xf32, #tpu.memory_space<vmem>>, vector<16xf32>,
      %add3A_1278 = arith.addf %add3A_1275, %get3A_1277 : vector<16xf32>
      %get3A_1279 = arith.constant 608 : index
      %get3A_1280 = tpu.vector_load %arg8[%get3A_1279] {strides = array<i32>} : memref<640xf32, #tpu.memory_space<vmem>>, vector<16xf32>,
      %add3A_1281 = arith.addf %add3A_1278, %get3A_1280 : vector<16xf32>
      %get3A_1282 = arith.constant 144 : index
      %get3A_1283 = tpu.vector_load %arg8[%get3A_1282] {strides = array<i32>} : memref<640xf32, #tpu.memory_space<vmem>>, vector<16xf32>,
      %get3A_1284 = arith.constant 304 : index
      %get3A_1285 = tpu.vector_load %arg8[%get3A_1284] {strides = array<i32>} : memref<640xf32, #tpu.memory_space<vmem>>, vector<16xf32>,
      %add3A_1286 = arith.addf %get3A_1283, %get3A_1285 : vector<16xf32>
      %get3A_1287 = arith.constant 464 : index
      %get3A_1288 = tpu.vector_load %arg8[%get3A_1287] {strides = array<i32>} : memref<640xf32, #tpu.memory_space<vmem>>, vector<16xf32>,
      %add3A_1289 = arith.addf %add3A_1286, %get3A_1288 : vector<16xf32>
      %get3A_1290 = arith.constant 624 : index
      %get3A_1291 = tpu.vector_load %arg8[%get3A_1290] {strides = array<i32>} : memref<640xf32, #tpu.memory_space<vmem>>, vector<16xf32>,
      %add3A_1292 = arith.addf %add3A_1289, %get3A_1291 : vector<16xf32>
      %mul3A_1293 = vector.broadcast %mul3A_258 : f32 to vector<16xf32>
      %mul3A_1294 = arith.mulf %add3A_1193, %mul3A_1293 : vector<16xf32>
      %mul3A_1295 = vector.broadcast %mul3A_334 : f32 to vector<16xf32>
      %mul3A_1296 = arith.mulf %add3A_1204, %mul3A_1295 : vector<16xf32>
      %add3A_1297 = arith.addf %mul3A_1294, %mul3A_1296 : vector<16xf32>
      %mul3A_1298 = vector.broadcast %mul3A_410 : f32 to vector<16xf32>
      %mul3A_1299 = arith.mulf %add3A_1215, %mul3A_1298 : vector<16xf32>
      %add3A_1300 = arith.addf %add3A_1297, %mul3A_1299 : vector<16xf32>
      %mul3A_1301 = vector.broadcast %mul3A_486 : f32 to vector<16xf32>
      %mul3A_1302 = arith.mulf %add3A_1226, %mul3A_1301 : vector<16xf32>
      %add3A_1303 = arith.addf %add3A_1300, %mul3A_1302 : vector<16xf32>
      %mul3A_1304 = vector.broadcast %mul3A_562 : f32 to vector<16xf32>
      %mul3A_1305 = arith.mulf %add3A_1237, %mul3A_1304 : vector<16xf32>
      %add3A_1306 = arith.addf %add3A_1303, %mul3A_1305 : vector<16xf32>
      %mul3A_1307 = vector.broadcast %mul3A_638 : f32 to vector<16xf32>
      %mul3A_1308 = arith.mulf %add3A_1248, %mul3A_1307 : vector<16xf32>
      %add3A_1309 = arith.addf %add3A_1306, %mul3A_1308 : vector<16xf32>
      %mul3A_1310 = vector.broadcast %mul3A_714 : f32 to vector<16xf32>
      %mul3A_1311 = arith.mulf %add3A_1259, %mul3A_1310 : vector<16xf32>
      %add3A_1312 = arith.addf %add3A_1309, %mul3A_1311 : vector<16xf32>
      %mul3A_1313 = vector.broadcast %mul3A_790 : f32 to vector<16xf32>
      %mul3A_1314 = arith.mulf %add3A_1270, %mul3A_1313 : vector<16xf32>
      %add3A_1315 = arith.addf %add3A_1312, %mul3A_1314 : vector<16xf32>
      %mul3A_1316 = vector.broadcast %mul3A_866 : f32 to vector<16xf32>
      %mul3A_1317 = arith.mulf %add3A_1281, %mul3A_1316 : vector<16xf32>
      %add3A_1318 = arith.addf %add3A_1315, %mul3A_1317 : vector<16xf32>
      %mul3A_1319 = vector.broadcast %mul3A_942 : f32 to vector<16xf32>
      %mul3A_1320 = arith.mulf %add3A_1292, %mul3A_1319 : vector<16xf32>
      %add3A_1321 = arith.addf %add3A_1318, %mul3A_1320 : vector<16xf32>
      %add3A_1322 = vector.broadcast %squeeze3A_1001 : f32 to vector<16xf32>
      %add3A_1323 = arith.addf %add3A_1321, %add3A_1322 : vector<16xf32>
      %mul3A_1324 = vector.broadcast %mul3A_277 : f32 to vector<16xf32>
      %mul3A_1325 = arith.mulf %add3A_1193, %mul3A_1324 : vector<16xf32>
      %mul3A_1326 = vector.broadcast %mul3A_353 : f32 to vector<16xf32>
      %mul3A_1327 = arith.mulf %add3A_1204, %mul3A_1326 : vector<16xf32>
      %add3A_1328 = arith.addf %mul3A_1325, %mul3A_1327 : vector<16xf32>
      %mul3A_1329 = vector.broadcast %mul3A_429 : f32 to vector<16xf32>
      %mul3A_1330 = arith.mulf %add3A_1215, %mul3A_1329 : vector<16xf32>
      %add3A_1331 = arith.addf %add3A_1328, %mul3A_1330 : vector<16xf32>
      %mul3A_1332 = vector.broadcast %mul3A_505 : f32 to vector<16xf32>
      %mul3A_1333 = arith.mulf %add3A_1226, %mul3A_1332 : vector<16xf32>
      %add3A_1334 = arith.addf %add3A_1331, %mul3A_1333 : vector<16xf32>
      %mul3A_1335 = vector.broadcast %mul3A_581 : f32 to vector<16xf32>
      %mul3A_1336 = arith.mulf %add3A_1237, %mul3A_1335 : vector<16xf32>
      %add3A_1337 = arith.addf %add3A_1334, %mul3A_1336 : vector<16xf32>
      %mul3A_1338 = vector.broadcast %mul3A_657 : f32 to vector<16xf32>
      %mul3A_1339 = arith.mulf %add3A_1248, %mul3A_1338 : vector<16xf32>
      %add3A_1340 = arith.addf %add3A_1337, %mul3A_1339 : vector<16xf32>
      %mul3A_1341 = vector.broadcast %mul3A_733 : f32 to vector<16xf32>
      %mul3A_1342 = arith.mulf %add3A_1259, %mul3A_1341 : vector<16xf32>
      %add3A_1343 = arith.addf %add3A_1340, %mul3A_1342 : vector<16xf32>
      %mul3A_1344 = vector.broadcast %mul3A_809 : f32 to vector<16xf32>
      %mul3A_1345 = arith.mulf %add3A_1270, %mul3A_1344 : vector<16xf32>
      %add3A_1346 = arith.addf %add3A_1343, %mul3A_1345 : vector<16xf32>
      %mul3A_1347 = vector.broadcast %mul3A_885 : f32 to vector<16xf32>
      %mul3A_1348 = arith.mulf %add3A_1281, %mul3A_1347 : vector<16xf32>
      %add3A_1349 = arith.addf %add3A_1346, %mul3A_1348 : vector<16xf32>
      %mul3A_1350 = vector.broadcast %mul3A_961 : f32 to vector<16xf32>
      %mul3A_1351 = arith.mulf %add3A_1292, %mul3A_1350 : vector<16xf32>
      %add3A_1352 = arith.addf %add3A_1349, %mul3A_1351 : vector<16xf32>
      %add3A_1353 = vector.broadcast %squeeze3A_1003 : f32 to vector<16xf32>
      %add3A_1354 = arith.addf %add3A_1352, %add3A_1353 : vector<16xf32>
      %mul3A_1355 = vector.broadcast %mul3A_296 : f32 to vector<16xf32>
      %mul3A_1356 = arith.mulf %add3A_1193, %mul3A_1355 : vector<16xf32>
      %mul3A_1357 = vector.broadcast %mul3A_372 : f32 to vector<16xf32>
      %mul3A_1358 = arith.mulf %add3A_1204, %mul3A_1357 : vector<16xf32>
      %add3A_1359 = arith.addf %mul3A_1356, %mul3A_1358 : vector<16xf32>
      %mul3A_1360 = vector.broadcast %mul3A_448 : f32 to vector<16xf32>
      %mul3A_1361 = arith.mulf %add3A_1215, %mul3A_1360 : vector<16xf32>
      %add3A_1362 = arith.addf %add3A_1359, %mul3A_1361 : vector<16xf32>
      %mul3A_1363 = vector.broadcast %mul3A_524 : f32 to vector<16xf32>
      %mul3A_1364 = arith.mulf %add3A_1226, %mul3A_1363 : vector<16xf32>
      %add3A_1365 = arith.addf %add3A_1362, %mul3A_1364 : vector<16xf32>
      %mul3A_1366 = vector.broadcast %mul3A_600 : f32 to vector<16xf32>
      %mul3A_1367 = arith.mulf %add3A_1237, %mul3A_1366 : vector<16xf32>
      %add3A_1368 = arith.addf %add3A_1365, %mul3A_1367 : vector<16xf32>
      %mul3A_1369 = vector.broadcast %mul3A_676 : f32 to vector<16xf32>
      %mul3A_1370 = arith.mulf %add3A_1248, %mul3A_1369 : vector<16xf32>
      %add3A_1371 = arith.addf %add3A_1368, %mul3A_1370 : vector<16xf32>
      %mul3A_1372 = vector.broadcast %mul3A_752 : f32 to vector<16xf32>
      %mul3A_1373 = arith.mulf %add3A_1259, %mul3A_1372 : vector<16xf32>
      %add3A_1374 = arith.addf %add3A_1371, %mul3A_1373 : vector<16xf32>
      %mul3A_1375 = vector.broadcast %mul3A_828 : f32 to vector<16xf32>
      %mul3A_1376 = arith.mulf %add3A_1270, %mul3A_1375 : vector<16xf32>
      %add3A_1377 = arith.addf %add3A_1374, %mul3A_1376 : vector<16xf32>
      %mul3A_1378 = vector.broadcast %mul3A_904 : f32 to vector<16xf32>
      %mul3A_1379 = arith.mulf %add3A_1281, %mul3A_1378 : vector<16xf32>
      %add3A_1380 = arith.addf %add3A_1377, %mul3A_1379 : vector<16xf32>
      %mul3A_1381 = vector.broadcast %mul3A_980 : f32 to vector<16xf32>
      %mul3A_1382 = arith.mulf %add3A_1292, %mul3A_1381 : vector<16xf32>
      %add3A_1383 = arith.addf %add3A_1380, %mul3A_1382 : vector<16xf32>
      %add3A_1384 = vector.broadcast %squeeze3A_1005 : f32 to vector<16xf32>
      %add3A_1385 = arith.addf %add3A_1383, %add3A_1384 : vector<16xf32>
      %mul3A_1386 = vector.broadcast %mul3A_315 : f32 to vector<16xf32>
      %mul3A_1387 = arith.mulf %add3A_1193, %mul3A_1386 : vector<16xf32>
      %mul3A_1388 = vector.broadcast %mul3A_391 : f32 to vector<16xf32>
      %mul3A_1389 = arith.mulf %add3A_1204, %mul3A_1388 : vector<16xf32>
      %add3A_1390 = arith.addf %mul3A_1387, %mul3A_1389 : vector<16xf32>
      %mul3A_1391 = vector.broadcast %mul3A_467 : f32 to vector<16xf32>
      %mul3A_1392 = arith.mulf %add3A_1215, %mul3A_1391 : vector<16xf32>
      %add3A_1393 = arith.addf %add3A_1390, %mul3A_1392 : vector<16xf32>
      %mul3A_1394 = vector.broadcast %mul3A_543 : f32 to vector<16xf32>
      %mul3A_1395 = arith.mulf %add3A_1226, %mul3A_1394 : vector<16xf32>
      %add3A_1396 = arith.addf %add3A_1393, %mul3A_1395 : vector<16xf32>
      %mul3A_1397 = vector.broadcast %mul3A_619 : f32 to vector<16xf32>
      %mul3A_1398 = arith.mulf %add3A_1237, %mul3A_1397 : vector<16xf32>
      %add3A_1399 = arith.addf %add3A_1396, %mul3A_1398 : vector<16xf32>
      %mul3A_1400 = vector.broadcast %mul3A_695 : f32 to vector<16xf32>
      %mul3A_1401 = arith.mulf %add3A_1248, %mul3A_1400 : vector<16xf32>
      %add3A_1402 = arith.addf %add3A_1399, %mul3A_1401 : vector<16xf32>
      %mul3A_1403 = vector.broadcast %mul3A_771 : f32 to vector<16xf32>
      %mul3A_1404 = arith.mulf %add3A_1259, %mul3A_1403 : vector<16xf32>
      %add3A_1405 = arith.addf %add3A_1402, %mul3A_1404 : vector<16xf32>
      %mul3A_1406 = vector.broadcast %mul3A_847 : f32 to vector<16xf32>
      %mul3A_1407 = arith.mulf %add3A_1270, %mul3A_1406 : vector<16xf32>
      %add3A_1408 = arith.addf %add3A_1405, %mul3A_1407 : vector<16xf32>
      %mul3A_1409 = vector.broadcast %mul3A_923 : f32 to vector<16xf32>
      %mul3A_1410 = arith.mulf %add3A_1281, %mul3A_1409 : vector<16xf32>
      %add3A_1411 = arith.addf %add3A_1408, %mul3A_1410 : vector<16xf32>
      %mul3A_1412 = vector.broadcast %mul3A_999 : f32 to vector<16xf32>
      %mul3A_1413 = arith.mulf %add3A_1292, %mul3A_1412 : vector<16xf32>
      %add3A_1414 = arith.addf %add3A_1411, %mul3A_1413 : vector<16xf32>
      %add3A_1415 = vector.broadcast %squeeze3A_1007 : f32 to vector<16xf32>
      %add3A_1416 = arith.addf %add3A_1414, %add3A_1415 : vector<16xf32>
      %add3A_1417 = arith.addf %add3A_1323, %add3A_1354 : vector<16xf32>
      %add3A_1418 = arith.addf %add3A_1417, %add3A_1385 : vector<16xf32>
      %add3A_1419 = arith.addf %add3A_1418, %add3A_1416 : vector<16xf32>
      %mul3A_1420 = arith.constant 2.500000e-01 : f32
      %mul3A_1421 = vector.broadcast %mul3A_1420 : f32 to vector<16xf32>
      %mul3A_1422 = arith.mulf %add3A_1419, %mul3A_1421 : vector<16xf32>
      %sub3A = arith.subf %add3A_1323, %mul3A_1422 : vector<16xf32>
      %sub3A_1423 = arith.subf %add3A_1354, %mul3A_1422 : vector<16xf32>
      %sub3A_1424 = arith.subf %add3A_1385, %mul3A_1422 : vector<16xf32>
      %sub3A_1425 = arith.subf %add3A_1416, %mul3A_1422 : vector<16xf32>
      %mul3A_1426 = arith.mulf %sub3A, %sub3A : vector<16xf32>
      %mul3A_1427 = arith.mulf %sub3A_1423, %sub3A_1423 : vector<16xf32>
      %add3A_1428 = arith.addf %mul3A_1426, %mul3A_1427 : vector<16xf32>
      %mul3A_1429 = arith.mulf %sub3A_1424, %sub3A_1424 : vector<16xf32>
      %add3A_1430 = arith.addf %add3A_1428, %mul3A_1429 : vector<16xf32>
      %mul3A_1431 = arith.mulf %sub3A_1425, %sub3A_1425 : vector<16xf32>
      %add3A_1432 = arith.addf %add3A_1430, %mul3A_1431 : vector<16xf32>
      %mul3A_1433 = arith.constant 2.500000e-01 : f32
      %mul3A_1434 = vector.broadcast %mul3A_1433 : f32 to vector<16xf32>
      %mul3A_1435 = arith.mulf %add3A_1432, %mul3A_1434 : vector<16xf32>
      %add3A_1436 = arith.constant 9.99999974E-6 : f32
      %add3A_1437 = vector.broadcast %add3A_1436 : f32 to vector<16xf32>
      %add3A_1438 = arith.addf %mul3A_1435, %add3A_1437 : vector<16xf32>
      %bitcast3A = vector.bitcast %add3A_1438 : vector<16xf32> to vector<16xi32>
      %shift_right_arithmetic3A = arith.constant 1 : i32
      %shift_right_arithmetic3A_1439 = vector.broadcast %shift_right_arithmetic3A : i32 to vector<16xi32>
      %shift_right_arithmetic3A_1440 = arith.shrsi %bitcast3A, %shift_right_arithmetic3A_1439 : vector<16xi32>
      %sub3A_1441 = arith.constant 1597463007 : i32
      %sub3A_1442 = vector.broadcast %sub3A_1441 : i32 to vector<16xi32>
      %sub3A_1443 = arith.subi %sub3A_1442, %shift_right_arithmetic3A_1440 : vector<16xi32>
      %bitcast3A_1444 = vector.bitcast %sub3A_1443 : vector<16xi32> to vector<16xf32>
      %mul3A_1445 = arith.constant 5.000000e-01 : f32
      %mul3A_1446 = vector.broadcast %mul3A_1445 : f32 to vector<16xf32>
      %mul3A_1447 = arith.mulf %mul3A_1446, %add3A_1438 : vector<16xf32>
      %mul3A_1448 = arith.mulf %mul3A_1447, %bitcast3A_1444 : vector<16xf32>
      %mul3A_1449 = arith.mulf %mul3A_1448, %bitcast3A_1444 : vector<16xf32>
      %sub3A_1450 = arith.constant 1.500000e+00 : f32
      %sub3A_1451 = vector.broadcast %sub3A_1450 : f32 to vector<16xf32>
      %sub3A_1452 = arith.subf %sub3A_1451, %mul3A_1449 : vector<16xf32>
      %mul3A_1453 = arith.mulf %bitcast3A_1444, %sub3A_1452 : vector<16xf32>
      %mul3A_1454 = arith.constant 5.000000e-01 : f32
      %mul3A_1455 = vector.broadcast %mul3A_1454 : f32 to vector<16xf32>
      %mul3A_1456 = arith.mulf %mul3A_1455, %add3A_1438 : vector<16xf32>
      %mul3A_1457 = arith.mulf %mul3A_1456, %mul3A_1453 : vector<16xf32>
      %mul3A_1458 = arith.mulf %mul3A_1457, %mul3A_1453 : vector<16xf32>
      %sub3A_1459 = arith.constant 1.500000e+00 : f32
      %sub3A_1460 = vector.broadcast %sub3A_1459 : f32 to vector<16xf32>
      %sub3A_1461 = arith.subf %sub3A_1460, %mul3A_1458 : vector<16xf32>
      %mul3A_1462 = arith.mulf %mul3A_1453, %sub3A_1461 : vector<16xf32>
      %mul3A_1463 = arith.constant 5.000000e-01 : f32
      %mul3A_1464 = vector.broadcast %mul3A_1463 : f32 to vector<16xf32>
      %mul3A_1465 = arith.mulf %mul3A_1464, %add3A_1438 : vector<16xf32>
      %mul3A_1466 = arith.mulf %mul3A_1465, %mul3A_1462 : vector<16xf32>
      %mul3A_1467 = arith.mulf %mul3A_1466, %mul3A_1462 : vector<16xf32>
      %sub3A_1468 = arith.constant 1.500000e+00 : f32
      %sub3A_1469 = vector.broadcast %sub3A_1468 : f32 to vector<16xf32>
      %sub3A_1470 = arith.subf %sub3A_1469, %mul3A_1467 : vector<16xf32>
      %mul3A_1471 = arith.mulf %mul3A_1462, %sub3A_1470 : vector<16xf32>
      %mul3A_1472 = arith.constant 16 : i32
      %mul3A_1473 = arith.muli %scan3A_1094, %mul3A_1472 : i32
      %add3A_1474 = arith.constant 384 : i32
      %add3A_1475 = arith.addi %add3A_1474, %mul3A_1473 : i32
      %add3A_1476 = vector.broadcast %add3A_1475 : i32 to vector<16xi32>
      %add3A_1477 = arith.addi %add3A_1476, %iota3A : vector<16xi32>
      %mul3A_1478 = vector.broadcast %squeeze3A_1009 : f32 to vector<16xf32>
      %mul3A_1479 = arith.mulf %mul3A_1471, %mul3A_1478 : vector<16xf32>
      %mul3A_1480 = arith.mulf %sub3A, %mul3A_1479 : vector<16xf32>
      %add3A_1481 = vector.broadcast %squeeze3A_1017 : f32 to vector<16xf32>
      %add3A_1482 = arith.addf %mul3A_1480, %add3A_1481 : vector<16xf32>
      %mul3A_1483 = arith.constant 4 : i32
      %mul3A_1484 = vector.broadcast %mul3A_1483 : i32 to vector<16xi32>
      %mul3A_1485 = arith.muli %add3A_1477, %mul3A_1484 : vector<16xi32>
      %add3A_1486 = arith.constant 0 : i32
      %add3A_1487 = vector.broadcast %add3A_1486 : i32 to vector<16xi32>
      %add3A_1488 = arith.addi %mul3A_1485, %add3A_1487 : vector<16xi32>
      tpu.vector_store_idx %arg7[%add3A_1488], %add3A_1482 : memref<2048xf32, #tpu.memory_space<vmem>>[vector<16xi32>], vector<16xf32>,
      %mul3A_1489 = vector.broadcast %squeeze3A_1011 : f32 to vector<16xf32>
      %mul3A_1490 = arith.mulf %mul3A_1471, %mul3A_1489 : vector<16xf32>
      %mul3A_1491 = arith.mulf %sub3A_1423, %mul3A_1490 : vector<16xf32>
      %add3A_1492 = vector.broadcast %squeeze3A_1019 : f32 to vector<16xf32>
      %add3A_1493 = arith.addf %mul3A_1491, %add3A_1492 : vector<16xf32>
      %mul3A_1494 = arith.constant 4 : i32
      %mul3A_1495 = vector.broadcast %mul3A_1494 : i32 to vector<16xi32>
      %mul3A_1496 = arith.muli %add3A_1477, %mul3A_1495 : vector<16xi32>
      %add3A_1497 = arith.constant 1 : i32
      %add3A_1498 = vector.broadcast %add3A_1497 : i32 to vector<16xi32>
      %add3A_1499 = arith.addi %mul3A_1496, %add3A_1498 : vector<16xi32>
      tpu.vector_store_idx %arg7[%add3A_1499], %add3A_1493 : memref<2048xf32, #tpu.memory_space<vmem>>[vector<16xi32>], vector<16xf32>,
      %mul3A_1500 = vector.broadcast %squeeze3A_1013 : f32 to vector<16xf32>
      %mul3A_1501 = arith.mulf %mul3A_1471, %mul3A_1500 : vector<16xf32>
      %mul3A_1502 = arith.mulf %sub3A_1424, %mul3A_1501 : vector<16xf32>
      %add3A_1503 = vector.broadcast %squeeze3A_1021 : f32 to vector<16xf32>
      %add3A_1504 = arith.addf %mul3A_1502, %add3A_1503 : vector<16xf32>
      %mul3A_1505 = arith.constant 4 : i32
      %mul3A_1506 = vector.broadcast %mul3A_1505 : i32 to vector<16xi32>
      %mul3A_1507 = arith.muli %add3A_1477, %mul3A_1506 : vector<16xi32>
      %add3A_1508 = arith.constant 2 : i32
      %add3A_1509 = vector.broadcast %add3A_1508 : i32 to vector<16xi32>
      %add3A_1510 = arith.addi %mul3A_1507, %add3A_1509 : vector<16xi32>
      tpu.vector_store_idx %arg7[%add3A_1510], %add3A_1504 : memref<2048xf32, #tpu.memory_space<vmem>>[vector<16xi32>], vector<16xf32>,
      %mul3A_1511 = vector.broadcast %squeeze3A_1015 : f32 to vector<16xf32>
      %mul3A_1512 = arith.mulf %mul3A_1471, %mul3A_1511 : vector<16xf32>
      %mul3A_1513 = arith.mulf %sub3A_1425, %mul3A_1512 : vector<16xf32>
      %add3A_1514 = vector.broadcast %squeeze3A_1023 : f32 to vector<16xf32>
      %add3A_1515 = arith.addf %mul3A_1513, %add3A_1514 : vector<16xf32>
      %mul3A_1516 = arith.constant 4 : i32
      %mul3A_1517 = vector.broadcast %mul3A_1516 : i32 to vector<16xi32>
      %mul3A_1518 = arith.muli %add3A_1477, %mul3A_1517 : vector<16xi32>
      %add3A_1519 = arith.constant 3 : i32
      %add3A_1520 = vector.broadcast %add3A_1519 : i32 to vector<16xi32>
      %add3A_1521 = arith.addi %mul3A_1518, %add3A_1520 : vector<16xi32>
      tpu.vector_store_idx %arg7[%add3A_1521], %add3A_1515 : memref<2048xf32, #tpu.memory_space<vmem>>[vector<16xi32>], vector<16xf32>,
    }
    %scan3A_1091 = arith.constant 8 : i32
    %mul3A_1092 = arith.constant 4 : i32
    %mul3A_1093 = arith.muli %mul3A_2, %mul3A_1092 : i32
    "tpu.region"() ({
      %run_scoped3A = tpu.sem_alloc : memref<!tpu.dma_semaphore, #tpu.memory_space<semaphore_mem>>
      %dma_start3A_1094 = tpu.memref_slice %arg4[%mul3A_1093] : memref<65536xf32, #tpu.memory_space<hbm>> -> memref<2048xf32, #tpu.memory_space<hbm>>
      %dma_start3A_1095 = tpu.memref_slice %arg4[%mul3A_1093] : memref<65536xf32, #tpu.memory_space<hbm>> -> memref<2048xf32, #tpu.memory_space<hbm>>
      tpu.enqueue_dma source(%arg7 : memref<2048xf32, #tpu.memory_space<vmem>>) target(%dma_start3A_1095 : memref<2048xf32, #tpu.memory_space<hbm>>) target_semaphore(%run_scoped3A : memref<!tpu.dma_semaphore, #tpu.memory_space<semaphore_mem>>)
      %dma_wait3A_1096 = tpu.memref_slice %arg4[%mul3A_1093] : memref<65536xf32, #tpu.memory_space<hbm>> -> memref<2048xf32, #tpu.memory_space<hbm>>
      %dma_wait3A_1097 = tpu.memref_slice %arg4[%mul3A_1093] : memref<65536xf32, #tpu.memory_space<hbm>> -> memref<2048xf32, #tpu.memory_space<hbm>>
      tpu.wait_dma2 semaphore(%run_scoped3A : memref<!tpu.dma_semaphore, #tpu.memory_space<semaphore_mem>>) src(%arg7 : memref<2048xf32, #tpu.memory_space<vmem>>) dst(%dma_wait3A_1097 : memref<2048xf32, #tpu.memory_space<hbm>>)
      tpu.yield
    }) : () -> ()
    return
  }
}

</mosaic_0001>

<sc_bundles>
// kernel: kernel.3.cloned.1.call-start
scs
__scs_entry_jumppad:
0x0: {  	(pc) =	sbr.rel $0x88, $3  }
0x1: {  	(tag) =	ssettag $0x0;
	lr =	simm.s32 $0x1  }
0x2: {  	[smem:$0x3F9B] =	sst lr;
	_ =	strace $0xD0000000  }
0x3: {  	_ = 	snop  }
0x4: {  	_ = 	snop  }
0x5: {  	_ = 	snop  }
0x6: {  	_ = 	snop  }
0x7: {  	_ = 	snop  }
__scs_overlays_trampoline_lowered:
0x8: {  	[smem:$0x3FAA] =	sst s0  }
0x9: {  	[smem:$0x3FAB] =	sst s1  }
0xa: {  	[smem:$0x3FAC] =	sst s2  }
0xb: {  	[smem:$0x3FAD] =	sst s3  }
0xc: {  	[smem:$0x3FAE] =	sst s4  }
0xd: {  	[smem:$0x3FAF] =	sst s5  }
0xe: {  	[smem:$0x3FB0] =	sst s6  }
0xf: {  	[smem:$0x3FB1] =	sst s7  }
0x10: {  	[smem:$0x3FB2] =	sst s8  }
0x11: {  	[smem:$0x3FB3] =	sst s9;
	s0 =	simm.s32 @!p0 $0x0  }
0x12: {  	s1 =	sld [smem:$0x3F99];
	s0 =	simm.s32 @p0 $0x1  }
0x13: {  	[smem:$0x3FB4] =	sst s0;
	s0 =	simm.s32 @!p1 $0x0  }
0x14: {  	s2 =	sld [smem:$0x3F98];
	s0 =	simm.s32 @p1 $0x1  }
0x15: {  	[smem:$0x3FB5] =	sst s0;
	s0 =	simm.s32 @!p2 $0x0  }
0x16: {  	s3 =	sld [smem:$0x3FDB];
	s0 =	simm.s32 @p2 $0x1  }
0x17: {  	s4 =	simm.s32 $0x1BF5;
	[smem:$0x3FB7] =	sst s0  }
0x18: {  	s0 =	sld [smem:$0x3F9A];
	_ =	swait.ge [sflag:s4], $0x0  }
0x19: {  	s7 =	sld [smem:$0x3F9B]  }
0x1a: {  	s8 =	sadd.s32 $0xFFFFE003, lr  }
0x1b: {  	s9 =	sadd.s32 $0xFFFFFEF7, lr;
	s5 =	simm.s32 $0xFFFFFFFF;
	p2 =	slt.u32 s8, $0xFFFFF086  }
0x1c: {  	p1 =	slt.u32 s9, $0xF7A;
	s5 =	simm.s32 @!p2 $0x0  }
0x1d: {  	s5 =	simm.s32 @p1 $0x1;
	p0 =	seq.s32 s7, s2  }
0x1e: {  	s7 =	smul.u32 @!p0 $0xF7A, s2;
	p2 =	seq.s32 @!p0 s5, $0x0  }
0x1f: {  	s9 =	smul.u32 $0xF7A, s1;
	s8 =	simm.s32 @!p0 $0x1BF5;
	p2 =	por !p2, p0  }
0x20: {  	[sflag:s8] =	ssyncset.s32 @!p0 $0xFFFFF086;
	s6 =	sadd.s32 @!p0 s3, s7;
	s7 =	simm.s32 @!p0 $0x108  }
0x21: {  	s3 =	sadd.s32 s3, s9;
	s6 =	sadd.s32 @!p0 $0x88, s6;
	s7 =	simm.s32 @p2 $0x1082  }
0x22: {  	[simem:s7], [sflag:s8] =	dma.local @!p0 [hbm:s6], $0xF7A  }
0x23: {  	s9 =	sor.u32 $0xD0000000, s2;
	s6 =	simm.s32 $0x108;
	_ =	swait.ge @!p0 [sflag:s8], $0x0  }
0x24: {  	s3 =	sadd.s32 $0x88, s3;
	s6 =	simm.s32 @!p1 $0x1082;
	[sflag:s4] =	ssyncset.s32 $0xFFFFF086  }
0x25: {  	[simem:s6], [sflag:s4] =	dma.local [hbm:s3], $0xF7A  }
0x26: {  	[smem:$0x3F9B] =	sst s1;
	(tag) =	ssettag s2;
	_ =	strace s9  }
0x27: {  	s1 =	sld [smem:$0x3FAB]  }
0x28: {  	s2 =	sld [smem:$0x3FAC]  }
0x29: {  	s4 =	sld [smem:$0x3FAE]  }
0x2a: {  	p0 =	seq.s32 s5, $0x0;
	s5 =	sld [smem:$0x3FAF]  }
0x2b: {  	s6 =	sld [smem:$0x3FB0]  }
0x2c: {  	s7 =	sld [smem:$0x3FB1]  }
0x2d: {  	s3 =	simm.s32 $0x108;
	s8 =	sld [smem:$0x3FB2]  }
0x2e: {  	s3 =	simm.s32 @!p0 $0x1082;
	s9 =	sld [smem:$0x3FB3]  }
0x2f: {  	lr =	sadd.s32 s0, s3;
	s0 =	sld [smem:$0x3FAA]  }
0x30: {  	s3 =	sld [smem:$0x3FAD]  }
0x31: {  	[smem:$0x3FB6] =	sst s10  }
0x32: {  	s10 =	sld [smem:$0x3FB4];
	_ =	sdelay $0x3  }
0x33: {  	p0 =	seq.s32 s10, $0x1;
	s10 =	sld [smem:$0x3FB6];
	_ =	sdelay $0x3  }
0x34: {  	[smem:$0x3FB6] =	sst s10  }
0x35: {  	s10 =	sld [smem:$0x3FB5];
	_ =	sdelay $0x3  }
0x36: {  	p1 =	seq.s32 s10, $0x1;
	s10 =	sld [smem:$0x3FB6];
	_ =	sdelay $0x3  }
0x37: {  	[smem:$0x3FB6] =	sst s10  }
0x38: {  	s10 =	sld [smem:$0x3FB7]  }
0x39: {  	_ = 	snop;
	(pc) =	sbr.ind lr, $3  }
0x3a: {  	_ = 	snop  }
0x3b: {  	_ = 	snop  }
0x3c: {  	p2 =	seq.s32 s10, $0x1;
	s10 =	sld [smem:$0x3FB6]  }
0x3d: {  	_ =	shalt  }
0x3e: {  	_ =	shalt  }
0x3f: {  	_ =	shalt  }
0x40: {  	_ =	shalt  }
0x41: {  	_ =	shalt  }
0x42: {  	_ =	shalt  }
0x43: {  	_ =	shalt  }
0x44: {  	_ =	shalt  }
0x45: {  	_ =	shalt  }
0x46: {  	_ =	shalt  }
0x47: {  	_ =	shalt  }
0x48: {  	_ =	shalt  }
0x49: {  	_ =	shalt  }
0x4a: {  	_ =	shalt  }
0x4b: {  	_ =	shalt  }
0x4c: {  	_ =	shalt  }
0x4d: {  	_ =	shalt  }
0x4e: {  	_ =	shalt  }
0x4f: {  	_ =	shalt  }
0x50: {  	_ =	shalt  }
0x51: {  	_ =	shalt  }
0x52: {  	_ =	shalt  }
0x53: {  	_ =	shalt  }
0x54: {  	_ =	shalt  }
0x55: {  	_ =	shalt  }
0x56: {  	_ =	shalt  }
0x57: {  	_ =	shalt  }
0x58: {  	_ =	shalt  }
0x59: {  	_ =	shalt  }
0x5a: {  	_ =	shalt  }
0x5b: {  	_ =	shalt  }
0x5c: {  	_ =	shalt  }
0x5d: {  	_ =	shalt  }
0x5e: {  	_ =	shalt  }
0x5f: {  	_ =	shalt  }
0x60: {  	_ =	shalt  }
0x61: {  	_ =	shalt  }
0x62: {  	_ =	shalt  }
0x63: {  	_ =	shalt  }
0x64: {  	_ =	shalt  }
0x65: {  	_ =	shalt  }
0x66: {  	_ =	shalt  }
0x67: {  	_ =	shalt  }
0x68: {  	_ =	shalt  }
0x69: {  	_ =	shalt  }
0x6a: {  	_ =	shalt  }
0x6b: {  	_ =	shalt  }
0x6c: {  	_ =	shalt  }
0x6d: {  	_ =	shalt  }
0x6e: {  	_ =	shalt  }
0x6f: {  	_ =	shalt  }
0x70: {  	_ =	shalt  }
0x71: {  	_ =	shalt  }
0x72: {  	_ =	shalt  }
0x73: {  	_ =	shalt  }
0x74: {  	_ =	shalt  }
0x75: {  	_ =	shalt  }
0x76: {  	_ =	shalt  }
0x77: {  	_ =	shalt  }
0x78: {  	_ =	shalt  }
0x79: {  	_ =	shalt  }
0x7a: {  	_ =	shalt  }
0x7b: {  	_ =	shalt  }
0x7c: {  	_ =	shalt  }
0x7d: {  	_ =	shalt  }
0x7e: {  	_ =	shalt  }
0x7f: {  	_ =	shalt  }
0x80: {  	_ =	shalt  }
0x81: {  	_ =	shalt  }
0x82: {  	_ =	shalt  }
0x83: {  	_ =	shalt  }
0x84: {  	_ =	shalt  }
0x85: {  	_ =	shalt  }
0x86: {  	_ =	shalt  }
0x87: {  	_ =	shalt  }
.Lfunc_end0:
.L_simem_size_0:
called_computation_lowered:
.L_overlay_start_0:
0x88: {  	s2 =	sld [smem:$0x3FD9]  }
0x89: {  	s3 =	sld [smem:$0x3FFE];
	_ =	sdelay $0x1  }
0x8a: {  	s1 =	srdreg.scid  }
0x8b: {  	s0 =	sand.u32 $0x1, s1  }
0x8c: {  	s17 =	sshll.u32 s0, $0xA;
	s2 =	sadd.s32 s3, s2  }
0x8d: {  	s2 =	sadd.s32 s2, s17  }
0x8e: {  	[smem:$0x3FC2] =	sst s2  }
0x8f: {  	_ = 	snop  }
0x90: {  	s2 =	sld [smem:$0x3FD0];
	(tm) =	ssettm $0x1  }
0x91: {  	s18 =	sld [smem:$0x3FFB];
	_ =	sdelay $0x3  }
0x92: {  	_ =	strace s18  }
0x93: {  	s3 =	sld [smem:$0x3FFC];
	_ =	sdelay $0x3  }
0x94: {  	_ =	strace s3  }
0x95: {  	s3 =	sld [smem:$0x3FFD];
	_ =	sdelay $0x3  }
0x96: {  	_ =	strace s3  }
0x97: {  	_ =	strace $0x8FFFFFFF  }
0x98: {  	s19 =	sld [smem:$0x3FDB];
	_ =	sdelay $0x1  }
0x99: {  	s4 =	simm.s32 $_scs_section_size  }
0x9a: {  	s5 =	simm.s32 $_size__tile_overlayer_lowered;
	s6 =	simm.s32 $_tile_overlayer_lowered  }
0x9b: {  	s22 =	simm.s32 $0x1BFF;
	s21 =	sshll.u32 s6, $0x1;
	s3 =	sadd.s32 s4, s19  }
0x9c: {  	s7 =	simm.s32 $0x0;
	s20 =	sshll.u32 s5, $0x1;
	s5 =	sadd.s32 s21, s3  }
0x9d: {  	[timem:s7], [sflag:s22] =	dma.local [hbm:s5], s20  }
0x9e: {  	_ =	swait.ge [sflag:s22], s20  }
0x9f: {  	s4 =	ssub.s32 $0x0, s20;
	[sflag:s22] =	ssyncset.done $0x0  }
0xa0: {  	[sflag:s22] =	ssyncadd.s32 s4;
	_ =	sdelay $0x1  }
0xa1: {  	s23 =	simm.s32 $0x1B8B  }
0xa2: {  	_ =	swait.ge [sflag:s23], $0x1  }
0xa3: {  	[sflag:s23] =	ssyncset.done $0x0  }
0xa4: {  	s25 =	simm.s32 $0x1B8E;
	s24 =	sld [smem:$0x3FFE];
	[sflag:s23] =	ssyncadd.s32 $0xFFFFFFFF  }
0xa5: {  	s26 =	simm.s32 $execute0_lowered;
	[smem:$0x3FD2] =	sst s25  }
0xa6: {  	s5 =	sshll.u32 s26, $0x1;
	_ =	strace $0x80000046;
	[dreg:$0x1] =	wrdreg $0xFFFFFFFF  }
0xa7: {  	s28 =	simm.s32 $_size_execute0_lowered;
	s3 =	sadd.s32 s3, s5;
	[dreg:$0x0] =	wrdreg $0x0  }
0xa8: {  	s5 =	sshll.u32 s28, $0x1;
	[dreg:$0x2] =	wrdreg s3  }
0xa9: {  	[dreg:$0x3] =	wrdreg s5  }
0xaa: {  	[dreg:$0x4] =	wrdreg $0xC0  }
0xab: {  	_ =	task [dreg:s7], $0x5FFFF  }
0xac: {  	[dreg:$0x1] =	wrdreg $0xFFFFFFFF  }
0xad: {  	[dreg:$0x0] =	wrdreg $0x60  }
0xae: {  	[dreg:$0x2] =	wrdreg s24  }
0xaf: {  	[dreg:$0x3] =	wrdreg s2  }
0xb0: {  	[dreg:$0x4] =	wrdreg $0x9  }
0xb1: {  	_ =	task.clear_ibuf [dreg:s7], $0x5FFFF;
	_ =	strace $0x90000046  }
0xb2: {  	s29 =	simm.s32 $0x9;
	_ =	strace $0x80000048  }
0xb3: {  	_ =	swait.ge [sflag:s29], $0x1  }
0xb4: {  	[sflag:s29] =	ssyncadd.s32 $0xFFFFFFFF  }
0xb5: {  	_ =	strace $0x90000048  }
0xb6: {  	_ =	sfence  }
0xb7: {  	s30 =	sld [smem:$0x0];
	_ =	sdelay $0x2  }
0xb8: {  	s31 =	sshll.u32 s1, $0xD;
	s1 =	sshrl.u32 s1, $0x2  }
0xb9: {  	s3 =	sand.u32 $0x4000, s31;
	s1 =	sadd.s32 s1, s30  }
0xba: {  	s0 =	sor.u32 s3, s0;
	s1 =	sshll.u32 s1, $0x11  }
0xbb: {  	s0 =	sor.u32 s1, s0  }
0xbc: {  	s0 =	sadd.s32 $0x8F2B, s0  }
0xbd: {  	[sflag:s0] =	ssyncadd.remote.s32 $0x1  }
0xbe: {  	_ =	sfence.sel $0xFFFF  }
0xbf: {  	[dreg:$0x0] =	wrdreg $0xFFFFFFFF;
	(pc) =	sbr.abs _section_cstart, $3  }
0xc0: {  	[dreg:$0x1] =	wrdreg $0xFFFFFFFF  }
0xc1: {  	_ =	task.clear_ibuf [dreg:s7], $0x2FFFF;
	_ =	strace $0x9FFFFFFF  }
0xc2: {  	(tm) =	ssettm $0x7FFFFFFF  }
0xc3: {  	_ =	shalt  }
tec
execute0_lowered:
.L_overlay_start_1:
0x0: {  	(tag) =	ssettag $0x1  }
0x1: {  	s0 =	rddreg [dreg:$0x0];
	s1 =	srdreg.scid  }
0x2: {  	s2 =	stileid.u32;
	s3 =	rddreg [dreg:$0x1];
	s1 =	sand.u32 $0x1, s1  }
0x3: {  	s4 =	sshll.u32 s2, $0x1;
	s2 =	simm.s32 $0x0;
	s6 =	sadd.s32 $0xE00, s0  }
0x4: {  	s0 =	sadd.s32 $0x64E00, s0;
	s4 =	sor.u32 s1, s4;
	[smem:$0x7FF] =	sst s2  }
0x5: {  	s1 =	ssub.s32 $0x2, s1;
	s5 =	smul.u32 $0x19000, s4;
	_ =	strace $0x80000047  }
0x6: {  	s7 =	sshrl.u32 s1, $0x1;
	s8 =	smul.u32 $0x3200, s4;
	s4 =	sshll.u32 s4, $0x8  }
0x7: {  	[dreg:$0x3] =	wrdreg s0;
	s25 =	ssub.s32 s1, s7;
	s31 =	sadd.s32 s3, s4  }
0x8: {  	s5 =	sshrl.u32 s5, $0x3;
	s28 =	sadd.s32 s6, s8;
	[dreg:$0x8] =	wrdreg s31  }
0x9: {  	s0 =	smax.u32 s25, $0x1;
	s26 =	sadd.s32 s6, s5;
	[dreg:$0x4] =	wrdreg s28  }
0xa: {  	[dreg:$0x9] =	wrdreg s0;
	s29 =	sadd.s32 $0xC80, s26  }
0xb: {  	s12 =	simm.s32 $0x6400;
	s30 =	sadd.s32 $0x1900, s26;
	[dreg:$0x5] =	wrdreg s29  }
0xc: {  	s14 =	simm.s32 $0xD000;
	s1 =	sadd.s32 $0x2580, s26;
	[dreg:$0x6] =	wrdreg s30  }
0xd: {  	v0 =	vimm.f32 $0.0e+00;
	v1 =	vlaneseq.u32;
	v2 =	vimm.f32 $1.000000000e+00;
	s3 =	simm.s32 $0x3;
	[dreg:$0x7] =	wrdreg s1;
	s1 =	simm.s32 $0x0  }
.LBB2_1:
0xe: {  	[dreg:$0xa] =	wrdreg s1  }
0xf: {  	s0 =	rddreg [dreg:$0x3];
	s20 =	simm.s32 $0xD280  }
0x10: {  	[tilespmem:s20], [sflag:$0x3] =	stream.linear.gather [hbm4b:s0+s2], $0x80, $0x38;
	[tilespmem:$0xD300] =	vst v63  }
0x11: {  	_ =	swait.ge [sflag:s3], $0x80  }
0x12: {  	[sflag:s3] =	ssyncset.done $0x0  }
0x13: {  	[sflag:s3] =	ssyncadd.s32 $0xFFFFFF80  }
0x14: {  	v3 =	vld [tilespmem:$0xD280];
	_ =	sdelay $0x4  }
0x15: {  	(v2sf) =	vpush v3, $0x0  }
0x16: {  	(v2sf) =	vpush v3, $0x1  }
0x17: {  	(v2sf) =	vpush v3, $0x2  }
0x18: {  	(v2sf) =	vpush v3, $0x3  }
0x19: {  	(v2sf) =	vpush v3, $0x4  }
0x1a: {  	(v2sf) =	vpush v3, $0x5  }
0x1b: {  	(v2sf) =	vpush v3, $0x6  }
0x1c: {  	(v2sf) =	vpush v3, $0x7  }
0x1d: {  	(v2sf) =	vpush v3, $0x8  }
0x1e: {  	(v2sf) =	vpush v3, $0x9  }
0x1f: {  	(v2sf) =	vpush v3, $0xA  }
0x20: {  	v4 =	vld [tilespmem:$0xD290];
	(v2sf) =	vpush v3, $0xB  }
0x21: {  	(v2sf) =	vpush v3, $0xC  }
0x22: {  	(v2sf) =	vpush v3, $0xD  }
0x23: {  	(v2sf) =	vpush v3, $0xE  }
0x24: {  	s1 =	spop (v2sf);
	(v2sf) =	vpush v3, $0xF  }
0x25: {  	s13 =	spop (v2sf);
	(v2sf) =	vpush v4, $0x0  }
0x26: {  	s16 =	spop (v2sf);
	(v2sf) =	vpush v4, $0x1  }
0x27: {  	s25 =	spop (v2sf);
	(v2sf) =	vpush v4, $0x2  }
0x28: {  	s26 =	spop (v2sf);
	(v2sf) =	vpush v4, $0x3  }
0x29: {  	s24 =	spop (v2sf);
	(v2sf) =	vpush v4, $0x4  }
0x2a: {  	s21 =	spop (v2sf);
	(v2sf) =	vpush v4, $0x5  }
0x2b: {  	s22 =	spop (v2sf);
	(v2sf) =	vpush v4, $0x6  }
0x2c: {  	s3 =	spop (v2sf);
	(v2sf) =	vpush v4, $0x7  }
0x2d: {  	s23 =	spop (v2sf);
	(v2sf) =	vpush v4, $0x8  }
0x2e: {  	s28 =	spop (v2sf);
	(v2sf) =	vpush v4, $0x9  }
0x2f: {  	s29 =	spop (v2sf);
	(v2sf) =	vpush v4, $0xA  }
0x30: {  	v3 =	vld [tilespmem:$0xD2A0];
	s30 =	spop (v2sf);
	(v2sf) =	vpush v4, $0xB  }
0x31: {  	s31 =	spop (v2sf);
	(v2sf) =	vpush v4, $0xC  }
0x32: {  	s4 =	spop (v2sf);
	(v2sf) =	vpush v4, $0xD  }
0x33: {  	s5 =	spop (v2sf);
	(v2sf) =	vpush v4, $0xE  }
0x34: {  	[smem:$0x733] =	sst s5;
	s5 =	spop (v2sf);
	(v2sf) =	vpush v4, $0xF  }
0x35: {  	s6 =	spop (v2sf);
	(v2sf) =	vpush v3, $0x0  }
0x36: {  	[smem:$0x726] =	sst s13;
	s7 =	spop (v2sf);
	(v2sf) =	vpush v3, $0x1  }
0x37: {  	[smem:$0x728] =	sst s16;
	s8 =	spop (v2sf);
	(v2sf) =	vpush v3, $0x2  }
0x38: {  	[smem:$0x725] =	sst s21;
	s9 =	spop (v2sf);
	(v2sf) =	vpush v3, $0x3  }
0x39: {  	[smem:$0x727] =	sst s22;
	s10 =	spop (v2sf);
	(v2sf) =	vpush v3, $0x4  }
0x3a: {  	[smem:$0x72C] =	sst s23;
	s11 =	spop (v2sf);
	(v2sf) =	vpush v3, $0x5  }
0x3b: {  	[smem:$0x72D] =	sst s28;
	s15 =	spop (v2sf);
	(v2sf) =	vpush v3, $0x6  }
0x3c: {  	[smem:$0x739] =	sst s7;
	s7 =	spop (v2sf);
	(v2sf) =	vpush v3, $0x7  }
0x3d: {  	[smem:$0x72E] =	sst s29;
	s17 =	spop (v2sf);
	(v2sf) =	vpush v3, $0x8  }
0x3e: {  	[smem:$0x72F] =	sst s30;
	(v2sf) =	vpush v3, $0x9;
	s18 =	spop (v2sf)  }
0x3f: {  	[smem:$0x730] =	sst s31;
	(v2sf) =	vpush v3, $0xA;
	s19 =	spop (v2sf)  }
0x40: {  	v11 =	vld [tilespmem:$0xD2B0];
	[smem:$0x731] =	sst s4;
	(v2sf) =	vpush v3, $0xB;
	s20 =	spop (v2sf)  }
0x41: {  	[smem:$0x736] =	sst s6;
	(v2sf) =	vpush v3, $0xC;
	s21 =	spop (v2sf)  }
0x42: {  	[smem:$0x73A] =	sst s8;
	(v2sf) =	vpush v3, $0xD;
	s22 =	spop (v2sf)  }
0x43: {  	[smem:$0x73B] =	sst s9;
	(v2sf) =	vpush v3, $0xE;
	s23 =	spop (v2sf)  }
0x44: {  	[smem:$0x73C] =	sst s10;
	(v2sf) =	vpush v3, $0xF;
	s10 =	spop (v2sf)  }
0x45: {  	[smem:$0x73D] =	sst s11;
	(v2sf) =	vpush v11, $0x0;
	s28 =	spop (v2sf)  }
0x46: {  	[smem:$0x73E] =	sst s15;
	(v2sf) =	vpush v11, $0x1;
	s29 =	spop (v2sf)  }
0x47: {  	[smem:$0x741] =	sst s17;
	(v2sf) =	vpush v11, $0x2;
	s30 =	spop (v2sf)  }
0x48: {  	[smem:$0x744] =	sst s18;
	(v2sf) =	vpush v11, $0x3;
	s31 =	spop (v2sf)  }
0x49: {  	[smem:$0x747] =	sst s19;
	(v2sf) =	vpush v11, $0x4;
	s4 =	spop (v2sf)  }
0x4a: {  	[smem:$0x748] =	sst s20;
	(v2sf) =	vpush v11, $0x5;
	s6 =	spop (v2sf)  }
0x4b: {  	[smem:$0x749] =	sst s21;
	(v2sf) =	vpush v11, $0x6;
	s8 =	spop (v2sf)  }
0x4c: {  	[smem:$0x750] =	sst s28;
	(v2sf) =	vpush v11, $0x7;
	s28 =	spop (v2sf)  }
0x4d: {  	[smem:$0x74A] =	sst s22;
	(v2sf) =	vpush v11, $0x8;
	s9 =	spop (v2sf)  }
0x4e: {  	[smem:$0x74C] =	sst s23;
	(v2sf) =	vpush v11, $0x9;
	s11 =	spop (v2sf)  }
0x4f: {  	[smem:$0x752] =	sst s29;
	(v2sf) =	vpush v11, $0xA;
	s15 =	spop (v2sf)  }
0x50: {  	v3 =	vld [tilespmem:$0xD2C0];
	[smem:$0x755] =	sst s30;
	(v2sf) =	vpush v11, $0xB;
	s17 =	spop (v2sf)  }
0x51: {  	[smem:$0x759] =	sst s31;
	(v2sf) =	vpush v11, $0xC;
	s18 =	spop (v2sf)  }
0x52: {  	[smem:$0x75C] =	sst s4;
	(v2sf) =	vpush v11, $0xD;
	s19 =	spop (v2sf)  }
0x53: {  	[smem:$0x75E] =	sst s6;
	(v2sf) =	vpush v11, $0xE;
	s20 =	spop (v2sf)  }
0x54: {  	[smem:$0x760] =	sst s8;
	(v2sf) =	vpush v11, $0xF;
	s23 =	spop (v2sf)  }
0x55: {  	[smem:$0x763] =	sst s9;
	(v2sf) =	vpush v3, $0x0;
	s21 =	spop (v2sf)  }
0x56: {  	[smem:$0x76F] =	sst s11;
	(v2sf) =	vpush v3, $0x1;
	s22 =	spop (v2sf)  }
0x57: {  	[smem:$0x773] =	sst s15;
	(v2sf) =	vpush v3, $0x2;
	s29 =	spop (v2sf)  }
0x58: {  	[smem:$0x774] =	sst s17;
	(v2sf) =	vpush v3, $0x3;
	s30 =	spop (v2sf)  }
0x59: {  	[smem:$0x775] =	sst s18;
	(v2sf) =	vpush v3, $0x4;
	s31 =	spop (v2sf)  }
0x5a: {  	[smem:$0x776] =	sst s19;
	(v2sf) =	vpush v3, $0x5;
	s4 =	spop (v2sf)  }
0x5b: {  	[smem:$0x778] =	sst s20;
	(v2sf) =	vpush v3, $0x6;
	s6 =	spop (v2sf)  }
0x5c: {  	[smem:$0x767] =	sst s21;
	(v2sf) =	vpush v3, $0x7;
	s9 =	spop (v2sf)  }
0x5d: {  	[smem:$0x780] =	sst s22;
	(v2sf) =	vpush v3, $0x8;
	s8 =	spop (v2sf)  }
0x5e: {  	[smem:$0x783] =	sst s29;
	(v2sf) =	vpush v3, $0x9;
	s11 =	spop (v2sf)  }
0x5f: {  	[smem:$0x784] =	sst s30;
	(v2sf) =	vpush v3, $0xA;
	s15 =	spop (v2sf)  }
0x60: {  	v12 =	vld [tilespmem:$0xD2D0];
	[smem:$0x786] =	sst s31;
	(v2sf) =	vpush v3, $0xB;
	s17 =	spop (v2sf)  }
0x61: {  	[smem:$0x787] =	sst s4;
	(v2sf) =	vpush v3, $0xC;
	s18 =	spop (v2sf)  }
0x62: {  	[smem:$0x788] =	sst s6;
	(v2sf) =	vpush v3, $0xD;
	s19 =	spop (v2sf)  }
0x63: {  	[smem:$0x768] =	sst s8;
	(v2sf) =	vpush v3, $0xE;
	s20 =	spop (v2sf)  }
0x64: {  	[smem:$0x785] =	sst s11;
	(v2sf) =	vpush v3, $0xF;
	s4 =	spop (v2sf)  }
0x65: {  	[dreg:$0x18] =	wrdreg s15;
	(v2sf) =	vpush v12, $0x0;
	s21 =	spop (v2sf)  }
0x66: {  	[dreg:$0x16] =	wrdreg s17;
	s22 =	spop (v2sf)  }
0x67: {  	[dreg:$0x13] =	wrdreg s18;
	s29 =	spop (v2sf)  }
0x68: {  	[dreg:$0x14] =	wrdreg s19;
	(v2sf) =	vpush v12, $0x1;
	s30 =	spop (v2sf)  }
0x69: {  	[dreg:$0x15] =	wrdreg s20;
	s31 =	spop (v2sf)  }
0x6a: {  	[smem:$0x76B] =	sst s21;
	(v2sf) =	vpush v12, $0x2;
	s6 =	spop (v2sf)  }
0x6b: {  	[smem:$0x78A] =	sst s22;
	(v2sf) =	vpush v12, $0x3;
	s8 =	spop (v2sf)  }
0x6c: {  	[dreg:$0x19] =	wrdreg s29;
	s29 =	spop (v2sf)  }
0x6d: {  	[dreg:$0x11] =	wrdreg s30;
	s11 =	spop (v2sf)  }
0x6e: {  	(v2sf) =	vpush v12, $0x4;
	[dreg:$0xf] =	wrdreg s31;
	s15 =	spop (v2sf)  }
0x6f: {  	[dreg:$0xe] =	wrdreg s6;
	s17 =	spop (v2sf)  }
0x70: {  	[dreg:$0xd] =	wrdreg s8;
	s18 =	spop (v2sf)  }
0x71: {  	[smem:$0x772] =	sst s11;
	s19 =	spop (v2sf)  }
0x72: {  	(v2sf) =	vpush v12, $0x5;
	[smem:$0x78E] =	sst s15;
	s20 =	spop (v2sf)  }
0x73: {  	[dreg:$0x1a] =	wrdreg s17;
	s21 =	spop (v2sf)  }
0x74: {  	(v2sf) =	vpush v12, $0x6;
	[dreg:$0x12] =	wrdreg s18;
	s31 =	spop (v2sf)  }
0x75: {  	[dreg:$0x10] =	wrdreg s19;
	s8 =	smul.f32 s31, s1  }
0x76: {  	(v2sf) =	vpush v12, $0x7;
	[dreg:$0xc] =	wrdreg s20;
	s22 =	smul.f32 s31, s3  }
0x77: {  	s18 =	spop (v2sf);
	s20 =	smul.f32 s31, s5  }
0x78: {  	[dreg:$0xb] =	wrdreg s21;
	s6 =	smul.f32 s18, s1  }
0x79: {  	(v2sf) =	vpush v12, $0x8;
	s0 =	spop (v2sf);
	s30 =	smul.f32 s18, s3  }
0x7a: {  	s15 =	spop (v2sf);
	[smem:$0x72B] =	sst s22  }
0x7b: {  	s11 =	smul.f32 s0, s1;
	[smem:$0x738] =	sst s20  }
0x7c: {  	s22 =	smul.f32 s18, s5;
	[smem:$0x732] =	sst s30  }
0x7d: {  	s19 =	spop (v2sf);
	[smem:$0x729] =	sst s11  }
0x7e: {  	s1 =	smul.f32 s15, s1;
	[smem:$0x764] =	sst s19  }
0x7f: {  	s17 =	smul.f32 s15, s3;
	[smem:$0x73F] =	sst s22  }
0x80: {  	s11 =	smul.f32 s0, s3;
	[smem:$0x72A] =	sst s1  }
0x81: {  	s30 =	spop (v2sf);
	[smem:$0x735] =	sst s17  }
0x82: {  	s22 =	smul.f32 s31, s7;
	[smem:$0x734] =	sst s11  }
0x83: {  	s21 =	spop (v2sf);
	s11 =	sadd.f32 $0.0e+00, s8  }
0x84: {  	s17 =	smul.f32 s15, s5;
	[smem:$0x765] =	sst s21  }
0x85: {  	s3 =	spop (v2sf);
	[smem:$0x746] =	sst s22  }
0x86: {  	s8 =	smul.f32 s0, s5;
	[smem:$0x766] =	sst s3  }
0x87: {  	s13 =	smul.f32 s19, s13;
	[smem:$0x742] =	sst s17  }
0x88: {  	(v2sf) =	vpush v12, $0x9;
	s19 =	spop (v2sf);
	[smem:$0x740] =	sst s8  }
0x89: {  	(v2sf) =	vpush v12, $0xA;
	s5 =	smul.f32 s0, s7;
	[smem:$0x770] =	sst s19  }
0x8a: {  	(v2sf) =	vpush v12, $0xB;
	s3 =	smul.f32 s18, s7;
	s20 =	sadd.f32 s11, s13  }
0x8b: {  	v3 =	vld [tilespmem:$0xD2E0];
	(v2sf) =	vpush v12, $0xC;
	s7 =	smul.f32 s15, s7;
	[smem:$0x74D] =	sst s5  }
0x8c: {  	(v2sf) =	vpush v12, $0xD;
	s17 =	smul.f32 s18, s10;
	[smem:$0x74B] =	sst s3  }
0x8d: {  	(v2sf) =	vpush v12, $0xE;
	[smem:$0x753] =	sst s7  }
0x8e: {  	(v2sf) =	vpush v12, $0xF;
	s21 =	smul.f32 s19, s16;
	[smem:$0x75F] =	sst s17  }
0x8f: {  	s11 =	smul.f32 s31, s10;
	s3 =	sadd.f32 $0.0e+00, s6  }
0x90: {  	(v2sf) =	vpush v3, $0x0;
	s19 =	smul.f32 s0, s10;
	s13 =	sadd.f32 s20, s21  }
0x91: {  	(v2sf) =	vpush v3, $0x1;
	s7 =	smul.f32 s31, s28;
	[smem:$0x757] =	sst s11  }
0x92: {  	[smem:$0x761] =	sst s19;
	s20 =	smul.f32 s15, s10  }
0x93: {  	(v2sf) =	vpush v3, $0x2;
	s10 =	smul.f32 s18, s28;
	[smem:$0x76D] =	sst s7  }
0x94: {  	s11 =	smul.f32 s0, s28;
	[smem:$0x769] =	sst s20  }
0x95: {  	s19 =	smul.f32 s15, s28;
	[smem:$0x777] =	sst s10  }
0x96: {  	(v2sf) =	vpush v3, $0x3;
	[smem:$0x77C] =	sst s11  }
0x97: {  	(v2sf) =	vpush v3, $0x4;
	s16 =	spop (v2sf);
	[smem:$0x77E] =	sst s19  }
0x98: {  	[smem:$0x779] =	sst s16;
	s22 =	spop (v2sf)  }
0x99: {  	[smem:$0x77A] =	sst s22;
	s8 =	spop (v2sf)  }
0x9a: {  	[smem:$0x77B] =	sst s8;
	s1 =	spop (v2sf)  }
0x9b: {  	[smem:$0x79A] =	sst s1;
	s21 =	spop (v2sf)  }
0x9c: {  	s1 =	smul.f32 s1, s25;
	s20 =	spop (v2sf)  }
0x9d: {  	[smem:$0x790] =	sst s20;
	s5 =	spop (v2sf)  }
0x9e: {  	s10 =	sadd.f32 s13, s1;
	s13 =	smul.f32 s31, s9  }
0x9f: {  	(v2sf) =	vpush v3, $0x5;
	[smem:$0x795] =	sst s5;
	s8 =	spop (v2sf)  }
0xa0: {  	[smem:$0x79C] =	sst s8;
	s17 =	spop (v2sf)  }
0xa1: {  	s11 =	smul.f32 s8, s26;
	[smem:$0x798] =	sst s13  }
0xa2: {  	[smem:$0x7A2] =	sst s17;
	s19 =	spop (v2sf)  }
0xa3: {  	(v2sf) =	vpush v3, $0x6;
	[smem:$0x791] =	sst s19  }
0xa4: {  	(v2sf) =	vpush v3, $0x7;
	s1 =	sadd.f32 s10, s11;
	s10 =	smul.f32 s0, s23  }
0xa5: {  	(v2sf) =	vpush v3, $0x8;
	s28 =	spop (v2sf);
	s11 =	smul.f32 s15, s23  }
0xa6: {  	[smem:$0x796] =	sst s28;
	s7 =	spop (v2sf)  }
0xa7: {  	s28 =	smul.f32 s31, s23;
	[smem:$0x75D] =	sst s7  }
0xa8: {  	s8 =	smov.u32 s24;
	s24 =	smul.f32 s7, s24;
	[smem:$0x78D] =	sst s10  }
0xa9: {  	s7 =	smul.f32 s18, s23;
	[smem:$0x793] =	sst s11  }
0xaa: {  	s23 =	smul.f32 s18, s9;
	[smem:$0x781] =	sst s28  }
0xab: {  	s10 =	smul.f32 s0, s4;
	[smem:$0x789] =	sst s7  }
0xac: {  	(v2sf) =	vpush v3, $0x9;
	s28 =	smul.f32 s15, s9;
	s1 =	sadd.f32 s1, s24  }
0xad: {  	(v2sf) =	vpush v3, $0xA;
	[smem:$0x79E] =	sst s23;
	s24 =	smul.f32 s0, s9  }
0xae: {  	(v2sf) =	vpush v3, $0xB;
	s23 =	spop (v2sf);
	[smem:$0x7A9] =	sst s28  }
0xaf: {  	(v2sf) =	vpush v3, $0xC;
	s7 =	smul.f32 s31, s4;
	[smem:$0x7A4] =	sst s23  }
0xb0: {  	s9 =	smul.f32 s18, s4;
	[smem:$0x7A1] =	sst s24  }
0xb1: {  	s11 =	smul.f32 s15, s4;
	[smem:$0x7AC] =	sst s7  }
0xb2: {  	s24 =	spop (v2sf);
	[smem:$0x7B3] =	sst s9  }
0xb3: {  	[smem:$0x7A7] =	sst s24;
	s6 =	spop (v2sf)  }
0xb4: {  	[smem:$0x797] =	sst s6;
	s28 =	spop (v2sf)  }
0xb5: {  	(v2sf) =	vpush v3, $0xD;
	[smem:$0x7B6] =	sst s10  }
0xb6: {  	[dreg:$0x1c] =	wrdreg s11  }
0xb7: {  	s11 =	sld [smem:$0x725]  }
0xb8: {  	s31 =	smul.f32 s31, s29;
	[smem:$0x7B2] =	sst s28  }
0xb9: {  	[smem:$0x751] =	sst s30  }
0xba: {  	[dreg:$0x1d] =	wrdreg s31;
	s4 =	smul.f32 s28, s11  }
0xbb: {  	[smem:$0x78C] =	sst s21;
	s7 =	spop (v2sf)  }
0xbc: {  	s9 =	spop (v2sf);
	s1 =	sadd.f32 s1, s4  }
0xbd: {  	s13 =	spop (v2sf);
	s4 =	sld [smem:$0x727]  }
0xbe: {  	s6 =	sld [smem:$0x726];
	s5 =	spop (v2sf)  }
0xbf: {  	s0 =	smul.f32 s0, s29;
	[smem:$0x79D] =	sst s5  }
0xc0: {  	s10 =	smul.f32 s5, s4;
	s5 =	sld [smem:$0x728]  }
0xc1: {  	[smem:$0x7B0] =	sst s13;
	s13 =	smul.f32 s30, s6  }
0xc2: {  	[dreg:$0x1b] =	wrdreg s0  }
0xc3: {  	s3 =	sadd.f32 s3, s13;
	s16 =	smul.f32 s16, s5  }
0xc4: {  	s1 =	sadd.f32 s1, s10  }
0xc5: {  	s3 =	sadd.f32 s3, s16  }
0xc6: {  	s13 =	smul.f32 s21, s25;
	s16 =	smov.u32 s21;
	s21 =	sld [smem:$0x729]  }
0xc7: {  	[dreg:$0x1f] =	wrdreg s1  }
0xc8: {  	s1 =	sadd.f32 s3, s13  }
0xc9: {  	s10 =	sadd.f32 $0.0e+00, s21  }
0xca: {  	s17 =	smul.f32 s17, s26;
	s21 =	sld [smem:$0x765]  }
0xcb: {  	[smem:$0x7B7] =	sst s7  }
0xcc: {  	s1 =	sadd.f32 s1, s17;
	s17 =	smul.f32 s23, s8  }
0xcd: {  	[smem:$0x792] =	sst s9;
	s31 =	smul.f32 s21, s6  }
0xce: {  	s1 =	sadd.f32 s1, s17;
	s17 =	smul.f32 s7, s11  }
0xcf: {  	s10 =	sadd.f32 s10, s31;
	s31 =	smul.f32 s22, s5  }
0xd0: {  	s22 =	smov.u32 s5;
	s5 =	smul.f32 s18, s29;
	s1 =	sadd.f32 s1, s17  }
0xd1: {  	s17 =	smul.f32 s15, s29;
	s10 =	sadd.f32 s10, s31  }
0xd2: {  	(v2sf) =	vpush v3, $0xE;
	[dreg:$0x1e] =	wrdreg s5  }
0xd3: {  	s31 =	smul.f32 s20, s25;
	[dreg:$0x17] =	wrdreg s17  }
0xd4: {  	s20 =	spop (v2sf);
	s17 =	sld [smem:$0x764]  }
0xd5: {  	[smem:$0x7A6] =	sst s20;
	s5 =	smul.f32 s20, s4  }
0xd6: {  	s20 =	smul.f32 s9, s11;
	s9 =	sld [smem:$0x77B]  }
0xd7: {  	(v2sf) =	vpush v3, $0xF;
	s13 =	sadd.f32 s10, s31  }
0xd8: {  	s31 =	smul.f32 s19, s26;
	s19 =	sld [smem:$0x72A]  }
0xd9: {  	s1 =	sadd.f32 s1, s5  }
0xda: {  	s3 =	sadd.f32 s13, s31  }
0xdb: {  	s13 =	smov.u32 s11;
	s11 =	sld [smem:$0x766]  }
0xdc: {  	s31 =	smul.f32 s9, s22;
	s22 =	sld [smem:$0x795]  }
0xdd: {  	[smem:$0x7BE] =	sst s1  }
0xde: {  	s18 =	smov.u32 s7;
	s7 =	smul.f32 s24, s8;
	s1 =	sadd.f32 $0.0e+00, s19  }
0xdf: {  	s19 =	sld [smem:$0x797]  }
0xe0: {  	s10 =	sadd.f32 s3, s7  }
0xe1: {  	s23 =	smov.u32 s25;
	s15 =	spop (v2sf);
	s7 =	sld [smem:$0x796]  }
0xe2: {  	s25 =	smov.u32 s4;
	s24 =	smul.f32 s11, s6;
	s0 =	sadd.f32 s10, s20  }
0xe3: {  	s29 =	smul.f32 s15, s25;
	s20 =	sld [smem:$0x72B]  }
0xe4: {  	s1 =	sadd.f32 s1, s24;
	s5 =	smul.f32 s7, s26  }
0xe5: {  	s24 =	smul.f32 s19, s8;
	s8 =	sld [smem:$0x7B0]  }
0xe6: {  	s26 =	spop (v2sf);
	s0 =	sadd.f32 s0, s29  }
0xe7: {  	[smem:$0x7B1] =	sst s26  }
0xe8: {  	s29 =	sld [smem:$0x75D]  }
0xe9: {  	s1 =	sadd.f32 s1, s31  }
0xea: {  	s31 =	sld [smem:$0x72C]  }
0xeb: {  	s4 =	sadd.f32 $0.0e+00, s20  }
0xec: {  	s3 =	smul.f32 s22, s23;
	s20 =	sld [smem:$0x770]  }
0xed: {  	[smem:$0x7BF] =	sst s0;
	s23 =	smul.f32 s17, s31  }
0xee: {  	s0 =	sadd.f32 s1, s3  }
0xef: {  	s4 =	sadd.f32 s4, s23  }
0xf0: {  	s23 =	sld [smem:$0x72D]  }
0xf1: {  	s3 =	smul.f32 s26, s25;
	s26 =	sld [smem:$0x79A]  }
0xf2: {  	s0 =	sadd.f32 s0, s5  }
0xf3: {  	s25 =	sld [smem:$0x72F];
	s6 =	smul.f32 s20, s23  }
0xf4: {  	s0 =	sadd.f32 s0, s24  }
0xf5: {  	s6 =	sadd.f32 s4, s6  }
0xf6: {  	s13 =	smul.f32 s8, s13;
	s4 =	sld [smem:$0x72E]  }
0xf7: {  	s24 =	sld [smem:$0x79C]  }
0xf8: {  	s0 =	sadd.f32 s0, s13  }
0xf9: {  	s1 =	sld [smem:$0x730];
	s10 =	smul.f32 s26, s4  }
0xfa: {  	s0 =	sadd.f32 s0, s3  }
0xfb: {  	s5 =	smul.f32 s24, s25;
	s6 =	sadd.f32 s6, s10  }
0xfc: {  	[smem:$0x7C1] =	sst s0  }
0xfd: {  	s10 =	smul.f32 s29, s1;
	s5 =	sadd.f32 s6, s5  }
0xfe: {  	s6 =	smul.f32 s11, s31;
	s11 =	sld [smem:$0x732]  }
0xff: {  	s0 =	sadd.f32 s5, s10  }
0x100: {  	s5 =	sld [smem:$0x731]  }
0x101: {  	s10 =	smul.f32 s9, s23;
	s29 =	sadd.f32 $0.0e+00, s11  }
0x102: {  	s11 =	sld [smem:$0x733]  }
0x103: {  	[smem:$0x737] =	sst s10  }
0x104: {  	s13 =	smul.f32 s30, s31;
	s10 =	sld [smem:$0x734]  }
0x105: {  	s3 =	smul.f32 s28, s5;
	s28 =	sld [smem:$0x79D]  }
0x106: {  	s13 =	sadd.f32 s29, s13  }
0x107: {  	s30 =	smul.f32 s21, s31;
	s29 =	sld [smem:$0x77A]  }
0x108: {  	s31 =	smul.f32 s28, s11;
	s28 =	sld [smem:$0x779]  }
0x109: {  	s0 =	sadd.f32 s0, s3  }
0x10a: {  	s9 =	sld [smem:$0x7A2];
	s29 =	smul.f32 s29, s23  }
0x10b: {  	s0 =	sadd.f32 s0, s31;
	s3 =	smul.f32 s28, s23  }
0x10c: {  	s23 =	smul.f32 s16, s4;
	s16 =	sadd.f32 $0.0e+00, s10  }
0x10d: {  	[smem:$0x7C3] =	sst s0  }
0x10e: {  	s3 =	sadd.f32 s13, s3  }
0x10f: {  	s10 =	sadd.f32 s16, s30  }
0x110: {  	s30 =	sld [smem:$0x7A4]  }
0x111: {  	s3 =	sadd.f32 s3, s23  }
0x112: {  	s0 =	smul.f32 s9, s25;
	s23 =	sld [smem:$0x790]  }
0x113: {  	_ = 	snop  }
0x114: {  	s0 =	sadd.f32 s3, s0;
	s3 =	smul.f32 s30, s1  }
0x115: {  	s13 =	smul.f32 s23, s4;
	s4 =	smov.u32 s4  }
0x116: {  	s23 =	smul.f32 s22, s4;
	s4 =	sadd.f32 s10, s29  }
0x117: {  	s0 =	sadd.f32 s0, s3  }
0x118: {  	s31 =	smul.f32 s18, s5;
	s22 =	sld [smem:$0x791]  }
0x119: {  	s4 =	sadd.f32 s4, s13  }
0x11a: {  	s0 =	sadd.f32 s0, s31  }
0x11b: {  	s31 =	sld [smem:$0x7A6];
	s10 =	smul.f32 s22, s25  }
0x11c: {  	_ = 	snop  }
0x11d: {  	s3 =	sadd.f32 s4, s10  }
0x11e: {  	s16 =	smul.f32 s31, s11;
	s10 =	sld [smem:$0x7A7]  }
0x11f: {  	[smem:$0x7A8] =	sst s15  }
0x120: {  	s0 =	sadd.f32 s0, s16  }
0x121: {  	s30 =	sld [smem:$0x735];
	s18 =	smul.f32 s10, s1  }
0x122: {  	[smem:$0x7C4] =	sst s0  }
0x123: {  	s13 =	smul.f32 s7, s25;
	s3 =	sadd.f32 s3, s18  }
0x124: {  	s0 =	smul.f32 s19, s1;
	s19 =	smov.u32 s5;
	s18 =	sld [smem:$0x792]  }
0x125: {  	s16 =	smul.f32 s8, s19;
	s19 =	sld [smem:$0x7B1]  }
0x126: {  	s7 =	smul.f32 s15, s11;
	s8 =	sld [smem:$0x736]  }
0x127: {  	s25 =	smul.f32 s18, s5;
	s5 =	sadd.f32 $0.0e+00, s30  }
0x128: {  	s29 =	smul.f32 s19, s11;
	s11 =	sld [smem:$0x766]  }
0x129: {  	s3 =	sadd.f32 s3, s25  }
0x12a: {  	s6 =	sadd.f32 s5, s6  }
0x12b: {  	s5 =	sld [smem:$0x737]  }
0x12c: {  	s25 =	sld [smem:$0x751]  }
0x12d: {  	s3 =	sadd.f32 s3, s7  }
0x12e: {  	s1 =	smul.f32 s11, s8;
	s7 =	sld [smem:$0x738]  }
0x12f: {  	s30 =	smul.f32 s17, s8;
	s4 =	sadd.f32 s6, s5  }
0x130: {  	s21 =	smul.f32 s21, s8;
	[smem:$0x743] =	sst s1  }
0x131: {  	s5 =	smul.f32 s25, s8;
	s8 =	sld [smem:$0x739]  }
0x132: {  	s1 =	sld [smem:$0x73B]  }
0x133: {  	[smem:$0x7C6] =	sst s3  }
0x134: {  	s6 =	sadd.f32 $0.0e+00, s7  }
0x135: {  	s4 =	sadd.f32 s4, s23  }
0x136: {  	s23 =	sld [smem:$0x73A]  }
0x137: {  	s3 =	sadd.f32 s6, s30  }
0x138: {  	s4 =	sadd.f32 s4, s13  }
0x139: {  	s17 =	smul.f32 s20, s8;
	s30 =	sld [smem:$0x75D]  }
0x13a: {  	s20 =	smul.f32 s26, s23;
	s26 =	sld [smem:$0x77A]  }
0x13b: {  	s3 =	sadd.f32 s3, s17  }
0x13c: {  	s0 =	sadd.f32 s4, s0  }
0x13d: {  	s4 =	smul.f32 s28, s8;
	s28 =	sld [smem:$0x77B]  }
0x13e: {  	s17 =	sld [smem:$0x73D]  }
0x13f: {  	s3 =	sadd.f32 s3, s20  }
0x140: {  	s24 =	smul.f32 s24, s1;
	s0 =	sadd.f32 s0, s16  }
0x141: {  	s13 =	smul.f32 s26, s8;
	s16 =	sld [smem:$0x73E]  }
0x142: {  	s7 =	smul.f32 s28, s8;
	s8 =	sld [smem:$0x73F]  }
0x143: {  	s28 =	sld [smem:$0x78C]  }
0x144: {  	s3 =	sadd.f32 s3, s24  }
0x145: {  	s24 =	sld [smem:$0x73C]  }
0x146: {  	s0 =	sadd.f32 s0, s29  }
0x147: {  	s29 =	sld [smem:$0x796]  }
0x148: {  	[smem:$0x745] =	sst s7  }
0x149: {  	s7 =	sld [smem:$0x79D]  }
0x14a: {  	[smem:$0x7C7] =	sst s0  }
0x14b: {  	s20 =	sadd.f32 $0.0e+00, s8  }
0x14c: {  	s6 =	smul.f32 s30, s24;
	s30 =	sld [smem:$0x7B2]  }
0x14d: {  	s5 =	sadd.f32 s20, s5  }
0x14e: {  	s3 =	sadd.f32 s3, s6  }
0x14f: {  	s0 =	smul.f32 s30, s17;
	s4 =	sadd.f32 s5, s4  }
0x150: {  	s5 =	smul.f32 s22, s1;
	s22 =	sld [smem:$0x740]  }
0x151: {  	s6 =	smul.f32 s7, s16;
	s0 =	sadd.f32 s3, s0  }
0x152: {  	s8 =	sld [smem:$0x790]  }
0x153: {  	s7 =	smul.f32 s28, s23;
	s0 =	sadd.f32 s0, s6  }
0x154: {  	s6 =	sadd.f32 $0.0e+00, s22  }
0x155: {  	s22 =	sadd.f32 s4, s7;
	s7 =	smul.f32 s10, s24  }
0x156: {  	s20 =	sld [smem:$0x795];
	s10 =	smul.f32 s18, s17  }
0x157: {  	s18 =	smul.f32 s31, s16;
	s31 =	sld [smem:$0x742]  }
0x158: {  	[smem:$0x7C9] =	sst s0  }
0x159: {  	s0 =	smul.f32 s9, s1;
	s9 =	smov.u32 s1;
	s6 =	sadd.f32 s6, s21  }
0x15a: {  	s9 =	smul.f32 s29, s9;
	s29 =	sld [smem:$0x7A4]  }
0x15b: {  	s0 =	sadd.f32 s22, s0  }
0x15c: {  	s22 =	sld [smem:$0x797]  }
0x15d: {  	s3 =	smul.f32 s8, s23;
	s6 =	sadd.f32 s6, s13  }
0x15e: {  	s21 =	sld [smem:$0x7B0]  }
0x15f: {  	s4 =	smul.f32 s29, s24;
	s3 =	sadd.f32 s6, s3  }
0x160: {  	s1 =	smul.f32 s22, s24;
	s22 =	sld [smem:$0x7B7]  }
0x161: {  	s0 =	sadd.f32 s0, s4  }
0x162: {  	s3 =	sadd.f32 s3, s5  }
0x163: {  	s5 =	smul.f32 s15, s16;
	s15 =	sld [smem:$0x741]  }
0x164: {  	s13 =	smul.f32 s19, s16;
	s19 =	sadd.f32 s3, s7  }
0x165: {  	s6 =	smul.f32 s21, s17;
	s7 =	sadd.f32 $0.0e+00, s31  }
0x166: {  	s24 =	smul.f32 s22, s17;
	s17 =	sld [smem:$0x743]  }
0x167: {  	s31 =	sld [smem:$0x79D]  }
0x168: {  	s0 =	sadd.f32 s0, s24  }
0x169: {  	s16 =	smul.f32 s25, s15;
	s24 =	sld [smem:$0x764]  }
0x16a: {  	s25 =	smul.f32 s11, s15;
	s4 =	sadd.f32 s19, s10  }
0x16b: {  	s19 =	sadd.f32 s7, s17  }
0x16c: {  	[smem:$0x754] =	sst s25  }
0x16d: {  	s7 =	sld [smem:$0x745]  }
0x16e: {  	s25 =	sld [smem:$0x77B]  }
0x16f: {  	s0 =	sadd.f32 s0, s18  }
0x170: {  	s18 =	sld [smem:$0x765]  }
0x171: {  	s4 =	sadd.f32 s4, s5  }
0x172: {  	s5 =	sld [smem:$0x770]  }
0x173: {  	[smem:$0x7CA] =	sst s0  }
0x174: {  	s0 =	sld [smem:$0x744];
	s10 =	smul.f32 s18, s15  }
0x175: {  	[smem:$0x7CC] =	sst s4  }
0x176: {  	[smem:$0x74E] =	sst s10  }
0x177: {  	s4 =	smul.f32 s5, s0;
	s5 =	sadd.f32 s19, s7  }
0x178: {  	s19 =	sld [smem:$0x779];
	s17 =	smul.f32 s26, s0  }
0x179: {  	s23 =	smul.f32 s20, s23;
	s10 =	sld [smem:$0x746]  }
0x17a: {  	[smem:$0x74F] =	sst s17  }
0x17b: {  	s5 =	sadd.f32 s5, s23  }
0x17c: {  	s23 =	sld [smem:$0x747]  }
0x17d: {  	s3 =	smul.f32 s24, s15;
	s17 =	sld [smem:$0x79A]  }
0x17e: {  	s11 =	smul.f32 s19, s0;
	s15 =	sadd.f32 $0.0e+00, s10  }
0x17f: {  	s0 =	smul.f32 s25, s0;
	s10 =	sld [smem:$0x75D]  }
0x180: {  	s5 =	sadd.f32 s5, s9  }
0x181: {  	[smem:$0x756] =	sst s0  }
0x182: {  	s3 =	sadd.f32 s15, s3  }
0x183: {  	s15 =	sld [smem:$0x79C]  }
0x184: {  	s1 =	sadd.f32 s5, s1  }
0x185: {  	s0 =	smul.f32 s20, s23;
	s5 =	sld [smem:$0x748]  }
0x186: {  	s3 =	sadd.f32 s3, s4  }
0x187: {  	s26 =	smul.f32 s17, s23;
	[smem:$0x758] =	sst s0  }
0x188: {  	s7 =	smul.f32 s28, s23;
	s0 =	sld [smem:$0x749]  }
0x189: {  	s4 =	smul.f32 s8, s23;
	s23 =	sld [smem:$0x74A]  }
0x18a: {  	s1 =	sadd.f32 s1, s6  }
0x18b: {  	s3 =	sadd.f32 s3, s26  }
0x18c: {  	s26 =	sld [smem:$0x74B]  }
0x18d: {  	s9 =	smul.f32 s15, s5;
	s1 =	sadd.f32 s1, s13  }
0x18e: {  	s6 =	smul.f32 s10, s0;
	s10 =	sld [smem:$0x791]  }
0x18f: {  	s20 =	smul.f32 s30, s23;
	s30 =	sld [smem:$0x796]  }
0x190: {  	s3 =	sadd.f32 s3, s9  }
0x191: {  	s9 =	sld [smem:$0x7A2]  }
0x192: {  	[smem:$0x7CE] =	sst s1  }
0x193: {  	s3 =	sadd.f32 s3, s6  }
0x194: {  	s28 =	sadd.f32 $0.0e+00, s26;
	s6 =	smul.f32 s10, s5  }
0x195: {  	s1 =	smul.f32 s9, s5;
	s3 =	sadd.f32 s3, s20  }
0x196: {  	s5 =	smul.f32 s30, s5;
	s20 =	sadd.f32 s28, s16  }
0x197: {  	s16 =	sld [smem:$0x792]  }
0x198: {  	[smem:$0x75A] =	sst s5  }
0x199: {  	s5 =	sld [smem:$0x74C]  }
0x19a: {  	s13 =	smul.f32 s29, s0  }
0x19b: {  	s26 =	smov.u32 s29;
	s28 =	sld [smem:$0x7A7];
	s29 =	smul.f32 s16, s23  }
0x19c: {  	s16 =	sld [smem:$0x74F];
	s8 =	smul.f32 s31, s5  }
0x19d: {  	s31 =	sld [smem:$0x74D]  }
0x19e: {  	s3 =	sadd.f32 s3, s8  }
0x19f: {  	s8 =	sadd.f32 s20, s11  }
0x1a0: {  	s20 =	sld [smem:$0x797]  }
0x1a1: {  	s11 =	sadd.f32 $0.0e+00, s31  }
0x1a2: {  	s31 =	smul.f32 s21, s23;
	[smem:$0x7CF] =	sst s3  }
0x1a3: {  	s3 =	smul.f32 s28, s0;
	s8 =	sadd.f32 s8, s7  }
0x1a4: {  	s21 =	sld [smem:$0x7A6];
	s0 =	smul.f32 s20, s0  }
0x1a5: {  	s1 =	sadd.f32 s8, s1  }
0x1a6: {  	[smem:$0x75B] =	sst s0  }
0x1a7: {  	s0 =	smul.f32 s22, s23;
	s22 =	sld [smem:$0x74E]  }
0x1a8: {  	s23 =	sld [smem:$0x750]  }
0x1a9: {  	s1 =	sadd.f32 s1, s13  }
0x1aa: {  	s7 =	sadd.f32 s11, s22  }
0x1ab: {  	s22 =	sld [smem:$0x7B1]  }
0x1ac: {  	s0 =	sadd.f32 s1, s0  }
0x1ad: {  	s1 =	sld [smem:$0x766]  }
0x1ae: {  	s18 =	smul.f32 s18, s23;
	s7 =	sadd.f32 s7, s16  }
0x1af: {  	s8 =	smul.f32 s21, s5;
	s16 =	sld [smem:$0x7A8]  }
0x1b0: {  	[smem:$0x762] =	sst s18  }
0x1b1: {  	s0 =	sadd.f32 s0, s8  }
0x1b2: {  	s8 =	sld [smem:$0x770]  }
0x1b3: {  	s18 =	sld [smem:$0x753]  }
0x1b4: {  	s4 =	sadd.f32 s7, s4  }
0x1b5: {  	s7 =	smul.f32 s24, s23;
	s24 =	sld [smem:$0x751]  }
0x1b6: {  	[smem:$0x7D1] =	sst s0;
	s0 =	smul.f32 s1, s23  }
0x1b7: {  	s6 =	sadd.f32 s4, s6  }
0x1b8: {  	s13 =	smul.f32 s22, s5;
	[smem:$0x76A] =	sst s0  }
0x1b9: {  	s11 =	smul.f32 s16, s5;
	s4 =	sld [smem:$0x752]  }
0x1ba: {  	s5 =	smul.f32 s24, s23;
	s23 =	sadd.f32 $0.0e+00, s18  }
0x1bb: {  	s18 =	sld [smem:$0x77A]  }
0x1bc: {  	s3 =	sadd.f32 s6, s3;
	s6 =	smul.f32 s8, s4  }
0x1bd: {  	s1 =	smul.f32 s19, s4;
	s19 =	sld [smem:$0x754]  }
0x1be: {  	s0 =	sadd.f32 s3, s29;
	s8 =	smul.f32 s18, s4  }
0x1bf: {  	s29 =	smul.f32 s25, s4;
	s4 =	sld [smem:$0x755]  }
0x1c0: {  	s3 =	sld [smem:$0x756]  }
0x1c1: {  	s18 =	sld [smem:$0x757]  }
0x1c2: {  	s25 =	sld [smem:$0x758]  }
0x1c3: {  	s23 =	sadd.f32 s23, s19  }
0x1c4: {  	[smem:$0x76C] =	sst s29  }
0x1c5: {  	s0 =	sadd.f32 s0, s11  }
0x1c6: {  	s11 =	smul.f32 s17, s4;
	s17 =	sld [smem:$0x78C]  }
0x1c7: {  	s29 =	sadd.f32 $0.0e+00, s18  }
0x1c8: {  	[smem:$0x7D2] =	sst s0  }
0x1c9: {  	s0 =	sadd.f32 s23, s3  }
0x1ca: {  	s23 =	sld [smem:$0x790]  }
0x1cb: {  	s7 =	sadd.f32 s29, s7  }
0x1cc: {  	s18 =	sadd.f32 s0, s25  }
0x1cd: {  	s0 =	sld [smem:$0x759]  }
0x1ce: {  	s3 =	smul.f32 s23, s4;
	s23 =	sld [smem:$0x795]  }
0x1cf: {  	s19 =	smul.f32 s17, s4;
	s6 =	sadd.f32 s7, s6  }
0x1d0: {  	s25 =	sld [smem:$0x75A];
	s29 =	smul.f32 s15, s0  }
0x1d1: {  	s7 =	smul.f32 s10, s0;
	s6 =	sadd.f32 s6, s11  }
0x1d2: {  	s15 =	sld [smem:$0x75F];
	s17 =	smul.f32 s23, s4  }
0x1d3: {  	s4 =	sadd.f32 s18, s25;
	s18 =	smul.f32 s9, s0  }
0x1d4: {  	s0 =	smul.f32 s30, s0;
	s30 =	sld [smem:$0x75C]  }
0x1d5: {  	[smem:$0x76E] =	sst s17  }
0x1d6: {  	s17 =	sld [smem:$0x75B]  }
0x1d7: {  	s6 =	sadd.f32 s6, s29  }
0x1d8: {  	[smem:$0x771] =	sst s0  }
0x1d9: {  	s25 =	sadd.f32 s4, s17  }
0x1da: {  	s17 =	sld [smem:$0x75D]  }
0x1db: {  	s4 =	sld [smem:$0x75E]  }
0x1dc: {  	s10 =	sadd.f32 s25, s31  }
0x1dd: {  	s25 =	sadd.f32 $0.0e+00, s15  }
0x1de: {  	s31 =	smul.f32 s26, s30;
	s26 =	sld [smem:$0x760]  }
0x1df: {  	s15 =	sld [smem:$0x79D]  }
0x1e0: {  	s10 =	sadd.f32 s10, s13  }
0x1e1: {  	s9 =	smul.f32 s17, s30;
	s5 =	sadd.f32 s25, s5  }
0x1e2: {  	s25 =	sld [smem:$0x7B0]  }
0x1e3: {  	s6 =	sadd.f32 s6, s9  }
0x1e4: {  	[smem:$0x7D4] =	sst s10  }
0x1e5: {  	s10 =	smul.f32 s20, s30;
	s20 =	sld [smem:$0x7B2]  }
0x1e6: {  	s1 =	sadd.f32 s5, s1  }
0x1e7: {  	s9 =	sld [smem:$0x792]  }
0x1e8: {  	s29 =	smul.f32 s28, s30;
	s1 =	sadd.f32 s1, s19  }
0x1e9: {  	s30 =	sld [smem:$0x7B7];
	s13 =	smul.f32 s20, s4  }
0x1ea: {  	s1 =	sadd.f32 s1, s18  }
0x1eb: {  	s28 =	smul.f32 s15, s26;
	s6 =	sadd.f32 s6, s13  }
0x1ec: {  	s1 =	sadd.f32 s1, s31  }
0x1ed: {  	s11 =	smul.f32 s30, s4;
	s0 =	sadd.f32 s6, s28  }
0x1ee: {  	s6 =	sld [smem:$0x761]  }
0x1ef: {  	s5 =	smul.f32 s21, s26;
	s1 =	sadd.f32 s1, s11  }
0x1f0: {  	s19 =	smul.f32 s22, s26;
	[smem:$0x7D5] =	sst s0  }
0x1f1: {  	s0 =	smul.f32 s16, s26;
	s26 =	sld [smem:$0x762]  }
0x1f2: {  	s16 =	sld [smem:$0x765]  }
0x1f3: {  	s21 =	sadd.f32 $0.0e+00, s6  }
0x1f4: {  	s1 =	sadd.f32 s1, s5  }
0x1f5: {  	s6 =	sadd.f32 s21, s26  }
0x1f6: {  	s26 =	sld [smem:$0x763]  }
0x1f7: {  	s6 =	sadd.f32 s6, s8  }
0x1f8: {  	s21 =	sld [smem:$0x764]  }
0x1f9: {  	s3 =	sadd.f32 s6, s3  }
0x1fa: {  	s8 =	smul.f32 s16, s26;
	s6 =	sld [smem:$0x767]  }
0x1fb: {  	[smem:$0x7D7] =	sst s1  }
0x1fc: {  	s18 =	smul.f32 s24, s26;
	[smem:$0x77D] =	sst s8  }
0x1fd: {  	s8 =	sld [smem:$0x766];
	s31 =	smul.f32 s21, s6  }
0x1fe: {  	s11 =	smov.u32 s24;
	s3 =	sadd.f32 s3, s7;
	s24 =	smul.f32 s24, s6  }
0x1ff: {  	s7 =	smov.u32 s16;
	s16 =	smul.f32 s16, s6;
	[smem:$0x782] =	sst s31  }
0x200: {  	s28 =	smov.u32 s22;
	s22 =	smul.f32 s21, s26;
	[smem:$0x78B] =	sst s24  }
0x201: {  	s26 =	smul.f32 s8, s26;
	[smem:$0x78F] =	sst s16  }
0x202: {  	s24 =	smul.f32 s8, s6;
	s6 =	sld [smem:$0x769]  }
0x203: {  	[smem:$0x77F] =	sst s26  }
0x204: {  	s26 =	sadd.f32 s3, s29  }
0x205: {  	s29 =	sld [smem:$0x768]  }
0x206: {  	s13 =	smul.f32 s9, s4;
	[smem:$0x794] =	sst s24  }
0x207: {  	s3 =	sadd.f32 $0.0e+00, s6  }
0x208: {  	s1 =	sadd.f32 s26, s13;
	s31 =	smul.f32 s21, s29  }
0x209: {  	s26 =	sld [smem:$0x76A];
	s16 =	smul.f32 s11, s29  }
0x20a: {  	s6 =	sld [smem:$0x76D];
	s24 =	smul.f32 s7, s29  }
0x20b: {  	s5 =	smul.f32 s8, s29;
	s29 =	sld [smem:$0x76B]  }
0x20c: {  	s0 =	sadd.f32 s1, s0  }
0x20d: {  	s1 =	sld [smem:$0x76C]  }
0x20e: {  	[smem:$0x799] =	sst s31  }
0x20f: {  	[smem:$0x79F] =	sst s16  }
0x210: {  	[smem:$0x7A3] =	sst s24  }
0x211: {  	s3 =	sadd.f32 s3, s26  }
0x212: {  	[smem:$0x7AA] =	sst s5  }
0x213: {  	s16 =	sld [smem:$0x76E]  }
0x214: {  	s5 =	sld [smem:$0x772]  }
0x215: {  	[smem:$0x7D8] =	sst s0  }
0x216: {  	s31 =	smul.f32 s21, s29;
	s0 =	sadd.f32 s3, s1  }
0x217: {  	s24 =	smul.f32 s8, s29;
	s1 =	sadd.f32 $0.0e+00, s6  }
0x218: {  	s3 =	smul.f32 s11, s29;
	s6 =	sld [smem:$0x76F]  }
0x219: {  	s13 =	smov.u32 s11;
	s11 =	smul.f32 s7, s29;
	s29 =	sld [smem:$0x771]  }
0x21a: {  	[smem:$0x7AE] =	sst s31  }
0x21b: {  	[smem:$0x7BC] =	sst s24  }
0x21c: {  	[smem:$0x7B4] =	sst s3  }
0x21d: {  	[smem:$0x7B9] =	sst s11  }
0x21e: {  	s0 =	sadd.f32 s0, s16  }
0x21f: {  	s1 =	sadd.f32 s1, s22  }
0x220: {  	s16 =	sld [smem:$0x770]  }
0x221: {  	s31 =	smul.f32 s21, s5;
	s11 =	smov.u32 s7;
	s7 =	sld [smem:$0x773]  }
0x222: {  	s22 =	smul.f32 s13, s5;
	s13 =	sld [smem:$0x774]  }
0x223: {  	[smem:$0x7C2] =	sst s31  }
0x224: {  	s31 =	sld [smem:$0x79A]  }
0x225: {  	s0 =	sadd.f32 s0, s29  }
0x226: {  	[smem:$0x7CD] =	sst s22  }
0x227: {  	s29 =	smul.f32 s11, s5;
	s11 =	sld [smem:$0x775]  }
0x228: {  	s0 =	sadd.f32 s0, s10  }
0x229: {  	s26 =	smul.f32 s16, s6;
	[smem:$0x7DB] =	sst s29  }
0x22a: {  	s10 =	smul.f32 s8, s5;
	s8 =	sld [smem:$0x776]  }
0x22b: {  	s4 =	smul.f32 s25, s4;
	s1 =	sadd.f32 s1, s26  }
0x22c: {  	s26 =	sld [smem:$0x79C]  }
0x22d: {  	s0 =	sadd.f32 s0, s4  }
0x22e: {  	s21 =	smul.f32 s31, s7;
	[smem:$0x7E6] =	sst s10  }
0x22f: {  	s10 =	sld [smem:$0x778]  }
0x230: {  	s1 =	sadd.f32 s1, s21  }
0x231: {  	s24 =	smul.f32 s26, s13;
	s0 =	sadd.f32 s0, s19  }
0x232: {  	s22 =	smov.u32 s20;
	s19 =	smul.f32 s20, s8;
	s20 =	sld [smem:$0x777]  }
0x233: {  	s1 =	sadd.f32 s1, s24  }
0x234: {  	[smem:$0x7DA] =	sst s0  }
0x235: {  	s4 =	smul.f32 s17, s11;
	s3 =	sadd.f32 $0.0e+00, s20  }
0x236: {  	s21 =	smul.f32 s15, s10;
	s20 =	smov.u32 s15;
	s15 =	sld [smem:$0x77B]  }
0x237: {  	s24 =	smov.u32 s17;
	s17 =	sadd.f32 s1, s4  }
0x238: {  	s3 =	sadd.f32 s3, s18  }
0x239: {  	s0 =	sadd.f32 s17, s19  }
0x23a: {  	s19 =	sld [smem:$0x779]  }
0x23b: {  	s18 =	sld [smem:$0x77A]  }
0x23c: {  	s0 =	sadd.f32 s0, s21  }
0x23d: {  	s21 =	sld [smem:$0x77C];
	s29 =	smul.f32 s19, s6  }
0x23e: {  	s17 =	sld [smem:$0x78C]  }
0x23f: {  	s1 =	sadd.f32 s3, s29  }
0x240: {  	s4 =	sadd.f32 $0.0e+00, s21  }
0x241: {  	s29 =	sld [smem:$0x7A2]  }
0x242: {  	s3 =	smul.f32 s17, s7;
	s17 =	sld [smem:$0x790]  }
0x243: {  	s5 =	smul.f32 s18, s6;
	s21 =	sld [smem:$0x77D]  }
0x244: {  	[smem:$0x7DC] =	sst s0;
	s0 =	smul.f32 s15, s6  }
0x245: {  	s1 =	sadd.f32 s1, s3;
	s6 =	smul.f32 s29, s13  }
0x246: {  	s3 =	smul.f32 s17, s7;
	s4 =	sadd.f32 s4, s21  }
0x247: {  	s7 =	smul.f32 s23, s7;
	s23 =	sld [smem:$0x7A4]  }
0x248: {  	s29 =	smul.f32 s30, s8;
	s30 =	sld [smem:$0x791]  }
0x249: {  	s9 =	smul.f32 s9, s8;
	s17 =	sld [smem:$0x796]  }
0x24a: {  	s8 =	smul.f32 s25, s8;
	s25 =	sld [smem:$0x7A8]  }
0x24b: {  	s1 =	sadd.f32 s1, s6  }
0x24c: {  	s4 =	sadd.f32 s4, s5  }
0x24d: {  	s5 =	sld [smem:$0x797]  }
0x24e: {  	s6 =	smul.f32 s23, s11;
	s23 =	sld [smem:$0x7A6]  }
0x24f: {  	s3 =	sadd.f32 s4, s3  }
0x250: {  	s1 =	sadd.f32 s1, s6  }
0x251: {  	s4 =	smul.f32 s17, s13;
	s17 =	sld [smem:$0x77F]  }
0x252: {  	s21 =	smul.f32 s23, s10;
	s1 =	sadd.f32 s1, s29  }
0x253: {  	s6 =	smul.f32 s30, s13;
	s29 =	sld [smem:$0x7A7]  }
0x254: {  	s1 =	sadd.f32 s1, s21  }
0x255: {  	s3 =	sadd.f32 s3, s6  }
0x256: {  	s30 =	smul.f32 s29, s11;
	[smem:$0x7DD] =	sst s1  }
0x257: {  	s1 =	smul.f32 s5, s11;
	s11 =	sld [smem:$0x77E]  }
0x258: {  	s21 =	sld [smem:$0x780]  }
0x259: {  	s3 =	sadd.f32 s3, s30  }
0x25a: {  	s13 =	smul.f32 s25, s10;
	s6 =	sadd.f32 $0.0e+00, s11  }
0x25b: {  	s30 =	smul.f32 s16, s21;
	s3 =	sadd.f32 s3, s9  }
0x25c: {  	s9 =	smul.f32 s28, s10;
	s28 =	smov.u32 s16;
	s16 =	sld [smem:$0x782]  }
0x25d: {  	s6 =	sadd.f32 s6, s17  }
0x25e: {  	s3 =	sadd.f32 s3, s13  }
0x25f: {  	s13 =	sld [smem:$0x781]  }
0x260: {  	[smem:$0x7DF] =	sst s3  }
0x261: {  	s0 =	sadd.f32 s6, s0  }
0x262: {  	s6 =	sadd.f32 $0.0e+00, s13  }
0x263: {  	s0 =	sadd.f32 s0, s7  }
0x264: {  	s17 =	smov.u32 s15;
	s7 =	smul.f32 s15, s21;
	s15 =	sld [smem:$0x783]  }
0x265: {  	s6 =	sadd.f32 s6, s16  }
0x266: {  	s16 =	sld [smem:$0x784]  }
0x267: {  	s4 =	sadd.f32 s0, s4  }
0x268: {  	s11 =	smul.f32 s31, s15;
	s3 =	sadd.f32 s6, s30  }
0x269: {  	s13 =	smul.f32 s26, s16;
	s26 =	sld [smem:$0x785]  }
0x26a: {  	s4 =	sadd.f32 s4, s1  }
0x26b: {  	s5 =	smul.f32 s19, s21;
	s11 =	sadd.f32 s3, s11  }
0x26c: {  	s10 =	smul.f32 s18, s21;
	s4 =	sadd.f32 s4, s8  }
0x26d: {  	s31 =	smul.f32 s28, s26;
	s13 =	sadd.f32 s11, s13  }
0x26e: {  	s0 =	smov.u32 s18;
	s3 =	smul.f32 s18, s26;
	s18 =	sld [smem:$0x787]  }
0x26f: {  	s1 =	smul.f32 s19, s26;
	s21 =	sadd.f32 s4, s9  }
0x270: {  	[smem:$0x79B] =	sst s31  }
0x271: {  	s8 =	smul.f32 s17, s26;
	[smem:$0x7A0] =	sst s1  }
0x272: {  	[smem:$0x7A5] =	sst s3  }
0x273: {  	[smem:$0x7AB] =	sst s8  }
0x274: {  	s1 =	smov.u32 s17;
	s17 =	sld [smem:$0x786]  }
0x275: {  	s3 =	sld [smem:$0x789]  }
0x276: {  	[smem:$0x7F5] =	sst s21  }
0x277: {  	s30 =	smov.u32 s28;
	s21 =	sld [smem:$0x78A]  }
0x278: {  	s28 =	smov.u32 s19;
	s19 =	smul.f32 s24, s17;
	s6 =	sadd.f32 $0.0e+00, s3  }
0x279: {  	s3 =	sld [smem:$0x78C]  }
0x27a: {  	s31 =	sadd.f32 s13, s19  }
0x27b: {  	s8 =	smul.f32 s30, s21;
	s19 =	sld [smem:$0x788]  }
0x27c: {  	s9 =	smul.f32 s28, s21;
	s13 =	sld [smem:$0x78E]  }
0x27d: {  	s26 =	smul.f32 s22, s18;
	[smem:$0x7AF] =	sst s8  }
0x27e: {  	[smem:$0x7B5] =	sst s9  }
0x27f: {  	s8 =	smul.f32 s1, s21;
	s4 =	sadd.f32 s31, s26  }
0x280: {  	s31 =	smul.f32 s0, s21;
	s21 =	sld [smem:$0x78D]  }
0x281: {  	s11 =	smul.f32 s20, s19;
	s20 =	sld [smem:$0x78B]  }
0x282: {  	[smem:$0x7BD] =	sst s8  }
0x283: {  	s8 =	sld [smem:$0x78F];
	s9 =	smul.f32 s28, s13  }
0x284: {  	s0 =	smul.f32 s0, s13;
	[smem:$0x7BA] =	sst s31  }
0x285: {  	s31 =	smul.f32 s30, s13;
	s30 =	sld [smem:$0x790]  }
0x286: {  	[smem:$0x7D0] =	sst s9  }
0x287: {  	[smem:$0x7DE] =	sst s0  }
0x288: {  	s9 =	smul.f32 s29, s17;
	s29 =	sld [smem:$0x794]  }
0x289: {  	s26 =	sadd.f32 s6, s20  }
0x28a: {  	s6 =	sadd.f32 s4, s11  }
0x28b: {  	s13 =	smul.f32 s1, s13;
	[smem:$0x7C5] =	sst s31  }
0x28c: {  	s31 =	sld [smem:$0x791]  }
0x28d: {  	[smem:$0x7E9] =	sst s13  }
0x28e: {  	[smem:$0x7E0] =	sst s6  }
0x28f: {  	s11 =	sadd.f32 s26, s5  }
0x290: {  	s20 =	smul.f32 s3, s15;
	s26 =	sadd.f32 $0.0e+00, s21  }
0x291: {  	s6 =	sld [smem:$0x7A2]  }
0x292: {  	s4 =	sadd.f32 s11, s20  }
0x293: {  	s11 =	sadd.f32 s26, s8  }
0x294: {  	s20 =	sld [smem:$0x7A4]  }
0x295: {  	s26 =	sld [smem:$0x7B7];
	s5 =	smul.f32 s6, s16  }
0x296: {  	s10 =	sadd.f32 s11, s10  }
0x297: {  	s21 =	smul.f32 s30, s15;
	s4 =	sadd.f32 s4, s5  }
0x298: {  	s5 =	smul.f32 s20, s17;
	s20 =	sld [smem:$0x792]  }
0x299: {  	s10 =	sadd.f32 s10, s21  }
0x29a: {  	s6 =	smul.f32 s31, s16;
	s21 =	sld [smem:$0x793]  }
0x29b: {  	s28 =	smul.f32 s26, s18;
	s4 =	sadd.f32 s4, s5  }
0x29c: {  	s10 =	sadd.f32 s10, s6  }
0x29d: {  	s4 =	sadd.f32 s4, s28  }
0x29e: {  	s8 =	smul.f32 s23, s19;
	s23 =	sadd.f32 $0.0e+00, s21  }
0x29f: {  	s28 =	smul.f32 s25, s19;
	s25 =	sld [smem:$0x797]  }
0x2a0: {  	s21 =	rddreg [dreg:$0x18]  }
0x2a1: {  	s10 =	sadd.f32 s10, s9  }
0x2a2: {  	s4 =	sadd.f32 s4, s8  }
0x2a3: {  	s11 =	smul.f32 s20, s18;
	s8 =	sld [smem:$0x796]  }
0x2a4: {  	[smem:$0x7E2] =	sst s4  }
0x2a5: {  	s4 =	sadd.f32 s10, s11  }
0x2a6: {  	s10 =	sadd.f32 s23, s29  }
0x2a7: {  	s29 =	sld [smem:$0x795]  }
0x2a8: {  	s23 =	sld [smem:$0x79A]  }
0x2a9: {  	s6 =	smul.f32 s8, s16;
	s16 =	sld [smem:$0x798]  }
0x2aa: {  	s5 =	sadd.f32 s4, s28  }
0x2ab: {  	s7 =	sadd.f32 s10, s7  }
0x2ac: {  	s1 =	smul.f32 s29, s15;
	s15 =	sld [smem:$0x7B0]  }
0x2ad: {  	[smem:$0x7E8] =	sst s5  }
0x2ae: {  	s9 =	smul.f32 s25, s17;
	s17 =	sadd.f32 $0.0e+00, s16  }
0x2af: {  	s5 =	sadd.f32 s7, s1  }
0x2b0: {  	s7 =	sld [smem:$0x79D]  }
0x2b1: {  	s10 =	smul.f32 s15, s18;
	s18 =	sld [smem:$0x7B1]  }
0x2b2: {  	s4 =	sadd.f32 s5, s6  }
0x2b3: {  	s6 =	sld [smem:$0x79B]  }
0x2b4: {  	s11 =	smul.f32 s18, s19;
	s19 =	sld [smem:$0x799]  }
0x2b5: {  	s4 =	sadd.f32 s4, s9;
	s9 =	smul.f32 s29, s21  }
0x2b6: {  	s18 =	rddreg [dreg:$0x14]  }
0x2b7: {  	[smem:$0x7AD] =	sst s9  }
0x2b8: {  	s4 =	sadd.f32 s4, s10  }
0x2b9: {  	s9 =	rddreg [dreg:$0x13]  }
0x2ba: {  	s13 =	sadd.f32 s17, s19  }
0x2bb: {  	s17 =	smul.f32 s22, s18;
	s22 =	sld [smem:$0x79E]  }
0x2bc: {  	s19 =	sadd.f32 s4, s11  }
0x2bd: {  	s4 =	rddreg [dreg:$0x19]  }
0x2be: {  	s28 =	smul.f32 s23, s21;
	s0 =	sadd.f32 s13, s6  }
0x2bf: {  	s5 =	smul.f32 s3, s21;
	s6 =	sld [smem:$0x79C]  }
0x2c0: {  	s13 =	smul.f32 s30, s21;
	s21 =	rddreg [dreg:$0x16]  }
0x2c1: {  	[smem:$0x7F8] =	sst s19  }
0x2c2: {  	s0 =	sadd.f32 s0, s28;
	s15 =	smul.f32 s6, s21  }
0x2c3: {  	s19 =	rddreg [dreg:$0x15];
	s28 =	smul.f32 s3, s4  }
0x2c4: {  	s16 =	smul.f32 s24, s9;
	s0 =	sadd.f32 s0, s15  }
0x2c5: {  	[smem:$0x7B8] =	sst s28  }
0x2c6: {  	s0 =	sadd.f32 s0, s16  }
0x2c7: {  	s16 =	sadd.f32 $0.0e+00, s22  }
0x2c8: {  	s22 =	sld [smem:$0x79F]  }
0x2c9: {  	s15 =	sld [smem:$0x7A3]  }
0x2ca: {  	s0 =	sadd.f32 s0, s17  }
0x2cb: {  	s10 =	smul.f32 s23, s4;
	s28 =	sadd.f32 s16, s22  }
0x2cc: {  	s17 =	smul.f32 s30, s4;
	s16 =	rddreg [dreg:$0x1a]  }
0x2cd: {  	s11 =	smul.f32 s7, s19;
	s22 =	sld [smem:$0x7A0]  }
0x2ce: {  	s4 =	smul.f32 s29, s4;
	[smem:$0x7BB] =	sst s17  }
0x2cf: {  	s0 =	sadd.f32 s0, s11  }
0x2d0: {  	[smem:$0x7C0] =	sst s4;
	s17 =	smul.f32 s23, s16  }
0x2d1: {  	[smem:$0x7E3] =	sst s0  }
0x2d2: {  	s23 =	smul.f32 s3, s16;
	[smem:$0x7C8] =	sst s17  }
0x2d3: {  	s0 =	sadd.f32 s28, s22  }
0x2d4: {  	s30 =	smul.f32 s30, s16;
	[smem:$0x7D3] =	sst s23  }
0x2d5: {  	s16 =	smul.f32 s29, s16;
	s28 =	sld [smem:$0x7A1]  }
0x2d6: {  	[smem:$0x7E1] =	sst s30  }
0x2d7: {  	[smem:$0x7ED] =	sst s16  }
0x2d8: {  	s22 =	sld [smem:$0x7A5]  }
0x2d9: {  	s1 =	sadd.f32 $0.0e+00, s28  }
0x2da: {  	s28 =	sld [smem:$0x7A2]  }
0x2db: {  	s16 =	sld [smem:$0x7A7]  }
0x2dc: {  	s1 =	sadd.f32 s1, s15  }
0x2dd: {  	s0 =	sadd.f32 s0, s5;
	s11 =	smul.f32 s28, s21  }
0x2de: {  	s1 =	sadd.f32 s1, s22  }
0x2df: {  	s0 =	sadd.f32 s0, s11  }
0x2e0: {  	s23 =	smul.f32 s26, s18;
	s11 =	sld [smem:$0x7A4]  }
0x2e1: {  	s26 =	smul.f32 s31, s21;
	s1 =	sadd.f32 s1, s13  }
0x2e2: {  	s22 =	sld [smem:$0x7A6]  }
0x2e3: {  	s17 =	smul.f32 s11, s9;
	s1 =	sadd.f32 s1, s26  }
0x2e4: {  	s30 =	smul.f32 s16, s9;
	s26 =	sld [smem:$0x7A9]  }
0x2e5: {  	s0 =	sadd.f32 s0, s17  }
0x2e6: {  	s1 =	sadd.f32 s1, s30  }
0x2e7: {  	s17 =	sld [smem:$0x7A8]  }
0x2e8: {  	s30 =	sld [smem:$0x7AA]  }
0x2e9: {  	s29 =	smul.f32 s22, s19;
	s0 =	sadd.f32 s0, s23  }
0x2ea: {  	s5 =	sadd.f32 $0.0e+00, s26  }
0x2eb: {  	s15 =	smul.f32 s8, s21;
	s0 =	sadd.f32 s0, s29  }
0x2ec: {  	s13 =	smul.f32 s20, s18;
	s29 =	rddreg [dreg:$0x11]  }
0x2ed: {  	s21 =	smul.f32 s17, s19;
	[smem:$0x7EA] =	sst s0  }
0x2ee: {  	s4 =	smov.u32 s18;
	s18 =	smul.f32 s6, s29;
	s0 =	sadd.f32 s1, s13  }
0x2ef: {  	s26 =	smul.f32 s28, s29;
	s1 =	sadd.f32 s5, s30  }
0x2f0: {  	s23 =	smul.f32 s31, s29;
	s5 =	sld [smem:$0x7AB]  }
0x2f1: {  	s13 =	smul.f32 s8, s29;
	s29 =	sld [smem:$0x7AD]  }
0x2f2: {  	s0 =	sadd.f32 s0, s21  }
0x2f3: {  	s21 =	sld [smem:$0x7AC]  }
0x2f4: {  	[smem:$0x7EF] =	sst s0  }
0x2f5: {  	s0 =	sadd.f32 s1, s5  }
0x2f6: {  	s5 =	rddreg [dreg:$0x12]  }
0x2f7: {  	s1 =	sadd.f32 $0.0e+00, s21  }
0x2f8: {  	s30 =	smul.f32 s31, s5;
	s31 =	sld [smem:$0x7AE]  }
0x2f9: {  	s6 =	smul.f32 s6, s5;
	s0 =	sadd.f32 s0, s29  }
0x2fa: {  	s28 =	smul.f32 s28, s5;
	s29 =	rddreg [dreg:$0xf]  }
0x2fb: {  	[smem:$0x7CB] =	sst s6  }
0x2fc: {  	[smem:$0x7D6] =	sst s28  }
0x2fd: {  	[smem:$0x7E4] =	sst s30;
	s6 =	smul.f32 s8, s5  }
0x2fe: {  	s8 =	smul.f32 s25, s9;
	s9 =	sld [smem:$0x7AF]  }
0x2ff: {  	s5 =	smov.u32 s25;
	s25 =	sld [smem:$0x7B0]  }
0x300: {  	s1 =	sadd.f32 s1, s31  }
0x301: {  	s0 =	sadd.f32 s0, s15  }
0x302: {  	s31 =	sld [smem:$0x7B1]  }
0x303: {  	[smem:$0x7F0] =	sst s6  }
0x304: {  	s1 =	sadd.f32 s1, s9  }
0x305: {  	s0 =	sadd.f32 s0, s8  }
0x306: {  	s15 =	smul.f32 s25, s4;
	s4 =	rddreg [dreg:$0xe]  }
0x307: {  	s21 =	smul.f32 s31, s19;
	s19 =	rddreg [dreg:$0x10]  }
0x308: {  	s30 =	smul.f32 s24, s29;
	s1 =	sadd.f32 s1, s10  }
0x309: {  	s3 =	smul.f32 s5, s29;
	s0 =	sadd.f32 s0, s15  }
0x30a: {  	s28 =	smov.u32 s16;
	s8 =	smul.f32 s11, s29;
	s10 =	sld [smem:$0x7B3]  }
0x30b: {  	s15 =	smul.f32 s16, s29;
	s16 =	smov.u32 s5;
	s29 =	sld [smem:$0x7B4]  }
0x30c: {  	s5 =	smul.f32 s16, s19;
	s16 =	rddreg [dreg:$0xc]  }
0x30d: {  	s1 =	sadd.f32 s1, s18  }
0x30e: {  	s0 =	sadd.f32 s0, s21  }
0x30f: {  	s18 =	sadd.f32 $0.0e+00, s10  }
0x310: {  	[smem:$0x7F4] =	sst s5  }
0x311: {  	[smem:$0x7FC] =	sst s0  }
0x312: {  	s6 =	sadd.f32 s1, s30  }
0x313: {  	s30 =	sld [smem:$0x7B2]  }
0x314: {  	s10 =	smul.f32 s28, s19;
	s1 =	rddreg [dreg:$0xd]  }
0x315: {  	s5 =	smul.f32 s25, s16;
	s18 =	sadd.f32 s18, s29  }
0x316: {  	[smem:$0x7E7] =	sst s10;
	s29 =	smul.f32 s20, s4  }
0x317: {  	s10 =	sld [smem:$0x7B8];
	s20 =	smul.f32 s20, s16  }
0x318: {  	[smem:$0x7F9] =	sst s5;
	s9 =	smul.f32 s30, s4  }
0x319: {  	s21 =	smul.f32 s24, s19;
	[smem:$0x7EB] =	sst s20  }
0x31a: {  	s24 =	smul.f32 s7, s1;
	s0 =	sadd.f32 s6, s9  }
0x31b: {  	s9 =	smov.u32 s7;
	s7 =	smul.f32 s11, s19;
	s11 =	sld [smem:$0x7B5]  }
0x31c: {  	s6 =	sld [smem:$0x7C2]  }
0x31d: {  	[smem:$0x7D9] =	sst s7  }
0x31e: {  	s0 =	sadd.f32 s0, s24  }
0x31f: {  	s24 =	sld [smem:$0x7B7]  }
0x320: {  	[smem:$0x7E5] =	sst s0  }
0x321: {  	s0 =	sadd.f32 s18, s11  }
0x322: {  	s18 =	sld [smem:$0x7B6]  }
0x323: {  	s11 =	sld [smem:$0x7B9];
	s7 =	smul.f32 s24, s4  }
0x324: {  	s4 =	smul.f32 s25, s4;
	s25 =	sld [smem:$0x7BD]  }
0x325: {  	s0 =	sadd.f32 s0, s10  }
0x326: {  	s19 =	sadd.f32 $0.0e+00, s18  }
0x327: {  	s10 =	smul.f32 s31, s1;
	[smem:$0x7F3] =	sst s4  }
0x328: {  	s0 =	sadd.f32 s0, s26  }
0x329: {  	[smem:$0x7F6] =	sst s10  }
0x32a: {  	s10 =	sld [smem:$0x7C4]  }
0x32b: {  	s28 =	smul.f32 s22, s1;
	s18 =	sadd.f32 s19, s11  }
0x32c: {  	s4 =	smul.f32 s30, s16;
	s19 =	sld [smem:$0x7BA]  }
0x32d: {  	s11 =	smul.f32 s24, s16;
	s24 =	sld [smem:$0x7BB]  }
0x32e: {  	s30 =	smul.f32 s17, s1;
	s16 =	rddreg [dreg:$0xb]  }
0x32f: {  	s0 =	sadd.f32 s0, s8;
	s1 =	smul.f32 s9, s16  }
0x330: {  	s5 =	smul.f32 s31, s16;
	s31 =	sld [smem:$0x7C0]  }
0x331: {  	s8 =	smul.f32 s22, s16;
	s9 =	sld [smem:$0x7C3]  }
0x332: {  	s22 =	smul.f32 s17, s16;
	s17 =	sld [smem:$0x7C6]  }
0x333: {  	s18 =	sadd.f32 s18, s19  }
0x334: {  	s0 =	sadd.f32 s0, s7  }
0x335: {  	s19 =	rddreg [dreg:$0x1c]  }
0x336: {  	[smem:$0x7EE] =	sst s22  }
0x337: {  	[smem:$0x7FD] =	sst s5  }
0x338: {  	s5 =	sld [smem:$0x7C1]  }
0x339: {  	s20 =	sadd.f32 $0.0e+00, s19  }
0x33a: {  	s19 =	sld [smem:$0x7C7]  }
0x33b: {  	s26 =	sadd.f32 s18, s24  }
0x33c: {  	s0 =	sadd.f32 s0, s28  }
0x33d: {  	s24 =	rddreg [dreg:$0x1f]  }
0x33e: {  	s28 =	sld [smem:$0x7BF]  }
0x33f: {  	s18 =	smul.f32 $4.999999890e-03, s10;
	s10 =	sld [smem:$0x7D1]  }
0x340: {  	s7 =	sadd.f32 s26, s23  }
0x341: {  	[smem:$0x7EC] =	sst s0  }
0x342: {  	s23 =	sld [smem:$0x7BC]  }
0x343: {  	s26 =	sld [smem:$0x7BE]  }
0x344: {  	v53 =	vmov s18;
	s18 =	sld [smem:$0x7F5]  }
0x345: {  	s15 =	sadd.f32 s7, s15  }
0x346: {  	s7 =	sadd.f32 s20, s23  }
0x347: {  	s20 =	sld [smem:$0x7C8]  }
0x348: {  	s23 =	sld [smem:$0x7C9]  }
0x349: {  	s0 =	sadd.f32 s15, s29  }
0x34a: {  	s29 =	rddreg [dreg:$0x1d]  }
0x34b: {  	s15 =	smul.f32 $4.999999890e-03, s24;
	s24 =	sld [smem:$0x7CA]  }
0x34c: {  	s22 =	smul.f32 $4.999999890e-03, s26;
	s7 =	sadd.f32 s7, s25  }
0x34d: {  	s25 =	rddreg [dreg:$0x1e]  }
0x34e: {  	v45 =	vmov s22;
	s22 =	sld [smem:$0x7EC]  }
0x34f: {  	s0 =	sadd.f32 s0, s30  }
0x350: {  	s30 =	sadd.f32 $0.0e+00, s29  }
0x351: {  	s29 =	sld [smem:$0x7CB]  }
0x352: {  	s7 =	sadd.f32 s7, s31  }
0x353: {  	[smem:$0x7F2] =	sst s0  }
0x354: {  	s26 =	sadd.f32 s30, s6  }
0x355: {  	s30 =	sld [smem:$0x7CC]  }
0x356: {  	s0 =	smul.f32 $4.999999890e-03, s28;
	s6 =	sld [smem:$0x7CF]  }
0x357: {  	s28 =	smul.f32 $4.999999890e-03, s17;
	s17 =	sld [smem:$0x7D3]  }
0x358: {  	s7 =	sadd.f32 s7, s13  }
0x359: {  	s13 =	sld [smem:$0x7C5]  }
0x35a: {  	[smem:$0x7F1] =	sst s0  }
0x35b: {  	s0 =	smul.f32 $4.999999890e-03, s5;
	s5 =	sld [smem:$0x7CE]  }
0x35c: {  	v58 =	vmov s28;
	s28 =	rddreg [dreg:$0x4]  }
0x35d: {  	s31 =	sadd.f32 s7, s3  }
0x35e: {  	s3 =	sld [smem:$0x7CD]  }
0x35f: {  	s7 =	sld [smem:$0x7D0]  }
0x360: {  	v3 =	vld [tilespmem:$0xD2F0];
	[tilespmem:s2], [sflag:$0x1] =	stream.linear.gather [hbm4b:s28+s2], $0x6400, $0x38  }
0x361: {  	[smem:$0x7F7] =	sst s0  }
0x362: {  	s16 =	sadd.f32 s26, s13  }
0x363: {  	s0 =	smul.f32 $4.999999890e-03, s19;
	s26 =	sadd.f32 $0.0e+00, s25  }
0x364: {  	s25 =	sld [smem:$0x7D5]  }
0x365: {  	[smem:$0x7FA] =	sst s0  }
0x366: {  	s13 =	sadd.f32 s16, s20;
	s20 =	smul.f32 $4.999999890e-03, s23  }
0x367: {  	s16 =	smul.f32 $4.999999890e-03, s24;
	s0 =	sadd.f32 s26, s3  }
0x368: {  	s23 =	smul.f32 $4.999999890e-03, s30;
	s26 =	sld [smem:$0x7D6]  }
0x369: {  	s3 =	smul.f32 $4.999999890e-03, s5;
	s30 =	sld [smem:$0x7D7]  }
0x36a: {  	s24 =	smul.f32 $4.999999890e-03, s6;
	s6 =	rddreg [dreg:$0x1b]  }
0x36b: {  	s13 =	sadd.f32 s13, s29  }
0x36c: {  	[smem:$0x7FB] =	sst s3  }
0x36d: {  	s0 =	sadd.f32 s0, s7  }
0x36e: {  	s3 =	sld [smem:$0x7D8]  }
0x36f: {  	v37 =	vmov s20;
	s20 =	sld [smem:$0x7EB]  }
0x370: {  	v38 =	vmov s24;
	s24 =	sld [smem:$0x7ED]  }
0x371: {  	s5 =	smul.f32 $4.999999890e-03, s25;
	v46 =	vmov s16;
	s16 =	sld [smem:$0x7F3]  }
0x372: {  	v61 =	vmov s23;
	s23 =	sld [smem:$0x7FA]  }
0x373: {  	v39 =	vmov s5;
	s5 =	sld [smem:$0x7E8]  }
0x374: {  	s13 =	sadd.f32 s13, s21  }
0x375: {  	s0 =	sadd.f32 s0, s17  }
0x376: {  	s21 =	sld [smem:$0x7D4]  }
0x377: {  	s17 =	smul.f32 $4.999999890e-03, s3;
	s3 =	sld [smem:$0x7DC]  }
0x378: {  	s4 =	sadd.f32 s13, s4  }
0x379: {  	s13 =	sld [smem:$0x7D2]  }
0x37a: {  	s0 =	sadd.f32 s0, s26  }
0x37b: {  	s26 =	sld [smem:$0x7DA]  }
0x37c: {  	s29 =	smul.f32 $4.999999890e-03, s21;
	s21 =	sld [smem:$0x7D9]  }
0x37d: {  	s4 =	sadd.f32 s4, s1  }
0x37e: {  	s1 =	sld [smem:$0x7DB]  }
0x37f: {  	s19 =	smul.f32 $4.999999890e-03, s13;
	s13 =	sadd.f32 $0.0e+00, s6  }
0x380: {  	s6 =	sld [smem:$0x7DD]  }
0x381: {  	s25 =	sadd.f32 s0, s21  }
0x382: {  	s7 =	smul.f32 $4.999999890e-03, s30;
	s30 =	sadd.f32 s13, s1  }
0x383: {  	s13 =	sld [smem:$0x7DE]  }
0x384: {  	s11 =	sadd.f32 s25, s11  }
0x385: {  	s25 =	sld [smem:$0x7DF]  }
0x386: {  	s21 =	smul.f32 $4.999999890e-03, s6;
	s6 =	sld [smem:$0x7E1]  }
0x387: {  	s30 =	sadd.f32 s30, s13  }
0x388: {  	s13 =	smul.f32 $4.999999890e-03, s25;
	s25 =	sld [smem:$0x7E2]  }
0x389: {  	s1 =	sld [smem:$0x7E0]  }
0x38a: {  	s30 =	sadd.f32 s30, s6  }
0x38b: {  	s6 =	smul.f32 $4.999999890e-03, s25;
	s25 =	rddreg [dreg:$0x17]  }
0x38c: {  	s0 =	sadd.f32 $0.0e+00, s25  }
0x38d: {  	s25 =	sld [smem:$0x7E4]  }
0x38e: {  	s8 =	sadd.f32 s11, s8  }
0x38f: {  	s11 =	smul.f32 $4.999999890e-03, s1;
	s1 =	sld [smem:$0x7E3]  }
0x390: {  	s30 =	sadd.f32 s30, s25  }
0x391: {  	s25 =	sld [smem:$0x7E5]  }
0x392: {  	v41 =	vmov s11;
	s11 =	sld [smem:$0x7E9]  }
0x393: {  	v50 =	vmov s6;
	s6 =	sadd.f32 s31, s16  }
0x394: {  	v35 =	vmov s15;
	s15 =	smul.f32 $4.999999890e-03, s25;
	s25 =	sld [smem:$0x7E6]  }
0x395: {  	s31 =	rddreg [dreg:$0x5]  }
0x396: {  	v23 =	vbroadcast v3, $0x0;
	v43 =	vmov s15;
	s15 =	sld [smem:$0x7EA]  }
0x397: {  	v24 =	vbroadcast v3, $0x1;
	s0 =	sadd.f32 s0, s25  }
0x398: {  	v26 =	vbroadcast v3, $0x2;
	[tilespmem:$0x1FE20] =	vst v23;
	s1 =	smul.f32 $4.999999890e-03, s1;
	s25 =	sld [smem:$0x7E7]  }
0x399: {  	v27 =	vbroadcast v3, $0x3;
	[tilespmem:$0x1FE30] =	vst v24;
	s9 =	smul.f32 $4.999999890e-03, s9;
	s0 =	sadd.f32 s0, s11  }
0x39a: {  	v29 =	vbroadcast v3, $0x4;
	[tilespmem:$0x1FE50] =	vst v26;
	v42 =	vmov s1;
	s1 =	smul.f32 $4.999999890e-03, s15;
	s15 =	sld [smem:$0x7F2]  }
0x39b: {  	v30 =	vbroadcast v3, $0x8;
	[tilespmem:$0x1FE60] =	vst v27;
	v36 =	vmov s9;
	s3 =	smul.f32 $4.999999890e-03, s3;
	s9 =	sadd.f32 s30, s25  }
0x39c: {  	[tilespmem:$0x1FE80] =	vst v29;
	s26 =	smul.f32 $4.999999890e-03, s26;
	s30 =	sld [smem:$0x7EE]  }
0x39d: {  	[tilespmem:$0x1FE90] =	vst v30;
	v19 =	vmov s23;
	s4 =	smul.f32 $4.999999890e-03, s4;
	s0 =	sadd.f32 s0, s24  }
0x39e: {  	[tilespmem:$0x1FDE0] =	vst v19;
	v21 =	vmov s29;
	v40 =	vmov s3;
	s3 =	smul.f32 $4.999999890e-03, s5;
	s24 =	sld [smem:$0x7FB]  }
0x39f: {  	s5 =	smul.f32 $4.999999890e-03, s22;
	[tilespmem:$0x1FE00] =	vst v21;
	v22 =	vmov s26;
	v44 =	vmov s4;
	s4 =	sadd.f32 s9, s20  }
0x3a0: {  	v14 =	vmov s3;
	[tilespmem:$0x1FE10] =	vst v22;
	s25 =	smul.f32 $4.999999890e-03, s8;
	s9 =	sld [smem:$0x7EF]  }
0x3a1: {  	v52 =	vmov s5;
	[tilespmem:$0x1FD90] =	vst v14;
	v13 =	vmov s13;
	s5 =	smul.f32 $4.999999890e-03, s15;
	s20 =	sld [smem:$0x7F7]  }
0x3a2: {  	s10 =	smul.f32 $4.999999890e-03, s10;
	[tilespmem:$0x1FD80] =	vst v13;
	v54 =	vmov s25;
	s25 =	sld [smem:$0x7FC]  }
0x3a3: {  	[tilespmem:s12], [sflag:$0x2] =	stream.linear.gather [hbm4b:s31+s2], $0x6400, $0x38;
	v16 =	vmov s5;
	[tilespmem:$0xD300] =	vst v63  }
0x3a4: {  	v51 =	vmov s1;
	s4 =	sadd.f32 s4, s30;
	v20 =	vmov s24;
	s1 =	smul.f32 $4.999999890e-03, s9;
	[tilespmem:$0x1FDB0] =	vst v16  }
0x3a5: {  	v49 =	vmov s21;
	s21 =	sld [smem:$0x7F8];
	v18 =	vmov s20;
	[tilespmem:$0x1FDF0] =	vst v20;
	s5 =	smul.f32 $4.999999890e-03, s25  }
0x3a6: {  	v47 =	vmov s10;
	s10 =	sld [smem:$0x7F0];
	s4 =	smul.f32 $4.999999890e-03, s4;
	[tilespmem:$0x1FDD0] =	vst v18;
	v15 =	vmov s1  }
0x3a7: {  	v62 =	vmov s19;
	s19 =	sld [smem:$0x7F6];
	s1 =	smul.f32 $4.999999890e-03, s18;
	v31 =	vmov s5;
	[tilespmem:$0x1FDA0] =	vst v15  }
0x3a8: {  	v63 =	vmov s17;
	s17 =	sld [smem:$0x7F4];
	v17 =	vmov s4;
	s4 =	smul.f32 $4.999999890e-03, s21;
	[tilespmem:$0x1FEA0] =	vst v31  }
0x3a9: {  	s29 =	sld [smem:$0x7FD];
	[tilespmem:$0x1FDC0] =	vst v17;
	v25 =	vmov s1  }
0x3aa: {  	s3 =	sadd.f32 s6, s19;
	[tilespmem:$0x1FE40] =	vst v25;
	v28 =	vmov s4  }
0x3ab: {  	v32 =	vbroadcast v3, $0x5;
	s22 =	sld [smem:$0x7F9];
	s6 =	simm.s32 $0x1;
	[tilespmem:$0x1FE70] =	vst v28  }
0x3ac: {  	v33 =	vbroadcast v3, $0x9;
	s11 =	sld [smem:$0x7F1];
	s30 =	smul.f32 $4.999999890e-03, s3;
	_ =	swait.ge [sflag:s6], $0x6400  }
0x3ad: {  	[tilespmem:$0x1FEB0] =	vst v32  }
0x3ae: {  	v55 =	vbroadcast v3, $0x6;
	v34 =	vmov s30;
	[tilespmem:$0x1FEC0] =	vst v33  }
0x3af: {  	v57 =	vbroadcast v3, $0xA;
	[tilespmem:$0x1FED0] =	vst v34  }
0x3b0: {  	v60 =	vbroadcast v3, $0x7;
	[tilespmem:$0x1FEE0] =	vst v55  }
0x3b1: {  	v3 =	vbroadcast v3, $0xB;
	[tilespmem:$0x1FEF0] =	vst v57  }
0x3b2: {  	[tilespmem:$0x1FF10] =	vst v60  }
0x3b3: {  	[tilespmem:$0x1FF20] =	vst v3  }
0x3b4: {  	[tilespmem:$0x1FF30] =	vst v44  }
0x3b5: {  	[tilespmem:$0x1FF40] =	vst v43  }
0x3b6: {  	s0 =	sadd.f32 s0, s10;
	[tilespmem:$0x1FF50] =	vst v42  }
0x3b7: {  	[tilespmem:$0x1FF60] =	vst v49  }
0x3b8: {  	s0 =	sadd.f32 s0, s17;
	[tilespmem:$0x1FF70] =	vst v50  }
0x3b9: {  	[tilespmem:$0x1FF80] =	vst v51  }
0x3ba: {  	s0 =	sadd.f32 s0, s22;
	[tilespmem:$0x1FF90] =	vst v52  }
0x3bb: {  	v56 =	vmov s11;
	[tilespmem:$0x1FFA0] =	vst v54  }
0x3bc: {  	s0 =	sadd.f32 s0, s29;
	[tilespmem:$0x1FFB0] =	vst v56  }
0x3bd: {  	[tilespmem:$0x1FFC0] =	vst v58  }
0x3be: {  	s0 =	smul.f32 $4.999999890e-03, s0;
	[tilespmem:$0x1FFD0] =	vst v61  }
0x3bf: {  	[tilespmem:$0x1FFE0] =	vst v62  }
0x3c0: {  	v48 =	vmov s7;
	s7 =	simm.s32 $0x2;
	[sflag:s6] =	ssyncset.done $0x0;
	v59 =	vmov s0;
	[tilespmem:$0x1FFF0] =	vst v63  }
0x3c1: {  	s8 =	simm.s32 $0xC800;
	s18 =	simm.s32 $0x0;
	[sflag:s6] =	ssyncadd.s32 $0xFFFF9C00;
	[tilespmem:$0x1FF00] =	vst v59  }
.LBB2_2:
0x3c2: {  	[tilespmem:$0xD000] =	vst v0  }
0x3c3: {  	[tilespmem:$0xD010] =	vst v0  }
0x3c4: {  	[tilespmem:$0xD020] =	vst v0  }
0x3c5: {  	[tilespmem:$0xD030] =	vst v0  }
0x3c6: {  	[tilespmem:$0xD040] =	vst v0  }
0x3c7: {  	[tilespmem:$0xD050] =	vst v0  }
0x3c8: {  	[tilespmem:$0xD060] =	vst v0  }
0x3c9: {  	[tilespmem:$0xD070] =	vst v0  }
0x3ca: {  	[tilespmem:$0xD080] =	vst v0  }
0x3cb: {  	[tilespmem:$0xD090] =	vst v0  }
0x3cc: {  	[tilespmem:$0xD0A0] =	vst v0  }
0x3cd: {  	[tilespmem:$0xD0B0] =	vst v0  }
0x3ce: {  	[tilespmem:$0xD0C0] =	vst v0  }
0x3cf: {  	[tilespmem:$0xD0D0] =	vst v0  }
0x3d0: {  	[tilespmem:$0xD0E0] =	vst v0  }
0x3d1: {  	[tilespmem:$0xD0F0] =	vst v0  }
0x3d2: {  	[tilespmem:$0xD100] =	vst v0  }
0x3d3: {  	[tilespmem:$0xD110] =	vst v0  }
0x3d4: {  	[tilespmem:$0xD120] =	vst v0  }
0x3d5: {  	[tilespmem:$0xD130] =	vst v0  }
0x3d6: {  	[tilespmem:$0xD140] =	vst v0  }
0x3d7: {  	[tilespmem:$0xD150] =	vst v0  }
0x3d8: {  	[tilespmem:$0xD160] =	vst v0  }
0x3d9: {  	[tilespmem:$0xD170] =	vst v0  }
0x3da: {  	[tilespmem:$0xD180] =	vst v0  }
0x3db: {  	[tilespmem:$0xD190] =	vst v0  }
0x3dc: {  	[tilespmem:$0xD1A0] =	vst v0  }
0x3dd: {  	[tilespmem:$0xD1B0] =	vst v0  }
0x3de: {  	[tilespmem:$0xD1C0] =	vst v0  }
0x3df: {  	[tilespmem:$0xD1D0] =	vst v0;
	s0 =	sshll.u32 s18, $0x4  }
0x3e0: {  	[tilespmem:$0xD1E0] =	vst v0;
	v59 =	vor.u32 s0, v1  }
0x3e1: {  	[tilespmem:$0xD1F0] =	vst v0;
	v60 =	vmul.u32 $0xC8, v59  }
0x3e2: {  	[tilespmem:$0xD200] =	vst v0;
	s11 =	simm.s32 $0x4  }
0x3e3: {  	[tilespmem:$0xD210] =	vst v0;
	v3 =	vmov s11;
	v4 =	vadd.s32 s11, v60  }
0x3e4: {  	[tilespmem:$0xD220] =	vst v0;
	s4 =	simm.s32 $0x0;
	v3 =	vand.u32 $0x4, v3;
	v4 =	vand.u32 $0x7FFFFFF8, v4  }
0x3e5: {  	[tilespmem:$0xD230] =	vst v0;
	v7 =	vmov s4;
	v8 =	vadd.s32 s4, v60;
	v10 =	vor.u32 v3, v4  }
0x3e6: {  	s13 =	simm.s32 $0x8;
	s1 =	simm.s32 $0xC;
	[tilespmem:$0xD240] =	vst v0;
	v7 =	vand.u32 $0x4, v7;
	v8 =	vand.u32 $0x7FFFFFF8, v8  }
0x3e7: {  	s3 =	simm.s32 $0x10;
	[tilespmem:$0xD250] =	vst v0;
	v5 =	vadd.s32 s13, v60;
	v9 =	vadd.s32 s1, v60;
	v12 =	vor.u32 v7, v8  }
0x3e8: {  	[tilespmem:$0xD260] =	vst v0;
	v6 =	vadd.s32 s3, v60;
	v9 =	vand.u32 $0x7FFFFFF8, v9;
	v3 =	vmov s1  }
0x3e9: {  	[tilespmem:$0xD270] =	vst v0;
	v6 =	vand.u32 $0x7FFFFFF8, v6;
	v4 =	vmov s3;
	v3 =	vand.u32 $0x4, v3  }
0x3ea: {  	v4 =	vand.u32 $0x4, v4;
	v7 =	vor.u32 v3, v9;
	v3 =	vmov s13;
	v9 =	vld.idx.msk [tilespmem:v10+s2+$0x0], $0xffff  }
0x3eb: {  	v5 =	vand.u32 $0x7FFFFFF8, v5;
	v8 =	vor.u32 v4, v6;
	v3 =	vand.u32 $0x4, v3  }
0x3ec: {  	v5 =	vor.u32 v3, v5;
	v3 =	vld.idx.msk [tilespmem:v12+s2+$0x0], $0xffff;
	_ =	sdelay $0x2  }
0x3ed: {  	v6 =	vshll.u32 v9, $0x4  }
0x3ee: {  	v9 =	vld.idx.msk [tilespmem:v8+s2+$0x0], $0xffff;
	v6 =	vor.u32 v1, v6  }
0x3ef: {  	v11 =	vor.u32 $0x1, v10;
	v13 =	vld.idx.msk [tilespmem:v5+s2+$0x0], $0xffff;
	v3 =	vshll.u32 v3, $0x4  }
0x3f0: {  	v3 =	vor.u32 v1, v3  }
0x3f1: {  	v15 =	vor.u32 $0x1, v12  }
0x3f2: {  	s15 =	simm.s32 $0x18;
	v4 =	vld.idx.msk [tilespmem:v7+s2+$0x0], $0xffff  }
0x3f3: {  	v55 =	vor.u32 $0xA0, v1;
	s16 =	simm.s32 $0x20;
	v16 =	vmov s15;
	v9 =	vshll.u32 v9, $0x4;
	[tilespmem:v6+s14+$0x0] =	vst.idx.add.f32.msk $0xffff, v2  }
0x3f4: {  	v18 =	vmov s16;
	v6 =	vor.u32 v1, v9;
	v9 =	vld.idx.msk [tilespmem:v11+s2+$0x0], $0xffff;
	v11 =	vshll.u32 v13, $0x4  }
0x3f5: {  	s17 =	simm.s32 $0x24;
	v16 =	vand.u32 $0x4, v16;
	v21 =	vand.u32 $0x4, v18;
	[tilespmem:v3+s14+$0x0] =	vst.idx.add.f32.msk $0xffff, v2;
	v11 =	vor.u32 v1, v11  }
0x3f6: {  	v17 =	vadd.s32 s15, v60;
	v19 =	vadd.s32 s17, v60;
	v14 =	vor.u32 $0x1, v8;
	v15 =	vld.idx.msk [tilespmem:v15+s2+$0x0], $0xffff  }
0x3f7: {  	v20 =	vadd.s32 s16, v60;
	v4 =	vshll.u32 v4, $0x4;
	v13 =	vor.u32 $0x1, v5  }
0x3f8: {  	v17 =	vand.u32 $0x7FFFFFF8, v17;
	v4 =	vor.u32 v1, v4;
	v3 =	vmov s17  }
0x3f9: {  	v62 =	vor.u32 v16, v17;
	v3 =	vand.u32 $0x4, v3;
	[tilespmem:v6+s14+$0x0] =	vst.idx.add.f32.msk $0xffff, v2;
	v6 =	vand.u32 $0x7FFFFFF8, v19  }
0x3fa: {  	v19 =	vand.u32 $0x7FFFFFF8, v20;
	v20 =	vand.u32 $0x7, v1;
	v9 =	vshll.u32 v9, $0x4;
	[tilespmem:v11+s14+$0x0] =	vst.idx.add.f32.msk $0xffff, v2  }
0x3fb: {  	s19 =	simm.s32 $0x14;
	v18 =	vor.u32 v3, v6;
	v63 =	vor.u32 v21, v19;
	v15 =	vshll.u32 v15, $0x4;
	v11 =	vld.idx.msk [tilespmem:v14+s2+$0x0], $0xffff  }
0x3fc: {  	v3 =	vadd.s32 v55, v9;
	v9 =	vor.u32 $0x1, v7;
	v14 =	vadd.s32 s19, v60;
	v6 =	vld.idx.msk [tilespmem:v13+s2+$0x0], $0xffff  }
0x3fd: {  	[tilespmem:v4+s14+$0x0] =	vst.idx.add.f32.msk $0xffff, v2;
	v3 =	vand.u32 $0xFFFFFFF8, v3;
	v13 =	vmov s19;
	v4 =	vand.u32 $0x7FFFFFF8, v14  }
0x3fe: {  	v14 =	vadd.s32 v55, v15;
	v3 =	vor.u32 v20, v3;
	v13 =	vand.u32 $0x4, v13  }
0x3ff: {  	v61 =	vor.u32 v13, v4;
	v4 =	vand.u32 $0xFFFFFFF8, v14;
	v14 =	vld.idx.msk [tilespmem:v62+s2+$0x0], $0xffff  }
0x400: {  	v13 =	vld.idx.msk [tilespmem:v18+s2+$0x0], $0xffff;
	v4 =	vor.u32 v20, v4;
	v11 =	vshll.u32 v11, $0x4  }
0x401: {  	v15 =	vor.u32 $0x2, v12;
	v16 =	vld.idx.msk [tilespmem:v63+s2+$0x0], $0xffff;
	v6 =	vshll.u32 v6, $0x4;
	v11 =	vadd.s32 v55, v11  }
0x402: {  	v17 =	vor.u32 $0x2, v10;
	v9 =	vld.idx.msk [tilespmem:v9+s2+$0x0], $0xffff;
	v6 =	vadd.s32 v55, v6;
	v11 =	vand.u32 $0xFFFFFFF8, v11  }
0x403: {  	s20 =	simm.s32 $0x1C;
	[tilespmem:v3+s14+$0x0] =	vst.idx.add.f32.msk $0xffff, v2;
	v6 =	vand.u32 $0xFFFFFFF8, v6;
	v11 =	vor.u32 v20, v11  }
0x404: {  	v19 =	vadd.s32 s20, v60;
	v21 =	vld.idx.msk [tilespmem:v61+s2+$0x0], $0xffff;
	v14 =	vshll.u32 v14, $0x4;
	v3 =	vor.u32 v20, v6  }
0x405: {  	v6 =	vand.u32 $0x7FFFFFF8, v19;
	v19 =	vmov s20;
	[tilespmem:v4+s14+$0x0] =	vst.idx.add.f32.msk $0xffff, v2;
	v14 =	vor.u32 v1, v14  }
0x406: {  	v13 =	vshll.u32 v13, $0x4;
	v4 =	vor.u32 $0x2, v8;
	v19 =	vand.u32 $0x4, v19;
	v15 =	vld.idx.msk [tilespmem:v15+s2+$0x0], $0xffff  }
0x407: {  	v13 =	vor.u32 v1, v13;
	v19 =	vor.u32 v19, v6;
	v6 =	vshll.u32 v16, $0x4;
	v16 =	vld.idx.msk [tilespmem:v17+s2+$0x0], $0xffff  }
0x408: {  	s24 =	simm.s32 $0x38;
	v22 =	vor.u32 $0x2, v5;
	[tilespmem:v11+s14+$0x0] =	vst.idx.add.f32.msk $0xffff, v2  }
0x409: {  	v57 =	vor.u32 $0x140, v1;
	s29 =	simm.s32 $0x48;
	v27 =	vmov s24;
	v9 =	vshll.u32 v9, $0x4;
	[tilespmem:v3+s14+$0x0] =	vst.idx.add.f32.msk $0xffff, v2  }
0x40a: {  	s23 =	simm.s32 $0x34;
	v56 =	vmov s29;
	v9 =	vadd.s32 v55, v9;
	v6 =	vor.u32 v1, v6;
	[tilespmem:v14+s14+$0x0] =	vst.idx.add.f32.msk $0xffff, v2  }
0x40b: {  	v30 =	vadd.s32 s23, v60;
	v17 =	vor.u32 $0x1, v63;
	v9 =	vand.u32 $0xFFFFFFF8, v9;
	v4 =	vld.idx.msk [tilespmem:v4+s2+$0x0], $0xffff  }
0x40c: {  	v9 =	vor.u32 v20, v9;
	v11 =	vor.u32 $0x1, v61;
	v3 =	vor.u32 $0x1, v18;
	[tilespmem:v13+s14+$0x0] =	vst.idx.add.f32.msk $0xffff, v2  }
0x40d: {  	v21 =	vshll.u32 v21, $0x4;
	v13 =	vor.u32 $0x1, v62;
	v14 =	vshll.u32 v15, $0x4;
	v22 =	vld.idx.msk [tilespmem:v22+s2+$0x0], $0xffff  }
0x40e: {  	s21 =	simm.s32 $0x2C;
	v15 =	vor.u32 v1, v21;
	v14 =	vadd.s32 v57, v14;
	v21 =	vshll.u32 v16, $0x4;
	v23 =	vld.idx.msk [tilespmem:v19+s2+$0x0], $0xffff  }
0x40f: {  	[tilespmem:v6+s14+$0x0] =	vst.idx.add.f32.msk $0xffff, v2;
	v16 =	vand.u32 $0xFFFFFFF8, v14;
	v6 =	vmov s21;
	v14 =	vadd.s32 s21, v60  }
0x410: {  	v21 =	vadd.s32 v57, v21;
	v6 =	vand.u32 $0x4, v6;
	v14 =	vand.u32 $0x7FFFFFF8, v14;
	v17 =	vld.idx.msk [tilespmem:v17+s2+$0x0], $0xffff  }
0x411: {  	v21 =	vand.u32 $0xFFFFFFF8, v21;
	v16 =	vor.u32 v20, v16;
	v26 =	vld.idx.msk [tilespmem:v3+s2+$0x0], $0xffff;
	v3 =	vmov s23  }
0x412: {  	[tilespmem:v9+s14+$0x0] =	vst.idx.add.f32.msk $0xffff, v2;
	v31 =	vshll.u32 v4, $0x4;
	v4 =	vand.u32 $0x7FFFFFF8, v30;
	v21 =	vor.u32 v20, v21  }
0x413: {  	[tilespmem:v15+s14+$0x0] =	vst.idx.add.f32.msk $0xffff, v2;
	v15 =	vor.u32 $0x2, v7;
	v3 =	vand.u32 $0x4, v3;
	v9 =	vadd.s32 v57, v31  }
0x414: {  	s28 =	simm.s32 $0x44;
	v13 =	vld.idx.msk [tilespmem:v13+s2+$0x0], $0xffff;
	v23 =	vshll.u32 v23, $0x4;
	v4 =	vor.u32 v3, v4;
	v3 =	vor.u32 v6, v14  }
0x415: {  	v50 =	vmovc v48;
	v48 =	vmovc v40;
	v40 =	vmov s28;
	v11 =	vld.idx.msk [tilespmem:v11+s2+$0x0], $0xffff;
	v9 =	vand.u32 $0xFFFFFFF8, v9;
	v23 =	vor.u32 v1, v23  }
0x416: {  	v27 =	vand.u32 $0x4, v27;
	v22 =	vshll.u32 v22, $0x4;
	v9 =	vor.u32 v20, v9;
	[tilespmem:v16+s14+$0x0] =	vst.idx.add.f32.msk $0xffff, v2  }
0x417: {  	v28 =	vadd.s32 s24, v60;
	v24 =	vor.u32 $0x1, v19;
	v22 =	vadd.s32 v57, v22;
	[tilespmem:v21+s14+$0x0] =	vst.idx.add.f32.msk $0xffff, v2  }
0x418: {  	v56 =	vand.u32 $0x4, v56;
	v28 =	vand.u32 $0x7FFFFFF8, v28;
	v22 =	vand.u32 $0xFFFFFFF8, v22;
	v14 =	vld.idx.msk [tilespmem:v15+s2+$0x0], $0xffff  }
0x419: {  	s25 =	simm.s32 $0x28;
	v8 =	vor.u32 $0x3, v8;
	v22 =	vor.u32 v20, v22;
	v6 =	vshll.u32 v13, $0x4;
	v30 =	vld.idx.msk [tilespmem:v3+s2+$0x0], $0xffff  }
0x41a: {  	v15 =	vadd.s32 v55, v6;
	v6 =	vor.u32 v27, v28;
	v27 =	vmov s25;
	[tilespmem:v23+s14+$0x0] =	vst.idx.add.f32.msk $0xffff, v2  }
0x41b: {  	v28 =	vadd.s32 s25, v60;
	v11 =	vshll.u32 v11, $0x4;
	v15 =	vand.u32 $0xFFFFFFF8, v15;
	[tilespmem:v9+s14+$0x0] =	vst.idx.add.f32.msk $0xffff, v2  }
0x41c: {  	v28 =	vand.u32 $0x7FFFFFF8, v28;
	v11 =	vadd.s32 v55, v11;
	v15 =	vor.u32 v20, v15;
	v23 =	vld.idx.msk [tilespmem:v24+s2+$0x0], $0xffff  }
0x41d: {  	s22 =	simm.s32 $0x30;
	v27 =	vand.u32 $0x4, v27;
	v9 =	vor.u32 $0x3, v5;
	v24 =	vld.idx.msk [tilespmem:v4+s2+$0x0], $0xffff;
	v11 =	vand.u32 $0xFFFFFFF8, v11  }
0x41e: {  	v25 =	vadd.s32 s22, v60;
	v5 =	vor.u32 v27, v28;
	v28 =	vld.idx.msk [tilespmem:v8+s2+$0x0], $0xffff;
	v11 =	vor.u32 v20, v11  }
0x41f: {  	v25 =	vand.u32 $0x7FFFFFF8, v25;
	v26 =	vshll.u32 v26, $0x4;
	[tilespmem:v22+s14+$0x0] =	vst.idx.add.f32.msk $0xffff, v2;
	v30 =	vshll.u32 v30, $0x4  }
0x420: {  	v13 =	vmov s22;
	v26 =	vadd.s32 v55, v26;
	v27 =	vld.idx.msk [tilespmem:v6+s2+$0x0], $0xffff;
	v30 =	vor.u32 v1, v30  }
0x421: {  	v13 =	vand.u32 $0x4, v13;
	v8 =	vshll.u32 v23, $0x4;
	[tilespmem:v15+s14+$0x0] =	vst.idx.add.f32.msk $0xffff, v2;
	v15 =	vor.u32 $0x2, v61  }
0x422: {  	v9 =	vld.idx.msk [tilespmem:v9+s2+$0x0], $0xffff;
	v23 =	vand.u32 $0xFFFFFFF8, v26;
	v26 =	vor.u32 $0x2, v62;
	v8 =	vadd.s32 v55, v8  }
0x423: {  	v22 =	vor.u32 v20, v23;
	[tilespmem:v11+s14+$0x0] =	vst.idx.add.f32.msk $0xffff, v2;
	v11 =	vshll.u32 v24, $0x4;
	v8 =	vand.u32 $0xFFFFFFF8, v8  }
0x424: {  	s30 =	simm.s32 $0x4C;
	v11 =	vor.u32 v1, v11;
	v23 =	vor.u32 v20, v8;
	v8 =	vor.u32 v13, v25;
	v25 =	vld.idx.msk [tilespmem:v5+s2+$0x0], $0xffff  }
0x425: {  	v34 =	vadd.s32 s28, v60;
	v58 =	vadd.s32 s30, v60;
	v17 =	vshll.u32 v17, $0x4;
	[tilespmem:v30+s14+$0x0] =	vst.idx.add.f32.msk $0xffff, v2  }
0x426: {  	v13 =	vadd.s32 v55, v17;
	v17 =	vshll.u32 v27, $0x4;
	v27 =	vor.u32 $0x1, v4;
	v15 =	vld.idx.msk [tilespmem:v15+s2+$0x0], $0xffff  }
0x427: {  	v51 =	vmovc v47;
	v47 =	vmovc v39;
	v34 =	vand.u32 $0x7FFFFFF8, v34;
	v39 =	vand.u32 $0x7FFFFFF8, v58;
	v31 =	vor.u32 v1, v17;
	v26 =	vld.idx.msk [tilespmem:v26+s2+$0x0], $0xffff  }
0x428: {  	v42 =	vor.u32 $0x3, v7;
	v29 =	vor.u32 $0x2, v18;
	v32 =	vor.u32 $0x2, v19;
	[tilespmem:v22+s14+$0x0] =	vst.idx.add.f32.msk $0xffff, v2  }
0x429: {  	v14 =	vshll.u32 v14, $0x4;
	v24 =	vor.u32 $0x1, v6;
	v13 =	vand.u32 $0xFFFFFFF8, v13;
	[tilespmem:v11+s14+$0x0] =	vst.idx.add.f32.msk $0xffff, v2  }
0x42a: {  	v17 =	vor.u32 $0x1E0, v1;
	v9 =	vshll.u32 v9, $0x4;
	v33 =	vor.u32 v20, v13;
	[tilespmem:v23+s14+$0x0] =	vst.idx.add.f32.msk $0xffff, v2  }
0x42b: {  	v13 =	vadd.s32 v57, v14;
	v14 =	vshll.u32 v28, $0x4;
	v28 =	vor.u32 $0x1, v3;
	v27 =	vld.idx.msk [tilespmem:v27+s2+$0x0], $0xffff  }
0x42c: {  	v49 =	vmovc v41;
	v41 =	vor.u32 $0x2, v63;
	v9 =	vadd.s32 v17, v9;
	v13 =	vand.u32 $0xFFFFFFF8, v13;
	[tilespmem:v31+s14+$0x0] =	vst.idx.add.f32.msk $0xffff, v2  }
0x42d: {  	v14 =	vadd.s32 v17, v14;
	v22 =	vor.u32 v20, v13;
	v13 =	vshll.u32 v25, $0x4;
	v32 =	vld.idx.msk [tilespmem:v32+s2+$0x0], $0xffff  }
0x42e: {  	v23 =	vor.u32 $0x1, v5;
	v25 =	vor.u32 v1, v13;
	v13 =	vshll.u32 v26, $0x4;
	v26 =	vld.idx.msk [tilespmem:v29+s2+$0x0], $0xffff  }
0x42f: {  	s26 =	simm.s32 $0x40;
	v31 =	vand.u32 $0xFFFFFFF8, v14;
	v11 =	vshll.u32 v15, $0x4;
	v15 =	vand.u32 $0xFFFFFFF8, v9;
	v24 =	vld.idx.msk [tilespmem:v24+s2+$0x0], $0xffff  }
0x430: {  	v9 =	vmov s26;
	v29 =	vadd.s32 s26, v60;
	v28 =	vld.idx.msk [tilespmem:v28+s2+$0x0], $0xffff;
	v11 =	vadd.s32 v57, v11  }
0x431: {  	v7 =	vand.u32 $0x4, v9;
	v9 =	vadd.s32 s29, v60;
	v14 =	vand.u32 $0xFFFFFFF8, v11;
	v11 =	vld.idx.msk [tilespmem:v8+s2+$0x0], $0xffff  }
0x432: {  	v18 =	vor.u32 $0x3, v18;
	[tilespmem:v33+s14+$0x0] =	vst.idx.add.f32.msk $0xffff, v2;
	v29 =	vand.u32 $0x7FFFFFF8, v29;
	v9 =	vand.u32 $0x7FFFFFF8, v9  }
0x433: {  	v7 =	vor.u32 v7, v29;
	[tilespmem:v22+s14+$0x0] =	vst.idx.add.f32.msk $0xffff, v2;
	v9 =	vor.u32 v56, v9;
	v22 =	vshll.u32 v32, $0x4  }
0x434: {  	[tilespmem:v25+s14+$0x0] =	vst.idx.add.f32.msk $0xffff, v2;
	v25 =	vor.u32 v20, v31;
	v31 =	vmov s30;
	v22 =	vadd.s32 v57, v22  }
0x435: {  	v43 =	vmovc v35;
	v35 =	vld.idx.msk [tilespmem:v41+s2+$0x0], $0xffff;
	v31 =	vand.u32 $0x4, v31;
	v26 =	vshll.u32 v26, $0x4;
	v22 =	vand.u32 $0xFFFFFFF8, v22  }
0x436: {  	v23 =	vld.idx.msk [tilespmem:v23+s2+$0x0], $0xffff;
	v26 =	vadd.s32 v57, v26;
	v11 =	vshll.u32 v11, $0x4;
	v22 =	vor.u32 v20, v22  }
0x437: {  	v54 =	vmovc v53;
	v26 =	vand.u32 $0xFFFFFFF8, v26;
	v29 =	vor.u32 v1, v11;
	v11 =	vor.u32 v31, v39;
	v31 =	vld.idx.msk [tilespmem:v42+s2+$0x0], $0xffff  }
0x438: {  	v53 =	vmovc v45;
	v45 =	vmovc v37;
	v37 =	vor.u32 $0x2, v6;
	v24 =	vshll.u32 v24, $0x4;
	v26 =	vor.u32 v20, v26;
	v42 =	vld.idx.msk [tilespmem:v7+s2+$0x0], $0xffff  }
0x439: {  	v30 =	vor.u32 $0x1, v8;
	v28 =	vshll.u32 v28, $0x4;
	v24 =	vadd.s32 v55, v24;
	[tilespmem:v25+s14+$0x0] =	vst.idx.add.f32.msk $0xffff, v2  }
0x43a: {  	v13 =	vadd.s32 v57, v13;
	v24 =	vand.u32 $0xFFFFFFF8, v24;
	v25 =	vadd.s32 v55, v28;
	v28 =	vld.idx.msk [tilespmem:v9+s2+$0x0], $0xffff  }
0x43b: {  	s31 =	simm.s32 $0x3C;
	v32 =	vor.u32 v20, v24;
	v25 =	vand.u32 $0xFFFFFFF8, v25;
	v23 =	vshll.u32 v23, $0x4;
	[tilespmem:v22+s14+$0x0] =	vst.idx.add.f32.msk $0xffff, v2  }
0x43c: {  	v41 =	vadd.s32 s31, v60;
	v24 =	vor.u32 v20, v25;
	v23 =	vadd.s32 v55, v23;
	[tilespmem:v29+s14+$0x0] =	vst.idx.add.f32.msk $0xffff, v2  }
0x43d: {  	v27 =	vshll.u32 v27, $0x4;
	v23 =	vand.u32 $0xFFFFFFF8, v23;
	[tilespmem:v26+s14+$0x0] =	vst.idx.add.f32.msk $0xffff, v2;
	v26 =	vor.u32 $0x3, v10  }
0x43e: {  	v21 =	vadd.s32 v55, v27;
	v39 =	vor.u32 v20, v23;
	v29 =	vld.idx.msk [tilespmem:v30+s2+$0x0], $0xffff;
	v30 =	vmov s31  }
0x43f: {  	v52 =	vmovc v46;
	v46 =	vmovc v38;
	v27 =	vor.u32 $0x2, v5;
	v10 =	vand.u32 $0x7FFFFFF8, v41;
	v38 =	vld.idx.msk [tilespmem:v11+s2+$0x0], $0xffff;
	v30 =	vand.u32 $0x4, v30  }
0x440: {  	v35 =	vshll.u32 v35, $0x4;
	v18 =	vld.idx.msk [tilespmem:v18+s2+$0x0], $0xffff;
	v10 =	vor.u32 v30, v10;
	v30 =	vor.u32 $0x3, v19  }
0x441: {  	v35 =	vadd.s32 v57, v35;
	[tilespmem:v24+s14+$0x0] =	vst.idx.add.f32.msk $0xffff, v2;
	v19 =	vand.u32 $0x4, v40;
	v40 =	vor.u32 $0x3, v12  }
0x442: {  	v21 =	vand.u32 $0xFFFFFFF8, v21;
	v35 =	vand.u32 $0xFFFFFFF8, v35;
	v25 =	vor.u32 $0x2, v3;
	v26 =	vld.idx.msk [tilespmem:v26+s2+$0x0], $0xffff  }
0x443: {  	v22 =	vor.u32 v20, v21;
	v21 =	vshll.u32 v42, $0x4;
	v31 =	vshll.u32 v31, $0x4;
	[tilespmem:v39+s14+$0x0] =	vst.idx.add.f32.msk $0xffff, v2  }
0x444: {  	v44 =	vmovc v36;
	v28 =	vshll.u32 v28, $0x4;
	v31 =	vadd.s32 v17, v31;
	v23 =	vshll.u32 v29, $0x4;
	v36 =	vld.idx.msk [tilespmem:v27+s2+$0x0], $0xffff  }
0x445: {  	v21 =	vor.u32 v1, v21;
	v31 =	vand.u32 $0xFFFFFFF8, v31;
	v24 =	vadd.s32 v55, v23;
	v29 =	vld.idx.msk [tilespmem:v30+s2+$0x0], $0xffff  }
0x446: {  	v31 =	vor.u32 v20, v31;
	v12 =	vor.u32 v19, v34;
	v16 =	vand.u32 $0xFFFFFFF8, v24;
	v41 =	vld.idx.msk [tilespmem:v40+s2+$0x0], $0xffff  }
0x447: {  	v19 =	vor.u32 $0x1, v9;
	v39 =	vor.u32 v1, v28;
	v42 =	vld.idx.msk [tilespmem:v10+s2+$0x0], $0xffff;
	v16 =	vor.u32 v20, v16  }
0x448: {  	v28 =	vor.u32 v20, v35;
	v27 =	vor.u32 $0x1, v10;
	v30 =	vshll.u32 v38, $0x4;
	v40 =	vld.idx.msk [tilespmem:v25+s2+$0x0], $0xffff  }
0x449: {  	v18 =	vshll.u32 v18, $0x4;
	v30 =	vor.u32 v1, v30;
	v26 =	vshll.u32 v26, $0x4  }
0x44a: {  	[tilespmem:v32+s14+$0x0] =	vst.idx.add.f32.msk $0xffff, v2;
	v23 =	vor.u32 $0x1, v11;
	v18 =	vadd.s32 v17, v18;
	v26 =	vadd.s32 v17, v26  }
0x44b: {  	[tilespmem:v21+s14+$0x0] =	vst.idx.add.f32.msk $0xffff, v2;
	v24 =	vor.u32 $0x2, v8;
	v25 =	vor.u32 $0x1, v12;
	v26 =	vand.u32 $0xFFFFFFF8, v26  }
0x44c: {  	v41 =	vshll.u32 v41, $0x4;
	v42 =	vshll.u32 v42, $0x4;
	[tilespmem:v16+s14+$0x0] =	vst.idx.add.f32.msk $0xffff, v2;
	v16 =	vshll.u32 v29, $0x4  }
0x44d: {  	[tilespmem:v31+s14+$0x0] =	vst.idx.add.f32.msk $0xffff, v2;
	v21 =	vshll.u32 v40, $0x4;
	v33 =	vor.u32 v20, v26;
	v16 =	vadd.s32 v17, v16  }
0x44e: {  	v58 =	vmovc v17;
	v56 =	vmovc v20;
	v29 =	vor.u32 $0x1, v7;
	[tilespmem:v30+s14+$0x0] =	vst.idx.add.f32.msk $0xffff, v2;
	v30 =	vand.u32 $0xFFFFFFF8, v18;
	v18 =	vshll.u32 v36, $0x4  }
0x44f: {  	v31 =	vld.idx.msk [tilespmem:v37+s2+$0x0], $0xffff;
	v34 =	vadd.s32 v17, v41;
	v32 =	vor.u32 v1, v42;
	v18 =	vadd.s32 v57, v18  }
0x450: {  	s3 =	simm.s32 $0x50;
	[tilespmem:v39+s14+$0x0] =	vst.idx.add.f32.msk $0xffff, v2;
	v21 =	vadd.s32 v57, v21;
	v18 =	vand.u32 $0xFFFFFFF8, v18;
	v26 =	vand.u32 $0xFFFFFFF8, v16;
	v16 =	vmovc v20  }
.LBB2_3:
0x451: {  	s4 =	sadd.s32 $0x4, s3  }
0x452: {  	s5 =	sadd.s32 $0x8, s3;
	v35 =	vld.idx.msk [tilespmem:v12+s2+$0x0], $0xffff;
	v34 =	vand.u32 $0xFFFFFFF8, v34;
	v36 =	vor.u32 v16, v15;
	v15 =	vmov v26;
	s1 =	smov.u32 s3;
	s0 =	sadd.s32 $0x14, s3  }
0x453: {  	p0 =	slt.u32 s3, $0xB4;
	v26 =	vmov s4;
	v37 =	vadd.s32 s4, v60;
	s4 =	sadd.s32 $0xC, s1;
	v23 =	vld.idx.msk [tilespmem:v23+s2+$0x0], $0xffff;
	v34 =	vor.u32 v16, v34;
	v16 =	vmovc v56;
	v56 =	vmovc v20  }
0x454: {  	v38 =	vadd.s32 s5, v60;
	s3 =	sadd.s32 $0x10, s1;
	v39 =	vmov s4;
	[tilespmem:v32+s14+$0x0] =	vst.idx.add.f32.msk $0xffff, v2;
	v30 =	vor.u32 v16, v30  }
0x455: {  	v41 =	vor.u32 $0x3, v63;
	v63 =	vmovc v4;
	v4 =	vmovc v9;
	v32 =	vmov s3;
	v40 =	vadd.s32 s3, v60;
	[tilespmem:v33+s14+$0x0] =	vst.idx.add.f32.msk $0xffff, v2  }
0x456: {  	v9 =	vand.u32 $0x4, v26;
	v26 =	vor.u32 $0x2, v11;
	v33 =	vand.u32 $0x7FFFFFF8, v38;
	v24 =	vld.idx.msk [tilespmem:v24+s2+$0x0], $0xffff  }
0x457: {  	v37 =	vand.u32 $0x7FFFFFF8, v37;
	v32 =	vand.u32 $0x4, v32;
	v38 =	vor.u32 $0x2, v63;
	v29 =	vld.idx.msk [tilespmem:v29+s2+$0x0], $0xffff  }
0x458: {  	v42 =	vadd.s32 s4, v60;
	v40 =	vand.u32 $0x7FFFFFF8, v40;
	v31 =	vshll.u32 v31, $0x4;
	[tilespmem:v36+s14+$0x0] =	vst.idx.add.f32.msk $0xffff, v2  }
0x459: {  	v39 =	vand.u32 $0x4, v39;
	v35 =	vshll.u32 v35, $0x4;
	v36 =	vand.u32 $0x7FFFFFF8, v42;
	[tilespmem:v34+s14+$0x0] =	vst.idx.add.f32.msk $0xffff, v2  }
0x45a: {  	v35 =	vor.u32 v1, v35;
	v34 =	vor.u32 v9, v37;
	v9 =	vor.u32 v39, v36;
	v19 =	vld.idx.msk [tilespmem:v19+s2+$0x0], $0xffff  }
0x45b: {  	v36 =	vmov s5;
	[tilespmem:v22+s14+$0x0] =	vst.idx.add.f32.msk $0xffff, v2  }
0x45c: {  	v31 =	vadd.s32 v57, v31;
	v22 =	vor.u32 v32, v40;
	v24 =	vshll.u32 v24, $0x4;
	v27 =	vld.idx.msk [tilespmem:v27+s2+$0x0], $0xffff  }
0x45d: {  	v23 =	vshll.u32 v23, $0x4;
	v31 =	vand.u32 $0xFFFFFFF8, v31;
	v29 =	vshll.u32 v29, $0x4;
	v32 =	vld.idx.msk [tilespmem:v38+s2+$0x0], $0xffff  }
0x45e: {  	v23 =	vadd.s32 v55, v23;
	v31 =	vor.u32 v56, v31;
	v37 =	vor.u32 $0x3, v6;
	[tilespmem:v28+s14+$0x0] =	vst.idx.add.f32.msk $0xffff, v2  }
0x45f: {  	v6 =	vmovc v11;
	v23 =	vand.u32 $0xFFFFFFF8, v23;
	v11 =	vmov v22;
	v28 =	vadd.s32 v55, v29;
	v29 =	vld.idx.msk [tilespmem:v41+s2+$0x0], $0xffff  }
0x460: {  	v22 =	vand.u32 $0xFFFFFFF8, v28;
	v19 =	vshll.u32 v19, $0x4;
	v28 =	vor.u32 v20, v23;
	[tilespmem:v30+s14+$0x0] =	vst.idx.add.f32.msk $0xffff, v2  }
0x461: {  	v38 =	vand.u32 $0xFFFFFFF8, v13;
	v13 =	vmovc v21;
	v22 =	vor.u32 v20, v22;
	v30 =	vor.u32 $0x2, v7;
	v23 =	vld.idx.msk [tilespmem:v9+s2+$0x0], $0xffff  }
0x462: {  	v39 =	vadd.s32 s1, v60;
	v21 =	vmov s1;
	v27 =	vshll.u32 v27, $0x4;
	[tilespmem:v35+s14+$0x0] =	vst.idx.add.f32.msk $0xffff, v2  }
0x463: {  	v14 =	vor.u32 v16, v14;
	v36 =	vand.u32 $0x4, v36;
	v24 =	vadd.s32 v57, v24;
	v25 =	vld.idx.msk [tilespmem:v25+s2+$0x0], $0xffff  }
0x464: {  	v21 =	vand.u32 $0x4, v21;
	v35 =	vand.u32 $0x7FFFFFF8, v39;
	v27 =	vadd.s32 v55, v27  }
0x465: {  	v38 =	vor.u32 v16, v38;
	v21 =	vor.u32 v21, v35;
	v27 =	vand.u32 $0xFFFFFFF8, v27;
	v35 =	vld.idx.msk [tilespmem:v34+s2+$0x0], $0xffff  }
0x466: {  	v24 =	vand.u32 $0xFFFFFFF8, v24;
	v27 =	vor.u32 v20, v27;
	[tilespmem:v31+s14+$0x0] =	vst.idx.add.f32.msk $0xffff, v2;
	v31 =	vor.u32 $0x3, v62  }
0x467: {  	v33 =	vor.u32 v36, v33;
	v40 =	vor.u32 v56, v24;
	v62 =	vmovc v3;
	v3 =	vmov v7;
	v39 =	vld.idx.msk [tilespmem:v11+s2+$0x0], $0xffff  }
0x468: {  	v41 =	vor.u32 $0x3, v8;
	v36 =	vadd.s32 v55, v19;
	v37 =	vld.idx.msk [tilespmem:v37+s2+$0x0], $0xffff;
	v8 =	vshll.u32 v25, $0x4  }
0x469: {  	v42 =	vor.u32 $0x3, v61;
	v61 =	vmovc v5;
	v19 =	vor.u32 $0x1, v9;
	v7 =	vmov v34;
	[tilespmem:v22+s14+$0x0] =	vst.idx.add.f32.msk $0xffff, v2  }
0x46a: {  	v5 =	vmovc v10;
	v10 =	vmov v21;
	v34 =	vshll.u32 v23, $0x4;
	v23 =	vor.u32 $0x1, v11;
	[tilespmem:v38+s14+$0x0] =	vst.idx.add.f32.msk $0xffff, v2  }
0x46b: {  	v24 =	vor.u32 $0x2, v12;
	v22 =	vand.u32 $0xFFFFFFF8, v36;
	v21 =	vadd.s32 v55, v8;
	v25 =	vld.idx.msk [tilespmem:v31+s2+$0x0], $0xffff;
	v8 =	vmovc v12;
	v12 =	vmovc v33  }
0x46c: {  	v21 =	vand.u32 $0xFFFFFFF8, v21;
	[tilespmem:v14+s14+$0x0] =	vst.idx.add.f32.msk $0xffff, v2;
	v14 =	vmov v18  }
0x46d: {  	v22 =	vor.u32 v20, v22;
	v21 =	vor.u32 v20, v21;
	v18 =	vor.u32 $0x2, v5;
	[tilespmem:v40+s14+$0x0] =	vst.idx.add.f32.msk $0xffff, v2  }
0x46e: {  	v31 =	vshll.u32 v35, $0x4;
	v33 =	vld.idx.msk [tilespmem:v41+s2+$0x0], $0xffff  }
0x46f: {  	v31 =	vor.u32 v1, v31;
	v35 =	vshll.u32 v39, $0x4;
	v36 =	vld.idx.msk [tilespmem:v42+s2+$0x0], $0xffff  }
0x470: {  	v32 =	vshll.u32 v32, $0x4;
	v29 =	vshll.u32 v29, $0x4;
	v35 =	vor.u32 v1, v35;
	v38 =	vld.idx.msk [tilespmem:v10+s2+$0x0], $0xffff  }
0x471: {  	v29 =	vadd.s32 v58, v29;
	v25 =	vshll.u32 v25, $0x4;
	[tilespmem:v27+s14+$0x0] =	vst.idx.add.f32.msk $0xffff, v2;
	v27 =	vadd.s32 v57, v32  }
0x472: {  	v29 =	vand.u32 $0xFFFFFFF8, v29;
	v25 =	vadd.s32 v58, v25;
	v18 =	vld.idx.msk [tilespmem:v18+s2+$0x0], $0xffff;
	v32 =	vand.u32 $0xFFFFFFF8, v27  }
0x473: {  	v39 =	vor.u32 v1, v34;
	v41 =	vor.u32 v16, v29;
	v27 =	vor.u32 $0x1, v10;
	v40 =	vld.idx.msk [tilespmem:v30+s2+$0x0], $0xffff  }
0x474: {  	v29 =	vshll.u32 v37, $0x4;
	[tilespmem:v21+s14+$0x0] =	vst.idx.add.f32.msk $0xffff, v2;
	v21 =	vshll.u32 v33, $0x4;
	v33 =	vand.u32 $0xFFFFFFF8, v25  }
0x475: {  	v30 =	vadd.s32 v17, v29;
	[tilespmem:v28+s14+$0x0] =	vst.idx.add.f32.msk $0xffff, v2;
	v28 =	vor.u32 v56, v32  }
.Ltmp0:
0x476: {  	v29 =	vor.u32 $0x1, v7;
	v25 =	vor.u32 $0x1, v12;
	v32 =	vshll.u32 v36, $0x4;
	[tilespmem:v35+s14+$0x0] =	vst.idx.add.f32.msk $0xffff, v2;
	(pc) =	sbr.rel @p0 .LBB2_3-.Ltmp0, $4  }
0x477: {  	v30 =	vand.u32 $0xFFFFFFF8, v30;
	v35 =	vshll.u32 v38, $0x4;
	v34 =	vadd.s32 v58, v32;
	v58 =	vmovc v17;
	[tilespmem:v31+s14+$0x0] =	vst.idx.add.f32.msk $0xffff, v2  }
0x478: {  	v32 =	vor.u32 v1, v35;
	v18 =	vshll.u32 v18, $0x4;
	v35 =	vadd.s32 v58, v21;
	[tilespmem:v39+s14+$0x0] =	vst.idx.add.f32.msk $0xffff, v2  }
0x479: {  	v33 =	vor.u32 v16, v33;
	v18 =	vadd.s32 v57, v18;
	v21 =	vshll.u32 v40, $0x4;
	[tilespmem:v41+s14+$0x0] =	vst.idx.add.f32.msk $0xffff, v2  }
0x47a: {  	s3 =	smov.u32 s0;
	v18 =	vand.u32 $0xFFFFFFF8, v18;
	v21 =	vadd.s32 v57, v21;
	v31 =	vld.idx.msk [tilespmem:v26+s2+$0x0], $0xffff;
	v26 =	vand.u32 $0xFFFFFFF8, v35  }
0x47b: {  	_ =	sdelay $0x3  }
0x47c: {  	v35 =	vld.idx.msk [tilespmem:v12+s2+$0x0], $0xffff  }
0x47d: {  	v15 =	vor.u32 v16, v15;
	[tilespmem:v32+s14+$0x0] =	vst.idx.add.f32.msk $0xffff, v2  }
0x47e: {  	v34 =	vand.u32 $0xFFFFFFF8, v34;
	v29 =	vld.idx.msk [tilespmem:v29+s2+$0x0], $0xffff  }
0x47f: {  	[tilespmem:v33+s14+$0x0] =	vst.idx.add.f32.msk $0xffff, v2;
	v16 =	vor.u32 v16, v34  }
0x480: {  	[tilespmem:v22+s14+$0x0] =	vst.idx.add.f32.msk $0xffff, v2  }
0x481: {  	v22 =	vld.idx.msk [tilespmem:v24+s2+$0x0], $0xffff  }
0x482: {  	[tilespmem:v15+s14+$0x0] =	vst.idx.add.f32.msk $0xffff, v2;
	v15 =	vor.u32 v56, v30  }
0x483: {  	[tilespmem:v28+s14+$0x0] =	vst.idx.add.f32.msk $0xffff, v2;
	v13 =	vand.u32 $0xFFFFFFF8, v13  }
0x484: {  	v13 =	vor.u32 v56, v13;
	v60 =	vshll.u32 v35, $0x4;
	[tilespmem:v16+s14+$0x0] =	vst.idx.add.f32.msk $0xffff, v2;
	v16 =	vshll.u32 v31, $0x4  }
0x485: {  	v23 =	vld.idx.msk [tilespmem:v23+s2+$0x0], $0xffff;
	v33 =	vshll.u32 v29, $0x4;
	v30 =	vor.u32 v1, v60;
	v16 =	vadd.s32 v57, v16  }
0x486: {  	v19 =	vld.idx.msk [tilespmem:v19+s2+$0x0], $0xffff;
	v24 =	vadd.s32 v55, v33;
	v16 =	vand.u32 $0xFFFFFFF8, v16  }
0x487: {  	v16 =	vor.u32 v20, v16;
	[tilespmem:v15+s14+$0x0] =	vst.idx.add.f32.msk $0xffff, v2;
	v15 =	vand.u32 $0xFFFFFFF8, v24  }
0x488: {  	v34 =	vld.idx.msk [tilespmem:v27+s2+$0x0], $0xffff;
	v15 =	vor.u32 v20, v15  }
0x489: {  	v14 =	vor.u32 v56, v14;
	v21 =	vand.u32 $0xFFFFFFF8, v21;
	[tilespmem:v13+s14+$0x0] =	vst.idx.add.f32.msk $0xffff, v2  }
0x48a: {  	v3 =	vor.u32 $0x3, v3;
	v21 =	vor.u32 v20, v21;
	v22 =	vshll.u32 v22, $0x4;
	[tilespmem:v30+s14+$0x0] =	vst.idx.add.f32.msk $0xffff, v2  }
0x48b: {  	v35 =	vshll.u32 v23, $0x4;
	v19 =	vshll.u32 v19, $0x4;
	v22 =	vadd.s32 v57, v22;
	v25 =	vld.idx.msk [tilespmem:v25+s2+$0x0], $0xffff  }
0x48c: {  	v13 =	vadd.s32 v55, v35;
	v22 =	vand.u32 $0xFFFFFFF8, v22;
	[tilespmem:v16+s14+$0x0] =	vst.idx.add.f32.msk $0xffff, v2;
	v16 =	vor.u32 $0x2, v4  }
0x48d: {  	v19 =	vadd.s32 v55, v19;
	v13 =	vand.u32 $0xFFFFFFF8, v13;
	[tilespmem:v15+s14+$0x0] =	vst.idx.add.f32.msk $0xffff, v2;
	v15 =	vor.u32 v20, v22  }
0x48e: {  	[tilespmem:v14+s14+$0x0] =	vst.idx.add.f32.msk $0xffff, v2;
	v19 =	vand.u32 $0xFFFFFFF8, v19;
	v13 =	vor.u32 v20, v13  }
0x48f: {  	[tilespmem:v21+s14+$0x0] =	vst.idx.add.f32.msk $0xffff, v2;
	v19 =	vor.u32 v20, v19;
	v24 =	vshll.u32 v34, $0x4  }
0x490: {  	v6 =	vor.u32 $0x3, v6;
	v3 =	vld.idx.msk [tilespmem:v3+s2+$0x0], $0xffff;
	v23 =	vadd.s32 v55, v24  }
0x491: {  	v36 =	vand.u32 $0xFFFFFFF8, v23;
	v23 =	vor.u32 $0x3, v62;
	v37 =	vshll.u32 v25, $0x4;
	v16 =	vld.idx.msk [tilespmem:v16+s2+$0x0], $0xffff  }
0x492: {  	v24 =	vadd.s32 v55, v37;
	[tilespmem:v15+s14+$0x0] =	vst.idx.add.f32.msk $0xffff, v2;
	v15 =	vor.u32 $0x2, v11  }
0x493: {  	v40 =	vor.u32 $0x2, v7;
	[tilespmem:v13+s14+$0x0] =	vst.idx.add.f32.msk $0xffff, v2;
	v24 =	vand.u32 $0xFFFFFFF8, v24  }
0x494: {  	[tilespmem:v19+s14+$0x0] =	vst.idx.add.f32.msk $0xffff, v2;
	v24 =	vor.u32 v20, v24  }
0x495: {  	v39 =	vor.u32 $0x2, v12;
	v6 =	vld.idx.msk [tilespmem:v6+s2+$0x0], $0xffff  }
0x496: {  	v14 =	vor.u32 v20, v36;
	v23 =	vld.idx.msk [tilespmem:v23+s2+$0x0], $0xffff;
	v16 =	vshll.u32 v16, $0x4  }
0x497: {  	v38 =	vor.u32 $0x3, v61;
	v3 =	vshll.u32 v3, $0x4;
	v16 =	vadd.s32 v57, v16;
	v15 =	vld.idx.msk [tilespmem:v15+s2+$0x0], $0xffff  }
0x498: {  	v19 =	vor.u32 $0x2, v9;
	v3 =	vadd.s32 v17, v3;
	v25 =	vld.idx.msk [tilespmem:v40+s2+$0x0], $0xffff;
	v16 =	vand.u32 $0xFFFFFFF8, v16  }
0x499: {  	v3 =	vand.u32 $0xFFFFFFF8, v3;
	[tilespmem:v24+s14+$0x0] =	vst.idx.add.f32.msk $0xffff, v2;
	v16 =	vor.u32 v20, v16  }
0x49a: {  	v3 =	vor.u32 v20, v3;
	v13 =	vld.idx.msk [tilespmem:v39+s2+$0x0], $0xffff  }
0x49b: {  	v41 =	vor.u32 $0x2, v10;
	[tilespmem:v14+s14+$0x0] =	vst.idx.add.f32.msk $0xffff, v2  }
0x49c: {  	v22 =	vor.u32 $0x3, v63;
	v14 =	vld.idx.msk [tilespmem:v38+s2+$0x0], $0xffff;
	v15 =	vshll.u32 v15, $0x4  }
0x49d: {  	v8 =	vor.u32 $0x3, v8;
	v19 =	vld.idx.msk [tilespmem:v19+s2+$0x0], $0xffff;
	v15 =	vadd.s32 v57, v15  }
0x49e: {  	v42 =	vor.u32 $0x3, v4;
	[tilespmem:v16+s14+$0x0] =	vst.idx.add.f32.msk $0xffff, v2;
	v16 =	vor.u32 v20, v18;
	v15 =	vand.u32 $0xFFFFFFF8, v15  }
0x49f: {  	v61 =	vor.u32 $0x3, v12;
	[tilespmem:v3+s14+$0x0] =	vst.idx.add.f32.msk $0xffff, v2;
	v13 =	vshll.u32 v13, $0x4;
	v15 =	vor.u32 v20, v15  }
0x4a0: {  	v5 =	vor.u32 $0x3, v5;
	v60 =	vor.u32 $0x3, v11;
	v24 =	vld.idx.msk [tilespmem:v41+s2+$0x0], $0xffff;
	v13 =	vadd.s32 v57, v13  }
0x4a1: {  	v62 =	vor.u32 $0x3, v9;
	v6 =	vshll.u32 v6, $0x4;
	v22 =	vld.idx.msk [tilespmem:v22+s2+$0x0], $0xffff;
	v13 =	vand.u32 $0xFFFFFFF8, v13  }
0x4a2: {  	v6 =	vadd.s32 v17, v6;
	v8 =	vld.idx.msk [tilespmem:v8+s2+$0x0], $0xffff;
	v18 =	vshll.u32 v25, $0x4;
	v13 =	vor.u32 v20, v13  }
0x4a3: {  	v23 =	vshll.u32 v23, $0x4;
	v6 =	vand.u32 $0xFFFFFFF8, v6;
	v18 =	vadd.s32 v57, v18;
	[tilespmem:v16+s14+$0x0] =	vst.idx.add.f32.msk $0xffff, v2  }
0x4a4: {  	v23 =	vadd.s32 v58, v23;
	v16 =	vand.u32 $0xFFFFFFF8, v18;
	[tilespmem:v15+s14+$0x0] =	vst.idx.add.f32.msk $0xffff, v2;
	v15 =	vshll.u32 v19, $0x4  }
0x4a5: {  	v4 =	vld.idx.msk [tilespmem:v42+s2+$0x0], $0xffff;
	v63 =	vor.u32 v20, v16;
	v19 =	vshll.u32 v24, $0x4;
	v15 =	vadd.s32 v57, v15  }
0x4a6: {  	v5 =	vld.idx.msk [tilespmem:v5+s2+$0x0], $0xffff;
	v24 =	vor.u32 $0x3, v7;
	v18 =	vadd.s32 v57, v19;
	v15 =	vand.u32 $0xFFFFFFF8, v15  }
0x4a7: {  	v14 =	vshll.u32 v14, $0x4;
	[tilespmem:v13+s14+$0x0] =	vst.idx.add.f32.msk $0xffff, v2;
	v16 =	vand.u32 $0xFFFFFFF8, v18;
	v15 =	vor.u32 v20, v15  }
0x4a8: {  	v23 =	vand.u32 $0xFFFFFFF8, v23;
	v14 =	vadd.s32 v58, v14;
	v11 =	vld.idx.msk [tilespmem:v60+s2+$0x0], $0xffff;
	v16 =	vor.u32 v20, v16  }
0x4a9: {  	v6 =	vor.u32 v20, v6;
	v23 =	vor.u32 v56, v23;
	v14 =	vand.u32 $0xFFFFFFF8, v14;
	v12 =	vld.idx.msk [tilespmem:v61+s2+$0x0], $0xffff  }
0x4aa: {  	v22 =	vshll.u32 v22, $0x4;
	v14 =	vor.u32 v56, v14;
	v25 =	vor.u32 $0x3, v10;
	[tilespmem:v63+s14+$0x0] =	vst.idx.add.f32.msk $0xffff, v2  }
0x4ab: {  	v22 =	vadd.s32 v58, v22;
	v8 =	vshll.u32 v8, $0x4;
	v4 =	vshll.u32 v4, $0x4;
	v7 =	vld.idx.msk [tilespmem:v24+s2+$0x0], $0xffff  }
0x4ac: {  	v22 =	vand.u32 $0xFFFFFFF8, v22;
	v8 =	vadd.s32 v17, v8;
	v4 =	vadd.s32 v17, v4;
	[tilespmem:v15+s14+$0x0] =	vst.idx.add.f32.msk $0xffff, v2  }
0x4ad: {  	v22 =	vor.u32 v56, v22;
	v8 =	vand.u32 $0xFFFFFFF8, v8;
	v4 =	vand.u32 $0xFFFFFFF8, v4;
	[tilespmem:v16+s14+$0x0] =	vst.idx.add.f32.msk $0xffff, v2  }
0x4ae: {  	v8 =	vor.u32 v20, v8;
	v4 =	vor.u32 v20, v4;
	v5 =	vshll.u32 v5, $0x4;
	v9 =	vld.idx.msk [tilespmem:v62+s2+$0x0], $0xffff  }
0x4af: {  	v5 =	vadd.s32 v17, v5;
	v11 =	vshll.u32 v11, $0x4;
	v12 =	vshll.u32 v12, $0x4;
	v10 =	vld.idx.msk [tilespmem:v25+s2+$0x0], $0xffff  }
0x4b0: {  	[tilespmem:v6+s14+$0x0] =	vst.idx.add.f32.msk $0xffff, v2;
	v5 =	vand.u32 $0xFFFFFFF8, v5;
	v11 =	vadd.s32 v17, v11;
	v12 =	vadd.s32 v17, v12  }
0x4b1: {  	[tilespmem:v23+s14+$0x0] =	vst.idx.add.f32.msk $0xffff, v2;
	v5 =	vor.u32 v20, v5;
	v15 =	vor.u32 v56, v26;
	v11 =	vand.u32 $0xFFFFFFF8, v11  }
0x4b2: {  	[tilespmem:v14+s14+$0x0] =	vst.idx.add.f32.msk $0xffff, v2;
	v30 =	vand.u32 $0xFFFFFFF8, v12;
	v27 =	vor.u32 v20, v11;
	v7 =	vshll.u32 v7, $0x4  }
0x4b3: {  	[tilespmem:v22+s14+$0x0] =	vst.idx.add.f32.msk $0xffff, v2;
	v31 =	vor.u32 v20, v30;
	v7 =	vadd.s32 v17, v7;
	v9 =	vshll.u32 v9, $0x4  }
0x4b4: {  	[tilespmem:v8+s14+$0x0] =	vst.idx.add.f32.msk $0xffff, v2;
	v7 =	vand.u32 $0xFFFFFFF8, v7;
	v29 =	vshll.u32 v10, $0x4;
	v9 =	vadd.s32 v17, v9  }
0x4b5: {  	[tilespmem:v4+s14+$0x0] =	vst.idx.add.f32.msk $0xffff, v2;
	v7 =	vor.u32 v20, v7;
	v3 =	vadd.s32 v17, v29;
	v9 =	vand.u32 $0xFFFFFFF8, v9  }
0x4b6: {  	[tilespmem:v5+s14+$0x0] =	vst.idx.add.f32.msk $0xffff, v2;
	v3 =	vand.u32 $0xFFFFFFF8, v3;
	v28 =	vor.u32 v20, v9  }
0x4b7: {  	[tilespmem:v15+s14+$0x0] =	vst.idx.add.f32.msk $0xffff, v2;
	v3 =	vor.u32 v20, v3  }
0x4b8: {  	[tilespmem:v27+s14+$0x0] =	vst.idx.add.f32.msk $0xffff, v2  }
0x4b9: {  	[tilespmem:v31+s14+$0x0] =	vst.idx.add.f32.msk $0xffff, v2  }
0x4ba: {  	[tilespmem:v7+s14+$0x0] =	vst.idx.add.f32.msk $0xffff, v2  }
0x4bb: {  	[tilespmem:v28+s14+$0x0] =	vst.idx.add.f32.msk $0xffff, v2  }
0x4bc: {  	[tilespmem:v3+s14+$0x0] =	vst.idx.add.f32.msk $0xffff, v2  }
0x4bd: {  	v3 =	vld [tilespmem:$0xD000]  }
0x4be: {  	v4 =	vld [tilespmem:$0xD0A0]  }
0x4bf: {  	v5 =	vld [tilespmem:$0xD140]  }
0x4c0: {  	v6 =	vld [tilespmem:$0xD1E0]  }
0x4c1: {  	v7 =	vld [tilespmem:$0xD010]  }
0x4c2: {  	v8 =	vld [tilespmem:$0xD0B0]  }
0x4c3: {  	v32 =	vld [tilespmem:$0xD150]  }
0x4c4: {  	v33 =	vld [tilespmem:$0xD1F0]  }
0x4c5: {  	v34 =	vld [tilespmem:$0xD020]  }
0x4c6: {  	v35 =	vld [tilespmem:$0xD0C0]  }
0x4c7: {  	v13 =	vld [tilespmem:$0xD160]  }
0x4c8: {  	v14 =	vld [tilespmem:$0xD200]  }
0x4c9: {  	v15 =	vld [tilespmem:$0xD030]  }
0x4ca: {  	v16 =	vld [tilespmem:$0xD0D0]  }
0x4cb: {  	v18 =	vld [tilespmem:$0xD170]  }
0x4cc: {  	v19 =	vld [tilespmem:$0xD210]  }
0x4cd: {  	v21 =	vld [tilespmem:$0xD040]  }
0x4ce: {  	v22 =	vld [tilespmem:$0xD0E0]  }
0x4cf: {  	v23 =	vld [tilespmem:$0xD180]  }
0x4d0: {  	v37 =	vld [tilespmem:$0xD050]  }
0x4d1: {  	v38 =	vld [tilespmem:$0xD0F0]  }
0x4d2: {  	v39 =	vld [tilespmem:$0xD190]  }
0x4d3: {  	v28 =	vld [tilespmem:$0xD060]  }
0x4d4: {  	v40 =	vld [tilespmem:$0xD100]  }
0x4d5: {  	v41 =	vld [tilespmem:$0xD1A0]  }
0x4d6: {  	v60 =	vld [tilespmem:$0xD070];
	v3 =	vadd.f32 v4, v3  }
0x4d7: {  	v7 =	vadd.f32 v8, v7;
	v58 =	vadd.f32 v16, v15;
	v15 =	vld [tilespmem:$0xD110]  }
0x4d8: {  	v29 =	vld [tilespmem:$0xD130];
	v42 =	vadd.f32 v35, v34;
	v61 =	vadd.f32 v22, v21  }
0x4d9: {  	v4 =	vld [tilespmem:$0xD230];
	v16 =	vadd.f32 v38, v37;
	v9 =	vadd.f32 v18, v58  }
0x4da: {  	v3 =	vadd.f32 v5, v3;
	v7 =	vadd.f32 v32, v7;
	v18 =	vld [tilespmem:$0xD080]  }
0x4db: {  	v5 =	vadd.f32 v40, v28;
	v9 =	vadd.f32 v19, v9;
	v19 =	vld [tilespmem:$0xD120]  }
0x4dc: {  	v16 =	vadd.f32 v39, v16;
	v12 =	vadd.f32 v15, v60;
	v15 =	vld [tilespmem:$0xD090]  }
0x4dd: {  	v56 =	vld [tilespmem:$0xD240];
	v3 =	vadd.f32 v6, v3;
	v6 =	vadd.f32 v13, v42  }
0x4de: {  	v31 =	vld [tilespmem:$0xD1D0];
	v7 =	vadd.f32 v33, v7;
	v13 =	vadd.f32 v23, v61  }
0x4df: {  	v5 =	vadd.f32 v41, v5;
	v4 =	vadd.f32 v4, v16  }
0x4e0: {  	v21 =	vmul.f32 v3, v43;
	v22 =	vmul.f32 v7, v44;
	v18 =	vadd.f32 v19, v18;
	v19 =	vld [tilespmem:$0xD270]  }
0x4e1: {  	v36 =	vld [tilespmem:$0xD220];
	v6 =	vadd.f32 v14, v6;
	v8 =	vadd.f32 v29, v15  }
0x4e2: {  	v23 =	vmul.f32 v7, v54;
	v16 =	vadd.f32 v22, v21;
	v22 =	vmul.f32 v3, v53  }
0x4e3: {  	v5 =	vadd.f32 v56, v5;
	v8 =	vadd.f32 v31, v8  }
0x4e4: {  	v15 =	vadd.f32 v23, v22;
	v22 =	vmul.f32 v6, v52  }
0x4e5: {  	v41 =	vmov v49;
	v8 =	vadd.f32 v19, v8;
	v19 =	vmul.f32 v5, v49;
	v49 =	vld [tilespmem:$0x1FF60]  }
0x4e6: {  	v13 =	vadd.f32 v36, v13;
	v33 =	vadd.f32 v22, v15;
	v15 =	vmul.f32 v9, v51  }
0x4e7: {  	v62 =	vld [tilespmem:$0xD1B0]  }
0x4e8: {  	v30 =	vld [tilespmem:$0xD1C0];
	v11 =	vadd.f32 v15, v33;
	v15 =	vmul.f32 v13, v50  }
0x4e9: {  	v21 =	vmul.f32 v6, v45  }
0x4ea: {  	v11 =	vadd.f32 v15, v11;
	v15 =	vmul.f32 v4, v49  }
0x4eb: {  	v56 =	vld [tilespmem:$0x1FFB0];
	v16 =	vadd.f32 v21, v16;
	v21 =	vmul.f32 v9, v46  }
0x4ec: {  	v10 =	vadd.f32 v62, v12;
	v11 =	vadd.f32 v15, v11;
	v15 =	vld [tilespmem:$0x1FDD0]  }
0x4ed: {  	v58 =	vld [tilespmem:$0x1FFC0];
	v12 =	vadd.f32 v30, v18;
	v18 =	vmul.f32 v13, v47;
	v16 =	vadd.f32 v21, v16  }
0x4ee: {  	v63 =	vld [tilespmem:$0xD250]  }
0x4ef: {  	v61 =	vld [tilespmem:$0x1FFD0];
	v34 =	vadd.f32 v18, v16;
	v16 =	vmul.f32 v4, v48  }
0x4f0: {  	v62 =	vld [tilespmem:$0x1FFE0]  }
0x4f1: {  	v14 =	vadd.f32 v16, v34;
	v16 =	vmul.f32 v3, v56;
	v3 =	vmul.f32 v3, v15;
	v15 =	vld [tilespmem:$0x1FDE0]  }
0x4f2: {  	v26 =	vld [tilespmem:$0x1FD90];
	v18 =	vmul.f32 v7, v58  }
0x4f3: {  	v10 =	vadd.f32 v63, v10;
	v63 =	vld [tilespmem:$0x1FFF0]  }
0x4f4: {  	v32 =	vld [tilespmem:$0xD260];
	v16 =	vadd.f32 v18, v16;
	v18 =	vmul.f32 v6, v61  }
0x4f5: {  	v42 =	vld [tilespmem:$0x1FF50]  }
0x4f6: {  	v60 =	vld [tilespmem:$0x1FE10];
	v7 =	vmul.f32 v7, v15;
	v15 =	vadd.f32 v18, v16;
	v16 =	vmul.f32 v9, v62  }
0x4f7: {  	v40 =	vmov v48;
	v48 =	vmov v50;
	v50 =	vld [tilespmem:$0x1FF70]  }
0x4f8: {  	v39 =	vmovc v47;
	v47 =	vmov v51;
	v51 =	vld [tilespmem:$0x1FF80];
	v15 =	vadd.f32 v16, v15;
	v16 =	vmul.f32 v13, v63  }
0x4f9: {  	v35 =	vmov v43;
	v43 =	vld [tilespmem:$0x1FDF0]  }
0x4fa: {  	v37 =	vmovc v45;
	v45 =	vmov v53;
	v53 =	vmov v54;
	v54 =	vadd.f32 v16, v15;
	v15 =	vld [tilespmem:$0x1FD80]  }
0x4fb: {  	v29 =	vld [tilespmem:$0x1FDA0]  }
0x4fc: {  	v21 =	vmul.f32 v5, v50;
	v18 =	vld [tilespmem:$0x1FE00]  }
0x4fd: {  	v38 =	vmov v46;
	v46 =	vmov v52;
	v30 =	vld [tilespmem:$0x1FE70];
	v52 =	vmul.f32 v10, v51  }
0x4fe: {  	v33 =	vld [tilespmem:$0x1FDB0];
	v6 =	vmul.f32 v6, v43;
	v11 =	vadd.f32 v21, v11;
	v3 =	vadd.f32 v7, v3  }
0x4ff: {  	v14 =	vadd.f32 v19, v14;
	v43 =	vld [tilespmem:$0x1FF40];
	v15 =	vmul.f32 v4, v15  }
0x500: {  	v36 =	vmovc v44;
	v44 =	vmul.f32 v10, v42;
	v3 =	vadd.f32 v6, v3;
	v6 =	vadd.f32 v52, v11;
	v52 =	vld [tilespmem:$0x1FF90]  }
0x501: {  	v9 =	vmul.f32 v9, v18;
	v25 =	vadd.f32 v15, v54;
	v15 =	vld [tilespmem:$0x1FE40]  }
0x502: {  	v12 =	vadd.f32 v32, v12;
	v7 =	vadd.f32 v44, v14;
	v44 =	vld [tilespmem:$0x1FF30]  }
0x503: {  	v14 =	vmul.f32 v5, v26;
	v26 =	vld [tilespmem:$0x1FED0];
	v3 =	vadd.f32 v9, v3;
	v9 =	vmul.f32 v13, v60  }
0x504: {  	v60 =	vld [tilespmem:$0x1FEA0]  }
0x505: {  	v24 =	vmul.f32 v12, v43;
	v3 =	vadd.f32 v9, v3;
	v54 =	vld [tilespmem:$0x1FFA0]  }
0x506: {  	v27 =	vmul.f32 v12, v52;
	v28 =	vadd.f32 v14, v25;
	v25 =	vld [tilespmem:$0x1FDC0];
	v4 =	vmul.f32 v4, v15  }
0x507: {  	v7 =	vadd.f32 v24, v7;
	v13 =	vmul.f32 v10, v29;
	v29 =	vld [tilespmem:$0x1FF00]  }
0x508: {  	v6 =	vadd.f32 v27, v6;
	v27 =	vld [tilespmem:$0x1FE20];
	v3 =	vadd.f32 v4, v3;
	v4 =	vmul.f32 v5, v30  }
0x509: {  	v11 =	vmul.f32 v12, v33;
	v31 =	vmul.f32 v8, v44;
	v32 =	vadd.f32 v13, v28;
	v28 =	vld [tilespmem:$0x1FE30]  }
0x50a: {  	v10 =	vmul.f32 v10, v60;
	v34 =	vmul.f32 v8, v54;
	v30 =	vld [tilespmem:$0x1FE50];
	v3 =	vadd.f32 v4, v3  }
0x50b: {  	v24 =	vadd.f32 v11, v32;
	v5 =	vadd.f32 v31, v7;
	v9 =	vmul.f32 v8, v25  }
0x50c: {  	v4 =	vadd.f32 v34, v6;
	v6 =	vmul.f32 v12, v26;
	v3 =	vadd.f32 v10, v3  }
0x50d: {  	v32 =	vld [tilespmem:$0x1FE60];
	v5 =	vadd.f32 v5, v27;
	v7 =	vadd.f32 v9, v24  }
0x50e: {  	v4 =	vadd.f32 v4, v28;
	v3 =	vadd.f32 v6, v3;
	v6 =	vmul.f32 v8, v29  }
0x50f: {  	v7 =	vadd.f32 v7, v30  }
0x510: {  	v31 =	vadd.f32 v4, v5;
	v3 =	vadd.f32 v6, v3;
	_ =	sdelay $0x1  }
0x511: {  	v6 =	vadd.f32 v31, v7;
	v3 =	vadd.f32 v3, v32;
	_ =	sdelay $0x1  }
0x512: {  	v6 =	vadd.f32 v6, v3;
	_ =	sdelay $0x1  }
0x513: {  	v6 =	vmul.f32 $2.500000000e-01, v6;
	_ =	sdelay $0x1  }
0x514: {  	v5 =	vsub.f32 v5, v6;
	v4 =	vsub.f32 v4, v6;
	_ =	sdelay $0x1  }
0x515: {  	v7 =	vsub.f32 v7, v6;
	v33 =	vmul.f32 v5, v5;
	v34 =	vmul.f32 v4, v4;
	_ =	sdelay $0x1  }
0x516: {  	v3 =	vsub.f32 v3, v6;
	v12 =	vmul.f32 v7, v7;
	v60 =	vadd.f32 v34, v33;
	_ =	sdelay $0x1  }
0x517: {  	v13 =	vmul.f32 v3, v3;
	v6 =	vadd.f32 v60, v12;
	_ =	sdelay $0x1  }
0x518: {  	v6 =	vadd.f32 v6, v13;
	_ =	sdelay $0x1  }
0x519: {  	v6 =	vmul.f32 $2.500000000e-01, v6;
	_ =	sdelay $0x1  }
0x51a: {  	v6 =	vadd.f32 $9.999999740e-06, v6;
	_ =	sdelay $0x1  }
0x51b: {  	v14 =	vshra.s32 v6, $0x1;
	v6 =	vmul.f32 $5.000000000e-01, v6  }
0x51c: {  	v8 =	vsub.s32 $0x5F3759DF, v14  }
0x51d: {  	v24 =	vmul.f32 v8, v6;
	_ =	sdelay $0x1  }
0x51e: {  	v9 =	vmul.f32 v8, v24;
	_ =	sdelay $0x1  }
0x51f: {  	v9 =	vsub.f32 $1.500000000e+00, v9;
	_ =	sdelay $0x1  }
0x520: {  	v8 =	vmul.f32 v8, v9;
	_ =	sdelay $0x1  }
0x521: {  	v9 =	vmul.f32 v8, v6;
	_ =	sdelay $0x1  }
0x522: {  	v9 =	vmul.f32 v9, v8;
	_ =	sdelay $0x1  }
0x523: {  	v9 =	vsub.f32 $1.500000000e+00, v9;
	_ =	sdelay $0x1  }
0x524: {  	v8 =	vmul.f32 v9, v8;
	_ =	sdelay $0x1  }
0x525: {  	v6 =	vmul.f32 v8, v6;
	_ =	sdelay $0x1  }
0x526: {  	v6 =	vmul.f32 v6, v8  }
0x527: {  	v25 =	vld [tilespmem:$0x1FE80]  }
0x528: {  	v27 =	vld [tilespmem:$0x1FEB0];
	v6 =	vsub.f32 $1.500000000e+00, v6  }
0x529: {  	v29 =	vld [tilespmem:$0x1FEE0]  }
0x52a: {  	v31 =	vld [tilespmem:$0x1FF10];
	v6 =	vmul.f32 v6, v8  }
0x52b: {  	v32 =	vld [tilespmem:$0x1FE90]  }
0x52c: {  	v34 =	vld [tilespmem:$0x1FEC0];
	v8 =	vmul.f32 v6, v25  }
0x52d: {  	v26 =	vshll.u32 v59, $0x2;
	v59 =	vld [tilespmem:$0x1FEF0];
	v10 =	vmul.f32 v6, v27  }
0x52e: {  	v28 =	vor.u32 $0x1, v26;
	v60 =	vld [tilespmem:$0x1FF20];
	v11 =	vmul.f32 v6, v29;
	v5 =	vmul.f32 v8, v5  }
0x52f: {  	s18 =	sadd.s32 $0x1, s18;
	v30 =	vor.u32 $0x2, v26;
	v6 =	vmul.f32 v6, v31;
	v4 =	vmul.f32 v10, v4  }
0x530: {  	p0 =	sne.s32 s18, $0x8;
	v33 =	vor.u32 $0x3, v26;
	v7 =	vmul.f32 v11, v7;
	v5 =	vadd.f32 v5, v32  }
.Ltmp1:
0x531: {  	v3 =	vmul.f32 v6, v3;
	v4 =	vadd.f32 v4, v34;
	(pc) =	sbr.rel @p0 .LBB2_2-.Ltmp1, $4  }
0x532: {  	[tilespmem:v26+s8+$0x0] =	vst.idx.msk $0xffff, v5;
	v5 =	vadd.f32 v7, v59  }
0x533: {  	v3 =	vadd.f32 v3, v60;
	[tilespmem:v28+s8+$0x0] =	vst.idx.msk $0xffff, v4  }
0x534: {  	[tilespmem:v30+s8+$0x0] =	vst.idx.msk $0xffff, v5  }
0x535: {  	[tilespmem:v33+s8+$0x0] =	vst.idx.msk $0xffff, v3  }
0x536: {  	s18 =	simm.s32 $0x0;
	s0 =	rddreg [dreg:$0x6]  }
0x537: {  	[tilespmem:s18], [sflag:$0x1] =	stream.linear.gather [hbm4b:s0+s18], $0x6400, $0x38;
	[tilespmem:$0xD300] =	vst v63  }
0x538: {  	_ =	swait.ge [sflag:s7], $0x6400  }
0x539: {  	[sflag:s7] =	ssyncset.done $0x0  }
0x53a: {  	s19 =	simm.s32 $0x0;
	[sflag:s7] =	ssyncadd.s32 $0xFFFF9C00  }
.LBB2_6:
0x53b: {  	[tilespmem:$0xD000] =	vst v0  }
0x53c: {  	[tilespmem:$0xD010] =	vst v0  }
0x53d: {  	[tilespmem:$0xD020] =	vst v0  }
0x53e: {  	[tilespmem:$0xD030] =	vst v0  }
0x53f: {  	[tilespmem:$0xD040] =	vst v0  }
0x540: {  	[tilespmem:$0xD050] =	vst v0  }
0x541: {  	[tilespmem:$0xD060] =	vst v0  }
0x542: {  	[tilespmem:$0xD070] =	vst v0  }
0x543: {  	[tilespmem:$0xD080] =	vst v0  }
0x544: {  	[tilespmem:$0xD090] =	vst v0  }
0x545: {  	[tilespmem:$0xD0A0] =	vst v0  }
0x546: {  	[tilespmem:$0xD0B0] =	vst v0  }
0x547: {  	[tilespmem:$0xD0C0] =	vst v0  }
0x548: {  	[tilespmem:$0xD0D0] =	vst v0  }
0x549: {  	[tilespmem:$0xD0E0] =	vst v0  }
0x54a: {  	[tilespmem:$0xD0F0] =	vst v0  }
0x54b: {  	[tilespmem:$0xD100] =	vst v0  }
0x54c: {  	[tilespmem:$0xD110] =	vst v0  }
0x54d: {  	[tilespmem:$0xD120] =	vst v0  }
0x54e: {  	[tilespmem:$0xD130] =	vst v0  }
0x54f: {  	[tilespmem:$0xD140] =	vst v0  }
0x550: {  	[tilespmem:$0xD150] =	vst v0  }
0x551: {  	[tilespmem:$0xD160] =	vst v0  }
0x552: {  	[tilespmem:$0xD170] =	vst v0  }
0x553: {  	[tilespmem:$0xD180] =	vst v0  }
0x554: {  	[tilespmem:$0xD190] =	vst v0  }
0x555: {  	[tilespmem:$0xD1A0] =	vst v0;
	s20 =	sshll.u32 s19, $0x4  }
0x556: {  	[tilespmem:$0xD1B0] =	vst v0;
	v3 =	vmov s20  }
0x557: {  	[tilespmem:$0xD1C0] =	vst v0;
	v3 =	vmul.u32 $0xC8, v3  }
0x558: {  	[tilespmem:$0xD1D0] =	vst v0  }
0x559: {  	[tilespmem:$0xD1E0] =	vst v0;
	v59 =	vmul.u32 $0xC8, v1;
	v3 =	vbroadcast v3, $0x0  }
0x55a: {  	[tilespmem:$0xD1F0] =	vst v0  }
0x55b: {  	[tilespmem:$0xD200] =	vst v0;
	s0 =	simm.s32 $0x10;
	v3 =	vadd.s32 v59, v3  }
0x55c: {  	[tilespmem:$0xD210] =	vst v0;
	v4 =	vmov s0;
	v5 =	vadd.s32 s0, v3  }
0x55d: {  	[tilespmem:$0xD220] =	vst v0;
	v4 =	vand.u32 $0x4, v4;
	v5 =	vand.u32 $0xFFFFFFF8, v5  }
0x55e: {  	[tilespmem:$0xD230] =	vst v0;
	s25 =	simm.s32 $0x4;
	v11 =	vor.u32 v4, v5  }
0x55f: {  	[tilespmem:$0xD240] =	vst v0;
	v4 =	vmov s25;
	v5 =	vadd.s32 s25, v3  }
0x560: {  	[tilespmem:$0xD250] =	vst v0;
	v4 =	vand.u32 $0x4, v4;
	v5 =	vand.u32 $0xFFFFFFF8, v5  }
0x561: {  	[tilespmem:$0xD260] =	vst v0;
	v12 =	vor.u32 v4, v5  }
0x562: {  	[tilespmem:$0xD270] =	vst v0  }
0x563: {  	s1 =	simm.s32 $0xC;
	v4 =	vld.idx.msk [tilespmem:v11+s12+$0x0], $0xffff  }
0x564: {  	v6 =	vmov s1;
	v7 =	vadd.s32 s1, v3  }
0x565: {  	s26 =	simm.s32 $0x8;
	v6 =	vand.u32 $0x4, v6;
	v7 =	vand.u32 $0xFFFFFFF8, v7  }
0x566: {  	v8 =	vmov s26;
	v7 =	vor.u32 v6, v7;
	v5 =	vadd.s32 s26, v3;
	v9 =	vld.idx.msk [tilespmem:v12+s12+$0x0], $0xffff  }
0x567: {  	v8 =	vand.u32 $0x4, v8;
	v5 =	vand.u32 $0xFFFFFFF8, v5  }
0x568: {  	v15 =	vor.u32 v8, v5;
	v4 =	vshll.u32 v4, $0x4  }
0x569: {  	v6 =	vadd.s32 s18, v3;
	v5 =	vmov s18;
	v4 =	vor.u32 v1, v4  }
0x56a: {  	v6 =	vand.u32 $0xFFFFFFF8, v6;
	v8 =	vor.u32 $0x1, v11;
	v5 =	vand.u32 $0x4, v5  }
0x56b: {  	v19 =	vor.u32 v5, v6;
	v6 =	vld.idx.msk [tilespmem:v7+s12+$0x0], $0xffff;
	v5 =	vshll.u32 v9, $0x4  }
0x56c: {  	v5 =	vor.u32 v1, v5  }
0x56d: {  	v10 =	vor.u32 $0x1, v12;
	v9 =	vld.idx.msk [tilespmem:v15+s12+$0x0], $0xffff  }
0x56e: {  	[tilespmem:v4+s14+$0x0] =	vst.idx.add.f32.msk $0xffff, v2  }
0x56f: {  	v4 =	vld.idx.msk [tilespmem:v8+s12+$0x0], $0xffff  }
0x570: {  	v6 =	vshll.u32 v6, $0x4;
	v8 =	vld.idx.msk [tilespmem:v19+s12+$0x0], $0xffff  }
0x571: {  	s29 =	simm.s32 $0x1C;
	v6 =	vor.u32 v1, v6;
	[tilespmem:v5+s14+$0x0] =	vst.idx.add.f32.msk $0xffff, v2  }
0x572: {  	v22 =	vmov s29;
	v13 =	vor.u32 $0x1, v7;
	v5 =	vshll.u32 v9, $0x4;
	v9 =	vld.idx.msk [tilespmem:v10+s12+$0x0], $0xffff  }
0x573: {  	s30 =	simm.s32 $0x20;
	s3 =	simm.s32 $0x24;
	v22 =	vand.u32 $0x4, v22;
	v21 =	vadd.s32 s29, v3;
	v5 =	vor.u32 v1, v5  }
0x574: {  	v24 =	vadd.s32 s3, v3;
	v25 =	vadd.s32 s30, v3;
	v14 =	vor.u32 $0x1, v15  }
0x575: {  	v24 =	vand.u32 $0xFFFFFFF8, v24;
	v21 =	vand.u32 $0xFFFFFFF8, v21;
	v4 =	vshll.u32 v4, $0x4  }
0x576: {  	v18 =	vor.u32 $0x2, v12;
	[tilespmem:v6+s14+$0x0] =	vst.idx.add.f32.msk $0xffff, v2;
	v8 =	vshll.u32 v8, $0x4;
	v4 =	vadd.s32 v55, v4  }
0x577: {  	v13 =	vld.idx.msk [tilespmem:v13+s12+$0x0], $0xffff;
	v8 =	vor.u32 v1, v8;
	v16 =	vand.u32 $0xFFFFFFF8, v4;
	v4 =	vshll.u32 v9, $0x4  }
0x578: {  	v6 =	vmov s30;
	v10 =	vor.u32 $0x1, v19;
	[tilespmem:v5+s14+$0x0] =	vst.idx.add.f32.msk $0xffff, v2;
	v4 =	vadd.s32 v55, v4  }
0x579: {  	s28 =	simm.s32 $0x18;
	v6 =	vand.u32 $0x4, v6;
	v14 =	vld.idx.msk [tilespmem:v14+s12+$0x0], $0xffff;
	v16 =	vor.u32 v20, v16;
	v4 =	vand.u32 $0xFFFFFFF8, v4  }
0x57a: {  	v5 =	vmov s28;
	v23 =	vor.u32 v20, v4;
	v4 =	vmov s3  }
0x57b: {  	v9 =	vadd.s32 s28, v3;
	v5 =	vand.u32 $0x4, v5;
	v4 =	vand.u32 $0x4, v4  }
0x57c: {  	[tilespmem:v8+s14+$0x0] =	vst.idx.add.f32.msk $0xffff, v2;
	v8 =	vand.u32 $0xFFFFFFF8, v9;
	v4 =	vor.u32 v4, v24;
	v24 =	vand.u32 $0xFFFFFFF8, v25  }
0x57d: {  	v10 =	vld.idx.msk [tilespmem:v10+s12+$0x0], $0xffff;
	v9 =	vor.u32 v6, v24;
	v6 =	vor.u32 v5, v8;
	v8 =	vshll.u32 v13, $0x4  }
0x57e: {  	v5 =	vor.u32 v22, v21;
	v14 =	vshll.u32 v14, $0x4;
	[tilespmem:v16+s14+$0x0] =	vst.idx.add.f32.msk $0xffff, v2;
	v8 =	vadd.s32 v55, v8  }
0x57f: {  	v14 =	vadd.s32 v55, v14;
	[tilespmem:v23+s14+$0x0] =	vst.idx.add.f32.msk $0xffff, v2;
	v8 =	vand.u32 $0xFFFFFFF8, v8  }
0x580: {  	v13 =	vld.idx.msk [tilespmem:v18+s12+$0x0], $0xffff;
	v21 =	vor.u32 v20, v8;
	v8 =	vand.u32 $0xFFFFFFF8, v14  }
0x581: {  	v18 =	vld.idx.msk [tilespmem:v4+s12+$0x0], $0xffff;
	v14 =	vor.u32 v20, v8  }
0x582: {  	v23 =	vor.u32 $0x2, v15;
	v24 =	vld.idx.msk [tilespmem:v6+s12+$0x0], $0xffff  }
0x583: {  	s31 =	simm.s32 $0x14;
	v27 =	vor.u32 $0x2, v11;
	v25 =	vor.u32 $0x2, v7;
	v26 =	vld.idx.msk [tilespmem:v5+s12+$0x0], $0xffff  }
0x584: {  	v16 =	vmov s31;
	v8 =	vor.u32 $0x3, v7;
	v7 =	vadd.s32 s31, v3;
	v22 =	vld.idx.msk [tilespmem:v9+s12+$0x0], $0xffff  }
0x585: {  	v16 =	vand.u32 $0x4, v16;
	v7 =	vand.u32 $0xFFFFFFF8, v7;
	[tilespmem:v21+s14+$0x0] =	vst.idx.add.f32.msk $0xffff, v2  }
0x586: {  	v31 =	vor.u32 $0x3, v12;
	v7 =	vor.u32 v16, v7;
	v18 =	vshll.u32 v18, $0x4;
	[tilespmem:v14+s14+$0x0] =	vst.idx.add.f32.msk $0xffff, v2  }
0x587: {  	v29 =	vor.u32 $0x2, v19;
	v13 =	vshll.u32 v13, $0x4;
	v18 =	vor.u32 v1, v18;
	v14 =	vld.idx.msk [tilespmem:v23+s12+$0x0], $0xffff  }
0x588: {  	v21 =	vor.u32 $0x1, v4;
	v16 =	vshll.u32 v24, $0x4;
	v24 =	vld.idx.msk [tilespmem:v25+s12+$0x0], $0xffff;
	v25 =	vshll.u32 v26, $0x4  }
0x589: {  	v10 =	vshll.u32 v10, $0x4;
	v13 =	vadd.s32 v57, v13;
	v26 =	vld.idx.msk [tilespmem:v27+s12+$0x0], $0xffff;
	v25 =	vor.u32 v1, v25  }
0x58a: {  	v23 =	vor.u32 $0x1, v6;
	v13 =	vand.u32 $0xFFFFFFF8, v13;
	v27 =	vor.u32 v1, v16  }
0x58b: {  	v16 =	vshll.u32 v22, $0x4;
	v22 =	vadd.s32 v55, v10;
	v28 =	vor.u32 v20, v13;
	v30 =	vld.idx.msk [tilespmem:v7+s12+$0x0], $0xffff  }
0x58c: {  	v10 =	vor.u32 $0x3, v9;
	v13 =	vor.u32 $0x1, v7;
	v22 =	vand.u32 $0xFFFFFFF8, v22;
	[tilespmem:v18+s14+$0x0] =	vst.idx.add.f32.msk $0xffff, v2  }
0x58d: {  	v16 =	vor.u32 v1, v16;
	v22 =	vor.u32 v20, v22;
	v14 =	vshll.u32 v14, $0x4;
	v21 =	vld.idx.msk [tilespmem:v21+s12+$0x0], $0xffff  }
0x58e: {  	v18 =	vshll.u32 v24, $0x4;
	v24 =	vshll.u32 v26, $0x4;
	v14 =	vadd.s32 v57, v14;
	[tilespmem:v25+s14+$0x0] =	vst.idx.add.f32.msk $0xffff, v2  }
0x58f: {  	v18 =	vadd.s32 v57, v18;
	v24 =	vadd.s32 v57, v24;
	[tilespmem:v27+s14+$0x0] =	vst.idx.add.f32.msk $0xffff, v2;
	v27 =	vor.u32 $0x1, v9  }
0x590: {  	[tilespmem:v28+s14+$0x0] =	vst.idx.add.f32.msk $0xffff, v2;
	v14 =	vand.u32 $0xFFFFFFF8, v14;
	v12 =	vand.u32 $0xFFFFFFF8, v18;
	v26 =	vand.u32 $0xFFFFFFF8, v24  }
0x591: {  	v25 =	vld.idx.msk [tilespmem:v23+s12+$0x0], $0xffff;
	v18 =	vor.u32 v20, v14;
	v24 =	vor.u32 v20, v12;
	v26 =	vor.u32 v20, v26  }
0x592: {  	[tilespmem:v22+s14+$0x0] =	vst.idx.add.f32.msk $0xffff, v2;
	v14 =	vor.u32 $0x3, v11;
	v12 =	vor.u32 $0x3, v19;
	v11 =	vshll.u32 v21, $0x4  }
0x593: {  	v19 =	vor.u32 $0x3, v15;
	v15 =	vshll.u32 v30, $0x4;
	v22 =	vld.idx.msk [tilespmem:v29+s12+$0x0], $0xffff;
	v11 =	vadd.s32 v55, v11  }
0x594: {  	s3 =	simm.s32 $0x28;
	v15 =	vor.u32 v1, v15;
	v21 =	vld.idx.msk [tilespmem:v31+s12+$0x0], $0xffff;
	v23 =	vand.u32 $0xFFFFFFF8, v11;
	v11 =	vor.u32 $0x2, v4  }
.LBB2_7:
0x595: {  	s4 =	sadd.s32 $0x4, s3  }
0x596: {  	s5 =	sadd.s32 $0x8, s3;
	v28 =	vor.u32 $0x2, v6;
	v29 =	vor.u32 $0x1, v5;
	v30 =	vor.u32 $0x2, v9;
	[tilespmem:v26+s14+$0x0] =	vst.idx.add.f32.msk $0xffff, v2;
	s1 =	smov.u32 s3;
	s0 =	sadd.s32 $0x14, s3  }
0x597: {  	p0 =	slt.u32 s3, $0xB4;
	v25 =	vshll.u32 v25, $0x4;
	v9 =	vmov s4;
	v26 =	vadd.s32 s4, v3;
	s4 =	sadd.s32 $0xC, s1;
	[tilespmem:v24+s14+$0x0] =	vst.idx.add.f32.msk $0xffff, v2  }
0x598: {  	v24 =	vadd.s32 s5, v3;
	s3 =	sadd.s32 $0x10, s1;
	v25 =	vadd.s32 v55, v25;
	v31 =	vmov s4;
	[tilespmem:v16+s14+$0x0] =	vst.idx.add.f32.msk $0xffff, v2  }
0x599: {  	v16 =	vmov s5;
	v32 =	vmov s3;
	v33 =	vadd.s32 s3, v3;
	v27 =	vld.idx.msk [tilespmem:v27+s12+$0x0], $0xffff  }
0x59a: {  	v9 =	vand.u32 $0x4, v9;
	v33 =	vand.u32 $0xFFFFFFF8, v33;
	[tilespmem:v15+s14+$0x0] =	vst.idx.add.f32.msk $0xffff, v2;
	v15 =	vand.u32 $0xFFFFFFF8, v25  }
0x59b: {  	v25 =	vand.u32 $0xFFFFFFF8, v26;
	v26 =	vand.u32 $0x4, v32;
	v32 =	vor.u32 v20, v15;
	v34 =	vld.idx.msk [tilespmem:v8+s12+$0x0], $0xffff;
	v8 =	vmovc v10  }
0x59c: {  	v22 =	vshll.u32 v22, $0x4;
	v10 =	vand.u32 $0x4, v16;
	v16 =	vadd.s32 s4, v3;
	v29 =	vld.idx.msk [tilespmem:v29+s12+$0x0], $0xffff  }
0x59d: {  	v24 =	vand.u32 $0xFFFFFFF8, v24;
	v22 =	vadd.s32 v57, v22;
	v15 =	vor.u32 v26, v33;
	[tilespmem:v18+s14+$0x0] =	vst.idx.add.f32.msk $0xffff, v2  }
0x59e: {  	v21 =	vshll.u32 v21, $0x4;
	v18 =	vor.u32 v9, v25;
	v9 =	vand.u32 $0xFFFFFFF8, v22;
	v19 =	vld.idx.msk [tilespmem:v19+s12+$0x0], $0xffff  }
0x59f: {  	v16 =	vand.u32 $0xFFFFFFF8, v16;
	v22 =	vand.u32 $0x4, v31;
	v25 =	vor.u32 v20, v9;
	v14 =	vld.idx.msk [tilespmem:v14+s12+$0x0], $0xffff  }
0x5a0: {  	v21 =	vadd.s32 v17, v21;
	v9 =	vor.u32 v22, v16;
	v16 =	vshll.u32 v27, $0x4;
	[tilespmem:v32+s14+$0x0] =	vst.idx.add.f32.msk $0xffff, v2  }
0x5a1: {  	v21 =	vand.u32 $0xFFFFFFF8, v21;
	v27 =	vor.u32 v10, v24;
	v16 =	vadd.s32 v55, v16;
	v10 =	vld.idx.msk [tilespmem:v28+s12+$0x0], $0xffff  }
0x5a2: {  	v23 =	vor.u32 v20, v23;
	v16 =	vand.u32 $0xFFFFFFF8, v16;
	v22 =	vshll.u32 v29, $0x4;
	v13 =	vld.idx.msk [tilespmem:v13+s12+$0x0], $0xffff  }
0x5a3: {  	v21 =	vor.u32 v20, v21;
	v16 =	vor.u32 v20, v16;
	v22 =	vadd.s32 v55, v22;
	v24 =	vld.idx.msk [tilespmem:v15+s12+$0x0], $0xffff  }
0x5a4: {  	v26 =	vor.u32 $0x2, v5;
	v22 =	vand.u32 $0xFFFFFFF8, v22;
	[tilespmem:v25+s14+$0x0] =	vst.idx.add.f32.msk $0xffff, v2;
	v25 =	vshll.u32 v34, $0x4  }
0x5a5: {  	v22 =	vor.u32 v20, v22;
	v14 =	vshll.u32 v14, $0x4;
	v12 =	vld.idx.msk [tilespmem:v12+s12+$0x0], $0xffff;
	v25 =	vadd.s32 v17, v25  }
0x5a6: {  	v28 =	vmov s1;
	v29 =	vadd.s32 s1, v3;
	v19 =	vshll.u32 v19, $0x4;
	v31 =	vld.idx.msk [tilespmem:v9+s12+$0x0], $0xffff  }
0x5a7: {  	v29 =	vand.u32 $0xFFFFFFF8, v29;
	v28 =	vand.u32 $0x4, v28;
	v19 =	vadd.s32 v17, v19;
	v32 =	vld.idx.msk [tilespmem:v18+s12+$0x0], $0xffff  }
0x5a8: {  	v28 =	vor.u32 v28, v29;
	v19 =	vand.u32 $0xFFFFFFF8, v19;
	[tilespmem:v23+s14+$0x0] =	vst.idx.add.f32.msk $0xffff, v2;
	v23 =	vand.u32 $0xFFFFFFF8, v25  }
0x5a9: {  	v10 =	vshll.u32 v10, $0x4;
	v19 =	vor.u32 v20, v19;
	[tilespmem:v16+s14+$0x0] =	vst.idx.add.f32.msk $0xffff, v2;
	v16 =	vor.u32 v20, v23  }
0x5aa: {  	v14 =	vadd.s32 v17, v14;
	v10 =	vadd.s32 v57, v10;
	v24 =	vshll.u32 v24, $0x4;
	v23 =	vld.idx.msk [tilespmem:v27+s12+$0x0], $0xffff  }
0x5ab: {  	v14 =	vand.u32 $0xFFFFFFF8, v14;
	v24 =	vor.u32 v1, v24;
	v12 =	vshll.u32 v12, $0x4;
	[tilespmem:v22+s14+$0x0] =	vst.idx.add.f32.msk $0xffff, v2  }
0x5ac: {  	v14 =	vor.u32 v20, v14;
	v22 =	vor.u32 $0x1, v18;
	v12 =	vadd.s32 v17, v12;
	v25 =	vld.idx.msk [tilespmem:v26+s12+$0x0], $0xffff  }
0x5ad: {  	v29 =	vand.u32 $0xFFFFFFF8, v10;
	v26 =	vshll.u32 v32, $0x4;
	v10 =	vand.u32 $0xFFFFFFF8, v12;
	v30 =	vld.idx.msk [tilespmem:v30+s12+$0x0], $0xffff  }
0x5ae: {  	v12 =	vor.u32 v1, v26;
	v26 =	vshll.u32 v31, $0x4;
	v31 =	vor.u32 v20, v10;
	[tilespmem:v16+s14+$0x0] =	vst.idx.add.f32.msk $0xffff, v2  }
0x5af: {  	v29 =	vor.u32 v20, v29;
	v10 =	vor.u32 $0x3, v9;
	v16 =	vor.u32 v1, v26;
	[tilespmem:v19+s14+$0x0] =	vst.idx.add.f32.msk $0xffff, v2  }
0x5b0: {  	v19 =	vor.u32 $0x1, v15;
	v11 =	vld.idx.msk [tilespmem:v11+s12+$0x0], $0xffff  }
0x5b1: {  	v13 =	vshll.u32 v13, $0x4;
	v23 =	vshll.u32 v23, $0x4;
	[tilespmem:v14+s14+$0x0] =	vst.idx.add.f32.msk $0xffff, v2  }
0x5b2: {  	v13 =	vadd.s32 v55, v13;
	v14 =	vor.u32 v1, v23;
	[tilespmem:v21+s14+$0x0] =	vst.idx.add.f32.msk $0xffff, v2  }
0x5b3: {  	v13 =	vand.u32 $0xFFFFFFF8, v13;
	[tilespmem:v31+s14+$0x0] =	vst.idx.add.f32.msk $0xffff, v2  }
0x5b4: {  	v21 =	vor.u32 v20, v13;
	[tilespmem:v24+s14+$0x0] =	vst.idx.add.f32.msk $0xffff, v2  }
0x5b5: {  	v23 =	vor.u32 $0x2, v7;
	v13 =	vor.u32 $0x1, v28;
	v24 =	vshll.u32 v25, $0x4;
	v19 =	vld.idx.msk [tilespmem:v19+s12+$0x0], $0xffff  }
0x5b6: {  	v25 =	vshll.u32 v30, $0x4;
	v24 =	vadd.s32 v57, v24;
	v11 =	vshll.u32 v11, $0x4;
	v31 =	vld.idx.msk [tilespmem:v28+s12+$0x0], $0xffff  }
0x5b7: {  	v11 =	vadd.s32 v57, v11;
	[tilespmem:v14+s14+$0x0] =	vst.idx.add.f32.msk $0xffff, v2;
	v14 =	vand.u32 $0xFFFFFFF8, v24;
	v24 =	vadd.s32 v57, v25  }
0x5b8: {  	v30 =	vor.u32 $0x3, v6;
	v6 =	vmovc v18;
	v11 =	vand.u32 $0xFFFFFFF8, v11;
	[tilespmem:v12+s14+$0x0] =	vst.idx.add.f32.msk $0xffff, v2;
	v12 =	vand.u32 $0xFFFFFFF8, v24  }
.Ltmp2:
0x5b9: {  	v18 =	vor.u32 v20, v14;
	v26 =	vor.u32 v20, v11;
	v25 =	vld.idx.msk [tilespmem:v22+s12+$0x0], $0xffff;
	v24 =	vor.u32 v20, v12;
	(pc) =	sbr.rel @p0 .LBB2_7-.Ltmp2, $4  }
0x5ba: {  	v14 =	vor.u32 $0x3, v4;
	v4 =	vmov v15;
	[tilespmem:v21+s14+$0x0] =	vst.idx.add.f32.msk $0xffff, v2  }
0x5bb: {  	v12 =	vor.u32 $0x3, v7;
	v7 =	vmovc v28;
	v11 =	vshll.u32 v19, $0x4;
	v19 =	vor.u32 $0x3, v5;
	v5 =	vmovc v27;
	v22 =	vld.idx.msk [tilespmem:v23+s12+$0x0], $0xffff  }
0x5bc: {  	v27 =	vor.u32 $0x1, v9;
	v15 =	vshll.u32 v31, $0x4;
	v11 =	vadd.s32 v55, v11;
	[tilespmem:v29+s14+$0x0] =	vst.idx.add.f32.msk $0xffff, v2  }
0x5bd: {  	s3 =	smov.u32 s0;
	v15 =	vor.u32 v1, v15;
	v23 =	vand.u32 $0xFFFFFFF8, v11;
	v11 =	vor.u32 $0x2, v4;
	v21 =	vld.idx.msk [tilespmem:v30+s12+$0x0], $0xffff  }
0x5be: {  	_ =	sdelay $0x3  }
0x5bf: {  	v3 =	vor.u32 $0x1, v5;
	[tilespmem:v16+s14+$0x0] =	vst.idx.add.f32.msk $0xffff, v2  }
0x5c0: {  	[tilespmem:v15+s14+$0x0] =	vst.idx.add.f32.msk $0xffff, v2  }
0x5c1: {  	v16 =	vld.idx.msk [tilespmem:v27+s12+$0x0], $0xffff  }
0x5c2: {  	v25 =	vshll.u32 v25, $0x4;
	v13 =	vld.idx.msk [tilespmem:v13+s12+$0x0], $0xffff  }
0x5c3: {  	v23 =	vor.u32 v20, v23;
	v25 =	vadd.s32 v55, v25  }
0x5c4: {  	v25 =	vand.u32 $0xFFFFFFF8, v25;
	v3 =	vld.idx.msk [tilespmem:v3+s12+$0x0], $0xffff  }
0x5c5: {  	v15 =	vor.u32 v20, v25  }
0x5c6: {  	v31 =	vor.u32 $0x2, v6;
	v16 =	vshll.u32 v16, $0x4  }
0x5c7: {  	[tilespmem:v26+s14+$0x0] =	vst.idx.add.f32.msk $0xffff, v2;
	v13 =	vshll.u32 v13, $0x4;
	v16 =	vadd.s32 v55, v16  }
0x5c8: {  	[tilespmem:v23+s14+$0x0] =	vst.idx.add.f32.msk $0xffff, v2;
	v13 =	vadd.s32 v55, v13;
	v16 =	vand.u32 $0xFFFFFFF8, v16  }
0x5c9: {  	v11 =	vld.idx.msk [tilespmem:v11+s12+$0x0], $0xffff;
	v13 =	vand.u32 $0xFFFFFFF8, v13;
	v16 =	vor.u32 v20, v16;
	v3 =	vshll.u32 v3, $0x4  }
0x5ca: {  	[tilespmem:v15+s14+$0x0] =	vst.idx.add.f32.msk $0xffff, v2;
	v13 =	vor.u32 v20, v13;
	v3 =	vadd.s32 v55, v3  }
0x5cb: {  	v9 =	vor.u32 $0x2, v9;
	v15 =	vld.idx.msk [tilespmem:v31+s12+$0x0], $0xffff;
	v3 =	vand.u32 $0xFFFFFFF8, v3  }
0x5cc: {  	[tilespmem:v24+s14+$0x0] =	vst.idx.add.f32.msk $0xffff, v2;
	v3 =	vor.u32 v20, v3  }
0x5cd: {  	v32 =	vor.u32 $0x2, v5;
	[tilespmem:v18+s14+$0x0] =	vst.idx.add.f32.msk $0xffff, v2  }
0x5ce: {  	[tilespmem:v16+s14+$0x0] =	vst.idx.add.f32.msk $0xffff, v2;
	v16 =	vshll.u32 v22, $0x4;
	v22 =	vor.u32 $0x2, v7  }
0x5cf: {  	v11 =	vshll.u32 v11, $0x4;
	[tilespmem:v13+s14+$0x0] =	vst.idx.add.f32.msk $0xffff, v2  }
0x5d0: {  	v11 =	vadd.s32 v57, v11;
	v15 =	vshll.u32 v15, $0x4;
	v9 =	vld.idx.msk [tilespmem:v9+s12+$0x0], $0xffff  }
0x5d1: {  	v11 =	vand.u32 $0xFFFFFFF8, v11;
	v16 =	vadd.s32 v57, v16;
	v15 =	vadd.s32 v57, v15;
	[tilespmem:v3+s14+$0x0] =	vst.idx.add.f32.msk $0xffff, v2  }
0x5d2: {  	v11 =	vor.u32 v20, v11;
	v15 =	vand.u32 $0xFFFFFFF8, v15;
	v3 =	vand.u32 $0xFFFFFFF8, v16;
	v16 =	vld.idx.msk [tilespmem:v32+s12+$0x0], $0xffff  }
0x5d3: {  	v33 =	vor.u32 v20, v15;
	v3 =	vor.u32 v20, v3;
	v15 =	vld.idx.msk [tilespmem:v22+s12+$0x0], $0xffff  }
0x5d4: {  	v4 =	vor.u32 $0x3, v4;
	v8 =	vld.idx.msk [tilespmem:v8+s12+$0x0], $0xffff  }
0x5d5: {  	v18 =	vld.idx.msk [tilespmem:v19+s12+$0x0], $0xffff;
	v9 =	vshll.u32 v9, $0x4  }
0x5d6: {  	v34 =	vor.u32 $0x3, v6;
	v14 =	vld.idx.msk [tilespmem:v14+s12+$0x0], $0xffff;
	v9 =	vadd.s32 v57, v9  }
0x5d7: {  	[tilespmem:v11+s14+$0x0] =	vst.idx.add.f32.msk $0xffff, v2;
	v9 =	vand.u32 $0xFFFFFFF8, v9;
	v16 =	vshll.u32 v16, $0x4  }
0x5d8: {  	v9 =	vor.u32 v20, v9;
	[tilespmem:v3+s14+$0x0] =	vst.idx.add.f32.msk $0xffff, v2;
	v60 =	vshll.u32 v15, $0x4;
	v3 =	vadd.s32 v57, v16  }
0x5d9: {  	v4 =	vld.idx.msk [tilespmem:v4+s12+$0x0], $0xffff;
	v13 =	vadd.s32 v57, v60;
	v3 =	vand.u32 $0xFFFFFFF8, v3  }
0x5da: {  	[tilespmem:v33+s14+$0x0] =	vst.idx.add.f32.msk $0xffff, v2;
	v25 =	vand.u32 $0xFFFFFFF8, v13;
	v3 =	vor.u32 v20, v3  }
0x5db: {  	v6 =	vld.idx.msk [tilespmem:v34+s12+$0x0], $0xffff;
	v27 =	vor.u32 v20, v25  }
0x5dc: {  	v24 =	vor.u32 $0x3, v5;
	v30 =	vor.u32 $0x3, v7;
	v29 =	vshll.u32 v18, $0x4;
	v12 =	vld.idx.msk [tilespmem:v12+s12+$0x0], $0xffff  }
0x5dd: {  	v8 =	vshll.u32 v8, $0x4;
	v31 =	vshll.u32 v14, $0x4;
	v15 =	vshll.u32 v21, $0x4;
	[tilespmem:v9+s14+$0x0] =	vst.idx.add.f32.msk $0xffff, v2  }
0x5de: {  	v26 =	vadd.s32 v17, v15;
	v4 =	vshll.u32 v4, $0x4;
	v13 =	vadd.s32 v17, v29;
	v10 =	vld.idx.msk [tilespmem:v10+s12+$0x0], $0xffff  }
0x5df: {  	v28 =	vand.u32 $0xFFFFFFF8, v26;
	v4 =	vadd.s32 v17, v4;
	v13 =	vand.u32 $0xFFFFFFF8, v13;
	[tilespmem:v3+s14+$0x0] =	vst.idx.add.f32.msk $0xffff, v2  }
0x5e0: {  	v11 =	vor.u32 v20, v28;
	v4 =	vand.u32 $0xFFFFFFF8, v4;
	v32 =	vor.u32 v20, v13;
	[tilespmem:v27+s14+$0x0] =	vst.idx.add.f32.msk $0xffff, v2  }
0x5e1: {  	v6 =	vshll.u32 v6, $0x4;
	v4 =	vor.u32 v20, v4;
	v3 =	vadd.s32 v17, v8;
	v5 =	vld.idx.msk [tilespmem:v24+s12+$0x0], $0xffff  }
0x5e2: {  	v6 =	vadd.s32 v17, v6;
	v12 =	vshll.u32 v12, $0x4;
	v3 =	vand.u32 $0xFFFFFFF8, v3;
	v7 =	vld.idx.msk [tilespmem:v30+s12+$0x0], $0xffff  }
0x5e3: {  	v6 =	vand.u32 $0xFFFFFFF8, v6;
	v12 =	vadd.s32 v17, v12;
	v3 =	vor.u32 v20, v3  }
0x5e4: {  	v6 =	vor.u32 v20, v6;
	v8 =	vadd.s32 v17, v31;
	v12 =	vand.u32 $0xFFFFFFF8, v12  }
0x5e5: {  	v8 =	vand.u32 $0xFFFFFFF8, v8;
	v12 =	vor.u32 v20, v12;
	v10 =	vshll.u32 v10, $0x4  }
0x5e6: {  	[tilespmem:v11+s14+$0x0] =	vst.idx.add.f32.msk $0xffff, v2;
	v8 =	vor.u32 v20, v8;
	v10 =	vadd.s32 v17, v10;
	v5 =	vshll.u32 v5, $0x4  }
0x5e7: {  	[tilespmem:v32+s14+$0x0] =	vst.idx.add.f32.msk $0xffff, v2;
	v10 =	vand.u32 $0xFFFFFFF8, v10;
	v7 =	vshll.u32 v7, $0x4;
	v5 =	vadd.s32 v17, v5  }
0x5e8: {  	v33 =	vor.u32 v20, v10;
	[tilespmem:v3+s14+$0x0] =	vst.idx.add.f32.msk $0xffff, v2;
	v7 =	vadd.s32 v17, v7;
	v3 =	vand.u32 $0xFFFFFFF8, v5  }
0x5e9: {  	[tilespmem:v4+s14+$0x0] =	vst.idx.add.f32.msk $0xffff, v2;
	v7 =	vand.u32 $0xFFFFFFF8, v7;
	v3 =	vor.u32 v20, v3  }
0x5ea: {  	[tilespmem:v6+s14+$0x0] =	vst.idx.add.f32.msk $0xffff, v2;
	v7 =	vor.u32 v20, v7  }
0x5eb: {  	[tilespmem:v12+s14+$0x0] =	vst.idx.add.f32.msk $0xffff, v2  }
0x5ec: {  	[tilespmem:v8+s14+$0x0] =	vst.idx.add.f32.msk $0xffff, v2  }
0x5ed: {  	[tilespmem:v33+s14+$0x0] =	vst.idx.add.f32.msk $0xffff, v2  }
0x5ee: {  	[tilespmem:v3+s14+$0x0] =	vst.idx.add.f32.msk $0xffff, v2  }
0x5ef: {  	[tilespmem:v7+s14+$0x0] =	vst.idx.add.f32.msk $0xffff, v2  }
0x5f0: {  	v3 =	vld [tilespmem:$0xD000]  }
0x5f1: {  	v4 =	vld [tilespmem:$0xD0A0]  }
0x5f2: {  	v5 =	vld [tilespmem:$0xD140]  }
0x5f3: {  	v6 =	vld [tilespmem:$0xD1E0]  }
0x5f4: {  	v7 =	vld [tilespmem:$0xD010]  }
0x5f5: {  	v8 =	vld [tilespmem:$0xD0B0]  }
0x5f6: {  	v9 =	vld [tilespmem:$0xD150]  }
0x5f7: {  	v10 =	vld [tilespmem:$0xD1F0]  }
0x5f8: {  	v11 =	vld [tilespmem:$0xD020]  }
0x5f9: {  	v12 =	vld [tilespmem:$0xD0C0]  }
0x5fa: {  	v34 =	vld [tilespmem:$0xD160]  }
0x5fb: {  	v60 =	vld [tilespmem:$0xD200]  }
0x5fc: {  	v15 =	vld [tilespmem:$0xD030]  }
0x5fd: {  	v16 =	vld [tilespmem:$0xD0D0]  }
0x5fe: {  	v18 =	vld [tilespmem:$0xD170]  }
0x5ff: {  	v19 =	vld [tilespmem:$0xD210]  }
0x600: {  	v21 =	vld [tilespmem:$0xD040]  }
0x601: {  	v22 =	vld [tilespmem:$0xD0E0]  }
0x602: {  	v23 =	vld [tilespmem:$0xD180]  }
0x603: {  	v25 =	vld [tilespmem:$0xD050]  }
0x604: {  	v26 =	vld [tilespmem:$0xD0F0]  }
0x605: {  	v27 =	vld [tilespmem:$0xD190]  }
0x606: {  	v28 =	vld [tilespmem:$0xD060];
	v3 =	vadd.f32 v4, v3  }
0x607: {  	v32 =	vld [tilespmem:$0xD070];
	v7 =	vadd.f32 v8, v7;
	v29 =	vadd.f32 v12, v11  }
0x608: {  	v31 =	vadd.f32 v16, v15;
	v33 =	vadd.f32 v22, v21;
	v15 =	vld [tilespmem:$0xD110]  }
0x609: {  	v4 =	vld [tilespmem:$0xD230];
	v16 =	vadd.f32 v26, v25;
	v3 =	vadd.f32 v5, v3  }
0x60a: {  	v5 =	vld [tilespmem:$0xD100];
	v7 =	vadd.f32 v9, v7;
	v9 =	vadd.f32 v18, v31  }
0x60b: {  	v8 =	vld [tilespmem:$0xD1A0];
	v13 =	vadd.f32 v23, v33;
	v16 =	vadd.f32 v27, v16  }
0x60c: {  	v25 =	vld [tilespmem:$0xD130];
	v3 =	vadd.f32 v6, v3;
	v7 =	vadd.f32 v10, v7  }
0x60d: {  	v6 =	vadd.f32 v34, v29;
	v12 =	vadd.f32 v15, v32;
	v15 =	vld [tilespmem:$0xD090]  }
0x60e: {  	v4 =	vadd.f32 v4, v16;
	v21 =	vmul.f32 v3, v35;
	v22 =	vmul.f32 v7, v36  }
0x60f: {  	v24 =	vld [tilespmem:$0xD220];
	v6 =	vadd.f32 v60, v6;
	v5 =	vadd.f32 v5, v28  }
0x610: {  	v23 =	vmul.f32 v7, v53;
	v16 =	vadd.f32 v22, v21;
	v22 =	vmul.f32 v3, v45  }
0x611: {  	v9 =	vadd.f32 v19, v9;
	v5 =	vadd.f32 v8, v5  }
0x612: {  	v8 =	vadd.f32 v25, v15;
	v15 =	vadd.f32 v23, v22;
	v22 =	vmul.f32 v6, v46  }
0x613: {  	v18 =	vld [tilespmem:$0xD080]  }
0x614: {  	v13 =	vadd.f32 v24, v13;
	v19 =	vld [tilespmem:$0xD120];
	v29 =	vadd.f32 v22, v15;
	v15 =	vmul.f32 v9, v47  }
0x615: {  	v34 =	vld [tilespmem:$0xD1B0]  }
0x616: {  	v26 =	vld [tilespmem:$0xD1C0];
	v11 =	vadd.f32 v15, v29;
	v15 =	vmul.f32 v13, v48  }
0x617: {  	v21 =	vmul.f32 v6, v37  }
0x618: {  	v30 =	vld [tilespmem:$0xD240];
	v11 =	vadd.f32 v15, v11;
	v15 =	vmul.f32 v4, v49  }
0x619: {  	v18 =	vadd.f32 v19, v18;
	v16 =	vadd.f32 v21, v16;
	v21 =	vmul.f32 v9, v38  }
0x61a: {  	v10 =	vadd.f32 v34, v12;
	v11 =	vadd.f32 v15, v11;
	v15 =	vld [tilespmem:$0x1FDD0]  }
0x61b: {  	v12 =	vadd.f32 v26, v18;
	v18 =	vmul.f32 v13, v39;
	v16 =	vadd.f32 v21, v16;
	_ =	sdelay $0x1  }
0x61c: {  	v5 =	vadd.f32 v30, v5;
	v30 =	vadd.f32 v18, v16;
	v16 =	vmul.f32 v4, v40;
	_ =	sdelay $0x1  }
0x61d: {  	v14 =	vadd.f32 v16, v30;
	v16 =	vmul.f32 v3, v56;
	v3 =	vmul.f32 v3, v15;
	v15 =	vld [tilespmem:$0x1FDE0]  }
0x61e: {  	v18 =	vmul.f32 v7, v58;
	_ =	sdelay $0x1  }
0x61f: {  	v16 =	vadd.f32 v18, v16;
	v18 =	vmul.f32 v6, v61;
	_ =	sdelay $0x1  }
0x620: {  	v7 =	vmul.f32 v7, v15;
	v15 =	vadd.f32 v18, v16;
	v16 =	vmul.f32 v9, v62  }
0x621: {  	v27 =	vld [tilespmem:$0xD1D0]  }
0x622: {  	v60 =	vld [tilespmem:$0xD250];
	v15 =	vadd.f32 v16, v15;
	v16 =	vmul.f32 v13, v63  }
0x623: {  	v19 =	vld [tilespmem:$0xD270]  }
0x624: {  	v34 =	vadd.f32 v16, v15;
	v15 =	vld [tilespmem:$0x1FD80]  }
0x625: {  	v31 =	vld [tilespmem:$0x1FDF0]  }
0x626: {  	v28 =	vld [tilespmem:$0xD260]  }
0x627: {  	v8 =	vadd.f32 v27, v8;
	v18 =	vld [tilespmem:$0x1FE00]  }
0x628: {  	v10 =	vadd.f32 v60, v10;
	v26 =	vld [tilespmem:$0x1FD90];
	v21 =	vmul.f32 v5, v50  }
0x629: {  	v60 =	vld [tilespmem:$0x1FE10];
	v8 =	vadd.f32 v19, v8;
	v19 =	vmul.f32 v5, v41;
	v15 =	vmul.f32 v4, v15  }
0x62a: {  	v32 =	vmul.f32 v10, v42;
	v29 =	vld [tilespmem:$0x1FDA0];
	v6 =	vmul.f32 v6, v31;
	v3 =	vadd.f32 v7, v3  }
0x62b: {  	v33 =	vmul.f32 v10, v51;
	v14 =	vadd.f32 v19, v14;
	v25 =	vadd.f32 v15, v34;
	v15 =	vld [tilespmem:$0x1FE40]  }
0x62c: {  	v30 =	vld [tilespmem:$0x1FE70];
	v11 =	vadd.f32 v21, v11;
	v3 =	vadd.f32 v6, v3;
	v9 =	vmul.f32 v9, v18  }
0x62d: {  	v12 =	vadd.f32 v28, v12;
	v7 =	vadd.f32 v32, v14;
	v14 =	vmul.f32 v5, v26;
	v26 =	vld [tilespmem:$0x1FE30]  }
0x62e: {  	v6 =	vadd.f32 v33, v11;
	v33 =	vld [tilespmem:$0x1FDB0];
	v3 =	vadd.f32 v9, v3;
	v9 =	vmul.f32 v13, v60  }
0x62f: {  	v24 =	vmul.f32 v12, v43;
	v60 =	vld [tilespmem:$0x1FEA0]  }
0x630: {  	v3 =	vadd.f32 v9, v3;
	v28 =	vadd.f32 v14, v25;
	v14 =	vld [tilespmem:$0x1FDC0];
	v4 =	vmul.f32 v4, v15  }
0x631: {  	v27 =	vmul.f32 v12, v52;
	v7 =	vadd.f32 v24, v7;
	v24 =	vld [tilespmem:$0x1FED0];
	v13 =	vmul.f32 v10, v29  }
0x632: {  	v31 =	vmul.f32 v8, v44;
	v25 =	vld [tilespmem:$0x1FE20];
	v3 =	vadd.f32 v4, v3;
	v4 =	vmul.f32 v5, v30  }
0x633: {  	v6 =	vadd.f32 v27, v6;
	v27 =	vld [tilespmem:$0x1FF00];
	v11 =	vmul.f32 v12, v33;
	v32 =	vadd.f32 v13, v28  }
0x634: {  	v34 =	vmul.f32 v8, v54;
	v10 =	vmul.f32 v10, v60;
	v28 =	vld [tilespmem:$0x1FE50];
	v3 =	vadd.f32 v4, v3  }
0x635: {  	v13 =	vadd.f32 v11, v32;
	v5 =	vadd.f32 v31, v7;
	v9 =	vmul.f32 v8, v14  }
0x636: {  	v4 =	vadd.f32 v34, v6;
	v6 =	vmul.f32 v12, v24;
	v3 =	vadd.f32 v10, v3  }
0x637: {  	v30 =	vld [tilespmem:$0x1FE60];
	v5 =	vadd.f32 v5, v25;
	v7 =	vadd.f32 v9, v13  }
0x638: {  	v4 =	vadd.f32 v4, v26;
	v3 =	vadd.f32 v6, v3;
	v6 =	vmul.f32 v8, v27  }
0x639: {  	v7 =	vadd.f32 v7, v28  }
0x63a: {  	v29 =	vadd.f32 v4, v5;
	v3 =	vadd.f32 v6, v3;
	_ =	sdelay $0x1  }
0x63b: {  	v6 =	vadd.f32 v29, v7;
	v3 =	vadd.f32 v3, v30;
	_ =	sdelay $0x1  }
0x63c: {  	v6 =	vadd.f32 v6, v3;
	_ =	sdelay $0x1  }
0x63d: {  	v6 =	vmul.f32 $2.500000000e-01, v6;
	_ =	sdelay $0x1  }
0x63e: {  	v5 =	vsub.f32 v5, v6;
	v4 =	vsub.f32 v4, v6;
	_ =	sdelay $0x1  }
0x63f: {  	v7 =	vsub.f32 v7, v6;
	v31 =	vmul.f32 v5, v5;
	v32 =	vmul.f32 v4, v4;
	_ =	sdelay $0x1  }
0x640: {  	v3 =	vsub.f32 v3, v6;
	v34 =	vmul.f32 v7, v7;
	v33 =	vadd.f32 v32, v31;
	_ =	sdelay $0x1  }
0x641: {  	v60 =	vmul.f32 v3, v3;
	v6 =	vadd.f32 v33, v34;
	_ =	sdelay $0x1  }
0x642: {  	v6 =	vadd.f32 v6, v60;
	_ =	sdelay $0x1  }
0x643: {  	v6 =	vmul.f32 $2.500000000e-01, v6;
	_ =	sdelay $0x1  }
0x644: {  	v6 =	vadd.f32 $9.999999740e-06, v6;
	_ =	sdelay $0x1  }
0x645: {  	v12 =	vshra.s32 v6, $0x1;
	v6 =	vmul.f32 $5.000000000e-01, v6  }
0x646: {  	v8 =	vsub.s32 $0x5F3759DF, v12  }
0x647: {  	v13 =	vmul.f32 v8, v6;
	_ =	sdelay $0x1  }
0x648: {  	v9 =	vmul.f32 v8, v13;
	_ =	sdelay $0x1  }
0x649: {  	v9 =	vsub.f32 $1.500000000e+00, v9;
	_ =	sdelay $0x1  }
0x64a: {  	v8 =	vmul.f32 v8, v9;
	_ =	sdelay $0x1  }
0x64b: {  	v9 =	vmul.f32 v8, v6;
	_ =	sdelay $0x1  }
0x64c: {  	v9 =	vmul.f32 v9, v8;
	_ =	sdelay $0x1  }
0x64d: {  	v9 =	vsub.f32 $1.500000000e+00, v9;
	_ =	sdelay $0x1  }
0x64e: {  	v8 =	vmul.f32 v9, v8;
	_ =	sdelay $0x1  }
0x64f: {  	v6 =	vmul.f32 v8, v6;
	_ =	sdelay $0x1  }
0x650: {  	v6 =	vmul.f32 v6, v8  }
0x651: {  	v24 =	vld [tilespmem:$0x1FE80]  }
0x652: {  	v25 =	vld [tilespmem:$0x1FEB0];
	v6 =	vsub.f32 $1.500000000e+00, v6  }
0x653: {  	v27 =	vld [tilespmem:$0x1FEE0]  }
0x654: {  	s0 =	sor.u32 $0x80, s20;
	v29 =	vld [tilespmem:$0x1FF10];
	v6 =	vmul.f32 v6, v8  }
0x655: {  	v14 =	vmov s0;
	v30 =	vld [tilespmem:$0x1FE90];
	v60 =	vmul.u32 $0x4, v1  }
0x656: {  	v32 =	vld [tilespmem:$0x1FEC0];
	v8 =	vshll.u32 v14, $0x2;
	v9 =	vmul.f32 v6, v24  }
0x657: {  	v33 =	vld [tilespmem:$0x1FEF0];
	v8 =	vor.u32 v60, v8;
	v10 =	vmul.f32 v6, v25  }
0x658: {  	v34 =	vld [tilespmem:$0x1FF20];
	v26 =	vor.u32 $0x1, v8;
	v11 =	vmul.f32 v6, v27;
	v5 =	vmul.f32 v9, v5  }
0x659: {  	s19 =	sadd.s32 $0x1, s19;
	v28 =	vor.u32 $0x2, v8;
	v6 =	vmul.f32 v6, v29;
	v4 =	vmul.f32 v10, v4  }
0x65a: {  	p0 =	sne.s32 s19, $0x8;
	v31 =	vor.u32 $0x3, v8;
	v7 =	vmul.f32 v11, v7;
	v5 =	vadd.f32 v5, v30  }
.Ltmp3:
0x65b: {  	v3 =	vmul.f32 v6, v3;
	v4 =	vadd.f32 v4, v32;
	(pc) =	sbr.rel @p0 .LBB2_6-.Ltmp3, $4  }
0x65c: {  	[tilespmem:v8+s8+$0x0] =	vst.idx.msk $0xffff, v5;
	v5 =	vadd.f32 v7, v33  }
0x65d: {  	v3 =	vadd.f32 v3, v34;
	[tilespmem:v26+s8+$0x0] =	vst.idx.msk $0xffff, v4  }
0x65e: {  	[tilespmem:v28+s8+$0x0] =	vst.idx.msk $0xffff, v5  }
0x65f: {  	[tilespmem:v31+s8+$0x0] =	vst.idx.msk $0xffff, v3  }
0x660: {  	s18 =	simm.s32 $0x0;
	s0 =	rddreg [dreg:$0x7]  }
0x661: {  	[tilespmem:s12], [sflag:$0x2] =	stream.linear.gather [hbm4b:s0+s18], $0x6400, $0x38;
	[tilespmem:$0xD300] =	vst v63  }
0x662: {  	_ =	swait.ge [sflag:s6], $0x6400  }
0x663: {  	[sflag:s6] =	ssyncset.done $0x0  }
0x664: {  	s19 =	simm.s32 $0x0;
	[sflag:s6] =	ssyncadd.s32 $0xFFFF9C00  }
.LBB2_10:
0x665: {  	[tilespmem:$0xD000] =	vst v0  }
0x666: {  	[tilespmem:$0xD010] =	vst v0  }
0x667: {  	[tilespmem:$0xD020] =	vst v0  }
0x668: {  	[tilespmem:$0xD030] =	vst v0  }
0x669: {  	[tilespmem:$0xD040] =	vst v0  }
0x66a: {  	[tilespmem:$0xD050] =	vst v0  }
0x66b: {  	[tilespmem:$0xD060] =	vst v0  }
0x66c: {  	[tilespmem:$0xD070] =	vst v0  }
0x66d: {  	[tilespmem:$0xD080] =	vst v0  }
0x66e: {  	[tilespmem:$0xD090] =	vst v0  }
0x66f: {  	[tilespmem:$0xD0A0] =	vst v0  }
0x670: {  	[tilespmem:$0xD0B0] =	vst v0  }
0x671: {  	[tilespmem:$0xD0C0] =	vst v0  }
0x672: {  	[tilespmem:$0xD0D0] =	vst v0  }
0x673: {  	[tilespmem:$0xD0E0] =	vst v0  }
0x674: {  	[tilespmem:$0xD0F0] =	vst v0  }
0x675: {  	[tilespmem:$0xD100] =	vst v0  }
0x676: {  	[tilespmem:$0xD110] =	vst v0  }
0x677: {  	[tilespmem:$0xD120] =	vst v0  }
0x678: {  	[tilespmem:$0xD130] =	vst v0  }
0x679: {  	[tilespmem:$0xD140] =	vst v0  }
0x67a: {  	[tilespmem:$0xD150] =	vst v0  }
0x67b: {  	[tilespmem:$0xD160] =	vst v0  }
0x67c: {  	[tilespmem:$0xD170] =	vst v0  }
0x67d: {  	[tilespmem:$0xD180] =	vst v0  }
0x67e: {  	[tilespmem:$0xD190] =	vst v0  }
0x67f: {  	[tilespmem:$0xD1A0] =	vst v0;
	s20 =	sshll.u32 s19, $0x4  }
0x680: {  	[tilespmem:$0xD1B0] =	vst v0;
	v3 =	vmov s20  }
0x681: {  	[tilespmem:$0xD1C0] =	vst v0;
	v3 =	vmul.u32 $0xC8, v3  }
0x682: {  	[tilespmem:$0xD1D0] =	vst v0  }
0x683: {  	[tilespmem:$0xD1E0] =	vst v0;
	v3 =	vbroadcast v3, $0x0  }
0x684: {  	[tilespmem:$0xD1F0] =	vst v0  }
0x685: {  	[tilespmem:$0xD200] =	vst v0;
	s0 =	simm.s32 $0x10;
	v3 =	vadd.s32 v59, v3  }
0x686: {  	[tilespmem:$0xD210] =	vst v0;
	v4 =	vmov s0;
	v5 =	vadd.s32 s0, v3  }
0x687: {  	[tilespmem:$0xD220] =	vst v0;
	v4 =	vand.u32 $0x4, v4;
	v5 =	vand.u32 $0xFFFFFFF8, v5  }
0x688: {  	[tilespmem:$0xD230] =	vst v0;
	s25 =	simm.s32 $0x4;
	v11 =	vor.u32 v4, v5  }
0x689: {  	[tilespmem:$0xD240] =	vst v0;
	v4 =	vmov s25;
	v5 =	vadd.s32 s25, v3  }
0x68a: {  	[tilespmem:$0xD250] =	vst v0;
	v4 =	vand.u32 $0x4, v4;
	v5 =	vand.u32 $0xFFFFFFF8, v5  }
0x68b: {  	[tilespmem:$0xD260] =	vst v0;
	v12 =	vor.u32 v4, v5  }
0x68c: {  	[tilespmem:$0xD270] =	vst v0  }
0x68d: {  	s1 =	simm.s32 $0xC;
	v4 =	vld.idx.msk [tilespmem:v11+s2+$0x0], $0xffff  }
0x68e: {  	v6 =	vmov s1;
	v7 =	vadd.s32 s1, v3  }
0x68f: {  	s26 =	simm.s32 $0x8;
	v6 =	vand.u32 $0x4, v6;
	v7 =	vand.u32 $0xFFFFFFF8, v7  }
0x690: {  	v8 =	vmov s26;
	v7 =	vor.u32 v6, v7;
	v5 =	vadd.s32 s26, v3;
	v9 =	vld.idx.msk [tilespmem:v12+s2+$0x0], $0xffff  }
0x691: {  	v8 =	vand.u32 $0x4, v8;
	v5 =	vand.u32 $0xFFFFFFF8, v5  }
0x692: {  	v15 =	vor.u32 v8, v5;
	v4 =	vshll.u32 v4, $0x4  }
0x693: {  	v6 =	vadd.s32 s18, v3;
	v5 =	vmov s18;
	v4 =	vor.u32 v1, v4  }
0x694: {  	v6 =	vand.u32 $0xFFFFFFF8, v6;
	v8 =	vor.u32 $0x1, v11;
	v5 =	vand.u32 $0x4, v5  }
0x695: {  	v19 =	vor.u32 v5, v6;
	v6 =	vld.idx.msk [tilespmem:v7+s2+$0x0], $0xffff;
	v5 =	vshll.u32 v9, $0x4  }
0x696: {  	v5 =	vor.u32 v1, v5  }
0x697: {  	v10 =	vor.u32 $0x1, v12;
	v9 =	vld.idx.msk [tilespmem:v15+s2+$0x0], $0xffff  }
0x698: {  	[tilespmem:v4+s14+$0x0] =	vst.idx.add.f32.msk $0xffff, v2  }
0x699: {  	v4 =	vld.idx.msk [tilespmem:v8+s2+$0x0], $0xffff  }
0x69a: {  	v6 =	vshll.u32 v6, $0x4;
	v8 =	vld.idx.msk [tilespmem:v19+s2+$0x0], $0xffff  }
0x69b: {  	s29 =	simm.s32 $0x1C;
	v6 =	vor.u32 v1, v6;
	[tilespmem:v5+s14+$0x0] =	vst.idx.add.f32.msk $0xffff, v2  }
0x69c: {  	v22 =	vmov s29;
	v13 =	vor.u32 $0x1, v7;
	v5 =	vshll.u32 v9, $0x4;
	v9 =	vld.idx.msk [tilespmem:v10+s2+$0x0], $0xffff  }
0x69d: {  	s30 =	simm.s32 $0x20;
	s3 =	simm.s32 $0x24;
	v22 =	vand.u32 $0x4, v22;
	v21 =	vadd.s32 s29, v3;
	v5 =	vor.u32 v1, v5  }
0x69e: {  	v24 =	vadd.s32 s3, v3;
	v25 =	vadd.s32 s30, v3;
	v14 =	vor.u32 $0x1, v15  }
0x69f: {  	v24 =	vand.u32 $0xFFFFFFF8, v24;
	v21 =	vand.u32 $0xFFFFFFF8, v21;
	v4 =	vshll.u32 v4, $0x4  }
0x6a0: {  	v18 =	vor.u32 $0x2, v12;
	[tilespmem:v6+s14+$0x0] =	vst.idx.add.f32.msk $0xffff, v2;
	v8 =	vshll.u32 v8, $0x4;
	v4 =	vadd.s32 v55, v4  }
0x6a1: {  	v13 =	vld.idx.msk [tilespmem:v13+s2+$0x0], $0xffff;
	v8 =	vor.u32 v1, v8;
	v16 =	vand.u32 $0xFFFFFFF8, v4;
	v4 =	vshll.u32 v9, $0x4  }
0x6a2: {  	v6 =	vmov s30;
	v10 =	vor.u32 $0x1, v19;
	[tilespmem:v5+s14+$0x0] =	vst.idx.add.f32.msk $0xffff, v2;
	v4 =	vadd.s32 v55, v4  }
0x6a3: {  	s28 =	simm.s32 $0x18;
	v6 =	vand.u32 $0x4, v6;
	v14 =	vld.idx.msk [tilespmem:v14+s2+$0x0], $0xffff;
	v16 =	vor.u32 v20, v16;
	v4 =	vand.u32 $0xFFFFFFF8, v4  }
0x6a4: {  	v5 =	vmov s28;
	v23 =	vor.u32 v20, v4;
	v4 =	vmov s3  }
0x6a5: {  	v9 =	vadd.s32 s28, v3;
	v5 =	vand.u32 $0x4, v5;
	v4 =	vand.u32 $0x4, v4  }
0x6a6: {  	[tilespmem:v8+s14+$0x0] =	vst.idx.add.f32.msk $0xffff, v2;
	v8 =	vand.u32 $0xFFFFFFF8, v9;
	v4 =	vor.u32 v4, v24;
	v24 =	vand.u32 $0xFFFFFFF8, v25  }
0x6a7: {  	v10 =	vld.idx.msk [tilespmem:v10+s2+$0x0], $0xffff;
	v9 =	vor.u32 v6, v24;
	v6 =	vor.u32 v5, v8;
	v8 =	vshll.u32 v13, $0x4  }
0x6a8: {  	v5 =	vor.u32 v22, v21;
	v14 =	vshll.u32 v14, $0x4;
	[tilespmem:v16+s14+$0x0] =	vst.idx.add.f32.msk $0xffff, v2;
	v8 =	vadd.s32 v55, v8  }
0x6a9: {  	v14 =	vadd.s32 v55, v14;
	[tilespmem:v23+s14+$0x0] =	vst.idx.add.f32.msk $0xffff, v2;
	v8 =	vand.u32 $0xFFFFFFF8, v8  }
0x6aa: {  	v13 =	vld.idx.msk [tilespmem:v18+s2+$0x0], $0xffff;
	v21 =	vor.u32 v20, v8;
	v8 =	vand.u32 $0xFFFFFFF8, v14  }
0x6ab: {  	v18 =	vld.idx.msk [tilespmem:v4+s2+$0x0], $0xffff;
	v14 =	vor.u32 v20, v8  }
0x6ac: {  	v23 =	vor.u32 $0x2, v15;
	v24 =	vld.idx.msk [tilespmem:v6+s2+$0x0], $0xffff  }
0x6ad: {  	s31 =	simm.s32 $0x14;
	v27 =	vor.u32 $0x2, v11;
	v25 =	vor.u32 $0x2, v7;
	v26 =	vld.idx.msk [tilespmem:v5+s2+$0x0], $0xffff  }
0x6ae: {  	v16 =	vmov s31;
	v8 =	vor.u32 $0x3, v7;
	v7 =	vadd.s32 s31, v3;
	v22 =	vld.idx.msk [tilespmem:v9+s2+$0x0], $0xffff  }
0x6af: {  	v16 =	vand.u32 $0x4, v16;
	v7 =	vand.u32 $0xFFFFFFF8, v7;
	[tilespmem:v21+s14+$0x0] =	vst.idx.add.f32.msk $0xffff, v2  }
0x6b0: {  	v31 =	vor.u32 $0x3, v12;
	v7 =	vor.u32 v16, v7;
	v18 =	vshll.u32 v18, $0x4;
	[tilespmem:v14+s14+$0x0] =	vst.idx.add.f32.msk $0xffff, v2  }
0x6b1: {  	v29 =	vor.u32 $0x2, v19;
	v13 =	vshll.u32 v13, $0x4;
	v18 =	vor.u32 v1, v18;
	v14 =	vld.idx.msk [tilespmem:v23+s2+$0x0], $0xffff  }
0x6b2: {  	v21 =	vor.u32 $0x1, v4;
	v16 =	vshll.u32 v24, $0x4;
	v24 =	vld.idx.msk [tilespmem:v25+s2+$0x0], $0xffff;
	v25 =	vshll.u32 v26, $0x4  }
0x6b3: {  	v10 =	vshll.u32 v10, $0x4;
	v13 =	vadd.s32 v57, v13;
	v26 =	vld.idx.msk [tilespmem:v27+s2+$0x0], $0xffff;
	v25 =	vor.u32 v1, v25  }
0x6b4: {  	v23 =	vor.u32 $0x1, v6;
	v13 =	vand.u32 $0xFFFFFFF8, v13;
	v27 =	vor.u32 v1, v16  }
0x6b5: {  	v16 =	vshll.u32 v22, $0x4;
	v22 =	vadd.s32 v55, v10;
	v28 =	vor.u32 v20, v13;
	v30 =	vld.idx.msk [tilespmem:v7+s2+$0x0], $0xffff  }
0x6b6: {  	v10 =	vor.u32 $0x3, v9;
	v13 =	vor.u32 $0x1, v7;
	v22 =	vand.u32 $0xFFFFFFF8, v22;
	[tilespmem:v18+s14+$0x0] =	vst.idx.add.f32.msk $0xffff, v2  }
0x6b7: {  	v16 =	vor.u32 v1, v16;
	v22 =	vor.u32 v20, v22;
	v14 =	vshll.u32 v14, $0x4;
	v21 =	vld.idx.msk [tilespmem:v21+s2+$0x0], $0xffff  }
0x6b8: {  	v18 =	vshll.u32 v24, $0x4;
	v24 =	vshll.u32 v26, $0x4;
	v14 =	vadd.s32 v57, v14;
	[tilespmem:v25+s14+$0x0] =	vst.idx.add.f32.msk $0xffff, v2  }
0x6b9: {  	v18 =	vadd.s32 v57, v18;
	v24 =	vadd.s32 v57, v24;
	[tilespmem:v27+s14+$0x0] =	vst.idx.add.f32.msk $0xffff, v2;
	v27 =	vor.u32 $0x1, v9  }
0x6ba: {  	[tilespmem:v28+s14+$0x0] =	vst.idx.add.f32.msk $0xffff, v2;
	v14 =	vand.u32 $0xFFFFFFF8, v14;
	v12 =	vand.u32 $0xFFFFFFF8, v18;
	v26 =	vand.u32 $0xFFFFFFF8, v24  }
0x6bb: {  	v25 =	vld.idx.msk [tilespmem:v23+s2+$0x0], $0xffff;
	v18 =	vor.u32 v20, v14;
	v24 =	vor.u32 v20, v12;
	v26 =	vor.u32 v20, v26  }
0x6bc: {  	[tilespmem:v22+s14+$0x0] =	vst.idx.add.f32.msk $0xffff, v2;
	v14 =	vor.u32 $0x3, v11;
	v12 =	vor.u32 $0x3, v19;
	v11 =	vshll.u32 v21, $0x4  }
0x6bd: {  	v19 =	vor.u32 $0x3, v15;
	v15 =	vshll.u32 v30, $0x4;
	v22 =	vld.idx.msk [tilespmem:v29+s2+$0x0], $0xffff;
	v11 =	vadd.s32 v55, v11  }
0x6be: {  	s3 =	simm.s32 $0x28;
	v15 =	vor.u32 v1, v15;
	v21 =	vld.idx.msk [tilespmem:v31+s2+$0x0], $0xffff;
	v23 =	vand.u32 $0xFFFFFFF8, v11;
	v11 =	vor.u32 $0x2, v4  }
.LBB2_11:
0x6bf: {  	s4 =	sadd.s32 $0x4, s3  }
0x6c0: {  	s5 =	sadd.s32 $0x8, s3;
	v28 =	vor.u32 $0x2, v6;
	v29 =	vor.u32 $0x1, v5;
	v30 =	vor.u32 $0x2, v9;
	[tilespmem:v26+s14+$0x0] =	vst.idx.add.f32.msk $0xffff, v2;
	s1 =	smov.u32 s3;
	s0 =	sadd.s32 $0x14, s3  }
0x6c1: {  	p0 =	slt.u32 s3, $0xB4;
	v25 =	vshll.u32 v25, $0x4;
	v9 =	vmov s4;
	v26 =	vadd.s32 s4, v3;
	s4 =	sadd.s32 $0xC, s1;
	[tilespmem:v24+s14+$0x0] =	vst.idx.add.f32.msk $0xffff, v2  }
0x6c2: {  	v24 =	vadd.s32 s5, v3;
	s3 =	sadd.s32 $0x10, s1;
	v25 =	vadd.s32 v55, v25;
	v31 =	vmov s4;
	[tilespmem:v16+s14+$0x0] =	vst.idx.add.f32.msk $0xffff, v2  }
0x6c3: {  	v16 =	vmov s5;
	v32 =	vmov s3;
	v33 =	vadd.s32 s3, v3;
	v27 =	vld.idx.msk [tilespmem:v27+s2+$0x0], $0xffff  }
0x6c4: {  	v9 =	vand.u32 $0x4, v9;
	v33 =	vand.u32 $0xFFFFFFF8, v33;
	[tilespmem:v15+s14+$0x0] =	vst.idx.add.f32.msk $0xffff, v2;
	v15 =	vand.u32 $0xFFFFFFF8, v25  }
0x6c5: {  	v25 =	vand.u32 $0xFFFFFFF8, v26;
	v26 =	vand.u32 $0x4, v32;
	v32 =	vor.u32 v20, v15;
	v34 =	vld.idx.msk [tilespmem:v8+s2+$0x0], $0xffff;
	v8 =	vmovc v10  }
0x6c6: {  	v22 =	vshll.u32 v22, $0x4;
	v10 =	vand.u32 $0x4, v16;
	v16 =	vadd.s32 s4, v3;
	v29 =	vld.idx.msk [tilespmem:v29+s2+$0x0], $0xffff  }
0x6c7: {  	v24 =	vand.u32 $0xFFFFFFF8, v24;
	v22 =	vadd.s32 v57, v22;
	v15 =	vor.u32 v26, v33;
	[tilespmem:v18+s14+$0x0] =	vst.idx.add.f32.msk $0xffff, v2  }
0x6c8: {  	v21 =	vshll.u32 v21, $0x4;
	v18 =	vor.u32 v9, v25;
	v9 =	vand.u32 $0xFFFFFFF8, v22;
	v19 =	vld.idx.msk [tilespmem:v19+s2+$0x0], $0xffff  }
0x6c9: {  	v16 =	vand.u32 $0xFFFFFFF8, v16;
	v22 =	vand.u32 $0x4, v31;
	v25 =	vor.u32 v20, v9;
	v14 =	vld.idx.msk [tilespmem:v14+s2+$0x0], $0xffff  }
0x6ca: {  	v21 =	vadd.s32 v17, v21;
	v9 =	vor.u32 v22, v16;
	v16 =	vshll.u32 v27, $0x4;
	[tilespmem:v32+s14+$0x0] =	vst.idx.add.f32.msk $0xffff, v2  }
0x6cb: {  	v21 =	vand.u32 $0xFFFFFFF8, v21;
	v27 =	vor.u32 v10, v24;
	v16 =	vadd.s32 v55, v16;
	v10 =	vld.idx.msk [tilespmem:v28+s2+$0x0], $0xffff  }
0x6cc: {  	v23 =	vor.u32 v20, v23;
	v16 =	vand.u32 $0xFFFFFFF8, v16;
	v22 =	vshll.u32 v29, $0x4;
	v13 =	vld.idx.msk [tilespmem:v13+s2+$0x0], $0xffff  }
0x6cd: {  	v21 =	vor.u32 v20, v21;
	v16 =	vor.u32 v20, v16;
	v22 =	vadd.s32 v55, v22;
	v24 =	vld.idx.msk [tilespmem:v15+s2+$0x0], $0xffff  }
0x6ce: {  	v26 =	vor.u32 $0x2, v5;
	v22 =	vand.u32 $0xFFFFFFF8, v22;
	[tilespmem:v25+s14+$0x0] =	vst.idx.add.f32.msk $0xffff, v2;
	v25 =	vshll.u32 v34, $0x4  }
0x6cf: {  	v22 =	vor.u32 v20, v22;
	v14 =	vshll.u32 v14, $0x4;
	v12 =	vld.idx.msk [tilespmem:v12+s2+$0x0], $0xffff;
	v25 =	vadd.s32 v17, v25  }
0x6d0: {  	v28 =	vmov s1;
	v29 =	vadd.s32 s1, v3;
	v19 =	vshll.u32 v19, $0x4;
	v31 =	vld.idx.msk [tilespmem:v9+s2+$0x0], $0xffff  }
0x6d1: {  	v29 =	vand.u32 $0xFFFFFFF8, v29;
	v28 =	vand.u32 $0x4, v28;
	v19 =	vadd.s32 v17, v19;
	v32 =	vld.idx.msk [tilespmem:v18+s2+$0x0], $0xffff  }
0x6d2: {  	v28 =	vor.u32 v28, v29;
	v19 =	vand.u32 $0xFFFFFFF8, v19;
	[tilespmem:v23+s14+$0x0] =	vst.idx.add.f32.msk $0xffff, v2;
	v23 =	vand.u32 $0xFFFFFFF8, v25  }
0x6d3: {  	v10 =	vshll.u32 v10, $0x4;
	v19 =	vor.u32 v20, v19;
	[tilespmem:v16+s14+$0x0] =	vst.idx.add.f32.msk $0xffff, v2;
	v16 =	vor.u32 v20, v23  }
0x6d4: {  	v14 =	vadd.s32 v17, v14;
	v10 =	vadd.s32 v57, v10;
	v24 =	vshll.u32 v24, $0x4;
	v23 =	vld.idx.msk [tilespmem:v27+s2+$0x0], $0xffff  }
0x6d5: {  	v14 =	vand.u32 $0xFFFFFFF8, v14;
	v24 =	vor.u32 v1, v24;
	v12 =	vshll.u32 v12, $0x4;
	[tilespmem:v22+s14+$0x0] =	vst.idx.add.f32.msk $0xffff, v2  }
0x6d6: {  	v14 =	vor.u32 v20, v14;
	v22 =	vor.u32 $0x1, v18;
	v12 =	vadd.s32 v17, v12;
	v25 =	vld.idx.msk [tilespmem:v26+s2+$0x0], $0xffff  }
0x6d7: {  	v29 =	vand.u32 $0xFFFFFFF8, v10;
	v26 =	vshll.u32 v32, $0x4;
	v10 =	vand.u32 $0xFFFFFFF8, v12;
	v30 =	vld.idx.msk [tilespmem:v30+s2+$0x0], $0xffff  }
0x6d8: {  	v12 =	vor.u32 v1, v26;
	v26 =	vshll.u32 v31, $0x4;
	v31 =	vor.u32 v20, v10;
	[tilespmem:v16+s14+$0x0] =	vst.idx.add.f32.msk $0xffff, v2  }
0x6d9: {  	v29 =	vor.u32 v20, v29;
	v10 =	vor.u32 $0x3, v9;
	v16 =	vor.u32 v1, v26;
	[tilespmem:v19+s14+$0x0] =	vst.idx.add.f32.msk $0xffff, v2  }
0x6da: {  	v19 =	vor.u32 $0x1, v15;
	v11 =	vld.idx.msk [tilespmem:v11+s2+$0x0], $0xffff  }
0x6db: {  	v13 =	vshll.u32 v13, $0x4;
	v23 =	vshll.u32 v23, $0x4;
	[tilespmem:v14+s14+$0x0] =	vst.idx.add.f32.msk $0xffff, v2  }
0x6dc: {  	v13 =	vadd.s32 v55, v13;
	v14 =	vor.u32 v1, v23;
	[tilespmem:v21+s14+$0x0] =	vst.idx.add.f32.msk $0xffff, v2  }
0x6dd: {  	v13 =	vand.u32 $0xFFFFFFF8, v13;
	[tilespmem:v31+s14+$0x0] =	vst.idx.add.f32.msk $0xffff, v2  }
0x6de: {  	v21 =	vor.u32 v20, v13;
	[tilespmem:v24+s14+$0x0] =	vst.idx.add.f32.msk $0xffff, v2  }
0x6df: {  	v23 =	vor.u32 $0x2, v7;
	v13 =	vor.u32 $0x1, v28;
	v24 =	vshll.u32 v25, $0x4;
	v19 =	vld.idx.msk [tilespmem:v19+s2+$0x0], $0xffff  }
0x6e0: {  	v25 =	vshll.u32 v30, $0x4;
	v24 =	vadd.s32 v57, v24;
	v11 =	vshll.u32 v11, $0x4;
	v31 =	vld.idx.msk [tilespmem:v28+s2+$0x0], $0xffff  }
0x6e1: {  	v11 =	vadd.s32 v57, v11;
	[tilespmem:v14+s14+$0x0] =	vst.idx.add.f32.msk $0xffff, v2;
	v14 =	vand.u32 $0xFFFFFFF8, v24;
	v24 =	vadd.s32 v57, v25  }
0x6e2: {  	v30 =	vor.u32 $0x3, v6;
	v6 =	vmovc v18;
	v11 =	vand.u32 $0xFFFFFFF8, v11;
	[tilespmem:v12+s14+$0x0] =	vst.idx.add.f32.msk $0xffff, v2;
	v12 =	vand.u32 $0xFFFFFFF8, v24  }
.Ltmp4:
0x6e3: {  	v18 =	vor.u32 v20, v14;
	v26 =	vor.u32 v20, v11;
	v25 =	vld.idx.msk [tilespmem:v22+s2+$0x0], $0xffff;
	v24 =	vor.u32 v20, v12;
	(pc) =	sbr.rel @p0 .LBB2_11-.Ltmp4, $4  }
0x6e4: {  	v14 =	vor.u32 $0x3, v4;
	v4 =	vmov v15;
	[tilespmem:v21+s14+$0x0] =	vst.idx.add.f32.msk $0xffff, v2  }
0x6e5: {  	v12 =	vor.u32 $0x3, v7;
	v7 =	vmovc v28;
	v11 =	vshll.u32 v19, $0x4;
	v19 =	vor.u32 $0x3, v5;
	v5 =	vmovc v27;
	v22 =	vld.idx.msk [tilespmem:v23+s2+$0x0], $0xffff  }
0x6e6: {  	v27 =	vor.u32 $0x1, v9;
	v15 =	vshll.u32 v31, $0x4;
	v11 =	vadd.s32 v55, v11;
	[tilespmem:v29+s14+$0x0] =	vst.idx.add.f32.msk $0xffff, v2  }
0x6e7: {  	s3 =	smov.u32 s0;
	v15 =	vor.u32 v1, v15;
	v23 =	vand.u32 $0xFFFFFFF8, v11;
	v11 =	vor.u32 $0x2, v4;
	v21 =	vld.idx.msk [tilespmem:v30+s2+$0x0], $0xffff  }
0x6e8: {  	_ =	sdelay $0x3  }
0x6e9: {  	v3 =	vor.u32 $0x1, v5;
	[tilespmem:v16+s14+$0x0] =	vst.idx.add.f32.msk $0xffff, v2  }
0x6ea: {  	[tilespmem:v15+s14+$0x0] =	vst.idx.add.f32.msk $0xffff, v2  }
0x6eb: {  	v16 =	vld.idx.msk [tilespmem:v27+s2+$0x0], $0xffff  }
0x6ec: {  	v25 =	vshll.u32 v25, $0x4;
	v13 =	vld.idx.msk [tilespmem:v13+s2+$0x0], $0xffff  }
0x6ed: {  	v23 =	vor.u32 v20, v23;
	v25 =	vadd.s32 v55, v25  }
0x6ee: {  	v25 =	vand.u32 $0xFFFFFFF8, v25;
	v3 =	vld.idx.msk [tilespmem:v3+s2+$0x0], $0xffff  }
0x6ef: {  	v15 =	vor.u32 v20, v25  }
0x6f0: {  	v28 =	vor.u32 $0x2, v6;
	v16 =	vshll.u32 v16, $0x4  }
0x6f1: {  	[tilespmem:v26+s14+$0x0] =	vst.idx.add.f32.msk $0xffff, v2;
	v13 =	vshll.u32 v13, $0x4;
	v16 =	vadd.s32 v55, v16  }
0x6f2: {  	[tilespmem:v23+s14+$0x0] =	vst.idx.add.f32.msk $0xffff, v2;
	v13 =	vadd.s32 v55, v13;
	v16 =	vand.u32 $0xFFFFFFF8, v16  }
0x6f3: {  	v11 =	vld.idx.msk [tilespmem:v11+s2+$0x0], $0xffff;
	v13 =	vand.u32 $0xFFFFFFF8, v13;
	v16 =	vor.u32 v20, v16;
	v3 =	vshll.u32 v3, $0x4  }
0x6f4: {  	[tilespmem:v15+s14+$0x0] =	vst.idx.add.f32.msk $0xffff, v2;
	v13 =	vor.u32 v20, v13;
	v3 =	vadd.s32 v55, v3  }
0x6f5: {  	v9 =	vor.u32 $0x2, v9;
	v15 =	vld.idx.msk [tilespmem:v28+s2+$0x0], $0xffff;
	v3 =	vand.u32 $0xFFFFFFF8, v3  }
0x6f6: {  	[tilespmem:v24+s14+$0x0] =	vst.idx.add.f32.msk $0xffff, v2;
	v3 =	vor.u32 v20, v3  }
0x6f7: {  	v29 =	vor.u32 $0x2, v5;
	[tilespmem:v18+s14+$0x0] =	vst.idx.add.f32.msk $0xffff, v2  }
0x6f8: {  	[tilespmem:v16+s14+$0x0] =	vst.idx.add.f32.msk $0xffff, v2;
	v16 =	vshll.u32 v22, $0x4;
	v22 =	vor.u32 $0x2, v7  }
0x6f9: {  	v11 =	vshll.u32 v11, $0x4;
	[tilespmem:v13+s14+$0x0] =	vst.idx.add.f32.msk $0xffff, v2  }
0x6fa: {  	v11 =	vadd.s32 v57, v11;
	v15 =	vshll.u32 v15, $0x4;
	v9 =	vld.idx.msk [tilespmem:v9+s2+$0x0], $0xffff  }
0x6fb: {  	v11 =	vand.u32 $0xFFFFFFF8, v11;
	v16 =	vadd.s32 v57, v16;
	v15 =	vadd.s32 v57, v15;
	[tilespmem:v3+s14+$0x0] =	vst.idx.add.f32.msk $0xffff, v2  }
0x6fc: {  	v11 =	vor.u32 v20, v11;
	v15 =	vand.u32 $0xFFFFFFF8, v15;
	v3 =	vand.u32 $0xFFFFFFF8, v16;
	v16 =	vld.idx.msk [tilespmem:v29+s2+$0x0], $0xffff  }
0x6fd: {  	v30 =	vor.u32 v20, v15;
	v3 =	vor.u32 v20, v3;
	v15 =	vld.idx.msk [tilespmem:v22+s2+$0x0], $0xffff  }
0x6fe: {  	v4 =	vor.u32 $0x3, v4;
	v8 =	vld.idx.msk [tilespmem:v8+s2+$0x0], $0xffff  }
0x6ff: {  	v18 =	vld.idx.msk [tilespmem:v19+s2+$0x0], $0xffff;
	v9 =	vshll.u32 v9, $0x4  }
0x700: {  	v31 =	vor.u32 $0x3, v6;
	v14 =	vld.idx.msk [tilespmem:v14+s2+$0x0], $0xffff;
	v9 =	vadd.s32 v57, v9  }
0x701: {  	[tilespmem:v11+s14+$0x0] =	vst.idx.add.f32.msk $0xffff, v2;
	v9 =	vand.u32 $0xFFFFFFF8, v9;
	v16 =	vshll.u32 v16, $0x4  }
0x702: {  	v9 =	vor.u32 v20, v9;
	[tilespmem:v3+s14+$0x0] =	vst.idx.add.f32.msk $0xffff, v2;
	v32 =	vshll.u32 v15, $0x4;
	v3 =	vadd.s32 v57, v16  }
0x703: {  	v4 =	vld.idx.msk [tilespmem:v4+s2+$0x0], $0xffff;
	v13 =	vadd.s32 v57, v32;
	v3 =	vand.u32 $0xFFFFFFF8, v3  }
0x704: {  	[tilespmem:v30+s14+$0x0] =	vst.idx.add.f32.msk $0xffff, v2;
	v34 =	vand.u32 $0xFFFFFFF8, v13;
	v3 =	vor.u32 v20, v3  }
0x705: {  	v6 =	vld.idx.msk [tilespmem:v31+s2+$0x0], $0xffff;
	v25 =	vor.u32 v20, v34  }
0x706: {  	v33 =	vor.u32 $0x3, v5;
	v27 =	vshll.u32 v18, $0x4;
	v8 =	vshll.u32 v8, $0x4;
	v12 =	vld.idx.msk [tilespmem:v12+s2+$0x0], $0xffff  }
0x707: {  	v28 =	vor.u32 $0x3, v7;
	v29 =	vshll.u32 v14, $0x4;
	v15 =	vshll.u32 v21, $0x4;
	[tilespmem:v9+s14+$0x0] =	vst.idx.add.f32.msk $0xffff, v2  }
0x708: {  	v24 =	vadd.s32 v17, v15;
	v4 =	vshll.u32 v4, $0x4;
	v13 =	vadd.s32 v17, v27;
	v10 =	vld.idx.msk [tilespmem:v10+s2+$0x0], $0xffff  }
0x709: {  	v26 =	vand.u32 $0xFFFFFFF8, v24;
	v4 =	vadd.s32 v17, v4;
	v13 =	vand.u32 $0xFFFFFFF8, v13;
	[tilespmem:v3+s14+$0x0] =	vst.idx.add.f32.msk $0xffff, v2  }
0x70a: {  	v11 =	vor.u32 v20, v26;
	v4 =	vand.u32 $0xFFFFFFF8, v4;
	v30 =	vor.u32 v20, v13;
	[tilespmem:v25+s14+$0x0] =	vst.idx.add.f32.msk $0xffff, v2  }
0x70b: {  	v6 =	vshll.u32 v6, $0x4;
	v4 =	vor.u32 v20, v4;
	v3 =	vadd.s32 v17, v8;
	v5 =	vld.idx.msk [tilespmem:v33+s2+$0x0], $0xffff  }
0x70c: {  	v6 =	vadd.s32 v17, v6;
	v12 =	vshll.u32 v12, $0x4;
	v3 =	vand.u32 $0xFFFFFFF8, v3;
	v7 =	vld.idx.msk [tilespmem:v28+s2+$0x0], $0xffff  }
0x70d: {  	v6 =	vand.u32 $0xFFFFFFF8, v6;
	v12 =	vadd.s32 v17, v12;
	v3 =	vor.u32 v20, v3  }
0x70e: {  	v6 =	vor.u32 v20, v6;
	v8 =	vadd.s32 v17, v29;
	v12 =	vand.u32 $0xFFFFFFF8, v12  }
0x70f: {  	v8 =	vand.u32 $0xFFFFFFF8, v8;
	v12 =	vor.u32 v20, v12;
	v10 =	vshll.u32 v10, $0x4  }
0x710: {  	[tilespmem:v11+s14+$0x0] =	vst.idx.add.f32.msk $0xffff, v2;
	v8 =	vor.u32 v20, v8;
	v10 =	vadd.s32 v17, v10;
	v5 =	vshll.u32 v5, $0x4  }
0x711: {  	[tilespmem:v30+s14+$0x0] =	vst.idx.add.f32.msk $0xffff, v2;
	v10 =	vand.u32 $0xFFFFFFF8, v10;
	v7 =	vshll.u32 v7, $0x4;
	v5 =	vadd.s32 v17, v5  }
0x712: {  	v31 =	vor.u32 v20, v10;
	[tilespmem:v3+s14+$0x0] =	vst.idx.add.f32.msk $0xffff, v2;
	v7 =	vadd.s32 v17, v7;
	v3 =	vand.u32 $0xFFFFFFF8, v5  }
0x713: {  	[tilespmem:v4+s14+$0x0] =	vst.idx.add.f32.msk $0xffff, v2;
	v7 =	vand.u32 $0xFFFFFFF8, v7;
	v3 =	vor.u32 v20, v3  }
0x714: {  	[tilespmem:v6+s14+$0x0] =	vst.idx.add.f32.msk $0xffff, v2;
	v7 =	vor.u32 v20, v7  }
0x715: {  	[tilespmem:v12+s14+$0x0] =	vst.idx.add.f32.msk $0xffff, v2  }
0x716: {  	[tilespmem:v8+s14+$0x0] =	vst.idx.add.f32.msk $0xffff, v2  }
0x717: {  	[tilespmem:v31+s14+$0x0] =	vst.idx.add.f32.msk $0xffff, v2  }
0x718: {  	[tilespmem:v3+s14+$0x0] =	vst.idx.add.f32.msk $0xffff, v2  }
0x719: {  	[tilespmem:v7+s14+$0x0] =	vst.idx.add.f32.msk $0xffff, v2  }
0x71a: {  	v3 =	vld [tilespmem:$0xD000]  }
0x71b: {  	v4 =	vld [tilespmem:$0xD0A0]  }
0x71c: {  	v5 =	vld [tilespmem:$0xD140]  }
0x71d: {  	v6 =	vld [tilespmem:$0xD1E0]  }
0x71e: {  	v7 =	vld [tilespmem:$0xD010]  }
0x71f: {  	v8 =	vld [tilespmem:$0xD0B0]  }
0x720: {  	v9 =	vld [tilespmem:$0xD150]  }
0x721: {  	v10 =	vld [tilespmem:$0xD1F0]  }
0x722: {  	v11 =	vld [tilespmem:$0xD020]  }
0x723: {  	v12 =	vld [tilespmem:$0xD0C0]  }
0x724: {  	v13 =	vld [tilespmem:$0xD160]  }
0x725: {  	v32 =	vld [tilespmem:$0xD200]  }
0x726: {  	v15 =	vld [tilespmem:$0xD030]  }
0x727: {  	v16 =	vld [tilespmem:$0xD0D0]  }
0x728: {  	v18 =	vld [tilespmem:$0xD170]  }
0x729: {  	v19 =	vld [tilespmem:$0xD210]  }
0x72a: {  	v21 =	vld [tilespmem:$0xD040]  }
0x72b: {  	v22 =	vld [tilespmem:$0xD0E0]  }
0x72c: {  	v23 =	vld [tilespmem:$0xD180]  }
0x72d: {  	v25 =	vld [tilespmem:$0xD050]  }
0x72e: {  	v26 =	vld [tilespmem:$0xD0F0]  }
0x72f: {  	v27 =	vld [tilespmem:$0xD190]  }
0x730: {  	v28 =	vld [tilespmem:$0xD060];
	v3 =	vadd.f32 v4, v3  }
0x731: {  	v29 =	vld [tilespmem:$0xD070];
	v7 =	vadd.f32 v8, v7;
	v33 =	vadd.f32 v12, v11  }
0x732: {  	v34 =	vadd.f32 v16, v15;
	v30 =	vadd.f32 v22, v21;
	v15 =	vld [tilespmem:$0xD110]  }
0x733: {  	v4 =	vld [tilespmem:$0xD230];
	v16 =	vadd.f32 v26, v25;
	v3 =	vadd.f32 v5, v3  }
0x734: {  	v5 =	vld [tilespmem:$0xD100];
	v7 =	vadd.f32 v9, v7;
	v9 =	vadd.f32 v18, v34  }
0x735: {  	v8 =	vld [tilespmem:$0xD1A0];
	v16 =	vadd.f32 v27, v16;
	v3 =	vadd.f32 v6, v3  }
0x736: {  	v6 =	vadd.f32 v13, v33;
	v7 =	vadd.f32 v10, v7;
	v33 =	vld [tilespmem:$0xD130]  }
0x737: {  	v13 =	vadd.f32 v23, v30;
	v12 =	vadd.f32 v15, v29;
	v15 =	vld [tilespmem:$0xD090]  }
0x738: {  	v4 =	vadd.f32 v4, v16;
	v21 =	vmul.f32 v3, v35;
	v22 =	vmul.f32 v7, v36  }
0x739: {  	v24 =	vld [tilespmem:$0xD220];
	v6 =	vadd.f32 v32, v6;
	v5 =	vadd.f32 v5, v28  }
0x73a: {  	v23 =	vmul.f32 v7, v53;
	v16 =	vadd.f32 v22, v21;
	v22 =	vmul.f32 v3, v45  }
0x73b: {  	v11 =	vld [tilespmem:$0xD240];
	v9 =	vadd.f32 v19, v9;
	v5 =	vadd.f32 v8, v5  }
0x73c: {  	v8 =	vadd.f32 v33, v15;
	v15 =	vadd.f32 v23, v22;
	v22 =	vmul.f32 v6, v46  }
0x73d: {  	v18 =	vld [tilespmem:$0xD080]  }
0x73e: {  	v19 =	vld [tilespmem:$0xD120];
	v13 =	vadd.f32 v24, v13;
	v26 =	vadd.f32 v22, v15;
	v15 =	vmul.f32 v9, v47  }
0x73f: {  	v31 =	vld [tilespmem:$0xD1B0]  }
0x740: {  	v34 =	vld [tilespmem:$0xD1C0];
	v5 =	vadd.f32 v11, v5;
	v11 =	vadd.f32 v15, v26;
	v15 =	vmul.f32 v13, v48  }
0x741: {  	v21 =	vmul.f32 v6, v37  }
0x742: {  	v11 =	vadd.f32 v15, v11;
	v15 =	vmul.f32 v4, v49  }
0x743: {  	v18 =	vadd.f32 v19, v18;
	v16 =	vadd.f32 v21, v16;
	v21 =	vmul.f32 v9, v38  }
0x744: {  	v10 =	vadd.f32 v31, v12;
	v11 =	vadd.f32 v15, v11;
	v15 =	vld [tilespmem:$0x1FDD0]  }
0x745: {  	v12 =	vadd.f32 v34, v18;
	v18 =	vmul.f32 v13, v39;
	v16 =	vadd.f32 v21, v16;
	_ =	sdelay $0x1  }
0x746: {  	v27 =	vadd.f32 v18, v16;
	v16 =	vmul.f32 v4, v40;
	_ =	sdelay $0x1  }
0x747: {  	v14 =	vadd.f32 v16, v27;
	v16 =	vmul.f32 v3, v56;
	v3 =	vmul.f32 v3, v15;
	v15 =	vld [tilespmem:$0x1FDE0]  }
0x748: {  	v18 =	vmul.f32 v7, v58;
	_ =	sdelay $0x1  }
0x749: {  	v16 =	vadd.f32 v18, v16;
	v18 =	vmul.f32 v6, v61  }
0x74a: {  	v25 =	vld [tilespmem:$0xD260]  }
0x74b: {  	v32 =	vld [tilespmem:$0xD250];
	v7 =	vmul.f32 v7, v15;
	v15 =	vadd.f32 v18, v16;
	v16 =	vmul.f32 v9, v62  }
0x74c: {  	v24 =	vld [tilespmem:$0xD1D0]  }
0x74d: {  	v28 =	vld [tilespmem:$0x1FDF0];
	v15 =	vadd.f32 v16, v15;
	v16 =	vmul.f32 v13, v63  }
0x74e: {  	v19 =	vld [tilespmem:$0xD270]  }
0x74f: {  	v31 =	vadd.f32 v16, v15;
	v15 =	vld [tilespmem:$0x1FD80];
	_ =	sdelay $0x1  }
0x750: {  	v8 =	vadd.f32 v24, v8;
	v18 =	vld [tilespmem:$0x1FE00]  }
0x751: {  	v10 =	vadd.f32 v32, v10;
	v24 =	vld [tilespmem:$0x1FD90]  }
0x752: {  	v32 =	vld [tilespmem:$0x1FE10];
	v12 =	vadd.f32 v25, v12;
	v8 =	vadd.f32 v19, v8;
	v19 =	vmul.f32 v5, v41  }
0x753: {  	v27 =	vld [tilespmem:$0x1FDA0];
	v6 =	vmul.f32 v6, v28;
	v3 =	vadd.f32 v7, v3;
	v15 =	vmul.f32 v4, v15  }
0x754: {  	v21 =	vmul.f32 v5, v50;
	v29 =	vmul.f32 v10, v42;
	v14 =	vadd.f32 v19, v14  }
0x755: {  	v3 =	vadd.f32 v6, v3;
	v9 =	vmul.f32 v9, v18;
	v34 =	vadd.f32 v15, v31;
	v15 =	vld [tilespmem:$0x1FE40]  }
0x756: {  	v30 =	vmul.f32 v10, v51;
	v28 =	vld [tilespmem:$0x1FE70];
	v7 =	vadd.f32 v29, v14;
	v14 =	vmul.f32 v5, v24  }
0x757: {  	v33 =	vmul.f32 v12, v43;
	v11 =	vadd.f32 v21, v11;
	v24 =	vld [tilespmem:$0x1FE20];
	v3 =	vadd.f32 v9, v3  }
0x758: {  	v9 =	vmul.f32 v13, v32;
	v13 =	vmul.f32 v10, v27;
	v31 =	vld [tilespmem:$0x1FDB0];
	v26 =	vadd.f32 v14, v34  }
0x759: {  	v25 =	vmul.f32 v12, v52;
	v6 =	vadd.f32 v30, v11;
	v7 =	vadd.f32 v33, v7;
	v33 =	vld [tilespmem:$0x1FEA0]  }
0x75a: {  	v3 =	vadd.f32 v9, v3;
	v30 =	vadd.f32 v13, v26;
	v13 =	vld [tilespmem:$0x1FDC0];
	v4 =	vmul.f32 v4, v15  }
0x75b: {  	v14 =	vld [tilespmem:$0x1FED0]  }
0x75c: {  	v6 =	vadd.f32 v25, v6;
	v25 =	vld [tilespmem:$0x1FE30];
	v3 =	vadd.f32 v4, v3;
	v4 =	vmul.f32 v5, v28  }
0x75d: {  	v29 =	vmul.f32 v8, v44;
	v26 =	vld [tilespmem:$0x1FF00];
	v11 =	vmul.f32 v12, v31  }
0x75e: {  	v32 =	vmul.f32 v8, v54;
	v27 =	vld [tilespmem:$0x1FE50];
	v10 =	vmul.f32 v10, v33;
	v3 =	vadd.f32 v4, v3  }
0x75f: {  	v5 =	vadd.f32 v29, v7;
	v34 =	vadd.f32 v11, v30;
	v9 =	vmul.f32 v8, v13  }
0x760: {  	v4 =	vadd.f32 v32, v6;
	v6 =	vmul.f32 v12, v14;
	v3 =	vadd.f32 v10, v3  }
0x761: {  	v29 =	vld [tilespmem:$0x1FE60];
	v5 =	vadd.f32 v5, v24;
	v7 =	vadd.f32 v9, v34  }
0x762: {  	v4 =	vadd.f32 v4, v25;
	v3 =	vadd.f32 v6, v3;
	v6 =	vmul.f32 v8, v26  }
0x763: {  	v7 =	vadd.f32 v7, v27  }
0x764: {  	v28 =	vadd.f32 v4, v5;
	v3 =	vadd.f32 v6, v3;
	_ =	sdelay $0x1  }
0x765: {  	v6 =	vadd.f32 v28, v7;
	v3 =	vadd.f32 v3, v29;
	_ =	sdelay $0x1  }
0x766: {  	v6 =	vadd.f32 v6, v3;
	_ =	sdelay $0x1  }
0x767: {  	v6 =	vmul.f32 $2.500000000e-01, v6;
	_ =	sdelay $0x1  }
0x768: {  	v5 =	vsub.f32 v5, v6;
	v4 =	vsub.f32 v4, v6;
	_ =	sdelay $0x1  }
0x769: {  	v7 =	vsub.f32 v7, v6;
	v30 =	vmul.f32 v5, v5;
	v31 =	vmul.f32 v4, v4;
	_ =	sdelay $0x1  }
0x76a: {  	v3 =	vsub.f32 v3, v6;
	v33 =	vmul.f32 v7, v7;
	v32 =	vadd.f32 v31, v30;
	_ =	sdelay $0x1  }
0x76b: {  	v34 =	vmul.f32 v3, v3;
	v6 =	vadd.f32 v32, v33;
	_ =	sdelay $0x1  }
0x76c: {  	v6 =	vadd.f32 v6, v34;
	_ =	sdelay $0x1  }
0x76d: {  	v6 =	vmul.f32 $2.500000000e-01, v6;
	_ =	sdelay $0x1  }
0x76e: {  	v6 =	vadd.f32 $9.999999740e-06, v6;
	_ =	sdelay $0x1  }
0x76f: {  	v12 =	vshra.s32 v6, $0x1;
	v6 =	vmul.f32 $5.000000000e-01, v6  }
0x770: {  	v8 =	vsub.s32 $0x5F3759DF, v12  }
0x771: {  	v13 =	vmul.f32 v8, v6;
	_ =	sdelay $0x1  }
0x772: {  	v9 =	vmul.f32 v8, v13;
	_ =	sdelay $0x1  }
0x773: {  	v9 =	vsub.f32 $1.500000000e+00, v9;
	_ =	sdelay $0x1  }
0x774: {  	v8 =	vmul.f32 v8, v9;
	_ =	sdelay $0x1  }
0x775: {  	v9 =	vmul.f32 v8, v6;
	_ =	sdelay $0x1  }
0x776: {  	v9 =	vmul.f32 v9, v8;
	_ =	sdelay $0x1  }
0x777: {  	v9 =	vsub.f32 $1.500000000e+00, v9;
	_ =	sdelay $0x1  }
0x778: {  	v8 =	vmul.f32 v9, v8;
	_ =	sdelay $0x1  }
0x779: {  	v6 =	vmul.f32 v8, v6;
	_ =	sdelay $0x1  }
0x77a: {  	v6 =	vmul.f32 v6, v8  }
0x77b: {  	v24 =	vld [tilespmem:$0x1FE80]  }
0x77c: {  	v25 =	vld [tilespmem:$0x1FEB0];
	v6 =	vsub.f32 $1.500000000e+00, v6  }
0x77d: {  	v27 =	vld [tilespmem:$0x1FEE0]  }
0x77e: {  	s0 =	sor.u32 $0x100, s20;
	v29 =	vld [tilespmem:$0x1FF10];
	v6 =	vmul.f32 v6, v8  }
0x77f: {  	v14 =	vmov s0;
	v30 =	vld [tilespmem:$0x1FE90]  }
0x780: {  	v32 =	vld [tilespmem:$0x1FEC0];
	v8 =	vshll.u32 v14, $0x2;
	v9 =	vmul.f32 v6, v24  }
0x781: {  	v33 =	vld [tilespmem:$0x1FEF0];
	v8 =	vor.u32 v60, v8;
	v10 =	vmul.f32 v6, v25  }
0x782: {  	v34 =	vld [tilespmem:$0x1FF20];
	v26 =	vor.u32 $0x1, v8;
	v11 =	vmul.f32 v6, v27;
	v5 =	vmul.f32 v9, v5  }
0x783: {  	s19 =	sadd.s32 $0x1, s19;
	v28 =	vor.u32 $0x2, v8;
	v6 =	vmul.f32 v6, v29;
	v4 =	vmul.f32 v10, v4  }
0x784: {  	p0 =	sne.s32 s19, $0x8;
	v31 =	vor.u32 $0x3, v8;
	v7 =	vmul.f32 v11, v7;
	v5 =	vadd.f32 v5, v30  }
.Ltmp5:
0x785: {  	v3 =	vmul.f32 v6, v3;
	v4 =	vadd.f32 v4, v32;
	(pc) =	sbr.rel @p0 .LBB2_10-.Ltmp5, $4  }
0x786: {  	[tilespmem:v8+s8+$0x0] =	vst.idx.msk $0xffff, v5;
	v5 =	vadd.f32 v7, v33  }
0x787: {  	v3 =	vadd.f32 v3, v34;
	[tilespmem:v26+s8+$0x0] =	vst.idx.msk $0xffff, v4  }
0x788: {  	[tilespmem:v28+s8+$0x0] =	vst.idx.msk $0xffff, v5  }
0x789: {  	[tilespmem:v31+s8+$0x0] =	vst.idx.msk $0xffff, v3  }
0x78a: {  	_ =	swait.ge [sflag:s7], $0x6400  }
0x78b: {  	[sflag:s7] =	ssyncset.done $0x0  }
0x78c: {  	s18 =	simm.s32 $0x0;
	s19 =	simm.s32 $0x0;
	[sflag:s7] =	ssyncadd.s32 $0xFFFF9C00  }
.LBB2_14:
0x78d: {  	[tilespmem:$0xD000] =	vst v0  }
0x78e: {  	[tilespmem:$0xD010] =	vst v0  }
0x78f: {  	[tilespmem:$0xD020] =	vst v0  }
0x790: {  	[tilespmem:$0xD030] =	vst v0  }
0x791: {  	[tilespmem:$0xD040] =	vst v0  }
0x792: {  	[tilespmem:$0xD050] =	vst v0  }
0x793: {  	[tilespmem:$0xD060] =	vst v0  }
0x794: {  	[tilespmem:$0xD070] =	vst v0  }
0x795: {  	[tilespmem:$0xD080] =	vst v0  }
0x796: {  	[tilespmem:$0xD090] =	vst v0  }
0x797: {  	[tilespmem:$0xD0A0] =	vst v0  }
0x798: {  	[tilespmem:$0xD0B0] =	vst v0  }
0x799: {  	[tilespmem:$0xD0C0] =	vst v0  }
0x79a: {  	[tilespmem:$0xD0D0] =	vst v0  }
0x79b: {  	[tilespmem:$0xD0E0] =	vst v0  }
0x79c: {  	[tilespmem:$0xD0F0] =	vst v0  }
0x79d: {  	[tilespmem:$0xD100] =	vst v0  }
0x79e: {  	[tilespmem:$0xD110] =	vst v0  }
0x79f: {  	[tilespmem:$0xD120] =	vst v0  }
0x7a0: {  	[tilespmem:$0xD130] =	vst v0  }
0x7a1: {  	[tilespmem:$0xD140] =	vst v0  }
0x7a2: {  	[tilespmem:$0xD150] =	vst v0  }
0x7a3: {  	[tilespmem:$0xD160] =	vst v0  }
0x7a4: {  	[tilespmem:$0xD170] =	vst v0  }
0x7a5: {  	[tilespmem:$0xD180] =	vst v0  }
0x7a6: {  	[tilespmem:$0xD190] =	vst v0  }
0x7a7: {  	[tilespmem:$0xD1A0] =	vst v0;
	s20 =	sshll.u32 s19, $0x4  }
0x7a8: {  	[tilespmem:$0xD1B0] =	vst v0;
	v3 =	vmov s20  }
0x7a9: {  	[tilespmem:$0xD1C0] =	vst v0;
	v3 =	vmul.u32 $0xC8, v3  }
0x7aa: {  	[tilespmem:$0xD1D0] =	vst v0  }
0x7ab: {  	[tilespmem:$0xD1E0] =	vst v0;
	v3 =	vbroadcast v3, $0x0  }
0x7ac: {  	[tilespmem:$0xD1F0] =	vst v0  }
0x7ad: {  	[tilespmem:$0xD200] =	vst v0;
	s0 =	simm.s32 $0x10;
	v3 =	vadd.s32 v59, v3  }
0x7ae: {  	[tilespmem:$0xD210] =	vst v0;
	v4 =	vmov s0;
	v5 =	vadd.s32 s0, v3  }
0x7af: {  	[tilespmem:$0xD220] =	vst v0;
	v4 =	vand.u32 $0x4, v4;
	v5 =	vand.u32 $0xFFFFFFF8, v5  }
0x7b0: {  	[tilespmem:$0xD230] =	vst v0;
	s25 =	simm.s32 $0x4;
	v11 =	vor.u32 v4, v5  }
0x7b1: {  	[tilespmem:$0xD240] =	vst v0;
	v4 =	vmov s25;
	v5 =	vadd.s32 s25, v3  }
0x7b2: {  	[tilespmem:$0xD250] =	vst v0;
	v4 =	vand.u32 $0x4, v4;
	v5 =	vand.u32 $0xFFFFFFF8, v5  }
0x7b3: {  	[tilespmem:$0xD260] =	vst v0;
	v12 =	vor.u32 v4, v5  }
0x7b4: {  	[tilespmem:$0xD270] =	vst v0  }
0x7b5: {  	s1 =	simm.s32 $0xC;
	v4 =	vld.idx.msk [tilespmem:v11+s12+$0x0], $0xffff  }
0x7b6: {  	v6 =	vmov s1;
	v7 =	vadd.s32 s1, v3  }
0x7b7: {  	s26 =	simm.s32 $0x8;
	v6 =	vand.u32 $0x4, v6;
	v7 =	vand.u32 $0xFFFFFFF8, v7  }
0x7b8: {  	v8 =	vmov s26;
	v7 =	vor.u32 v6, v7;
	v5 =	vadd.s32 s26, v3;
	v9 =	vld.idx.msk [tilespmem:v12+s12+$0x0], $0xffff  }
0x7b9: {  	v8 =	vand.u32 $0x4, v8;
	v5 =	vand.u32 $0xFFFFFFF8, v5  }
0x7ba: {  	v15 =	vor.u32 v8, v5;
	v4 =	vshll.u32 v4, $0x4  }
0x7bb: {  	v6 =	vadd.s32 s18, v3;
	v5 =	vmov s18;
	v4 =	vor.u32 v1, v4  }
0x7bc: {  	v6 =	vand.u32 $0xFFFFFFF8, v6;
	v8 =	vor.u32 $0x1, v11;
	v5 =	vand.u32 $0x4, v5  }
0x7bd: {  	v19 =	vor.u32 v5, v6;
	v6 =	vld.idx.msk [tilespmem:v7+s12+$0x0], $0xffff;
	v5 =	vshll.u32 v9, $0x4  }
0x7be: {  	v5 =	vor.u32 v1, v5  }
0x7bf: {  	v10 =	vor.u32 $0x1, v12;
	v9 =	vld.idx.msk [tilespmem:v15+s12+$0x0], $0xffff  }
0x7c0: {  	[tilespmem:v4+s14+$0x0] =	vst.idx.add.f32.msk $0xffff, v2  }
0x7c1: {  	v4 =	vld.idx.msk [tilespmem:v8+s12+$0x0], $0xffff  }
0x7c2: {  	v6 =	vshll.u32 v6, $0x4;
	v8 =	vld.idx.msk [tilespmem:v19+s12+$0x0], $0xffff  }
0x7c3: {  	s29 =	simm.s32 $0x1C;
	v6 =	vor.u32 v1, v6;
	[tilespmem:v5+s14+$0x0] =	vst.idx.add.f32.msk $0xffff, v2  }
0x7c4: {  	v22 =	vmov s29;
	v13 =	vor.u32 $0x1, v7;
	v5 =	vshll.u32 v9, $0x4;
	v9 =	vld.idx.msk [tilespmem:v10+s12+$0x0], $0xffff  }
0x7c5: {  	s30 =	simm.s32 $0x20;
	s3 =	simm.s32 $0x24;
	v22 =	vand.u32 $0x4, v22;
	v21 =	vadd.s32 s29, v3;
	v5 =	vor.u32 v1, v5  }
0x7c6: {  	v24 =	vadd.s32 s3, v3;
	v25 =	vadd.s32 s30, v3;
	v14 =	vor.u32 $0x1, v15  }
0x7c7: {  	v24 =	vand.u32 $0xFFFFFFF8, v24;
	v21 =	vand.u32 $0xFFFFFFF8, v21;
	v4 =	vshll.u32 v4, $0x4  }
0x7c8: {  	v18 =	vor.u32 $0x2, v12;
	[tilespmem:v6+s14+$0x0] =	vst.idx.add.f32.msk $0xffff, v2;
	v8 =	vshll.u32 v8, $0x4;
	v4 =	vadd.s32 v55, v4  }
0x7c9: {  	v13 =	vld.idx.msk [tilespmem:v13+s12+$0x0], $0xffff;
	v8 =	vor.u32 v1, v8;
	v16 =	vand.u32 $0xFFFFFFF8, v4;
	v4 =	vshll.u32 v9, $0x4  }
0x7ca: {  	v6 =	vmov s30;
	v10 =	vor.u32 $0x1, v19;
	[tilespmem:v5+s14+$0x0] =	vst.idx.add.f32.msk $0xffff, v2;
	v4 =	vadd.s32 v55, v4  }
0x7cb: {  	s28 =	simm.s32 $0x18;
	v6 =	vand.u32 $0x4, v6;
	v14 =	vld.idx.msk [tilespmem:v14+s12+$0x0], $0xffff;
	v16 =	vor.u32 v20, v16;
	v4 =	vand.u32 $0xFFFFFFF8, v4  }
0x7cc: {  	v5 =	vmov s28;
	v23 =	vor.u32 v20, v4;
	v4 =	vmov s3  }
0x7cd: {  	v9 =	vadd.s32 s28, v3;
	v5 =	vand.u32 $0x4, v5;
	v4 =	vand.u32 $0x4, v4  }
0x7ce: {  	[tilespmem:v8+s14+$0x0] =	vst.idx.add.f32.msk $0xffff, v2;
	v8 =	vand.u32 $0xFFFFFFF8, v9;
	v4 =	vor.u32 v4, v24;
	v24 =	vand.u32 $0xFFFFFFF8, v25  }
0x7cf: {  	v10 =	vld.idx.msk [tilespmem:v10+s12+$0x0], $0xffff;
	v9 =	vor.u32 v6, v24;
	v6 =	vor.u32 v5, v8;
	v8 =	vshll.u32 v13, $0x4  }
0x7d0: {  	v5 =	vor.u32 v22, v21;
	v14 =	vshll.u32 v14, $0x4;
	[tilespmem:v16+s14+$0x0] =	vst.idx.add.f32.msk $0xffff, v2;
	v8 =	vadd.s32 v55, v8  }
0x7d1: {  	v14 =	vadd.s32 v55, v14;
	[tilespmem:v23+s14+$0x0] =	vst.idx.add.f32.msk $0xffff, v2;
	v8 =	vand.u32 $0xFFFFFFF8, v8  }
0x7d2: {  	v13 =	vld.idx.msk [tilespmem:v18+s12+$0x0], $0xffff;
	v21 =	vor.u32 v20, v8;
	v8 =	vand.u32 $0xFFFFFFF8, v14  }
0x7d3: {  	v18 =	vld.idx.msk [tilespmem:v4+s12+$0x0], $0xffff;
	v14 =	vor.u32 v20, v8  }
0x7d4: {  	v23 =	vor.u32 $0x2, v15;
	v24 =	vld.idx.msk [tilespmem:v6+s12+$0x0], $0xffff  }
0x7d5: {  	s31 =	simm.s32 $0x14;
	v27 =	vor.u32 $0x2, v11;
	v25 =	vor.u32 $0x2, v7;
	v26 =	vld.idx.msk [tilespmem:v5+s12+$0x0], $0xffff  }
0x7d6: {  	v16 =	vmov s31;
	v8 =	vor.u32 $0x3, v7;
	v7 =	vadd.s32 s31, v3;
	v22 =	vld.idx.msk [tilespmem:v9+s12+$0x0], $0xffff  }
0x7d7: {  	v16 =	vand.u32 $0x4, v16;
	v7 =	vand.u32 $0xFFFFFFF8, v7;
	[tilespmem:v21+s14+$0x0] =	vst.idx.add.f32.msk $0xffff, v2  }
0x7d8: {  	v31 =	vor.u32 $0x3, v12;
	v7 =	vor.u32 v16, v7;
	v18 =	vshll.u32 v18, $0x4;
	[tilespmem:v14+s14+$0x0] =	vst.idx.add.f32.msk $0xffff, v2  }
0x7d9: {  	v29 =	vor.u32 $0x2, v19;
	v13 =	vshll.u32 v13, $0x4;
	v18 =	vor.u32 v1, v18;
	v14 =	vld.idx.msk [tilespmem:v23+s12+$0x0], $0xffff  }
0x7da: {  	v21 =	vor.u32 $0x1, v4;
	v16 =	vshll.u32 v24, $0x4;
	v24 =	vld.idx.msk [tilespmem:v25+s12+$0x0], $0xffff;
	v25 =	vshll.u32 v26, $0x4  }
0x7db: {  	v10 =	vshll.u32 v10, $0x4;
	v13 =	vadd.s32 v57, v13;
	v26 =	vld.idx.msk [tilespmem:v27+s12+$0x0], $0xffff;
	v25 =	vor.u32 v1, v25  }
0x7dc: {  	v23 =	vor.u32 $0x1, v6;
	v13 =	vand.u32 $0xFFFFFFF8, v13;
	v27 =	vor.u32 v1, v16  }
0x7dd: {  	v16 =	vshll.u32 v22, $0x4;
	v22 =	vadd.s32 v55, v10;
	v28 =	vor.u32 v20, v13;
	v30 =	vld.idx.msk [tilespmem:v7+s12+$0x0], $0xffff  }
0x7de: {  	v10 =	vor.u32 $0x3, v9;
	v13 =	vor.u32 $0x1, v7;
	v22 =	vand.u32 $0xFFFFFFF8, v22;
	[tilespmem:v18+s14+$0x0] =	vst.idx.add.f32.msk $0xffff, v2  }
0x7df: {  	v16 =	vor.u32 v1, v16;
	v22 =	vor.u32 v20, v22;
	v14 =	vshll.u32 v14, $0x4;
	v21 =	vld.idx.msk [tilespmem:v21+s12+$0x0], $0xffff  }
0x7e0: {  	v18 =	vshll.u32 v24, $0x4;
	v24 =	vshll.u32 v26, $0x4;
	v14 =	vadd.s32 v57, v14;
	[tilespmem:v25+s14+$0x0] =	vst.idx.add.f32.msk $0xffff, v2  }
0x7e1: {  	v18 =	vadd.s32 v57, v18;
	v24 =	vadd.s32 v57, v24;
	[tilespmem:v27+s14+$0x0] =	vst.idx.add.f32.msk $0xffff, v2;
	v27 =	vor.u32 $0x1, v9  }
0x7e2: {  	[tilespmem:v28+s14+$0x0] =	vst.idx.add.f32.msk $0xffff, v2;
	v14 =	vand.u32 $0xFFFFFFF8, v14;
	v12 =	vand.u32 $0xFFFFFFF8, v18;
	v26 =	vand.u32 $0xFFFFFFF8, v24  }
0x7e3: {  	v25 =	vld.idx.msk [tilespmem:v23+s12+$0x0], $0xffff;
	v18 =	vor.u32 v20, v14;
	v24 =	vor.u32 v20, v12;
	v26 =	vor.u32 v20, v26  }
0x7e4: {  	[tilespmem:v22+s14+$0x0] =	vst.idx.add.f32.msk $0xffff, v2;
	v14 =	vor.u32 $0x3, v11;
	v12 =	vor.u32 $0x3, v19;
	v11 =	vshll.u32 v21, $0x4  }
0x7e5: {  	v19 =	vor.u32 $0x3, v15;
	v15 =	vshll.u32 v30, $0x4;
	v22 =	vld.idx.msk [tilespmem:v29+s12+$0x0], $0xffff;
	v11 =	vadd.s32 v55, v11  }
0x7e6: {  	s3 =	simm.s32 $0x28;
	v15 =	vor.u32 v1, v15;
	v21 =	vld.idx.msk [tilespmem:v31+s12+$0x0], $0xffff;
	v23 =	vand.u32 $0xFFFFFFF8, v11;
	v11 =	vor.u32 $0x2, v4  }
.LBB2_15:
0x7e7: {  	s4 =	sadd.s32 $0x4, s3  }
0x7e8: {  	s5 =	sadd.s32 $0x8, s3;
	v28 =	vor.u32 $0x2, v6;
	v29 =	vor.u32 $0x1, v5;
	v30 =	vor.u32 $0x2, v9;
	[tilespmem:v26+s14+$0x0] =	vst.idx.add.f32.msk $0xffff, v2;
	s1 =	smov.u32 s3;
	s0 =	sadd.s32 $0x14, s3  }
0x7e9: {  	p0 =	slt.u32 s3, $0xB4;
	v25 =	vshll.u32 v25, $0x4;
	v9 =	vmov s4;
	v26 =	vadd.s32 s4, v3;
	s4 =	sadd.s32 $0xC, s1;
	[tilespmem:v24+s14+$0x0] =	vst.idx.add.f32.msk $0xffff, v2  }
0x7ea: {  	v24 =	vadd.s32 s5, v3;
	s3 =	sadd.s32 $0x10, s1;
	v25 =	vadd.s32 v55, v25;
	v31 =	vmov s4;
	[tilespmem:v16+s14+$0x0] =	vst.idx.add.f32.msk $0xffff, v2  }
0x7eb: {  	v16 =	vmov s5;
	v32 =	vmov s3;
	v33 =	vadd.s32 s3, v3;
	v27 =	vld.idx.msk [tilespmem:v27+s12+$0x0], $0xffff  }
0x7ec: {  	v9 =	vand.u32 $0x4, v9;
	v33 =	vand.u32 $0xFFFFFFF8, v33;
	[tilespmem:v15+s14+$0x0] =	vst.idx.add.f32.msk $0xffff, v2;
	v15 =	vand.u32 $0xFFFFFFF8, v25  }
0x7ed: {  	v25 =	vand.u32 $0xFFFFFFF8, v26;
	v26 =	vand.u32 $0x4, v32;
	v32 =	vor.u32 v20, v15;
	v34 =	vld.idx.msk [tilespmem:v8+s12+$0x0], $0xffff;
	v8 =	vmovc v10  }
0x7ee: {  	v22 =	vshll.u32 v22, $0x4;
	v10 =	vand.u32 $0x4, v16;
	v16 =	vadd.s32 s4, v3;
	v29 =	vld.idx.msk [tilespmem:v29+s12+$0x0], $0xffff  }
0x7ef: {  	v24 =	vand.u32 $0xFFFFFFF8, v24;
	v22 =	vadd.s32 v57, v22;
	v15 =	vor.u32 v26, v33;
	[tilespmem:v18+s14+$0x0] =	vst.idx.add.f32.msk $0xffff, v2  }
0x7f0: {  	v21 =	vshll.u32 v21, $0x4;
	v18 =	vor.u32 v9, v25;
	v9 =	vand.u32 $0xFFFFFFF8, v22;
	v19 =	vld.idx.msk [tilespmem:v19+s12+$0x0], $0xffff  }
0x7f1: {  	v16 =	vand.u32 $0xFFFFFFF8, v16;
	v22 =	vand.u32 $0x4, v31;
	v25 =	vor.u32 v20, v9;
	v14 =	vld.idx.msk [tilespmem:v14+s12+$0x0], $0xffff  }
0x7f2: {  	v21 =	vadd.s32 v17, v21;
	v9 =	vor.u32 v22, v16;
	v16 =	vshll.u32 v27, $0x4;
	[tilespmem:v32+s14+$0x0] =	vst.idx.add.f32.msk $0xffff, v2  }
0x7f3: {  	v21 =	vand.u32 $0xFFFFFFF8, v21;
	v27 =	vor.u32 v10, v24;
	v16 =	vadd.s32 v55, v16;
	v10 =	vld.idx.msk [tilespmem:v28+s12+$0x0], $0xffff  }
0x7f4: {  	v23 =	vor.u32 v20, v23;
	v16 =	vand.u32 $0xFFFFFFF8, v16;
	v22 =	vshll.u32 v29, $0x4;
	v13 =	vld.idx.msk [tilespmem:v13+s12+$0x0], $0xffff  }
0x7f5: {  	v21 =	vor.u32 v20, v21;
	v16 =	vor.u32 v20, v16;
	v22 =	vadd.s32 v55, v22;
	v24 =	vld.idx.msk [tilespmem:v15+s12+$0x0], $0xffff  }
0x7f6: {  	v26 =	vor.u32 $0x2, v5;
	v22 =	vand.u32 $0xFFFFFFF8, v22;
	[tilespmem:v25+s14+$0x0] =	vst.idx.add.f32.msk $0xffff, v2;
	v25 =	vshll.u32 v34, $0x4  }
0x7f7: {  	v22 =	vor.u32 v20, v22;
	v14 =	vshll.u32 v14, $0x4;
	v12 =	vld.idx.msk [tilespmem:v12+s12+$0x0], $0xffff;
	v25 =	vadd.s32 v17, v25  }
0x7f8: {  	v28 =	vmov s1;
	v29 =	vadd.s32 s1, v3;
	v19 =	vshll.u32 v19, $0x4;
	v31 =	vld.idx.msk [tilespmem:v9+s12+$0x0], $0xffff  }
0x7f9: {  	v29 =	vand.u32 $0xFFFFFFF8, v29;
	v28 =	vand.u32 $0x4, v28;
	v19 =	vadd.s32 v17, v19;
	v32 =	vld.idx.msk [tilespmem:v18+s12+$0x0], $0xffff  }
0x7fa: {  	v28 =	vor.u32 v28, v29;
	v19 =	vand.u32 $0xFFFFFFF8, v19;
	[tilespmem:v23+s14+$0x0] =	vst.idx.add.f32.msk $0xffff, v2;
	v23 =	vand.u32 $0xFFFFFFF8, v25  }
0x7fb: {  	v10 =	vshll.u32 v10, $0x4;
	v19 =	vor.u32 v20, v19;
	[tilespmem:v16+s14+$0x0] =	vst.idx.add.f32.msk $0xffff, v2;
	v16 =	vor.u32 v20, v23  }
0x7fc: {  	v14 =	vadd.s32 v17, v14;
	v10 =	vadd.s32 v57, v10;
	v24 =	vshll.u32 v24, $0x4;
	v23 =	vld.idx.msk [tilespmem:v27+s12+$0x0], $0xffff  }
0x7fd: {  	v14 =	vand.u32 $0xFFFFFFF8, v14;
	v24 =	vor.u32 v1, v24;
	v12 =	vshll.u32 v12, $0x4;
	[tilespmem:v22+s14+$0x0] =	vst.idx.add.f32.msk $0xffff, v2  }
0x7fe: {  	v14 =	vor.u32 v20, v14;
	v22 =	vor.u32 $0x1, v18;
	v12 =	vadd.s32 v17, v12;
	v25 =	vld.idx.msk [tilespmem:v26+s12+$0x0], $0xffff  }
0x7ff: {  	v29 =	vand.u32 $0xFFFFFFF8, v10;
	v26 =	vshll.u32 v32, $0x4;
	v10 =	vand.u32 $0xFFFFFFF8, v12;
	v30 =	vld.idx.msk [tilespmem:v30+s12+$0x0], $0xffff  }
0x800: {  	v12 =	vor.u32 v1, v26;
	v26 =	vshll.u32 v31, $0x4;
	v31 =	vor.u32 v20, v10;
	[tilespmem:v16+s14+$0x0] =	vst.idx.add.f32.msk $0xffff, v2  }
0x801: {  	v29 =	vor.u32 v20, v29;
	v10 =	vor.u32 $0x3, v9;
	v16 =	vor.u32 v1, v26;
	[tilespmem:v19+s14+$0x0] =	vst.idx.add.f32.msk $0xffff, v2  }
0x802: {  	v19 =	vor.u32 $0x1, v15;
	v11 =	vld.idx.msk [tilespmem:v11+s12+$0x0], $0xffff  }
0x803: {  	v13 =	vshll.u32 v13, $0x4;
	v23 =	vshll.u32 v23, $0x4;
	[tilespmem:v14+s14+$0x0] =	vst.idx.add.f32.msk $0xffff, v2  }
0x804: {  	v13 =	vadd.s32 v55, v13;
	v14 =	vor.u32 v1, v23;
	[tilespmem:v21+s14+$0x0] =	vst.idx.add.f32.msk $0xffff, v2  }
0x805: {  	v13 =	vand.u32 $0xFFFFFFF8, v13;
	[tilespmem:v31+s14+$0x0] =	vst.idx.add.f32.msk $0xffff, v2  }
0x806: {  	v21 =	vor.u32 v20, v13;
	[tilespmem:v24+s14+$0x0] =	vst.idx.add.f32.msk $0xffff, v2  }
0x807: {  	v23 =	vor.u32 $0x2, v7;
	v13 =	vor.u32 $0x1, v28;
	v24 =	vshll.u32 v25, $0x4;
	v19 =	vld.idx.msk [tilespmem:v19+s12+$0x0], $0xffff  }
0x808: {  	v25 =	vshll.u32 v30, $0x4;
	v24 =	vadd.s32 v57, v24;
	v11 =	vshll.u32 v11, $0x4;
	v31 =	vld.idx.msk [tilespmem:v28+s12+$0x0], $0xffff  }
0x809: {  	v11 =	vadd.s32 v57, v11;
	[tilespmem:v14+s14+$0x0] =	vst.idx.add.f32.msk $0xffff, v2;
	v14 =	vand.u32 $0xFFFFFFF8, v24;
	v24 =	vadd.s32 v57, v25  }
0x80a: {  	v30 =	vor.u32 $0x3, v6;
	v6 =	vmovc v18;
	v11 =	vand.u32 $0xFFFFFFF8, v11;
	[tilespmem:v12+s14+$0x0] =	vst.idx.add.f32.msk $0xffff, v2;
	v12 =	vand.u32 $0xFFFFFFF8, v24  }
.Ltmp6:
0x80b: {  	v18 =	vor.u32 v20, v14;
	v26 =	vor.u32 v20, v11;
	v25 =	vld.idx.msk [tilespmem:v22+s12+$0x0], $0xffff;
	v24 =	vor.u32 v20, v12;
	(pc) =	sbr.rel @p0 .LBB2_15-.Ltmp6, $4  }
0x80c: {  	v14 =	vor.u32 $0x3, v4;
	v4 =	vmov v15;
	[tilespmem:v21+s14+$0x0] =	vst.idx.add.f32.msk $0xffff, v2  }
0x80d: {  	v12 =	vor.u32 $0x3, v7;
	v7 =	vmovc v28;
	v11 =	vshll.u32 v19, $0x4;
	v19 =	vor.u32 $0x3, v5;
	v5 =	vmovc v27;
	v22 =	vld.idx.msk [tilespmem:v23+s12+$0x0], $0xffff  }
0x80e: {  	v27 =	vor.u32 $0x1, v9;
	v15 =	vshll.u32 v31, $0x4;
	v11 =	vadd.s32 v55, v11;
	[tilespmem:v29+s14+$0x0] =	vst.idx.add.f32.msk $0xffff, v2  }
0x80f: {  	s3 =	smov.u32 s0;
	v15 =	vor.u32 v1, v15;
	v23 =	vand.u32 $0xFFFFFFF8, v11;
	v11 =	vor.u32 $0x2, v4;
	v21 =	vld.idx.msk [tilespmem:v30+s12+$0x0], $0xffff  }
0x810: {  	_ =	sdelay $0x3  }
0x811: {  	v3 =	vor.u32 $0x1, v5;
	[tilespmem:v16+s14+$0x0] =	vst.idx.add.f32.msk $0xffff, v2  }
0x812: {  	[tilespmem:v15+s14+$0x0] =	vst.idx.add.f32.msk $0xffff, v2  }
0x813: {  	v16 =	vld.idx.msk [tilespmem:v27+s12+$0x0], $0xffff  }
0x814: {  	v25 =	vshll.u32 v25, $0x4;
	v13 =	vld.idx.msk [tilespmem:v13+s12+$0x0], $0xffff  }
0x815: {  	v23 =	vor.u32 v20, v23;
	v25 =	vadd.s32 v55, v25  }
0x816: {  	v25 =	vand.u32 $0xFFFFFFF8, v25;
	v3 =	vld.idx.msk [tilespmem:v3+s12+$0x0], $0xffff  }
0x817: {  	v15 =	vor.u32 v20, v25  }
0x818: {  	v28 =	vor.u32 $0x2, v6;
	v16 =	vshll.u32 v16, $0x4  }
0x819: {  	[tilespmem:v26+s14+$0x0] =	vst.idx.add.f32.msk $0xffff, v2;
	v13 =	vshll.u32 v13, $0x4;
	v16 =	vadd.s32 v55, v16  }
0x81a: {  	[tilespmem:v23+s14+$0x0] =	vst.idx.add.f32.msk $0xffff, v2;
	v13 =	vadd.s32 v55, v13;
	v16 =	vand.u32 $0xFFFFFFF8, v16  }
0x81b: {  	v11 =	vld.idx.msk [tilespmem:v11+s12+$0x0], $0xffff;
	v13 =	vand.u32 $0xFFFFFFF8, v13;
	v16 =	vor.u32 v20, v16;
	v3 =	vshll.u32 v3, $0x4  }
0x81c: {  	[tilespmem:v15+s14+$0x0] =	vst.idx.add.f32.msk $0xffff, v2;
	v13 =	vor.u32 v20, v13;
	v3 =	vadd.s32 v55, v3  }
0x81d: {  	v9 =	vor.u32 $0x2, v9;
	v15 =	vld.idx.msk [tilespmem:v28+s12+$0x0], $0xffff;
	v3 =	vand.u32 $0xFFFFFFF8, v3  }
0x81e: {  	[tilespmem:v24+s14+$0x0] =	vst.idx.add.f32.msk $0xffff, v2;
	v3 =	vor.u32 v20, v3  }
0x81f: {  	v29 =	vor.u32 $0x2, v5;
	[tilespmem:v18+s14+$0x0] =	vst.idx.add.f32.msk $0xffff, v2  }
0x820: {  	[tilespmem:v16+s14+$0x0] =	vst.idx.add.f32.msk $0xffff, v2;
	v16 =	vshll.u32 v22, $0x4;
	v22 =	vor.u32 $0x2, v7  }
0x821: {  	v11 =	vshll.u32 v11, $0x4;
	[tilespmem:v13+s14+$0x0] =	vst.idx.add.f32.msk $0xffff, v2  }
0x822: {  	v11 =	vadd.s32 v57, v11;
	v15 =	vshll.u32 v15, $0x4;
	v9 =	vld.idx.msk [tilespmem:v9+s12+$0x0], $0xffff  }
0x823: {  	v11 =	vand.u32 $0xFFFFFFF8, v11;
	v16 =	vadd.s32 v57, v16;
	v15 =	vadd.s32 v57, v15;
	[tilespmem:v3+s14+$0x0] =	vst.idx.add.f32.msk $0xffff, v2  }
0x824: {  	v11 =	vor.u32 v20, v11;
	v15 =	vand.u32 $0xFFFFFFF8, v15;
	v3 =	vand.u32 $0xFFFFFFF8, v16;
	v16 =	vld.idx.msk [tilespmem:v29+s12+$0x0], $0xffff  }
0x825: {  	v30 =	vor.u32 v20, v15;
	v3 =	vor.u32 v20, v3;
	v15 =	vld.idx.msk [tilespmem:v22+s12+$0x0], $0xffff  }
0x826: {  	v4 =	vor.u32 $0x3, v4;
	v8 =	vld.idx.msk [tilespmem:v8+s12+$0x0], $0xffff  }
0x827: {  	v18 =	vld.idx.msk [tilespmem:v19+s12+$0x0], $0xffff;
	v9 =	vshll.u32 v9, $0x4  }
0x828: {  	v31 =	vor.u32 $0x3, v6;
	v14 =	vld.idx.msk [tilespmem:v14+s12+$0x0], $0xffff;
	v9 =	vadd.s32 v57, v9  }
0x829: {  	[tilespmem:v11+s14+$0x0] =	vst.idx.add.f32.msk $0xffff, v2;
	v9 =	vand.u32 $0xFFFFFFF8, v9;
	v16 =	vshll.u32 v16, $0x4  }
0x82a: {  	v9 =	vor.u32 v20, v9;
	[tilespmem:v3+s14+$0x0] =	vst.idx.add.f32.msk $0xffff, v2;
	v32 =	vshll.u32 v15, $0x4;
	v3 =	vadd.s32 v57, v16  }
0x82b: {  	v4 =	vld.idx.msk [tilespmem:v4+s12+$0x0], $0xffff;
	v13 =	vadd.s32 v57, v32;
	v3 =	vand.u32 $0xFFFFFFF8, v3  }
0x82c: {  	[tilespmem:v30+s14+$0x0] =	vst.idx.add.f32.msk $0xffff, v2;
	v34 =	vand.u32 $0xFFFFFFF8, v13;
	v3 =	vor.u32 v20, v3  }
0x82d: {  	v6 =	vld.idx.msk [tilespmem:v31+s12+$0x0], $0xffff;
	v25 =	vor.u32 v20, v34  }
0x82e: {  	v33 =	vor.u32 $0x3, v5;
	v27 =	vshll.u32 v18, $0x4;
	v8 =	vshll.u32 v8, $0x4;
	v12 =	vld.idx.msk [tilespmem:v12+s12+$0x0], $0xffff  }
0x82f: {  	v28 =	vor.u32 $0x3, v7;
	v29 =	vshll.u32 v14, $0x4;
	v15 =	vshll.u32 v21, $0x4;
	[tilespmem:v9+s14+$0x0] =	vst.idx.add.f32.msk $0xffff, v2  }
0x830: {  	v24 =	vadd.s32 v17, v15;
	v4 =	vshll.u32 v4, $0x4;
	v13 =	vadd.s32 v17, v27;
	v10 =	vld.idx.msk [tilespmem:v10+s12+$0x0], $0xffff  }
0x831: {  	v26 =	vand.u32 $0xFFFFFFF8, v24;
	v4 =	vadd.s32 v17, v4;
	v13 =	vand.u32 $0xFFFFFFF8, v13;
	[tilespmem:v3+s14+$0x0] =	vst.idx.add.f32.msk $0xffff, v2  }
0x832: {  	v11 =	vor.u32 v20, v26;
	v4 =	vand.u32 $0xFFFFFFF8, v4;
	v30 =	vor.u32 v20, v13;
	[tilespmem:v25+s14+$0x0] =	vst.idx.add.f32.msk $0xffff, v2  }
0x833: {  	v6 =	vshll.u32 v6, $0x4;
	v4 =	vor.u32 v20, v4;
	v3 =	vadd.s32 v17, v8;
	v5 =	vld.idx.msk [tilespmem:v33+s12+$0x0], $0xffff  }
0x834: {  	v6 =	vadd.s32 v17, v6;
	v12 =	vshll.u32 v12, $0x4;
	v3 =	vand.u32 $0xFFFFFFF8, v3;
	v7 =	vld.idx.msk [tilespmem:v28+s12+$0x0], $0xffff  }
0x835: {  	v6 =	vand.u32 $0xFFFFFFF8, v6;
	v12 =	vadd.s32 v17, v12;
	v3 =	vor.u32 v20, v3  }
0x836: {  	v6 =	vor.u32 v20, v6;
	v8 =	vadd.s32 v17, v29;
	v12 =	vand.u32 $0xFFFFFFF8, v12  }
0x837: {  	v8 =	vand.u32 $0xFFFFFFF8, v8;
	v12 =	vor.u32 v20, v12;
	v10 =	vshll.u32 v10, $0x4  }
0x838: {  	[tilespmem:v11+s14+$0x0] =	vst.idx.add.f32.msk $0xffff, v2;
	v8 =	vor.u32 v20, v8;
	v10 =	vadd.s32 v17, v10;
	v5 =	vshll.u32 v5, $0x4  }
0x839: {  	[tilespmem:v30+s14+$0x0] =	vst.idx.add.f32.msk $0xffff, v2;
	v10 =	vand.u32 $0xFFFFFFF8, v10;
	v7 =	vshll.u32 v7, $0x4;
	v5 =	vadd.s32 v17, v5  }
0x83a: {  	v31 =	vor.u32 v20, v10;
	[tilespmem:v3+s14+$0x0] =	vst.idx.add.f32.msk $0xffff, v2;
	v7 =	vadd.s32 v17, v7;
	v3 =	vand.u32 $0xFFFFFFF8, v5  }
0x83b: {  	[tilespmem:v4+s14+$0x0] =	vst.idx.add.f32.msk $0xffff, v2;
	v7 =	vand.u32 $0xFFFFFFF8, v7;
	v3 =	vor.u32 v20, v3  }
0x83c: {  	[tilespmem:v6+s14+$0x0] =	vst.idx.add.f32.msk $0xffff, v2;
	v7 =	vor.u32 v20, v7  }
0x83d: {  	[tilespmem:v12+s14+$0x0] =	vst.idx.add.f32.msk $0xffff, v2  }
0x83e: {  	[tilespmem:v8+s14+$0x0] =	vst.idx.add.f32.msk $0xffff, v2  }
0x83f: {  	[tilespmem:v31+s14+$0x0] =	vst.idx.add.f32.msk $0xffff, v2  }
0x840: {  	[tilespmem:v3+s14+$0x0] =	vst.idx.add.f32.msk $0xffff, v2  }
0x841: {  	[tilespmem:v7+s14+$0x0] =	vst.idx.add.f32.msk $0xffff, v2  }
0x842: {  	v3 =	vld [tilespmem:$0xD000]  }
0x843: {  	v4 =	vld [tilespmem:$0xD0A0]  }
0x844: {  	v5 =	vld [tilespmem:$0xD140]  }
0x845: {  	v6 =	vld [tilespmem:$0xD1E0]  }
0x846: {  	v7 =	vld [tilespmem:$0xD010]  }
0x847: {  	v8 =	vld [tilespmem:$0xD0B0]  }
0x848: {  	v9 =	vld [tilespmem:$0xD150]  }
0x849: {  	v10 =	vld [tilespmem:$0xD1F0]  }
0x84a: {  	v11 =	vld [tilespmem:$0xD020]  }
0x84b: {  	v12 =	vld [tilespmem:$0xD0C0]  }
0x84c: {  	v13 =	vld [tilespmem:$0xD160]  }
0x84d: {  	v32 =	vld [tilespmem:$0xD200]  }
0x84e: {  	v15 =	vld [tilespmem:$0xD030]  }
0x84f: {  	v16 =	vld [tilespmem:$0xD0D0]  }
0x850: {  	v18 =	vld [tilespmem:$0xD170]  }
0x851: {  	v19 =	vld [tilespmem:$0xD210]  }
0x852: {  	v21 =	vld [tilespmem:$0xD040]  }
0x853: {  	v22 =	vld [tilespmem:$0xD0E0]  }
0x854: {  	v23 =	vld [tilespmem:$0xD180]  }
0x855: {  	v25 =	vld [tilespmem:$0xD050]  }
0x856: {  	v26 =	vld [tilespmem:$0xD0F0]  }
0x857: {  	v27 =	vld [tilespmem:$0xD190]  }
0x858: {  	v28 =	vld [tilespmem:$0xD060];
	v3 =	vadd.f32 v4, v3  }
0x859: {  	v29 =	vld [tilespmem:$0xD070];
	v7 =	vadd.f32 v8, v7;
	v33 =	vadd.f32 v12, v11  }
0x85a: {  	v34 =	vadd.f32 v16, v15;
	v30 =	vadd.f32 v22, v21;
	v15 =	vld [tilespmem:$0xD110]  }
0x85b: {  	v4 =	vld [tilespmem:$0xD230];
	v16 =	vadd.f32 v26, v25;
	v3 =	vadd.f32 v5, v3  }
0x85c: {  	v5 =	vld [tilespmem:$0xD100];
	v7 =	vadd.f32 v9, v7;
	v9 =	vadd.f32 v18, v34  }
0x85d: {  	v8 =	vld [tilespmem:$0xD1A0];
	v16 =	vadd.f32 v27, v16;
	v3 =	vadd.f32 v6, v3  }
0x85e: {  	v6 =	vadd.f32 v13, v33;
	v7 =	vadd.f32 v10, v7;
	v33 =	vld [tilespmem:$0xD130]  }
0x85f: {  	v13 =	vadd.f32 v23, v30;
	v12 =	vadd.f32 v15, v29;
	v15 =	vld [tilespmem:$0xD090]  }
0x860: {  	v4 =	vadd.f32 v4, v16;
	v21 =	vmul.f32 v3, v35;
	v22 =	vmul.f32 v7, v36  }
0x861: {  	v24 =	vld [tilespmem:$0xD220];
	v6 =	vadd.f32 v32, v6;
	v5 =	vadd.f32 v5, v28  }
0x862: {  	v23 =	vmul.f32 v7, v53;
	v16 =	vadd.f32 v22, v21;
	v22 =	vmul.f32 v3, v45  }
0x863: {  	v11 =	vld [tilespmem:$0xD240];
	v9 =	vadd.f32 v19, v9;
	v5 =	vadd.f32 v8, v5  }
0x864: {  	v8 =	vadd.f32 v33, v15;
	v15 =	vadd.f32 v23, v22;
	v22 =	vmul.f32 v6, v46  }
0x865: {  	v18 =	vld [tilespmem:$0xD080]  }
0x866: {  	v19 =	vld [tilespmem:$0xD120];
	v13 =	vadd.f32 v24, v13;
	v26 =	vadd.f32 v22, v15;
	v15 =	vmul.f32 v9, v47  }
0x867: {  	v31 =	vld [tilespmem:$0xD1B0]  }
0x868: {  	v34 =	vld [tilespmem:$0xD1C0];
	v5 =	vadd.f32 v11, v5;
	v11 =	vadd.f32 v15, v26;
	v15 =	vmul.f32 v13, v48  }
0x869: {  	v21 =	vmul.f32 v6, v37  }
0x86a: {  	v11 =	vadd.f32 v15, v11;
	v15 =	vmul.f32 v4, v49  }
0x86b: {  	v18 =	vadd.f32 v19, v18;
	v16 =	vadd.f32 v21, v16;
	v21 =	vmul.f32 v9, v38  }
0x86c: {  	v10 =	vadd.f32 v31, v12;
	v11 =	vadd.f32 v15, v11;
	v15 =	vld [tilespmem:$0x1FDD0]  }
0x86d: {  	v12 =	vadd.f32 v34, v18;
	v18 =	vmul.f32 v13, v39;
	v16 =	vadd.f32 v21, v16;
	_ =	sdelay $0x1  }
0x86e: {  	v27 =	vadd.f32 v18, v16;
	v16 =	vmul.f32 v4, v40;
	_ =	sdelay $0x1  }
0x86f: {  	v14 =	vadd.f32 v16, v27;
	v16 =	vmul.f32 v3, v56;
	v3 =	vmul.f32 v3, v15;
	v15 =	vld [tilespmem:$0x1FDE0]  }
0x870: {  	v18 =	vmul.f32 v7, v58;
	_ =	sdelay $0x1  }
0x871: {  	v16 =	vadd.f32 v18, v16;
	v18 =	vmul.f32 v6, v61  }
0x872: {  	v25 =	vld [tilespmem:$0xD260]  }
0x873: {  	v32 =	vld [tilespmem:$0xD250];
	v7 =	vmul.f32 v7, v15;
	v15 =	vadd.f32 v18, v16;
	v16 =	vmul.f32 v9, v62  }
0x874: {  	v24 =	vld [tilespmem:$0xD1D0]  }
0x875: {  	v28 =	vld [tilespmem:$0x1FDF0];
	v15 =	vadd.f32 v16, v15;
	v16 =	vmul.f32 v13, v63  }
0x876: {  	v19 =	vld [tilespmem:$0xD270]  }
0x877: {  	v31 =	vadd.f32 v16, v15;
	v15 =	vld [tilespmem:$0x1FD80];
	_ =	sdelay $0x1  }
0x878: {  	v8 =	vadd.f32 v24, v8;
	v18 =	vld [tilespmem:$0x1FE00]  }
0x879: {  	v10 =	vadd.f32 v32, v10;
	v24 =	vld [tilespmem:$0x1FD90]  }
0x87a: {  	v32 =	vld [tilespmem:$0x1FE10];
	v12 =	vadd.f32 v25, v12;
	v8 =	vadd.f32 v19, v8;
	v19 =	vmul.f32 v5, v41  }
0x87b: {  	v27 =	vld [tilespmem:$0x1FDA0];
	v6 =	vmul.f32 v6, v28;
	v3 =	vadd.f32 v7, v3;
	v15 =	vmul.f32 v4, v15  }
0x87c: {  	v21 =	vmul.f32 v5, v50;
	v29 =	vmul.f32 v10, v42;
	v14 =	vadd.f32 v19, v14  }
0x87d: {  	v3 =	vadd.f32 v6, v3;
	v9 =	vmul.f32 v9, v18;
	v34 =	vadd.f32 v15, v31;
	v15 =	vld [tilespmem:$0x1FE40]  }
0x87e: {  	v30 =	vmul.f32 v10, v51;
	v28 =	vld [tilespmem:$0x1FE70];
	v7 =	vadd.f32 v29, v14;
	v14 =	vmul.f32 v5, v24  }
0x87f: {  	v33 =	vmul.f32 v12, v43;
	v11 =	vadd.f32 v21, v11;
	v24 =	vld [tilespmem:$0x1FE20];
	v3 =	vadd.f32 v9, v3  }
0x880: {  	v9 =	vmul.f32 v13, v32;
	v13 =	vmul.f32 v10, v27;
	v31 =	vld [tilespmem:$0x1FDB0];
	v26 =	vadd.f32 v14, v34  }
0x881: {  	v25 =	vmul.f32 v12, v52;
	v6 =	vadd.f32 v30, v11;
	v7 =	vadd.f32 v33, v7;
	v33 =	vld [tilespmem:$0x1FEA0]  }
0x882: {  	v3 =	vadd.f32 v9, v3;
	v30 =	vadd.f32 v13, v26;
	v13 =	vld [tilespmem:$0x1FDC0];
	v4 =	vmul.f32 v4, v15  }
0x883: {  	v14 =	vld [tilespmem:$0x1FED0]  }
0x884: {  	v6 =	vadd.f32 v25, v6;
	v25 =	vld [tilespmem:$0x1FE30];
	v3 =	vadd.f32 v4, v3;
	v4 =	vmul.f32 v5, v28  }
0x885: {  	v29 =	vmul.f32 v8, v44;
	v26 =	vld [tilespmem:$0x1FF00];
	v11 =	vmul.f32 v12, v31  }
0x886: {  	v32 =	vmul.f32 v8, v54;
	v27 =	vld [tilespmem:$0x1FE50];
	v10 =	vmul.f32 v10, v33;
	v3 =	vadd.f32 v4, v3  }
0x887: {  	v5 =	vadd.f32 v29, v7;
	v34 =	vadd.f32 v11, v30;
	v9 =	vmul.f32 v8, v13  }
0x888: {  	v4 =	vadd.f32 v32, v6;
	v6 =	vmul.f32 v12, v14;
	v3 =	vadd.f32 v10, v3  }
0x889: {  	v29 =	vld [tilespmem:$0x1FE60];
	v5 =	vadd.f32 v5, v24;
	v7 =	vadd.f32 v9, v34  }
0x88a: {  	v4 =	vadd.f32 v4, v25;
	v3 =	vadd.f32 v6, v3;
	v6 =	vmul.f32 v8, v26  }
0x88b: {  	v7 =	vadd.f32 v7, v27  }
0x88c: {  	v28 =	vadd.f32 v4, v5;
	v3 =	vadd.f32 v6, v3;
	_ =	sdelay $0x1  }
0x88d: {  	v6 =	vadd.f32 v28, v7;
	v3 =	vadd.f32 v3, v29;
	_ =	sdelay $0x1  }
0x88e: {  	v6 =	vadd.f32 v6, v3;
	_ =	sdelay $0x1  }
0x88f: {  	v6 =	vmul.f32 $2.500000000e-01, v6;
	_ =	sdelay $0x1  }
0x890: {  	v5 =	vsub.f32 v5, v6;
	v4 =	vsub.f32 v4, v6;
	_ =	sdelay $0x1  }
0x891: {  	v7 =	vsub.f32 v7, v6;
	v30 =	vmul.f32 v5, v5;
	v31 =	vmul.f32 v4, v4;
	_ =	sdelay $0x1  }
0x892: {  	v3 =	vsub.f32 v3, v6;
	v33 =	vmul.f32 v7, v7;
	v32 =	vadd.f32 v31, v30;
	_ =	sdelay $0x1  }
0x893: {  	v34 =	vmul.f32 v3, v3;
	v6 =	vadd.f32 v32, v33;
	_ =	sdelay $0x1  }
0x894: {  	v6 =	vadd.f32 v6, v34;
	_ =	sdelay $0x1  }
0x895: {  	v6 =	vmul.f32 $2.500000000e-01, v6;
	_ =	sdelay $0x1  }
0x896: {  	v6 =	vadd.f32 $9.999999740e-06, v6;
	_ =	sdelay $0x1  }
0x897: {  	v12 =	vshra.s32 v6, $0x1;
	v6 =	vmul.f32 $5.000000000e-01, v6  }
0x898: {  	v8 =	vsub.s32 $0x5F3759DF, v12  }
0x899: {  	v13 =	vmul.f32 v8, v6;
	_ =	sdelay $0x1  }
0x89a: {  	v9 =	vmul.f32 v8, v13;
	_ =	sdelay $0x1  }
0x89b: {  	v9 =	vsub.f32 $1.500000000e+00, v9;
	_ =	sdelay $0x1  }
0x89c: {  	v8 =	vmul.f32 v8, v9;
	_ =	sdelay $0x1  }
0x89d: {  	v9 =	vmul.f32 v8, v6;
	_ =	sdelay $0x1  }
0x89e: {  	v9 =	vmul.f32 v9, v8;
	_ =	sdelay $0x1  }
0x89f: {  	v9 =	vsub.f32 $1.500000000e+00, v9;
	_ =	sdelay $0x1  }
0x8a0: {  	v8 =	vmul.f32 v9, v8;
	_ =	sdelay $0x1  }
0x8a1: {  	v6 =	vmul.f32 v8, v6;
	_ =	sdelay $0x1  }
0x8a2: {  	v6 =	vmul.f32 v6, v8  }
0x8a3: {  	v24 =	vld [tilespmem:$0x1FE80]  }
0x8a4: {  	v25 =	vld [tilespmem:$0x1FEB0];
	v6 =	vsub.f32 $1.500000000e+00, v6  }
0x8a5: {  	v27 =	vld [tilespmem:$0x1FEE0]  }
0x8a6: {  	s0 =	sor.u32 $0x180, s20;
	v29 =	vld [tilespmem:$0x1FF10];
	v6 =	vmul.f32 v6, v8  }
0x8a7: {  	v14 =	vmov s0;
	v30 =	vld [tilespmem:$0x1FE90]  }
0x8a8: {  	v32 =	vld [tilespmem:$0x1FEC0];
	v8 =	vshll.u32 v14, $0x2;
	v9 =	vmul.f32 v6, v24  }
0x8a9: {  	v33 =	vld [tilespmem:$0x1FEF0];
	v8 =	vor.u32 v60, v8;
	v10 =	vmul.f32 v6, v25  }
0x8aa: {  	v34 =	vld [tilespmem:$0x1FF20];
	v26 =	vor.u32 $0x1, v8;
	v11 =	vmul.f32 v6, v27;
	v5 =	vmul.f32 v9, v5  }
0x8ab: {  	s19 =	sadd.s32 $0x1, s19;
	v28 =	vor.u32 $0x2, v8;
	v6 =	vmul.f32 v6, v29;
	v4 =	vmul.f32 v10, v4  }
0x8ac: {  	p0 =	sne.s32 s19, $0x8;
	v31 =	vor.u32 $0x3, v8;
	v7 =	vmul.f32 v11, v7;
	v5 =	vadd.f32 v5, v30  }
.Ltmp7:
0x8ad: {  	v3 =	vmul.f32 v6, v3;
	v4 =	vadd.f32 v4, v32;
	(pc) =	sbr.rel @p0 .LBB2_14-.Ltmp7, $4  }
0x8ae: {  	[tilespmem:v8+s8+$0x0] =	vst.idx.msk $0xffff, v5;
	v5 =	vadd.f32 v7, v33  }
0x8af: {  	v3 =	vadd.f32 v3, v34;
	[tilespmem:v26+s8+$0x0] =	vst.idx.msk $0xffff, v4  }
0x8b0: {  	[tilespmem:v28+s8+$0x0] =	vst.idx.msk $0xffff, v5  }
0x8b1: {  	[tilespmem:v31+s8+$0x0] =	vst.idx.msk $0xffff, v3  }
0x8b2: {  	s0 =	rddreg [dreg:$0x8];
	s3 =	simm.s32 $0x3  }
0x8b3: {  	[hbm4b:s0+s2] =	stream.linear.scatter [tilespmem:s8], [sflag:$0x3], $0x800, $0x38;
	[tilespmem:$0xD300] =	vst v63  }
0x8b4: {  	_ =	swait.ge [sflag:s3], $0x800  }
0x8b5: {  	s1 =	rddreg [dreg:$0xa]  }
0x8b6: {  	s31 =	rddreg [dreg:$0x9];
	s1 =	sadd.s32 $0x1, s1  }
0x8b7: {  	p0 =	sne.s32 s1, s31  }
.Ltmp8:
0x8b8: {  	_ = 	snop;
	(pc) =	sbr.rel @p0 .LBB2_1-.Ltmp8, $3  }
0x8b9: {  	_ =	sdelay $0x1  }
0x8ba: {  	[sflag:s3] =	ssyncset.done $0x0  }
0x8bb: {  	[sflag:s3] =	ssyncadd.s32 $0xFFFFF800  }
0x8bc: {  	_ =	sfence.sel $0x180000  }
0x8bd: {  	[bflag:$0x0] =	sbarrier.arrive $0xFFFF  }
0x8be: {  	_ =	strace $0x90000047  }
0x8bf: {  	s0 =	stileid.u32;
	[bflag:$0x2] =	sbarrier.arrive $0xFFFF  }
0x8c0: {  	p0 =	sne.s32 s0, $0x0;
	s0 =	rddreg [dreg:$0x2]  }
0x8c1: {  	s0 =	sadd.s32 @!p0 $0x100000, s0  }
0x8c2: {  	[sflag:s0] =	ssyncadd.tile.s32 @!p0 $0x1;
	_ =	shalt  }
.Lfunc_end2:
_tile_overlayer_lowered:
.L_overlay_start_2:
0x8c3: {  	(tag) =	ssettag $0x2  }
0x8c4: {  	s0 =	rddreg [dreg:$0x0];
	s2 =	stileid.u32  }
0x8c5: {  	s1 =	rddreg [dreg:$0x1];
	p0 =	sne.s32 s2, $0x0  }
0x8c6: {  	s3 =	rddreg [dreg:$0x2];
	[bflag:$0x3] =	sbarrier.arrive $0xFFFF;
	s2 =	simm.s32 @!p0 $0x1C03  }
0x8c7: {  	[timem:s3], [sflag:s2] =	dma.local @!p0 [hbm:s0], s1  }
0x8c8: {  	s0 =	simm.s32 @!p0 $0x3  }
0x8c9: {  	_ =	swait.ge @!p0 [sflag:s0], s1  }
0x8ca: {  	s1 =	ssub.s32 @!p0 $0x0, s1;
	[sflag:s0] =	ssyncset.done @!p0 $0x0  }
0x8cb: {  	[sflag:s0] =	ssyncadd.s32 @!p0 s1  }
0x8cc: {  	[bflag:$0x3] =	sbarrier.arrive $0xFFFF  }
0x8cd: {  	_ =	shalt  }

</sc_bundles>
